<compile_context>
chip_gen: v7x
topology: tpu7x:2x2x1
jax: 0.10.2.dev20260603
libtpu: 0.0.44.dev20260713+nightly
codegen_flags: <defaults>
</compile_context>

<pallas_src>
import functools

import jax
import jax.numpy as jnp
from jax import lax
from jax.experimental import pallas as pl
from jax.experimental.pallas import tpu as pltpu
from jax.experimental.pallas import tpu_sc as plsc

_NC = 2
_NS = 16
_NW = _NC * _NS
_BK = 128
_GD = 5
_AH = 3
_PER = 20
_NSPL = 2


@functools.partial(jax.jit, static_argnames=("seq",))
def _gather(ids_t, tbl_p, seq):
    batch = ids_t.shape[1]
    padw = tbl_p.shape[1]
    nsb = seq // 8
    hw = _BK // _NSPL
    mesh = plsc.VectorSubcoreMesh(core_axis_name="c", subcore_axis_name="s")

    @functools.partial(
        pl.kernel,
        out_type=jax.ShapeDtypeStruct((seq, batch, padw), jnp.float32),
        mesh=mesh,
        compiler_params=pltpu.CompilerParams(use_tc_tiling_on_sc=True,
                                             needs_layout_passes=False),
        scratch_types=[
            pltpu.VMEM((2, 8, _BK), jnp.int32),
            pltpu.VMEM((_GD, _BK, padw), jnp.float32),
            pltpu.SemaphoreType.DMA((_GD,)),
            pltpu.SemaphoreType.DMA((_GD,)),
            pltpu.SemaphoreType.DMA,
        ],
    )
    def k(ids_hbm, tbl_hbm, out_hbm, idx_v, g_v, gsem, wsem, isem):
        wid = lax.axis_index("s") * _NC + lax.axis_index("c")
        b0 = wid * _BK

        pltpu.sync_copy(ids_hbm.at[pl.ds(0, 8), pl.ds(b0, _BK)], idx_v.at[0])

        def launch_gather(t, slot):
            sb = t // 8
            r = lax.rem(t, 8)
            for h in range(_NSPL):
                pltpu.async_copy(
                    tbl_hbm.at[idx_v.at[lax.rem(sb, 2), r, pl.ds(h * hw, hw)]],
                    g_v.at[slot, pl.ds(h * hw, hw)], gsem.at[slot])

        def block(Gi, carry):
            t0 = Gi * _PER
            for u in range(_PER):
                t = t0 + u
                sb = t // 8
                r = lax.rem(t, 8)
                sl = u % _GD
                nsl = (u + _AH) % _GD

                pltpu.make_async_copy(
                    tbl_hbm.at[pl.ds(0, _BK)], g_v.at[sl], gsem.at[sl]).wait()

                @pl.when(jnp.logical_and(r == 0, sb + 1 < nsb))
                def _():
                    pltpu.async_copy(
                        ids_hbm.at[pl.ds((sb + 1) * 8, 8), pl.ds(b0, _BK)],
                        idx_v.at[lax.rem(sb + 1, 2)], isem)

                pltpu.async_copy(
                    g_v.at[sl], out_hbm.at[t, pl.ds(b0, _BK)], wsem.at[sl])

                @pl.when(jnp.logical_and(r == 4, sb + 1 < nsb))
                def _():
                    pltpu.make_async_copy(
                        ids_hbm.at[pl.ds(0, 8), pl.ds(0, _BK)], idx_v.at[0],
                        isem).wait()

                @pl.when(t + _AH < seq)
                def _():
                    @pl.when(t >= 2)
                    def _():
                        pltpu.make_async_copy(
                            tbl_hbm.at[pl.ds(0, _BK)], g_v.at[nsl],
                            wsem.at[nsl]).wait()

                    launch_gather(t + _AH, nsl)

            return carry

        for slot in range(_AH):
            launch_gather(slot, slot)
        lax.fori_loop(0, seq // _PER, block, 0)

        for slot in range(_GD):
            pltpu.make_async_copy(
                tbl_hbm.at[pl.ds(0, _BK)], g_v.at[slot], wsem.at[slot]).wait()

    return k(ids_t, tbl_p)


def kernel(input_ids, token_table, position_table):
    b, s = input_ids.shape
    v, dim = token_table.shape
    assert b == _NW * _BK and s % _PER == 0 and dim == 64
    ids_t = input_ids.T.astype(jnp.int32)
    tbl_p = token_table @ jnp.eye(dim, 128, dtype=jnp.float32)
    g = _gather(ids_t, tbl_p, s)
    out_t = g[:, :, :dim].transpose(0, 2, 1) + position_table[:s][:, :, None]
    return out_t.transpose(2, 0, 1)

# --- scband reference (transcript-rebuilt; emitter-appended) ---
"""Pipeline reference for scband-token-position-embedding-23038204576211 (READ-ONLY COPY).

The authoritative reference and input builder live on the scoring server;
editing this copy changes nothing except your own understanding.
"""

import jax, jax.numpy as jnp
import numpy as np

VOCAB = 1000000
EMBED_DIM = 64
MAX_SEQ = 512
BATCH = 4096
SEQ = 200


def setup_inputs(seed: int = 0) -> dict:
    key = jax.random.key(seed)
    k1, k2, k3 = jax.random.split(key, 3)
    input_ids = jax.random.randint(k1, (BATCH, SEQ), 0, VOCAB, dtype=jnp.int64 if jax.config.read('jax_enable_x64') else jnp.int32)
    token_table = jax.random.normal(k2, (VOCAB, EMBED_DIM), dtype=jnp.float32) * 0.02
    position_table = jax.random.normal(k3, (MAX_SEQ, EMBED_DIM), dtype=jnp.float32) * 0.02
    return {"input_ids": input_ids, "token_table": token_table, "position_table": position_table}


def reference(input_ids, token_table, position_table):
    # Faithful translation of TokenPositionEmbedding.forward (dropout is identity in eval mode)
    seq_len = input_ids.shape[1]
    positions = jnp.arange(seq_len)[None, :]  # [1, S]
    tok_emb = jnp.take(token_table, input_ids, axis=0)          # [B, S, D]
    pos_emb = jnp.take(position_table, positions, axis=0)        # [1, S, D]
    embeddings = tok_emb + pos_emb
    return embeddings

if __name__ == "__main__":
    import jax
    _d = setup_inputs()
    print(jax.jit(kernel)(*tuple(_d.values())))

</pallas_src>

<mosaic_0001>
#map = affine_map<(d0, d1) -> (0, 0)>
#map1 = affine_map<(d0, d1) -> (0, 0, 0)>
module attributes {stable_mosaic.version = 14 : i64} {
  func.func @k(%arg0: i32, %arg1: i32, %arg2: memref<200x4096xi32, #tpu.memory_space<hbm>>, %arg3: memref<1000000x128xf32, #tpu.memory_space<hbm>>, %arg4: memref<200x4096x128xf32, #tpu.memory_space<hbm>>, %arg5: memref<2x8x128xi32, #tpu.memory_space<vmem>>, %arg6: memref<5x128x128xf32, #tpu.memory_space<vmem>>, %arg7: memref<5x!tpu.dma_semaphore, #tpu.memory_space<semaphore_mem>>, %arg8: memref<5x!tpu.dma_semaphore, #tpu.memory_space<semaphore_mem>>, %arg9: memref<!tpu.dma_semaphore, #tpu.memory_space<semaphore_mem>>) attributes {dimension_semantics = [#tpu.dimension_semantics<core_parallel>, #tpu.dimension_semantics<subcore_parallel>], iteration_bounds = array<i64: 2, 16>, scalar_prefetch = 0 : i64, scratch_operands = 5 : i64, tpu.core_type = #tpu.core_type<sc_vector_subcore>, window_params = [{transform_indices = #map}, {transform_indices = #map}, {transform_indices = #map1}]} {
    %mul3A = arith.constant 2 : i32
    %mul3A_0 = arith.muli %arg1, %mul3A : i32
    %add3A = arith.addi %mul3A_0, %arg0 : i32
    %mul3A_1 = arith.constant 128 : i32
    %mul3A_2 = arith.muli %add3A, %mul3A_1 : i32
    %run_scoped3A = arith.constant 0 : i32
    "tpu.region"() ({
      %run_scoped3A_206 = tpu.sem_alloc : memref<!tpu.dma_semaphore, #tpu.memory_space<semaphore_mem>>
      %dma_start3A_207 = arith.constant 0 : i32
      %dma_start3A_208 = arith.constant 0 : i32
      %dma_start3A_209 = tpu.memref_slice %arg5[%run_scoped3A, %dma_start3A_207, %dma_start3A_208] : memref<2x8x128xi32, #tpu.memory_space<vmem>> -> memref<1x8x128xi32, #tpu.memory_space<vmem>>
      %dma_start3A_210 = tpu.memref_squeeze %dma_start3A_209 : memref<1x8x128xi32, #tpu.memory_space<vmem>> -> memref<8x128xi32, #tpu.memory_space<vmem>>
      %dma_start3A_211 = arith.constant 0 : i32
      %dma_start3A_212 = tpu.memref_slice %arg2[%dma_start3A_211, %mul3A_2] : memref<200x4096xi32, #tpu.memory_space<hbm>> -> memref<8x128xi32, #tpu.memory_space<hbm>>
      %dma_start3A_213 = arith.constant 0 : i32
      %dma_start3A_214 = arith.constant 0 : i32
      %dma_start3A_215 = tpu.memref_slice %arg5[%run_scoped3A, %dma_start3A_213, %dma_start3A_214] : memref<2x8x128xi32, #tpu.memory_space<vmem>> -> memref<1x8x128xi32, #tpu.memory_space<vmem>>
      %dma_start3A_216 = tpu.memref_squeeze %dma_start3A_215 : memref<1x8x128xi32, #tpu.memory_space<vmem>> -> memref<8x128xi32, #tpu.memory_space<vmem>>
      %dma_start3A_217 = arith.constant 0 : i32
      %dma_start3A_218 = tpu.memref_slice %arg2[%dma_start3A_217, %mul3A_2] : memref<200x4096xi32, #tpu.memory_space<hbm>> -> memref<8x128xi32, #tpu.memory_space<hbm>>
      tpu.enqueue_dma source(%dma_start3A_218 : memref<8x128xi32, #tpu.memory_space<hbm>>) target(%dma_start3A_216 : memref<8x128xi32, #tpu.memory_space<vmem>>) target_semaphore(%run_scoped3A_206 : memref<!tpu.dma_semaphore, #tpu.memory_space<semaphore_mem>>)
      %dma_wait3A_219 = arith.constant 0 : i32
      %dma_wait3A_220 = arith.constant 0 : i32
      %dma_wait3A_221 = tpu.memref_slice %arg5[%run_scoped3A, %dma_wait3A_219, %dma_wait3A_220] : memref<2x8x128xi32, #tpu.memory_space<vmem>> -> memref<1x8x128xi32, #tpu.memory_space<vmem>>
      %dma_wait3A_222 = tpu.memref_squeeze %dma_wait3A_221 : memref<1x8x128xi32, #tpu.memory_space<vmem>> -> memref<8x128xi32, #tpu.memory_space<vmem>>
      %dma_wait3A_223 = arith.constant 0 : i32
      %dma_wait3A_224 = tpu.memref_slice %arg2[%dma_wait3A_223, %mul3A_2] : memref<200x4096xi32, #tpu.memory_space<hbm>> -> memref<8x128xi32, #tpu.memory_space<hbm>>
      %dma_wait3A_225 = arith.constant 0 : i32
      %dma_wait3A_226 = arith.constant 0 : i32
      %dma_wait3A_227 = tpu.memref_slice %arg5[%run_scoped3A, %dma_wait3A_225, %dma_wait3A_226] : memref<2x8x128xi32, #tpu.memory_space<vmem>> -> memref<1x8x128xi32, #tpu.memory_space<vmem>>
      %dma_wait3A_228 = tpu.memref_squeeze %dma_wait3A_227 : memref<1x8x128xi32, #tpu.memory_space<vmem>> -> memref<8x128xi32, #tpu.memory_space<vmem>>
      %dma_wait3A_229 = arith.constant 0 : i32
      %dma_wait3A_230 = tpu.memref_slice %arg2[%dma_wait3A_229, %mul3A_2] : memref<200x4096xi32, #tpu.memory_space<hbm>> -> memref<8x128xi32, #tpu.memory_space<hbm>>
      tpu.wait_dma2 semaphore(%run_scoped3A_206 : memref<!tpu.dma_semaphore, #tpu.memory_space<semaphore_mem>>) src(%dma_wait3A_230 : memref<8x128xi32, #tpu.memory_space<hbm>>) dst(%dma_wait3A_228 : memref<8x128xi32, #tpu.memory_space<vmem>>)
      tpu.yield
    }) : () -> ()
    %rem3A = arith.constant 0 : i32
    %rem3A_3 = arith.constant 8 : i32
    %rem3A_4 = arith.remsi %rem3A, %rem3A_3 : i32
    %rem3A_5 = arith.constant 0 : i32
    %rem3A_6 = arith.constant 2 : i32
    %rem3A_7 = arith.remsi %rem3A_5, %rem3A_6 : i32
    %dma_start3A = arith.constant 0 : i32
    %dma_start3A_8 = arith.constant 0 : i32
    %dma_start3A_9 = arith.constant 0 : i32
    %dma_start3A_10 = arith.constant 0 : i32
    %dma_start3A_11 = tpu.memref_slice %arg6[%dma_start3A, %dma_start3A_9, %dma_start3A_10] : memref<5x128x128xf32, #tpu.memory_space<vmem>> -> memref<1x64x128xf32, #tpu.memory_space<vmem>>
    %dma_start3A_12 = tpu.memref_squeeze %dma_start3A_11 : memref<1x64x128xf32, #tpu.memory_space<vmem>> -> memref<64x128xf32, #tpu.memory_space<vmem>>
    %dma_start3A_13 = arith.constant 0 : i32
    %dma_start3A_14 = tpu.memref_slice %arg5[%rem3A_7, %rem3A_4, %dma_start3A_13] : memref<2x8x128xi32, #tpu.memory_space<vmem>> -> memref<1x1x64xi32, #tpu.memory_space<vmem>>
    %dma_start3A_15 = tpu.memref_squeeze %dma_start3A_14 : memref<1x1x64xi32, #tpu.memory_space<vmem>> -> memref<64xi32, #tpu.memory_space<vmem>>
    %dma_start3A_16 = arith.constant 0 : i32
    %dma_start3A_17 = arith.constant 0 : i32
    %dma_start3A_18 = tpu.memref_slice %arg3[%dma_start3A_16, %dma_start3A_17] : memref<1000000x128xf32, #tpu.memory_space<hbm>> -> memref<1000000x128xf32, #tpu.memory_space<hbm>>
    %dma_start3A_19 = tpu.memref_slice %arg7[%dma_start3A_8] : memref<5x!tpu.dma_semaphore, #tpu.memory_space<semaphore_mem>> -> memref<1x!tpu.dma_semaphore, #tpu.memory_space<semaphore_mem>>
    %dma_start3A_20 = tpu.memref_squeeze %dma_start3A_19 : memref<1x!tpu.dma_semaphore, #tpu.memory_space<semaphore_mem>> -> memref<!tpu.dma_semaphore, #tpu.memory_space<semaphore_mem>>
    tpu.enqueue_indirect_dma source(%dma_start3A_18 : memref<1000000x128xf32, #tpu.memory_space<hbm>>) target(%dma_start3A_12 : memref<64x128xf32, #tpu.memory_space<vmem>>) offsets(%dma_start3A_15 : memref<64xi32, #tpu.memory_space<vmem>>) semaphore(%dma_start3A_20 : memref<!tpu.dma_semaphore, #tpu.memory_space<semaphore_mem>>)
    %rem3A_21 = arith.constant 0 : i32
    %rem3A_22 = arith.constant 2 : i32
    %rem3A_23 = arith.remsi %rem3A_21, %rem3A_22 : i32
    %dma_start3A_24 = arith.constant 0 : i32
    %dma_start3A_25 = arith.constant 0 : i32
    %dma_start3A_26 = arith.constant 64 : i32
    %dma_start3A_27 = arith.constant 0 : i32
    %dma_start3A_28 = tpu.memref_slice %arg6[%dma_start3A_24, %dma_start3A_26, %dma_start3A_27] : memref<5x128x128xf32, #tpu.memory_space<vmem>> -> memref<1x64x128xf32, #tpu.memory_space<vmem>>
    %dma_start3A_29 = tpu.memref_squeeze %dma_start3A_28 : memref<1x64x128xf32, #tpu.memory_space<vmem>> -> memref<64x128xf32, #tpu.memory_space<vmem>>
    %dma_start3A_30 = arith.constant 64 : i32
    %dma_start3A_31 = tpu.memref_slice %arg5[%rem3A_23, %rem3A_4, %dma_start3A_30] : memref<2x8x128xi32, #tpu.memory_space<vmem>> -> memref<1x1x64xi32, #tpu.memory_space<vmem>>
    %dma_start3A_32 = tpu.memref_squeeze %dma_start3A_31 : memref<1x1x64xi32, #tpu.memory_space<vmem>> -> memref<64xi32, #tpu.memory_space<vmem>>
    %dma_start3A_33 = arith.constant 0 : i32
    %dma_start3A_34 = arith.constant 0 : i32
    %dma_start3A_35 = tpu.memref_slice %arg3[%dma_start3A_33, %dma_start3A_34] : memref<1000000x128xf32, #tpu.memory_space<hbm>> -> memref<1000000x128xf32, #tpu.memory_space<hbm>>
    %dma_start3A_36 = tpu.memref_slice %arg7[%dma_start3A_25] : memref<5x!tpu.dma_semaphore, #tpu.memory_space<semaphore_mem>> -> memref<1x!tpu.dma_semaphore, #tpu.memory_space<semaphore_mem>>
    %dma_start3A_37 = tpu.memref_squeeze %dma_start3A_36 : memref<1x!tpu.dma_semaphore, #tpu.memory_space<semaphore_mem>> -> memref<!tpu.dma_semaphore, #tpu.memory_space<semaphore_mem>>
    tpu.enqueue_indirect_dma source(%dma_start3A_35 : memref<1000000x128xf32, #tpu.memory_space<hbm>>) target(%dma_start3A_29 : memref<64x128xf32, #tpu.memory_space<vmem>>) offsets(%dma_start3A_32 : memref<64xi32, #tpu.memory_space<vmem>>) semaphore(%dma_start3A_37 : memref<!tpu.dma_semaphore, #tpu.memory_space<semaphore_mem>>)
    %rem3A_38 = arith.constant 1 : i32
    %rem3A_39 = arith.constant 8 : i32
    %rem3A_40 = arith.remsi %rem3A_38, %rem3A_39 : i32
    %rem3A_41 = arith.constant 0 : i32
    %rem3A_42 = arith.constant 2 : i32
    %rem3A_43 = arith.remsi %rem3A_41, %rem3A_42 : i32
    %dma_start3A_44 = arith.constant 1 : i32
    %dma_start3A_45 = arith.constant 1 : i32
    %dma_start3A_46 = arith.constant 0 : i32
    %dma_start3A_47 = arith.constant 0 : i32
    %dma_start3A_48 = tpu.memref_slice %arg6[%dma_start3A_44, %dma_start3A_46, %dma_start3A_47] : memref<5x128x128xf32, #tpu.memory_space<vmem>> -> memref<1x64x128xf32, #tpu.memory_space<vmem>>
    %dma_start3A_49 = tpu.memref_squeeze %dma_start3A_48 : memref<1x64x128xf32, #tpu.memory_space<vmem>> -> memref<64x128xf32, #tpu.memory_space<vmem>>
    %dma_start3A_50 = arith.constant 0 : i32
    %dma_start3A_51 = tpu.memref_slice %arg5[%rem3A_43, %rem3A_40, %dma_start3A_50] : memref<2x8x128xi32, #tpu.memory_space<vmem>> -> memref<1x1x64xi32, #tpu.memory_space<vmem>>
    %dma_start3A_52 = tpu.memref_squeeze %dma_start3A_51 : memref<1x1x64xi32, #tpu.memory_space<vmem>> -> memref<64xi32, #tpu.memory_space<vmem>>
    %dma_start3A_53 = arith.constant 0 : i32
    %dma_start3A_54 = arith.constant 0 : i32
    %dma_start3A_55 = tpu.memref_slice %arg3[%dma_start3A_53, %dma_start3A_54] : memref<1000000x128xf32, #tpu.memory_space<hbm>> -> memref<1000000x128xf32, #tpu.memory_space<hbm>>
    %dma_start3A_56 = tpu.memref_slice %arg7[%dma_start3A_45] : memref<5x!tpu.dma_semaphore, #tpu.memory_space<semaphore_mem>> -> memref<1x!tpu.dma_semaphore, #tpu.memory_space<semaphore_mem>>
    %dma_start3A_57 = tpu.memref_squeeze %dma_start3A_56 : memref<1x!tpu.dma_semaphore, #tpu.memory_space<semaphore_mem>> -> memref<!tpu.dma_semaphore, #tpu.memory_space<semaphore_mem>>
    tpu.enqueue_indirect_dma source(%dma_start3A_55 : memref<1000000x128xf32, #tpu.memory_space<hbm>>) target(%dma_start3A_49 : memref<64x128xf32, #tpu.memory_space<vmem>>) offsets(%dma_start3A_52 : memref<64xi32, #tpu.memory_space<vmem>>) semaphore(%dma_start3A_57 : memref<!tpu.dma_semaphore, #tpu.memory_space<semaphore_mem>>)
    %rem3A_58 = arith.constant 0 : i32
    %rem3A_59 = arith.constant 2 : i32
    %rem3A_60 = arith.remsi %rem3A_58, %rem3A_59 : i32
    %dma_start3A_61 = arith.constant 1 : i32
    %dma_start3A_62 = arith.constant 1 : i32
    %dma_start3A_63 = arith.constant 64 : i32
    %dma_start3A_64 = arith.constant 0 : i32
    %dma_start3A_65 = tpu.memref_slice %arg6[%dma_start3A_61, %dma_start3A_63, %dma_start3A_64] : memref<5x128x128xf32, #tpu.memory_space<vmem>> -> memref<1x64x128xf32, #tpu.memory_space<vmem>>
    %dma_start3A_66 = tpu.memref_squeeze %dma_start3A_65 : memref<1x64x128xf32, #tpu.memory_space<vmem>> -> memref<64x128xf32, #tpu.memory_space<vmem>>
    %dma_start3A_67 = arith.constant 64 : i32
    %dma_start3A_68 = tpu.memref_slice %arg5[%rem3A_60, %rem3A_40, %dma_start3A_67] : memref<2x8x128xi32, #tpu.memory_space<vmem>> -> memref<1x1x64xi32, #tpu.memory_space<vmem>>
    %dma_start3A_69 = tpu.memref_squeeze %dma_start3A_68 : memref<1x1x64xi32, #tpu.memory_space<vmem>> -> memref<64xi32, #tpu.memory_space<vmem>>
    %dma_start3A_70 = arith.constant 0 : i32
    %dma_start3A_71 = arith.constant 0 : i32
    %dma_start3A_72 = tpu.memref_slice %arg3[%dma_start3A_70, %dma_start3A_71] : memref<1000000x128xf32, #tpu.memory_space<hbm>> -> memref<1000000x128xf32, #tpu.memory_space<hbm>>
    %dma_start3A_73 = tpu.memref_slice %arg7[%dma_start3A_62] : memref<5x!tpu.dma_semaphore, #tpu.memory_space<semaphore_mem>> -> memref<1x!tpu.dma_semaphore, #tpu.memory_space<semaphore_mem>>
    %dma_start3A_74 = tpu.memref_squeeze %dma_start3A_73 : memref<1x!tpu.dma_semaphore, #tpu.memory_space<semaphore_mem>> -> memref<!tpu.dma_semaphore, #tpu.memory_space<semaphore_mem>>
    tpu.enqueue_indirect_dma source(%dma_start3A_72 : memref<1000000x128xf32, #tpu.memory_space<hbm>>) target(%dma_start3A_66 : memref<64x128xf32, #tpu.memory_space<vmem>>) offsets(%dma_start3A_69 : memref<64xi32, #tpu.memory_space<vmem>>) semaphore(%dma_start3A_74 : memref<!tpu.dma_semaphore, #tpu.memory_space<semaphore_mem>>)
    %rem3A_75 = arith.constant 2 : i32
    %rem3A_76 = arith.constant 8 : i32
    %rem3A_77 = arith.remsi %rem3A_75, %rem3A_76 : i32
    %rem3A_78 = arith.constant 0 : i32
    %rem3A_79 = arith.constant 2 : i32
    %rem3A_80 = arith.remsi %rem3A_78, %rem3A_79 : i32
    %dma_start3A_81 = arith.constant 2 : i32
    %dma_start3A_82 = arith.constant 2 : i32
    %dma_start3A_83 = arith.constant 0 : i32
    %dma_start3A_84 = arith.constant 0 : i32
    %dma_start3A_85 = tpu.memref_slice %arg6[%dma_start3A_81, %dma_start3A_83, %dma_start3A_84] : memref<5x128x128xf32, #tpu.memory_space<vmem>> -> memref<1x64x128xf32, #tpu.memory_space<vmem>>
    %dma_start3A_86 = tpu.memref_squeeze %dma_start3A_85 : memref<1x64x128xf32, #tpu.memory_space<vmem>> -> memref<64x128xf32, #tpu.memory_space<vmem>>
    %dma_start3A_87 = arith.constant 0 : i32
    %dma_start3A_88 = tpu.memref_slice %arg5[%rem3A_80, %rem3A_77, %dma_start3A_87] : memref<2x8x128xi32, #tpu.memory_space<vmem>> -> memref<1x1x64xi32, #tpu.memory_space<vmem>>
    %dma_start3A_89 = tpu.memref_squeeze %dma_start3A_88 : memref<1x1x64xi32, #tpu.memory_space<vmem>> -> memref<64xi32, #tpu.memory_space<vmem>>
    %dma_start3A_90 = arith.constant 0 : i32
    %dma_start3A_91 = arith.constant 0 : i32
    %dma_start3A_92 = tpu.memref_slice %arg3[%dma_start3A_90, %dma_start3A_91] : memref<1000000x128xf32, #tpu.memory_space<hbm>> -> memref<1000000x128xf32, #tpu.memory_space<hbm>>
    %dma_start3A_93 = tpu.memref_slice %arg7[%dma_start3A_82] : memref<5x!tpu.dma_semaphore, #tpu.memory_space<semaphore_mem>> -> memref<1x!tpu.dma_semaphore, #tpu.memory_space<semaphore_mem>>
    %dma_start3A_94 = tpu.memref_squeeze %dma_start3A_93 : memref<1x!tpu.dma_semaphore, #tpu.memory_space<semaphore_mem>> -> memref<!tpu.dma_semaphore, #tpu.memory_space<semaphore_mem>>
    tpu.enqueue_indirect_dma source(%dma_start3A_92 : memref<1000000x128xf32, #tpu.memory_space<hbm>>) target(%dma_start3A_86 : memref<64x128xf32, #tpu.memory_space<vmem>>) offsets(%dma_start3A_89 : memref<64xi32, #tpu.memory_space<vmem>>) semaphore(%dma_start3A_94 : memref<!tpu.dma_semaphore, #tpu.memory_space<semaphore_mem>>)
    %rem3A_95 = arith.constant 0 : i32
    %rem3A_96 = arith.constant 2 : i32
    %rem3A_97 = arith.remsi %rem3A_95, %rem3A_96 : i32
    %dma_start3A_98 = arith.constant 2 : i32
    %dma_start3A_99 = arith.constant 2 : i32
    %dma_start3A_100 = arith.constant 64 : i32
    %dma_start3A_101 = arith.constant 0 : i32
    %dma_start3A_102 = tpu.memref_slice %arg6[%dma_start3A_98, %dma_start3A_100, %dma_start3A_101] : memref<5x128x128xf32, #tpu.memory_space<vmem>> -> memref<1x64x128xf32, #tpu.memory_space<vmem>>
    %dma_start3A_103 = tpu.memref_squeeze %dma_start3A_102 : memref<1x64x128xf32, #tpu.memory_space<vmem>> -> memref<64x128xf32, #tpu.memory_space<vmem>>
    %dma_start3A_104 = arith.constant 64 : i32
    %dma_start3A_105 = tpu.memref_slice %arg5[%rem3A_97, %rem3A_77, %dma_start3A_104] : memref<2x8x128xi32, #tpu.memory_space<vmem>> -> memref<1x1x64xi32, #tpu.memory_space<vmem>>
    %dma_start3A_106 = tpu.memref_squeeze %dma_start3A_105 : memref<1x1x64xi32, #tpu.memory_space<vmem>> -> memref<64xi32, #tpu.memory_space<vmem>>
    %dma_start3A_107 = arith.constant 0 : i32
    %dma_start3A_108 = arith.constant 0 : i32
    %dma_start3A_109 = tpu.memref_slice %arg3[%dma_start3A_107, %dma_start3A_108] : memref<1000000x128xf32, #tpu.memory_space<hbm>> -> memref<1000000x128xf32, #tpu.memory_space<hbm>>
    %dma_start3A_110 = tpu.memref_slice %arg7[%dma_start3A_99] : memref<5x!tpu.dma_semaphore, #tpu.memory_space<semaphore_mem>> -> memref<1x!tpu.dma_semaphore, #tpu.memory_space<semaphore_mem>>
    %dma_start3A_111 = tpu.memref_squeeze %dma_start3A_110 : memref<1x!tpu.dma_semaphore, #tpu.memory_space<semaphore_mem>> -> memref<!tpu.dma_semaphore, #tpu.memory_space<semaphore_mem>>
    tpu.enqueue_indirect_dma source(%dma_start3A_109 : memref<1000000x128xf32, #tpu.memory_space<hbm>>) target(%dma_start3A_103 : memref<64x128xf32, #tpu.memory_space<vmem>>) offsets(%dma_start3A_106 : memref<64xi32, #tpu.memory_space<vmem>>) semaphore(%dma_start3A_111 : memref<!tpu.dma_semaphore, #tpu.memory_space<semaphore_mem>>)
    %scan3A = arith.constant 0 : i32
    %scan3A_112 = arith.constant 0 : i32
    %scan3A_113 = arith.constant 10 : i32
    %scan3A_114 = arith.addi %scan3A_112, %scan3A_113 : i32
    %scan3A_115 = arith.constant 1 : i32
    scf.for %scan3A_206 = %scan3A_112 to %scan3A_114 step %scan3A_115  : i32 {
      %mul3A_207 = arith.constant 20 : i32
      %mul3A_208 = arith.muli %scan3A_206, %mul3A_207 : i32
      %add3A_209 = arith.constant 0 : i32
      %add3A_210 = arith.addi %mul3A_208, %add3A_209 : i32
      %jit3A = arith.constant 8 : i32
      %div3A = arith.divsi %add3A_210, %jit3A : i32
      %sign3A = arith.constant 0 : i32
      %sign3A_211 = arith.cmpi sgt, %add3A_210, %sign3A : i32
      %sign3A_212 = arith.extui %sign3A_211 : i1 to i32
      %sign3A_213 = arith.constant 0 : i32
      %sign3A_214 = arith.cmpi slt, %add3A_210, %sign3A_213 : i32
      %sign3A_215 = arith.extui %sign3A_214 : i1 to i32
      %sign3A_216 = arith.subi %sign3A_212, %sign3A_215 : i32
      %sign3A_217 = arith.constant 0 : i32
      %sign3A_218 = arith.cmpi sgt, %jit3A, %sign3A_217 : i32
      %sign3A_219 = arith.extui %sign3A_218 : i1 to i32
      %sign3A_220 = arith.constant 0 : i32
      %sign3A_221 = arith.cmpi slt, %jit3A, %sign3A_220 : i32
      %sign3A_222 = arith.extui %sign3A_221 : i1 to i32
      %sign3A_223 = arith.subi %sign3A_219, %sign3A_222 : i32
      %ne3A = arith.cmpi ne, %sign3A_216, %sign3A_223 : i32
      %rem3A_224 = arith.remsi %add3A_210, %jit3A : i32
      %ne3A_225 = arith.constant 0 : i32
      %ne3A_226 = arith.cmpi ne, %rem3A_224, %ne3A_225 : i32
      %and3A = arith.andi %ne3A, %ne3A_226 : i1
      %sub3A = arith.constant 1 : i32
      %sub3A_227 = arith.subi %div3A, %sub3A : i32
      %select_n3A = arith.select %and3A, %sub3A_227, %div3A : i32
      %rem3A_228 = arith.constant 8 : i32
      %rem3A_229 = arith.remsi %add3A_210, %rem3A_228 : i32
      %dma_wait3A_230 = arith.constant 0 : i32
      %dma_wait3A_231 = arith.constant 0 : i32
      %dma_wait3A_232 = arith.constant 0 : i32
      %dma_wait3A_233 = arith.constant 0 : i32
      %dma_wait3A_234 = tpu.memref_slice %arg6[%dma_wait3A_230, %dma_wait3A_232, %dma_wait3A_233] : memref<5x128x128xf32, #tpu.memory_space<vmem>> -> memref<1x128x128xf32, #tpu.memory_space<vmem>>
      %dma_wait3A_235 = tpu.memref_squeeze %dma_wait3A_234 : memref<1x128x128xf32, #tpu.memory_space<vmem>> -> memref<128x128xf32, #tpu.memory_space<vmem>>
      %dma_wait3A_236 = arith.constant 0 : i32
      %dma_wait3A_237 = arith.constant 0 : i32
      %dma_wait3A_238 = tpu.memref_slice %arg3[%dma_wait3A_236, %dma_wait3A_237] : memref<1000000x128xf32, #tpu.memory_space<hbm>> -> memref<128x128xf32, #tpu.memory_space<hbm>>
      %dma_wait3A_239 = tpu.memref_slice %arg7[%dma_wait3A_231] : memref<5x!tpu.dma_semaphore, #tpu.memory_space<semaphore_mem>> -> memref<1x!tpu.dma_semaphore, #tpu.memory_space<semaphore_mem>>
      %dma_wait3A_240 = tpu.memref_squeeze %dma_wait3A_239 : memref<1x!tpu.dma_semaphore, #tpu.memory_space<semaphore_mem>> -> memref<!tpu.dma_semaphore, #tpu.memory_space<semaphore_mem>>
      %dma_wait3A_241 = arith.constant 0 : i32
      %dma_wait3A_242 = arith.constant 0 : i32
      %dma_wait3A_243 = tpu.memref_slice %arg6[%dma_wait3A_230, %dma_wait3A_241, %dma_wait3A_242] : memref<5x128x128xf32, #tpu.memory_space<vmem>> -> memref<1x128x128xf32, #tpu.memory_space<vmem>>
      %dma_wait3A_244 = tpu.memref_squeeze %dma_wait3A_243 : memref<1x128x128xf32, #tpu.memory_space<vmem>> -> memref<128x128xf32, #tpu.memory_space<vmem>>
      %dma_wait3A_245 = arith.constant 0 : i32
      %dma_wait3A_246 = arith.constant 0 : i32
      %dma_wait3A_247 = tpu.memref_slice %arg3[%dma_wait3A_245, %dma_wait3A_246] : memref<1000000x128xf32, #tpu.memory_space<hbm>> -> memref<128x128xf32, #tpu.memory_space<hbm>>
      tpu.wait_dma2 semaphore(%dma_wait3A_240 : memref<!tpu.dma_semaphore, #tpu.memory_space<semaphore_mem>>) src(%dma_wait3A_247 : memref<128x128xf32, #tpu.memory_space<hbm>>) dst(%dma_wait3A_244 : memref<128x128xf32, #tpu.memory_space<vmem>>)
      %eq3A = arith.constant 0 : i32
      %eq3A_248 = arith.cmpi eq, %rem3A_229, %eq3A : i32
      %add3A_249 = arith.constant 1 : i32
      %add3A_250 = arith.addi %select_n3A, %add3A_249 : i32
      %lt3A = arith.constant 25 : i32
      %lt3A_251 = arith.cmpi slt, %add3A_250, %lt3A : i32
      %and3A_252 = arith.andi %eq3A_248, %lt3A_251 : i1
      %convert_element_type3A = arith.extui %and3A_252 : i1 to i32
      %cond3A = arith.constant 0 : i32
      %cond3A_253 = arith.cmpi ne, %convert_element_type3A, %cond3A : i32
      scf.if %cond3A_253 {
        %add3A_2018 = arith.constant 1 : i32
        %add3A_2019 = arith.addi %select_n3A, %add3A_2018 : i32
        %mul3A_2020 = arith.constant 8 : i32
        %mul3A_2021 = arith.muli %add3A_2019, %mul3A_2020 : i32
        %add3A_2022 = arith.constant 1 : i32
        %add3A_2023 = arith.addi %select_n3A, %add3A_2022 : i32
        %rem3A_2024 = arith.constant 2 : i32
        %rem3A_2025 = arith.remsi %add3A_2023, %rem3A_2024 : i32
        %dma_start3A_2026 = arith.constant 0 : i32
        %dma_start3A_2027 = arith.constant 0 : i32
        %dma_start3A_2028 = tpu.memref_slice %arg5[%rem3A_2025, %dma_start3A_2026, %dma_start3A_2027] : memref<2x8x128xi32, #tpu.memory_space<vmem>> -> memref<1x8x128xi32, #tpu.memory_space<vmem>>
        %dma_start3A_2029 = tpu.memref_squeeze %dma_start3A_2028 : memref<1x8x128xi32, #tpu.memory_space<vmem>> -> memref<8x128xi32, #tpu.memory_space<vmem>>
        %dma_start3A_2030 = tpu.memref_slice %arg2[%mul3A_2021, %mul3A_2] : memref<200x4096xi32, #tpu.memory_space<hbm>> -> memref<8x128xi32, #tpu.memory_space<hbm>>
        %dma_start3A_2031 = arith.constant 0 : i32
        %dma_start3A_2032 = arith.constant 0 : i32
        %dma_start3A_2033 = tpu.memref_slice %arg5[%rem3A_2025, %dma_start3A_2031, %dma_start3A_2032] : memref<2x8x128xi32, #tpu.memory_space<vmem>> -> memref<1x8x128xi32, #tpu.memory_space<vmem>>
        %dma_start3A_2034 = tpu.memref_squeeze %dma_start3A_2033 : memref<1x8x128xi32, #tpu.memory_space<vmem>> -> memref<8x128xi32, #tpu.memory_space<vmem>>
        %dma_start3A_2035 = tpu.memref_slice %arg2[%mul3A_2021, %mul3A_2] : memref<200x4096xi32, #tpu.memory_space<hbm>> -> memref<8x128xi32, #tpu.memory_space<hbm>>
        tpu.enqueue_dma source(%dma_start3A_2035 : memref<8x128xi32, #tpu.memory_space<hbm>>) target(%dma_start3A_2034 : memref<8x128xi32, #tpu.memory_space<vmem>>) target_semaphore(%arg9 : memref<!tpu.dma_semaphore, #tpu.memory_space<semaphore_mem>>)
      } else {
      }
      %dma_start3A_254 = arith.constant 0 : i32
      %dma_start3A_255 = arith.constant 0 : i32
      %dma_start3A_256 = arith.constant 0 : i32
      %dma_start3A_257 = arith.constant 0 : i32
      %dma_start3A_258 = tpu.memref_slice %arg6[%dma_start3A_254, %dma_start3A_256, %dma_start3A_257] : memref<5x128x128xf32, #tpu.memory_space<vmem>> -> memref<1x128x128xf32, #tpu.memory_space<vmem>>
      %dma_start3A_259 = tpu.memref_squeeze %dma_start3A_258 : memref<1x128x128xf32, #tpu.memory_space<vmem>> -> memref<128x128xf32, #tpu.memory_space<vmem>>
      %dma_start3A_260 = arith.constant 0 : i32
      %dma_start3A_261 = tpu.memref_slice %arg4[%add3A_210, %mul3A_2, %dma_start3A_260] : memref<200x4096x128xf32, #tpu.memory_space<hbm>> -> memref<1x128x128xf32, #tpu.memory_space<hbm>>
      %dma_start3A_262 = tpu.memref_squeeze %dma_start3A_261 : memref<1x128x128xf32, #tpu.memory_space<hbm>> -> memref<128x128xf32, #tpu.memory_space<hbm>>
      %dma_start3A_263 = tpu.memref_slice %arg8[%dma_start3A_255] : memref<5x!tpu.dma_semaphore, #tpu.memory_space<semaphore_mem>> -> memref<1x!tpu.dma_semaphore, #tpu.memory_space<semaphore_mem>>
      %dma_start3A_264 = tpu.memref_squeeze %dma_start3A_263 : memref<1x!tpu.dma_semaphore, #tpu.memory_space<semaphore_mem>> -> memref<!tpu.dma_semaphore, #tpu.memory_space<semaphore_mem>>
      %dma_start3A_265 = arith.constant 0 : i32
      %dma_start3A_266 = tpu.memref_slice %arg4[%add3A_210, %mul3A_2, %dma_start3A_265] : memref<200x4096x128xf32, #tpu.memory_space<hbm>> -> memref<1x128x128xf32, #tpu.memory_space<hbm>>
      %dma_start3A_267 = tpu.memref_squeeze %dma_start3A_266 : memref<1x128x128xf32, #tpu.memory_space<hbm>> -> memref<128x128xf32, #tpu.memory_space<hbm>>
      %dma_start3A_268 = arith.constant 0 : i32
      %dma_start3A_269 = arith.constant 0 : i32
      %dma_start3A_270 = tpu.memref_slice %arg6[%dma_start3A_254, %dma_start3A_268, %dma_start3A_269] : memref<5x128x128xf32, #tpu.memory_space<vmem>> -> memref<1x128x128xf32, #tpu.memory_space<vmem>>
      %dma_start3A_271 = tpu.memref_squeeze %dma_start3A_270 : memref<1x128x128xf32, #tpu.memory_space<vmem>> -> memref<128x128xf32, #tpu.memory_space<vmem>>
      tpu.enqueue_dma source(%dma_start3A_271 : memref<128x128xf32, #tpu.memory_space<vmem>>) target(%dma_start3A_267 : memref<128x128xf32, #tpu.memory_space<hbm>>) target_semaphore(%dma_start3A_264 : memref<!tpu.dma_semaphore, #tpu.memory_space<semaphore_mem>>)
      %eq3A_272 = arith.constant 4 : i32
      %eq3A_273 = arith.cmpi eq, %rem3A_229, %eq3A_272 : i32
      %add3A_274 = arith.constant 1 : i32
      %add3A_275 = arith.addi %select_n3A, %add3A_274 : i32
      %lt3A_276 = arith.constant 25 : i32
      %lt3A_277 = arith.cmpi slt, %add3A_275, %lt3A_276 : i32
      %and3A_278 = arith.andi %eq3A_273, %lt3A_277 : i1
      %convert_element_type3A_279 = arith.extui %and3A_278 : i1 to i32
      %cond3A_280 = arith.constant 0 : i32
      %cond3A_281 = arith.cmpi ne, %convert_element_type3A_279, %cond3A_280 : i32
      scf.if %cond3A_281 {
        %dma_wait3A_2018 = arith.constant 0 : i32
        %dma_wait3A_2019 = arith.constant 0 : i32
        %dma_wait3A_2020 = arith.constant 0 : i32
        %dma_wait3A_2021 = tpu.memref_slice %arg5[%dma_wait3A_2018, %dma_wait3A_2019, %dma_wait3A_2020] : memref<2x8x128xi32, #tpu.memory_space<vmem>> -> memref<1x8x128xi32, #tpu.memory_space<vmem>>
        %dma_wait3A_2022 = tpu.memref_squeeze %dma_wait3A_2021 : memref<1x8x128xi32, #tpu.memory_space<vmem>> -> memref<8x128xi32, #tpu.memory_space<vmem>>
        %dma_wait3A_2023 = arith.constant 0 : i32
        %dma_wait3A_2024 = arith.constant 0 : i32
        %dma_wait3A_2025 = tpu.memref_slice %arg2[%dma_wait3A_2023, %dma_wait3A_2024] : memref<200x4096xi32, #tpu.memory_space<hbm>> -> memref<8x128xi32, #tpu.memory_space<hbm>>
        %dma_wait3A_2026 = arith.constant 0 : i32
        %dma_wait3A_2027 = arith.constant 0 : i32
        %dma_wait3A_2028 = tpu.memref_slice %arg5[%dma_wait3A_2018, %dma_wait3A_2026, %dma_wait3A_2027] : memref<2x8x128xi32, #tpu.memory_space<vmem>> -> memref<1x8x128xi32, #tpu.memory_space<vmem>>
        %dma_wait3A_2029 = tpu.memref_squeeze %dma_wait3A_2028 : memref<1x8x128xi32, #tpu.memory_space<vmem>> -> memref<8x128xi32, #tpu.memory_space<vmem>>
        %dma_wait3A_2030 = arith.constant 0 : i32
        %dma_wait3A_2031 = arith.constant 0 : i32
        %dma_wait3A_2032 = tpu.memref_slice %arg2[%dma_wait3A_2030, %dma_wait3A_2031] : memref<200x4096xi32, #tpu.memory_space<hbm>> -> memref<8x128xi32, #tpu.memory_space<hbm>>
        tpu.wait_dma2 semaphore(%arg9 : memref<!tpu.dma_semaphore, #tpu.memory_space<semaphore_mem>>) src(%dma_wait3A_2032 : memref<8x128xi32, #tpu.memory_space<hbm>>) dst(%dma_wait3A_2029 : memref<8x128xi32, #tpu.memory_space<vmem>>)
      } else {
      }
      %add3A_282 = arith.constant 3 : i32
      %add3A_283 = arith.addi %add3A_210, %add3A_282 : i32
      %lt3A_284 = arith.constant 200 : i32
      %lt3A_285 = arith.cmpi slt, %add3A_283, %lt3A_284 : i32
      %convert_element_type3A_286 = arith.extui %lt3A_285 : i1 to i32
      %cond3A_287 = arith.constant 0 : i32
      %cond3A_288 = arith.cmpi ne, %convert_element_type3A_286, %cond3A_287 : i32
      scf.if %cond3A_288 {
        %ge3A = arith.constant 2 : i32
        %ge3A_2018 = arith.cmpi sge, %add3A_210, %ge3A : i32
        %convert_element_type3A_2019 = arith.extui %ge3A_2018 : i1 to i32
        %cond3A_2020 = arith.constant 0 : i32
        %cond3A_2021 = arith.cmpi ne, %convert_element_type3A_2019, %cond3A_2020 : i32
        scf.if %cond3A_2021 {
          %dma_wait3A_2082 = arith.constant 3 : i32
          %dma_wait3A_2083 = arith.constant 3 : i32
          %dma_wait3A_2084 = arith.constant 0 : i32
          %dma_wait3A_2085 = arith.constant 0 : i32
          %dma_wait3A_2086 = tpu.memref_slice %arg6[%dma_wait3A_2082, %dma_wait3A_2084, %dma_wait3A_2085] : memref<5x128x128xf32, #tpu.memory_space<vmem>> -> memref<1x128x128xf32, #tpu.memory_space<vmem>>
          %dma_wait3A_2087 = tpu.memref_squeeze %dma_wait3A_2086 : memref<1x128x128xf32, #tpu.memory_space<vmem>> -> memref<128x128xf32, #tpu.memory_space<vmem>>
          %dma_wait3A_2088 = arith.constant 0 : i32
          %dma_wait3A_2089 = arith.constant 0 : i32
          %dma_wait3A_2090 = tpu.memref_slice %arg3[%dma_wait3A_2088, %dma_wait3A_2089] : memref<1000000x128xf32, #tpu.memory_space<hbm>> -> memref<128x128xf32, #tpu.memory_space<hbm>>
          %dma_wait3A_2091 = tpu.memref_slice %arg8[%dma_wait3A_2083] : memref<5x!tpu.dma_semaphore, #tpu.memory_space<semaphore_mem>> -> memref<1x!tpu.dma_semaphore, #tpu.memory_space<semaphore_mem>>
          %dma_wait3A_2092 = tpu.memref_squeeze %dma_wait3A_2091 : memref<1x!tpu.dma_semaphore, #tpu.memory_space<semaphore_mem>> -> memref<!tpu.dma_semaphore, #tpu.memory_space<semaphore_mem>>
          %dma_wait3A_2093 = arith.constant 0 : i32
          %dma_wait3A_2094 = arith.constant 0 : i32
          %dma_wait3A_2095 = tpu.memref_slice %arg6[%dma_wait3A_2082, %dma_wait3A_2093, %dma_wait3A_2094] : memref<5x128x128xf32, #tpu.memory_space<vmem>> -> memref<1x128x128xf32, #tpu.memory_space<vmem>>
          %dma_wait3A_2096 = tpu.memref_squeeze %dma_wait3A_2095 : memref<1x128x128xf32, #tpu.memory_space<vmem>> -> memref<128x128xf32, #tpu.memory_space<vmem>>
          %dma_wait3A_2097 = arith.constant 0 : i32
          %dma_wait3A_2098 = arith.constant 0 : i32
          %dma_wait3A_2099 = tpu.memref_slice %arg3[%dma_wait3A_2097, %dma_wait3A_2098] : memref<1000000x128xf32, #tpu.memory_space<hbm>> -> memref<128x128xf32, #tpu.memory_space<hbm>>
          tpu.wait_dma2 semaphore(%dma_wait3A_2092 : memref<!tpu.dma_semaphore, #tpu.memory_space<semaphore_mem>>) src(%dma_wait3A_2099 : memref<128x128xf32, #tpu.memory_space<hbm>>) dst(%dma_wait3A_2096 : memref<128x128xf32, #tpu.memory_space<vmem>>)
        } else {
        }
        %add3A_2022 = arith.constant 3 : i32
        %add3A_2023 = arith.addi %add3A_210, %add3A_2022 : i32
        %jit3A_2024 = arith.constant 8 : i32
        %div3A_2025 = arith.divsi %add3A_2023, %jit3A_2024 : i32
        %sign3A_2026 = arith.constant 0 : i32
        %sign3A_2027 = arith.cmpi sgt, %add3A_2023, %sign3A_2026 : i32
        %sign3A_2028 = arith.extui %sign3A_2027 : i1 to i32
        %sign3A_2029 = arith.constant 0 : i32
        %sign3A_2030 = arith.cmpi slt, %add3A_2023, %sign3A_2029 : i32
        %sign3A_2031 = arith.extui %sign3A_2030 : i1 to i32
        %sign3A_2032 = arith.subi %sign3A_2028, %sign3A_2031 : i32
        %sign3A_2033 = arith.constant 0 : i32
        %sign3A_2034 = arith.cmpi sgt, %jit3A_2024, %sign3A_2033 : i32
        %sign3A_2035 = arith.extui %sign3A_2034 : i1 to i32
        %sign3A_2036 = arith.constant 0 : i32
        %sign3A_2037 = arith.cmpi slt, %jit3A_2024, %sign3A_2036 : i32
        %sign3A_2038 = arith.extui %sign3A_2037 : i1 to i32
        %sign3A_2039 = arith.subi %sign3A_2035, %sign3A_2038 : i32
        %ne3A_2040 = arith.cmpi ne, %sign3A_2032, %sign3A_2039 : i32
        %rem3A_2041 = arith.remsi %add3A_2023, %jit3A_2024 : i32
        %ne3A_2042 = arith.constant 0 : i32
        %ne3A_2043 = arith.cmpi ne, %rem3A_2041, %ne3A_2042 : i32
        %and3A_2044 = arith.andi %ne3A_2040, %ne3A_2043 : i1
        %sub3A_2045 = arith.constant 1 : i32
        %sub3A_2046 = arith.subi %div3A_2025, %sub3A_2045 : i32
        %select_n3A_2047 = arith.select %and3A_2044, %sub3A_2046, %div3A_2025 : i32
        %rem3A_2048 = arith.constant 8 : i32
        %rem3A_2049 = arith.remsi %add3A_2023, %rem3A_2048 : i32
        %rem3A_2050 = arith.constant 2 : i32
        %rem3A_2051 = arith.remsi %select_n3A_2047, %rem3A_2050 : i32
        %dma_start3A_2052 = arith.constant 3 : i32
        %dma_start3A_2053 = arith.constant 3 : i32
        %dma_start3A_2054 = arith.constant 0 : i32
        %dma_start3A_2055 = arith.constant 0 : i32
        %dma_start3A_2056 = tpu.memref_slice %arg6[%dma_start3A_2052, %dma_start3A_2054, %dma_start3A_2055] : memref<5x128x128xf32, #tpu.memory_space<vmem>> -> memref<1x64x128xf32, #tpu.memory_space<vmem>>
        %dma_start3A_2057 = tpu.memref_squeeze %dma_start3A_2056 : memref<1x64x128xf32, #tpu.memory_space<vmem>> -> memref<64x128xf32, #tpu.memory_space<vmem>>
        %dma_start3A_2058 = arith.constant 0 : i32
        %dma_start3A_2059 = tpu.memref_slice %arg5[%rem3A_2051, %rem3A_2049, %dma_start3A_2058] : memref<2x8x128xi32, #tpu.memory_space<vmem>> -> memref<1x1x64xi32, #tpu.memory_space<vmem>>
        %dma_start3A_2060 = tpu.memref_squeeze %dma_start3A_2059 : memref<1x1x64xi32, #tpu.memory_space<vmem>> -> memref<64xi32, #tpu.memory_space<vmem>>
        %dma_start3A_2061 = arith.constant 0 : i32
        %dma_start3A_2062 = arith.constant 0 : i32
        %dma_start3A_2063 = tpu.memref_slice %arg3[%dma_start3A_2061, %dma_start3A_2062] : memref<1000000x128xf32, #tpu.memory_space<hbm>> -> memref<1000000x128xf32, #tpu.memory_space<hbm>>
        %dma_start3A_2064 = tpu.memref_slice %arg7[%dma_start3A_2053] : memref<5x!tpu.dma_semaphore, #tpu.memory_space<semaphore_mem>> -> memref<1x!tpu.dma_semaphore, #tpu.memory_space<semaphore_mem>>
        %dma_start3A_2065 = tpu.memref_squeeze %dma_start3A_2064 : memref<1x!tpu.dma_semaphore, #tpu.memory_space<semaphore_mem>> -> memref<!tpu.dma_semaphore, #tpu.memory_space<semaphore_mem>>
        tpu.enqueue_indirect_dma source(%dma_start3A_2063 : memref<1000000x128xf32, #tpu.memory_space<hbm>>) target(%dma_start3A_2057 : memref<64x128xf32, #tpu.memory_space<vmem>>) offsets(%dma_start3A_2060 : memref<64xi32, #tpu.memory_space<vmem>>) semaphore(%dma_start3A_2065 : memref<!tpu.dma_semaphore, #tpu.memory_space<semaphore_mem>>)
        %rem3A_2066 = arith.constant 2 : i32
        %rem3A_2067 = arith.remsi %select_n3A_2047, %rem3A_2066 : i32
        %dma_start3A_2068 = arith.constant 3 : i32
        %dma_start3A_2069 = arith.constant 3 : i32
        %dma_start3A_2070 = arith.constant 64 : i32
        %dma_start3A_2071 = arith.constant 0 : i32
        %dma_start3A_2072 = tpu.memref_slice %arg6[%dma_start3A_2068, %dma_start3A_2070, %dma_start3A_2071] : memref<5x128x128xf32, #tpu.memory_space<vmem>> -> memref<1x64x128xf32, #tpu.memory_space<vmem>>
        %dma_start3A_2073 = tpu.memref_squeeze %dma_start3A_2072 : memref<1x64x128xf32, #tpu.memory_space<vmem>> -> memref<64x128xf32, #tpu.memory_space<vmem>>
        %dma_start3A_2074 = arith.constant 64 : i32
        %dma_start3A_2075 = tpu.memref_slice %arg5[%rem3A_2067, %rem3A_2049, %dma_start3A_2074] : memref<2x8x128xi32, #tpu.memory_space<vmem>> -> memref<1x1x64xi32, #tpu.memory_space<vmem>>
        %dma_start3A_2076 = tpu.memref_squeeze %dma_start3A_2075 : memref<1x1x64xi32, #tpu.memory_space<vmem>> -> memref<64xi32, #tpu.memory_space<vmem>>
        %dma_start3A_2077 = arith.constant 0 : i32
        %dma_start3A_2078 = arith.constant 0 : i32
        %dma_start3A_2079 = tpu.memref_slice %arg3[%dma_start3A_2077, %dma_start3A_2078] : memref<1000000x128xf32, #tpu.memory_space<hbm>> -> memref<1000000x128xf32, #tpu.memory_space<hbm>>
        %dma_start3A_2080 = tpu.memref_slice %arg7[%dma_start3A_2069] : memref<5x!tpu.dma_semaphore, #tpu.memory_space<semaphore_mem>> -> memref<1x!tpu.dma_semaphore, #tpu.memory_space<semaphore_mem>>
        %dma_start3A_2081 = tpu.memref_squeeze %dma_start3A_2080 : memref<1x!tpu.dma_semaphore, #tpu.memory_space<semaphore_mem>> -> memref<!tpu.dma_semaphore, #tpu.memory_space<semaphore_mem>>
        tpu.enqueue_indirect_dma source(%dma_start3A_2079 : memref<1000000x128xf32, #tpu.memory_space<hbm>>) target(%dma_start3A_2073 : memref<64x128xf32, #tpu.memory_space<vmem>>) offsets(%dma_start3A_2076 : memref<64xi32, #tpu.memory_space<vmem>>) semaphore(%dma_start3A_2081 : memref<!tpu.dma_semaphore, #tpu.memory_space<semaphore_mem>>)
      } else {
      }
      %add3A_289 = arith.constant 1 : i32
      %add3A_290 = arith.addi %mul3A_208, %add3A_289 : i32
      %jit3A_291 = arith.constant 8 : i32
      %div3A_292 = arith.divsi %add3A_290, %jit3A_291 : i32
      %sign3A_293 = arith.constant 0 : i32
      %sign3A_294 = arith.cmpi sgt, %add3A_290, %sign3A_293 : i32
      %sign3A_295 = arith.extui %sign3A_294 : i1 to i32
      %sign3A_296 = arith.constant 0 : i32
      %sign3A_297 = arith.cmpi slt, %add3A_290, %sign3A_296 : i32
      %sign3A_298 = arith.extui %sign3A_297 : i1 to i32
      %sign3A_299 = arith.subi %sign3A_295, %sign3A_298 : i32
      %sign3A_300 = arith.constant 0 : i32
      %sign3A_301 = arith.cmpi sgt, %jit3A_291, %sign3A_300 : i32
      %sign3A_302 = arith.extui %sign3A_301 : i1 to i32
      %sign3A_303 = arith.constant 0 : i32
      %sign3A_304 = arith.cmpi slt, %jit3A_291, %sign3A_303 : i32
      %sign3A_305 = arith.extui %sign3A_304 : i1 to i32
      %sign3A_306 = arith.subi %sign3A_302, %sign3A_305 : i32
      %ne3A_307 = arith.cmpi ne, %sign3A_299, %sign3A_306 : i32
      %rem3A_308 = arith.remsi %add3A_290, %jit3A_291 : i32
      %ne3A_309 = arith.constant 0 : i32
      %ne3A_310 = arith.cmpi ne, %rem3A_308, %ne3A_309 : i32
      %and3A_311 = arith.andi %ne3A_307, %ne3A_310 : i1
      %sub3A_312 = arith.constant 1 : i32
      %sub3A_313 = arith.subi %div3A_292, %sub3A_312 : i32
      %select_n3A_314 = arith.select %and3A_311, %sub3A_313, %div3A_292 : i32
      %rem3A_315 = arith.constant 8 : i32
      %rem3A_316 = arith.remsi %add3A_290, %rem3A_315 : i32
      %dma_wait3A_317 = arith.constant 1 : i32
      %dma_wait3A_318 = arith.constant 1 : i32
      %dma_wait3A_319 = arith.constant 0 : i32
      %dma_wait3A_320 = arith.constant 0 : i32
      %dma_wait3A_321 = tpu.memref_slice %arg6[%dma_wait3A_317, %dma_wait3A_319, %dma_wait3A_320] : memref<5x128x128xf32, #tpu.memory_space<vmem>> -> memref<1x128x128xf32, #tpu.memory_space<vmem>>
      %dma_wait3A_322 = tpu.memref_squeeze %dma_wait3A_321 : memref<1x128x128xf32, #tpu.memory_space<vmem>> -> memref<128x128xf32, #tpu.memory_space<vmem>>
      %dma_wait3A_323 = arith.constant 0 : i32
      %dma_wait3A_324 = arith.constant 0 : i32
      %dma_wait3A_325 = tpu.memref_slice %arg3[%dma_wait3A_323, %dma_wait3A_324] : memref<1000000x128xf32, #tpu.memory_space<hbm>> -> memref<128x128xf32, #tpu.memory_space<hbm>>
      %dma_wait3A_326 = tpu.memref_slice %arg7[%dma_wait3A_318] : memref<5x!tpu.dma_semaphore, #tpu.memory_space<semaphore_mem>> -> memref<1x!tpu.dma_semaphore, #tpu.memory_space<semaphore_mem>>
      %dma_wait3A_327 = tpu.memref_squeeze %dma_wait3A_326 : memref<1x!tpu.dma_semaphore, #tpu.memory_space<semaphore_mem>> -> memref<!tpu.dma_semaphore, #tpu.memory_space<semaphore_mem>>
      %dma_wait3A_328 = arith.constant 0 : i32
      %dma_wait3A_329 = arith.constant 0 : i32
      %dma_wait3A_330 = tpu.memref_slice %arg6[%dma_wait3A_317, %dma_wait3A_328, %dma_wait3A_329] : memref<5x128x128xf32, #tpu.memory_space<vmem>> -> memref<1x128x128xf32, #tpu.memory_space<vmem>>
      %dma_wait3A_331 = tpu.memref_squeeze %dma_wait3A_330 : memref<1x128x128xf32, #tpu.memory_space<vmem>> -> memref<128x128xf32, #tpu.memory_space<vmem>>
      %dma_wait3A_332 = arith.constant 0 : i32
      %dma_wait3A_333 = arith.constant 0 : i32
      %dma_wait3A_334 = tpu.memref_slice %arg3[%dma_wait3A_332, %dma_wait3A_333] : memref<1000000x128xf32, #tpu.memory_space<hbm>> -> memref<128x128xf32, #tpu.memory_space<hbm>>
      tpu.wait_dma2 semaphore(%dma_wait3A_327 : memref<!tpu.dma_semaphore, #tpu.memory_space<semaphore_mem>>) src(%dma_wait3A_334 : memref<128x128xf32, #tpu.memory_space<hbm>>) dst(%dma_wait3A_331 : memref<128x128xf32, #tpu.memory_space<vmem>>)
      %eq3A_335 = arith.constant 0 : i32
      %eq3A_336 = arith.cmpi eq, %rem3A_316, %eq3A_335 : i32
      %add3A_337 = arith.constant 1 : i32
      %add3A_338 = arith.addi %select_n3A_314, %add3A_337 : i32
      %lt3A_339 = arith.constant 25 : i32
      %lt3A_340 = arith.cmpi slt, %add3A_338, %lt3A_339 : i32
      %and3A_341 = arith.andi %eq3A_336, %lt3A_340 : i1
      %convert_element_type3A_342 = arith.extui %and3A_341 : i1 to i32
      %cond3A_343 = arith.constant 0 : i32
      %cond3A_344 = arith.cmpi ne, %convert_element_type3A_342, %cond3A_343 : i32
      scf.if %cond3A_344 {
        %add3A_2018 = arith.constant 1 : i32
        %add3A_2019 = arith.addi %select_n3A_314, %add3A_2018 : i32
        %mul3A_2020 = arith.constant 8 : i32
        %mul3A_2021 = arith.muli %add3A_2019, %mul3A_2020 : i32
        %add3A_2022 = arith.constant 1 : i32
        %add3A_2023 = arith.addi %select_n3A_314, %add3A_2022 : i32
        %rem3A_2024 = arith.constant 2 : i32
        %rem3A_2025 = arith.remsi %add3A_2023, %rem3A_2024 : i32
        %dma_start3A_2026 = arith.constant 0 : i32
        %dma_start3A_2027 = arith.constant 0 : i32
        %dma_start3A_2028 = tpu.memref_slice %arg5[%rem3A_2025, %dma_start3A_2026, %dma_start3A_2027] : memref<2x8x128xi32, #tpu.memory_space<vmem>> -> memref<1x8x128xi32, #tpu.memory_space<vmem>>
        %dma_start3A_2029 = tpu.memref_squeeze %dma_start3A_2028 : memref<1x8x128xi32, #tpu.memory_space<vmem>> -> memref<8x128xi32, #tpu.memory_space<vmem>>
        %dma_start3A_2030 = tpu.memref_slice %arg2[%mul3A_2021, %mul3A_2] : memref<200x4096xi32, #tpu.memory_space<hbm>> -> memref<8x128xi32, #tpu.memory_space<hbm>>
        %dma_start3A_2031 = arith.constant 0 : i32
        %dma_start3A_2032 = arith.constant 0 : i32
        %dma_start3A_2033 = tpu.memref_slice %arg5[%rem3A_2025, %dma_start3A_2031, %dma_start3A_2032] : memref<2x8x128xi32, #tpu.memory_space<vmem>> -> memref<1x8x128xi32, #tpu.memory_space<vmem>>
        %dma_start3A_2034 = tpu.memref_squeeze %dma_start3A_2033 : memref<1x8x128xi32, #tpu.memory_space<vmem>> -> memref<8x128xi32, #tpu.memory_space<vmem>>
        %dma_start3A_2035 = tpu.memref_slice %arg2[%mul3A_2021, %mul3A_2] : memref<200x4096xi32, #tpu.memory_space<hbm>> -> memref<8x128xi32, #tpu.memory_space<hbm>>
        tpu.enqueue_dma source(%dma_start3A_2035 : memref<8x128xi32, #tpu.memory_space<hbm>>) target(%dma_start3A_2034 : memref<8x128xi32, #tpu.memory_space<vmem>>) target_semaphore(%arg9 : memref<!tpu.dma_semaphore, #tpu.memory_space<semaphore_mem>>)
      } else {
      }
      %dma_start3A_345 = arith.constant 1 : i32
      %dma_start3A_346 = arith.constant 1 : i32
      %dma_start3A_347 = arith.constant 0 : i32
      %dma_start3A_348 = arith.constant 0 : i32
      %dma_start3A_349 = tpu.memref_slice %arg6[%dma_start3A_345, %dma_start3A_347, %dma_start3A_348] : memref<5x128x128xf32, #tpu.memory_space<vmem>> -> memref<1x128x128xf32, #tpu.memory_space<vmem>>
      %dma_start3A_350 = tpu.memref_squeeze %dma_start3A_349 : memref<1x128x128xf32, #tpu.memory_space<vmem>> -> memref<128x128xf32, #tpu.memory_space<vmem>>
      %dma_start3A_351 = arith.constant 0 : i32
      %dma_start3A_352 = tpu.memref_slice %arg4[%add3A_290, %mul3A_2, %dma_start3A_351] : memref<200x4096x128xf32, #tpu.memory_space<hbm>> -> memref<1x128x128xf32, #tpu.memory_space<hbm>>
      %dma_start3A_353 = tpu.memref_squeeze %dma_start3A_352 : memref<1x128x128xf32, #tpu.memory_space<hbm>> -> memref<128x128xf32, #tpu.memory_space<hbm>>
      %dma_start3A_354 = tpu.memref_slice %arg8[%dma_start3A_346] : memref<5x!tpu.dma_semaphore, #tpu.memory_space<semaphore_mem>> -> memref<1x!tpu.dma_semaphore, #tpu.memory_space<semaphore_mem>>
      %dma_start3A_355 = tpu.memref_squeeze %dma_start3A_354 : memref<1x!tpu.dma_semaphore, #tpu.memory_space<semaphore_mem>> -> memref<!tpu.dma_semaphore, #tpu.memory_space<semaphore_mem>>
      %dma_start3A_356 = arith.constant 0 : i32
      %dma_start3A_357 = tpu.memref_slice %arg4[%add3A_290, %mul3A_2, %dma_start3A_356] : memref<200x4096x128xf32, #tpu.memory_space<hbm>> -> memref<1x128x128xf32, #tpu.memory_space<hbm>>
      %dma_start3A_358 = tpu.memref_squeeze %dma_start3A_357 : memref<1x128x128xf32, #tpu.memory_space<hbm>> -> memref<128x128xf32, #tpu.memory_space<hbm>>
      %dma_start3A_359 = arith.constant 0 : i32
      %dma_start3A_360 = arith.constant 0 : i32
      %dma_start3A_361 = tpu.memref_slice %arg6[%dma_start3A_345, %dma_start3A_359, %dma_start3A_360] : memref<5x128x128xf32, #tpu.memory_space<vmem>> -> memref<1x128x128xf32, #tpu.memory_space<vmem>>
      %dma_start3A_362 = tpu.memref_squeeze %dma_start3A_361 : memref<1x128x128xf32, #tpu.memory_space<vmem>> -> memref<128x128xf32, #tpu.memory_space<vmem>>
      tpu.enqueue_dma source(%dma_start3A_362 : memref<128x128xf32, #tpu.memory_space<vmem>>) target(%dma_start3A_358 : memref<128x128xf32, #tpu.memory_space<hbm>>) target_semaphore(%dma_start3A_355 : memref<!tpu.dma_semaphore, #tpu.memory_space<semaphore_mem>>)
      %eq3A_363 = arith.constant 4 : i32
      %eq3A_364 = arith.cmpi eq, %rem3A_316, %eq3A_363 : i32
      %add3A_365 = arith.constant 1 : i32
      %add3A_366 = arith.addi %select_n3A_314, %add3A_365 : i32
      %lt3A_367 = arith.constant 25 : i32
      %lt3A_368 = arith.cmpi slt, %add3A_366, %lt3A_367 : i32
      %and3A_369 = arith.andi %eq3A_364, %lt3A_368 : i1
      %convert_element_type3A_370 = arith.extui %and3A_369 : i1 to i32
      %cond3A_371 = arith.constant 0 : i32
      %cond3A_372 = arith.cmpi ne, %convert_element_type3A_370, %cond3A_371 : i32
      scf.if %cond3A_372 {
        %dma_wait3A_2018 = arith.constant 0 : i32
        %dma_wait3A_2019 = arith.constant 0 : i32
        %dma_wait3A_2020 = arith.constant 0 : i32
        %dma_wait3A_2021 = tpu.memref_slice %arg5[%dma_wait3A_2018, %dma_wait3A_2019, %dma_wait3A_2020] : memref<2x8x128xi32, #tpu.memory_space<vmem>> -> memref<1x8x128xi32, #tpu.memory_space<vmem>>
        %dma_wait3A_2022 = tpu.memref_squeeze %dma_wait3A_2021 : memref<1x8x128xi32, #tpu.memory_space<vmem>> -> memref<8x128xi32, #tpu.memory_space<vmem>>
        %dma_wait3A_2023 = arith.constant 0 : i32
        %dma_wait3A_2024 = arith.constant 0 : i32
        %dma_wait3A_2025 = tpu.memref_slice %arg2[%dma_wait3A_2023, %dma_wait3A_2024] : memref<200x4096xi32, #tpu.memory_space<hbm>> -> memref<8x128xi32, #tpu.memory_space<hbm>>
        %dma_wait3A_2026 = arith.constant 0 : i32
        %dma_wait3A_2027 = arith.constant 0 : i32
        %dma_wait3A_2028 = tpu.memref_slice %arg5[%dma_wait3A_2018, %dma_wait3A_2026, %dma_wait3A_2027] : memref<2x8x128xi32, #tpu.memory_space<vmem>> -> memref<1x8x128xi32, #tpu.memory_space<vmem>>
        %dma_wait3A_2029 = tpu.memref_squeeze %dma_wait3A_2028 : memref<1x8x128xi32, #tpu.memory_space<vmem>> -> memref<8x128xi32, #tpu.memory_space<vmem>>
        %dma_wait3A_2030 = arith.constant 0 : i32
        %dma_wait3A_2031 = arith.constant 0 : i32
        %dma_wait3A_2032 = tpu.memref_slice %arg2[%dma_wait3A_2030, %dma_wait3A_2031] : memref<200x4096xi32, #tpu.memory_space<hbm>> -> memref<8x128xi32, #tpu.memory_space<hbm>>
        tpu.wait_dma2 semaphore(%arg9 : memref<!tpu.dma_semaphore, #tpu.memory_space<semaphore_mem>>) src(%dma_wait3A_2032 : memref<8x128xi32, #tpu.memory_space<hbm>>) dst(%dma_wait3A_2029 : memref<8x128xi32, #tpu.memory_space<vmem>>)
      } else {
      }
      %add3A_373 = arith.constant 3 : i32
      %add3A_374 = arith.addi %add3A_290, %add3A_373 : i32
      %lt3A_375 = arith.constant 200 : i32
      %lt3A_376 = arith.cmpi slt, %add3A_374, %lt3A_375 : i32
      %convert_element_type3A_377 = arith.extui %lt3A_376 : i1 to i32
      %cond3A_378 = arith.constant 0 : i32
      %cond3A_379 = arith.cmpi ne, %convert_element_type3A_377, %cond3A_378 : i32
      scf.if %cond3A_379 {
        %ge3A = arith.constant 2 : i32
        %ge3A_2018 = arith.cmpi sge, %add3A_290, %ge3A : i32
        %convert_element_type3A_2019 = arith.extui %ge3A_2018 : i1 to i32
        %cond3A_2020 = arith.constant 0 : i32
        %cond3A_2021 = arith.cmpi ne, %convert_element_type3A_2019, %cond3A_2020 : i32
        scf.if %cond3A_2021 {
          %dma_wait3A_2082 = arith.constant 4 : i32
          %dma_wait3A_2083 = arith.constant 4 : i32
          %dma_wait3A_2084 = arith.constant 0 : i32
          %dma_wait3A_2085 = arith.constant 0 : i32
          %dma_wait3A_2086 = tpu.memref_slice %arg6[%dma_wait3A_2082, %dma_wait3A_2084, %dma_wait3A_2085] : memref<5x128x128xf32, #tpu.memory_space<vmem>> -> memref<1x128x128xf32, #tpu.memory_space<vmem>>
          %dma_wait3A_2087 = tpu.memref_squeeze %dma_wait3A_2086 : memref<1x128x128xf32, #tpu.memory_space<vmem>> -> memref<128x128xf32, #tpu.memory_space<vmem>>
          %dma_wait3A_2088 = arith.constant 0 : i32
          %dma_wait3A_2089 = arith.constant 0 : i32
          %dma_wait3A_2090 = tpu.memref_slice %arg3[%dma_wait3A_2088, %dma_wait3A_2089] : memref<1000000x128xf32, #tpu.memory_space<hbm>> -> memref<128x128xf32, #tpu.memory_space<hbm>>
          %dma_wait3A_2091 = tpu.memref_slice %arg8[%dma_wait3A_2083] : memref<5x!tpu.dma_semaphore, #tpu.memory_space<semaphore_mem>> -> memref<1x!tpu.dma_semaphore, #tpu.memory_space<semaphore_mem>>
          %dma_wait3A_2092 = tpu.memref_squeeze %dma_wait3A_2091 : memref<1x!tpu.dma_semaphore, #tpu.memory_space<semaphore_mem>> -> memref<!tpu.dma_semaphore, #tpu.memory_space<semaphore_mem>>
          %dma_wait3A_2093 = arith.constant 0 : i32
          %dma_wait3A_2094 = arith.constant 0 : i32
          %dma_wait3A_2095 = tpu.memref_slice %arg6[%dma_wait3A_2082, %dma_wait3A_2093, %dma_wait3A_2094] : memref<5x128x128xf32, #tpu.memory_space<vmem>> -> memref<1x128x128xf32, #tpu.memory_space<vmem>>
          %dma_wait3A_2096 = tpu.memref_squeeze %dma_wait3A_2095 : memref<1x128x128xf32, #tpu.memory_space<vmem>> -> memref<128x128xf32, #tpu.memory_space<vmem>>
          %dma_wait3A_2097 = arith.constant 0 : i32
          %dma_wait3A_2098 = arith.constant 0 : i32
          %dma_wait3A_2099 = tpu.memref_slice %arg3[%dma_wait3A_2097, %dma_wait3A_2098] : memref<1000000x128xf32, #tpu.memory_space<hbm>> -> memref<128x128xf32, #tpu.memory_space<hbm>>
          tpu.wait_dma2 semaphore(%dma_wait3A_2092 : memref<!tpu.dma_semaphore, #tpu.memory_space<semaphore_mem>>) src(%dma_wait3A_2099 : memref<128x128xf32, #tpu.memory_space<hbm>>) dst(%dma_wait3A_2096 : memref<128x128xf32, #tpu.memory_space<vmem>>)
        } else {
        }
        %add3A_2022 = arith.constant 3 : i32
        %add3A_2023 = arith.addi %add3A_290, %add3A_2022 : i32
        %jit3A_2024 = arith.constant 8 : i32
        %div3A_2025 = arith.divsi %add3A_2023, %jit3A_2024 : i32
        %sign3A_2026 = arith.constant 0 : i32
        %sign3A_2027 = arith.cmpi sgt, %add3A_2023, %sign3A_2026 : i32
        %sign3A_2028 = arith.extui %sign3A_2027 : i1 to i32
        %sign3A_2029 = arith.constant 0 : i32
        %sign3A_2030 = arith.cmpi slt, %add3A_2023, %sign3A_2029 : i32
        %sign3A_2031 = arith.extui %sign3A_2030 : i1 to i32
        %sign3A_2032 = arith.subi %sign3A_2028, %sign3A_2031 : i32
        %sign3A_2033 = arith.constant 0 : i32
        %sign3A_2034 = arith.cmpi sgt, %jit3A_2024, %sign3A_2033 : i32
        %sign3A_2035 = arith.extui %sign3A_2034 : i1 to i32
        %sign3A_2036 = arith.constant 0 : i32
        %sign3A_2037 = arith.cmpi slt, %jit3A_2024, %sign3A_2036 : i32
        %sign3A_2038 = arith.extui %sign3A_2037 : i1 to i32
        %sign3A_2039 = arith.subi %sign3A_2035, %sign3A_2038 : i32
        %ne3A_2040 = arith.cmpi ne, %sign3A_2032, %sign3A_2039 : i32
        %rem3A_2041 = arith.remsi %add3A_2023, %jit3A_2024 : i32
        %ne3A_2042 = arith.constant 0 : i32
        %ne3A_2043 = arith.cmpi ne, %rem3A_2041, %ne3A_2042 : i32
        %and3A_2044 = arith.andi %ne3A_2040, %ne3A_2043 : i1
        %sub3A_2045 = arith.constant 1 : i32
        %sub3A_2046 = arith.subi %div3A_2025, %sub3A_2045 : i32
        %select_n3A_2047 = arith.select %and3A_2044, %sub3A_2046, %div3A_2025 : i32
        %rem3A_2048 = arith.constant 8 : i32
        %rem3A_2049 = arith.remsi %add3A_2023, %rem3A_2048 : i32
        %rem3A_2050 = arith.constant 2 : i32
        %rem3A_2051 = arith.remsi %select_n3A_2047, %rem3A_2050 : i32
        %dma_start3A_2052 = arith.constant 4 : i32
        %dma_start3A_2053 = arith.constant 4 : i32
        %dma_start3A_2054 = arith.constant 0 : i32
        %dma_start3A_2055 = arith.constant 0 : i32
        %dma_start3A_2056 = tpu.memref_slice %arg6[%dma_start3A_2052, %dma_start3A_2054, %dma_start3A_2055] : memref<5x128x128xf32, #tpu.memory_space<vmem>> -> memref<1x64x128xf32, #tpu.memory_space<vmem>>
        %dma_start3A_2057 = tpu.memref_squeeze %dma_start3A_2056 : memref<1x64x128xf32, #tpu.memory_space<vmem>> -> memref<64x128xf32, #tpu.memory_space<vmem>>
        %dma_start3A_2058 = arith.constant 0 : i32
        %dma_start3A_2059 = tpu.memref_slice %arg5[%rem3A_2051, %rem3A_2049, %dma_start3A_2058] : memref<2x8x128xi32, #tpu.memory_space<vmem>> -> memref<1x1x64xi32, #tpu.memory_space<vmem>>
        %dma_start3A_2060 = tpu.memref_squeeze %dma_start3A_2059 : memref<1x1x64xi32, #tpu.memory_space<vmem>> -> memref<64xi32, #tpu.memory_space<vmem>>
        %dma_start3A_2061 = arith.constant 0 : i32
        %dma_start3A_2062 = arith.constant 0 : i32
        %dma_start3A_2063 = tpu.memref_slice %arg3[%dma_start3A_2061, %dma_start3A_2062] : memref<1000000x128xf32, #tpu.memory_space<hbm>> -> memref<1000000x128xf32, #tpu.memory_space<hbm>>
        %dma_start3A_2064 = tpu.memref_slice %arg7[%dma_start3A_2053] : memref<5x!tpu.dma_semaphore, #tpu.memory_space<semaphore_mem>> -> memref<1x!tpu.dma_semaphore, #tpu.memory_space<semaphore_mem>>
        %dma_start3A_2065 = tpu.memref_squeeze %dma_start3A_2064 : memref<1x!tpu.dma_semaphore, #tpu.memory_space<semaphore_mem>> -> memref<!tpu.dma_semaphore, #tpu.memory_space<semaphore_mem>>
        tpu.enqueue_indirect_dma source(%dma_start3A_2063 : memref<1000000x128xf32, #tpu.memory_space<hbm>>) target(%dma_start3A_2057 : memref<64x128xf32, #tpu.memory_space<vmem>>) offsets(%dma_start3A_2060 : memref<64xi32, #tpu.memory_space<vmem>>) semaphore(%dma_start3A_2065 : memref<!tpu.dma_semaphore, #tpu.memory_space<semaphore_mem>>)
        %rem3A_2066 = arith.constant 2 : i32
        %rem3A_2067 = arith.remsi %select_n3A_2047, %rem3A_2066 : i32
        %dma_start3A_2068 = arith.constant 4 : i32
        %dma_start3A_2069 = arith.constant 4 : i32
        %dma_start3A_2070 = arith.constant 64 : i32
        %dma_start3A_2071 = arith.constant 0 : i32
        %dma_start3A_2072 = tpu.memref_slice %arg6[%dma_start3A_2068, %dma_start3A_2070, %dma_start3A_2071] : memref<5x128x128xf32, #tpu.memory_space<vmem>> -> memref<1x64x128xf32, #tpu.memory_space<vmem>>
        %dma_start3A_2073 = tpu.memref_squeeze %dma_start3A_2072 : memref<1x64x128xf32, #tpu.memory_space<vmem>> -> memref<64x128xf32, #tpu.memory_space<vmem>>
        %dma_start3A_2074 = arith.constant 64 : i32
        %dma_start3A_2075 = tpu.memref_slice %arg5[%rem3A_2067, %rem3A_2049, %dma_start3A_2074] : memref<2x8x128xi32, #tpu.memory_space<vmem>> -> memref<1x1x64xi32, #tpu.memory_space<vmem>>
        %dma_start3A_2076 = tpu.memref_squeeze %dma_start3A_2075 : memref<1x1x64xi32, #tpu.memory_space<vmem>> -> memref<64xi32, #tpu.memory_space<vmem>>
        %dma_start3A_2077 = arith.constant 0 : i32
        %dma_start3A_2078 = arith.constant 0 : i32
        %dma_start3A_2079 = tpu.memref_slice %arg3[%dma_start3A_2077, %dma_start3A_2078] : memref<1000000x128xf32, #tpu.memory_space<hbm>> -> memref<1000000x128xf32, #tpu.memory_space<hbm>>
        %dma_start3A_2080 = tpu.memref_slice %arg7[%dma_start3A_2069] : memref<5x!tpu.dma_semaphore, #tpu.memory_space<semaphore_mem>> -> memref<1x!tpu.dma_semaphore, #tpu.memory_space<semaphore_mem>>
        %dma_start3A_2081 = tpu.memref_squeeze %dma_start3A_2080 : memref<1x!tpu.dma_semaphore, #tpu.memory_space<semaphore_mem>> -> memref<!tpu.dma_semaphore, #tpu.memory_space<semaphore_mem>>
        tpu.enqueue_indirect_dma source(%dma_start3A_2079 : memref<1000000x128xf32, #tpu.memory_space<hbm>>) target(%dma_start3A_2073 : memref<64x128xf32, #tpu.memory_space<vmem>>) offsets(%dma_start3A_2076 : memref<64xi32, #tpu.memory_space<vmem>>) semaphore(%dma_start3A_2081 : memref<!tpu.dma_semaphore, #tpu.memory_space<semaphore_mem>>)
      } else {
      }
      %add3A_380 = arith.constant 2 : i32
      %add3A_381 = arith.addi %mul3A_208, %add3A_380 : i32
      %jit3A_382 = arith.constant 8 : i32
      %div3A_383 = arith.divsi %add3A_381, %jit3A_382 : i32
      %sign3A_384 = arith.constant 0 : i32
      %sign3A_385 = arith.cmpi sgt, %add3A_381, %sign3A_384 : i32
      %sign3A_386 = arith.extui %sign3A_385 : i1 to i32
      %sign3A_387 = arith.constant 0 : i32
      %sign3A_388 = arith.cmpi slt, %add3A_381, %sign3A_387 : i32
      %sign3A_389 = arith.extui %sign3A_388 : i1 to i32
      %sign3A_390 = arith.subi %sign3A_386, %sign3A_389 : i32
      %sign3A_391 = arith.constant 0 : i32
      %sign3A_392 = arith.cmpi sgt, %jit3A_382, %sign3A_391 : i32
      %sign3A_393 = arith.extui %sign3A_392 : i1 to i32
      %sign3A_394 = arith.constant 0 : i32
      %sign3A_395 = arith.cmpi slt, %jit3A_382, %sign3A_394 : i32
      %sign3A_396 = arith.extui %sign3A_395 : i1 to i32
      %sign3A_397 = arith.subi %sign3A_393, %sign3A_396 : i32
      %ne3A_398 = arith.cmpi ne, %sign3A_390, %sign3A_397 : i32
      %rem3A_399 = arith.remsi %add3A_381, %jit3A_382 : i32
      %ne3A_400 = arith.constant 0 : i32
      %ne3A_401 = arith.cmpi ne, %rem3A_399, %ne3A_400 : i32
      %and3A_402 = arith.andi %ne3A_398, %ne3A_401 : i1
      %sub3A_403 = arith.constant 1 : i32
      %sub3A_404 = arith.subi %div3A_383, %sub3A_403 : i32
      %select_n3A_405 = arith.select %and3A_402, %sub3A_404, %div3A_383 : i32
      %rem3A_406 = arith.constant 8 : i32
      %rem3A_407 = arith.remsi %add3A_381, %rem3A_406 : i32
      %dma_wait3A_408 = arith.constant 2 : i32
      %dma_wait3A_409 = arith.constant 2 : i32
      %dma_wait3A_410 = arith.constant 0 : i32
      %dma_wait3A_411 = arith.constant 0 : i32
      %dma_wait3A_412 = tpu.memref_slice %arg6[%dma_wait3A_408, %dma_wait3A_410, %dma_wait3A_411] : memref<5x128x128xf32, #tpu.memory_space<vmem>> -> memref<1x128x128xf32, #tpu.memory_space<vmem>>
      %dma_wait3A_413 = tpu.memref_squeeze %dma_wait3A_412 : memref<1x128x128xf32, #tpu.memory_space<vmem>> -> memref<128x128xf32, #tpu.memory_space<vmem>>
      %dma_wait3A_414 = arith.constant 0 : i32
      %dma_wait3A_415 = arith.constant 0 : i32
      %dma_wait3A_416 = tpu.memref_slice %arg3[%dma_wait3A_414, %dma_wait3A_415] : memref<1000000x128xf32, #tpu.memory_space<hbm>> -> memref<128x128xf32, #tpu.memory_space<hbm>>
      %dma_wait3A_417 = tpu.memref_slice %arg7[%dma_wait3A_409] : memref<5x!tpu.dma_semaphore, #tpu.memory_space<semaphore_mem>> -> memref<1x!tpu.dma_semaphore, #tpu.memory_space<semaphore_mem>>
      %dma_wait3A_418 = tpu.memref_squeeze %dma_wait3A_417 : memref<1x!tpu.dma_semaphore, #tpu.memory_space<semaphore_mem>> -> memref<!tpu.dma_semaphore, #tpu.memory_space<semaphore_mem>>
      %dma_wait3A_419 = arith.constant 0 : i32
      %dma_wait3A_420 = arith.constant 0 : i32
      %dma_wait3A_421 = tpu.memref_slice %arg6[%dma_wait3A_408, %dma_wait3A_419, %dma_wait3A_420] : memref<5x128x128xf32, #tpu.memory_space<vmem>> -> memref<1x128x128xf32, #tpu.memory_space<vmem>>
      %dma_wait3A_422 = tpu.memref_squeeze %dma_wait3A_421 : memref<1x128x128xf32, #tpu.memory_space<vmem>> -> memref<128x128xf32, #tpu.memory_space<vmem>>
      %dma_wait3A_423 = arith.constant 0 : i32
      %dma_wait3A_424 = arith.constant 0 : i32
      %dma_wait3A_425 = tpu.memref_slice %arg3[%dma_wait3A_423, %dma_wait3A_424] : memref<1000000x128xf32, #tpu.memory_space<hbm>> -> memref<128x128xf32, #tpu.memory_space<hbm>>
      tpu.wait_dma2 semaphore(%dma_wait3A_418 : memref<!tpu.dma_semaphore, #tpu.memory_space<semaphore_mem>>) src(%dma_wait3A_425 : memref<128x128xf32, #tpu.memory_space<hbm>>) dst(%dma_wait3A_422 : memref<128x128xf32, #tpu.memory_space<vmem>>)
      %eq3A_426 = arith.constant 0 : i32
      %eq3A_427 = arith.cmpi eq, %rem3A_407, %eq3A_426 : i32
      %add3A_428 = arith.constant 1 : i32
      %add3A_429 = arith.addi %select_n3A_405, %add3A_428 : i32
      %lt3A_430 = arith.constant 25 : i32
      %lt3A_431 = arith.cmpi slt, %add3A_429, %lt3A_430 : i32
      %and3A_432 = arith.andi %eq3A_427, %lt3A_431 : i1
      %convert_element_type3A_433 = arith.extui %and3A_432 : i1 to i32
      %cond3A_434 = arith.constant 0 : i32
      %cond3A_435 = arith.cmpi ne, %convert_element_type3A_433, %cond3A_434 : i32
      scf.if %cond3A_435 {
        %add3A_2018 = arith.constant 1 : i32
        %add3A_2019 = arith.addi %select_n3A_405, %add3A_2018 : i32
        %mul3A_2020 = arith.constant 8 : i32
        %mul3A_2021 = arith.muli %add3A_2019, %mul3A_2020 : i32
        %add3A_2022 = arith.constant 1 : i32
        %add3A_2023 = arith.addi %select_n3A_405, %add3A_2022 : i32
        %rem3A_2024 = arith.constant 2 : i32
        %rem3A_2025 = arith.remsi %add3A_2023, %rem3A_2024 : i32
        %dma_start3A_2026 = arith.constant 0 : i32
        %dma_start3A_2027 = arith.constant 0 : i32
        %dma_start3A_2028 = tpu.memref_slice %arg5[%rem3A_2025, %dma_start3A_2026, %dma_start3A_2027] : memref<2x8x128xi32, #tpu.memory_space<vmem>> -> memref<1x8x128xi32, #tpu.memory_space<vmem>>
        %dma_start3A_2029 = tpu.memref_squeeze %dma_start3A_2028 : memref<1x8x128xi32, #tpu.memory_space<vmem>> -> memref<8x128xi32, #tpu.memory_space<vmem>>
        %dma_start3A_2030 = tpu.memref_slice %arg2[%mul3A_2021, %mul3A_2] : memref<200x4096xi32, #tpu.memory_space<hbm>> -> memref<8x128xi32, #tpu.memory_space<hbm>>
        %dma_start3A_2031 = arith.constant 0 : i32
        %dma_start3A_2032 = arith.constant 0 : i32
        %dma_start3A_2033 = tpu.memref_slice %arg5[%rem3A_2025, %dma_start3A_2031, %dma_start3A_2032] : memref<2x8x128xi32, #tpu.memory_space<vmem>> -> memref<1x8x128xi32, #tpu.memory_space<vmem>>
        %dma_start3A_2034 = tpu.memref_squeeze %dma_start3A_2033 : memref<1x8x128xi32, #tpu.memory_space<vmem>> -> memref<8x128xi32, #tpu.memory_space<vmem>>
        %dma_start3A_2035 = tpu.memref_slice %arg2[%mul3A_2021, %mul3A_2] : memref<200x4096xi32, #tpu.memory_space<hbm>> -> memref<8x128xi32, #tpu.memory_space<hbm>>
        tpu.enqueue_dma source(%dma_start3A_2035 : memref<8x128xi32, #tpu.memory_space<hbm>>) target(%dma_start3A_2034 : memref<8x128xi32, #tpu.memory_space<vmem>>) target_semaphore(%arg9 : memref<!tpu.dma_semaphore, #tpu.memory_space<semaphore_mem>>)
      } else {
      }
      %dma_start3A_436 = arith.constant 2 : i32
      %dma_start3A_437 = arith.constant 2 : i32
      %dma_start3A_438 = arith.constant 0 : i32
      %dma_start3A_439 = arith.constant 0 : i32
      %dma_start3A_440 = tpu.memref_slice %arg6[%dma_start3A_436, %dma_start3A_438, %dma_start3A_439] : memref<5x128x128xf32, #tpu.memory_space<vmem>> -> memref<1x128x128xf32, #tpu.memory_space<vmem>>
      %dma_start3A_441 = tpu.memref_squeeze %dma_start3A_440 : memref<1x128x128xf32, #tpu.memory_space<vmem>> -> memref<128x128xf32, #tpu.memory_space<vmem>>
      %dma_start3A_442 = arith.constant 0 : i32
      %dma_start3A_443 = tpu.memref_slice %arg4[%add3A_381, %mul3A_2, %dma_start3A_442] : memref<200x4096x128xf32, #tpu.memory_space<hbm>> -> memref<1x128x128xf32, #tpu.memory_space<hbm>>
      %dma_start3A_444 = tpu.memref_squeeze %dma_start3A_443 : memref<1x128x128xf32, #tpu.memory_space<hbm>> -> memref<128x128xf32, #tpu.memory_space<hbm>>
      %dma_start3A_445 = tpu.memref_slice %arg8[%dma_start3A_437] : memref<5x!tpu.dma_semaphore, #tpu.memory_space<semaphore_mem>> -> memref<1x!tpu.dma_semaphore, #tpu.memory_space<semaphore_mem>>
      %dma_start3A_446 = tpu.memref_squeeze %dma_start3A_445 : memref<1x!tpu.dma_semaphore, #tpu.memory_space<semaphore_mem>> -> memref<!tpu.dma_semaphore, #tpu.memory_space<semaphore_mem>>
      %dma_start3A_447 = arith.constant 0 : i32
      %dma_start3A_448 = tpu.memref_slice %arg4[%add3A_381, %mul3A_2, %dma_start3A_447] : memref<200x4096x128xf32, #tpu.memory_space<hbm>> -> memref<1x128x128xf32, #tpu.memory_space<hbm>>
      %dma_start3A_449 = tpu.memref_squeeze %dma_start3A_448 : memref<1x128x128xf32, #tpu.memory_space<hbm>> -> memref<128x128xf32, #tpu.memory_space<hbm>>
      %dma_start3A_450 = arith.constant 0 : i32
      %dma_start3A_451 = arith.constant 0 : i32
      %dma_start3A_452 = tpu.memref_slice %arg6[%dma_start3A_436, %dma_start3A_450, %dma_start3A_451] : memref<5x128x128xf32, #tpu.memory_space<vmem>> -> memref<1x128x128xf32, #tpu.memory_space<vmem>>
      %dma_start3A_453 = tpu.memref_squeeze %dma_start3A_452 : memref<1x128x128xf32, #tpu.memory_space<vmem>> -> memref<128x128xf32, #tpu.memory_space<vmem>>
      tpu.enqueue_dma source(%dma_start3A_453 : memref<128x128xf32, #tpu.memory_space<vmem>>) target(%dma_start3A_449 : memref<128x128xf32, #tpu.memory_space<hbm>>) target_semaphore(%dma_start3A_446 : memref<!tpu.dma_semaphore, #tpu.memory_space<semaphore_mem>>)
      %eq3A_454 = arith.constant 4 : i32
      %eq3A_455 = arith.cmpi eq, %rem3A_407, %eq3A_454 : i32
      %add3A_456 = arith.constant 1 : i32
      %add3A_457 = arith.addi %select_n3A_405, %add3A_456 : i32
      %lt3A_458 = arith.constant 25 : i32
      %lt3A_459 = arith.cmpi slt, %add3A_457, %lt3A_458 : i32
      %and3A_460 = arith.andi %eq3A_455, %lt3A_459 : i1
      %convert_element_type3A_461 = arith.extui %and3A_460 : i1 to i32
      %cond3A_462 = arith.constant 0 : i32
      %cond3A_463 = arith.cmpi ne, %convert_element_type3A_461, %cond3A_462 : i32
      scf.if %cond3A_463 {
        %dma_wait3A_2018 = arith.constant 0 : i32
        %dma_wait3A_2019 = arith.constant 0 : i32
        %dma_wait3A_2020 = arith.constant 0 : i32
        %dma_wait3A_2021 = tpu.memref_slice %arg5[%dma_wait3A_2018, %dma_wait3A_2019, %dma_wait3A_2020] : memref<2x8x128xi32, #tpu.memory_space<vmem>> -> memref<1x8x128xi32, #tpu.memory_space<vmem>>
        %dma_wait3A_2022 = tpu.memref_squeeze %dma_wait3A_2021 : memref<1x8x128xi32, #tpu.memory_space<vmem>> -> memref<8x128xi32, #tpu.memory_space<vmem>>
        %dma_wait3A_2023 = arith.constant 0 : i32
        %dma_wait3A_2024 = arith.constant 0 : i32
        %dma_wait3A_2025 = tpu.memref_slice %arg2[%dma_wait3A_2023, %dma_wait3A_2024] : memref<200x4096xi32, #tpu.memory_space<hbm>> -> memref<8x128xi32, #tpu.memory_space<hbm>>
        %dma_wait3A_2026 = arith.constant 0 : i32
        %dma_wait3A_2027 = arith.constant 0 : i32
        %dma_wait3A_2028 = tpu.memref_slice %arg5[%dma_wait3A_2018, %dma_wait3A_2026, %dma_wait3A_2027] : memref<2x8x128xi32, #tpu.memory_space<vmem>> -> memref<1x8x128xi32, #tpu.memory_space<vmem>>
        %dma_wait3A_2029 = tpu.memref_squeeze %dma_wait3A_2028 : memref<1x8x128xi32, #tpu.memory_space<vmem>> -> memref<8x128xi32, #tpu.memory_space<vmem>>
        %dma_wait3A_2030 = arith.constant 0 : i32
        %dma_wait3A_2031 = arith.constant 0 : i32
        %dma_wait3A_2032 = tpu.memref_slice %arg2[%dma_wait3A_2030, %dma_wait3A_2031] : memref<200x4096xi32, #tpu.memory_space<hbm>> -> memref<8x128xi32, #tpu.memory_space<hbm>>
        tpu.wait_dma2 semaphore(%arg9 : memref<!tpu.dma_semaphore, #tpu.memory_space<semaphore_mem>>) src(%dma_wait3A_2032 : memref<8x128xi32, #tpu.memory_space<hbm>>) dst(%dma_wait3A_2029 : memref<8x128xi32, #tpu.memory_space<vmem>>)
      } else {
      }
      %add3A_464 = arith.constant 3 : i32
      %add3A_465 = arith.addi %add3A_381, %add3A_464 : i32
      %lt3A_466 = arith.constant 200 : i32
      %lt3A_467 = arith.cmpi slt, %add3A_465, %lt3A_466 : i32
      %convert_element_type3A_468 = arith.extui %lt3A_467 : i1 to i32
      %cond3A_469 = arith.constant 0 : i32
      %cond3A_470 = arith.cmpi ne, %convert_element_type3A_468, %cond3A_469 : i32
      scf.if %cond3A_470 {
        %ge3A = arith.constant 2 : i32
        %ge3A_2018 = arith.cmpi sge, %add3A_381, %ge3A : i32
        %convert_element_type3A_2019 = arith.extui %ge3A_2018 : i1 to i32
        %cond3A_2020 = arith.constant 0 : i32
        %cond3A_2021 = arith.cmpi ne, %convert_element_type3A_2019, %cond3A_2020 : i32
        scf.if %cond3A_2021 {
          %dma_wait3A_2082 = arith.constant 0 : i32
          %dma_wait3A_2083 = arith.constant 0 : i32
          %dma_wait3A_2084 = arith.constant 0 : i32
          %dma_wait3A_2085 = arith.constant 0 : i32
          %dma_wait3A_2086 = tpu.memref_slice %arg6[%dma_wait3A_2082, %dma_wait3A_2084, %dma_wait3A_2085] : memref<5x128x128xf32, #tpu.memory_space<vmem>> -> memref<1x128x128xf32, #tpu.memory_space<vmem>>
          %dma_wait3A_2087 = tpu.memref_squeeze %dma_wait3A_2086 : memref<1x128x128xf32, #tpu.memory_space<vmem>> -> memref<128x128xf32, #tpu.memory_space<vmem>>
          %dma_wait3A_2088 = arith.constant 0 : i32
          %dma_wait3A_2089 = arith.constant 0 : i32
          %dma_wait3A_2090 = tpu.memref_slice %arg3[%dma_wait3A_2088, %dma_wait3A_2089] : memref<1000000x128xf32, #tpu.memory_space<hbm>> -> memref<128x128xf32, #tpu.memory_space<hbm>>
          %dma_wait3A_2091 = tpu.memref_slice %arg8[%dma_wait3A_2083] : memref<5x!tpu.dma_semaphore, #tpu.memory_space<semaphore_mem>> -> memref<1x!tpu.dma_semaphore, #tpu.memory_space<semaphore_mem>>
          %dma_wait3A_2092 = tpu.memref_squeeze %dma_wait3A_2091 : memref<1x!tpu.dma_semaphore, #tpu.memory_space<semaphore_mem>> -> memref<!tpu.dma_semaphore, #tpu.memory_space<semaphore_mem>>
          %dma_wait3A_2093 = arith.constant 0 : i32
          %dma_wait3A_2094 = arith.constant 0 : i32
          %dma_wait3A_2095 = tpu.memref_slice %arg6[%dma_wait3A_2082, %dma_wait3A_2093, %dma_wait3A_2094] : memref<5x128x128xf32, #tpu.memory_space<vmem>> -> memref<1x128x128xf32, #tpu.memory_space<vmem>>
          %dma_wait3A_2096 = tpu.memref_squeeze %dma_wait3A_2095 : memref<1x128x128xf32, #tpu.memory_space<vmem>> -> memref<128x128xf32, #tpu.memory_space<vmem>>
          %dma_wait3A_2097 = arith.constant 0 : i32
          %dma_wait3A_2098 = arith.constant 0 : i32
          %dma_wait3A_2099 = tpu.memref_slice %arg3[%dma_wait3A_2097, %dma_wait3A_2098] : memref<1000000x128xf32, #tpu.memory_space<hbm>> -> memref<128x128xf32, #tpu.memory_space<hbm>>
          tpu.wait_dma2 semaphore(%dma_wait3A_2092 : memref<!tpu.dma_semaphore, #tpu.memory_space<semaphore_mem>>) src(%dma_wait3A_2099 : memref<128x128xf32, #tpu.memory_space<hbm>>) dst(%dma_wait3A_2096 : memref<128x128xf32, #tpu.memory_space<vmem>>)
        } else {
        }
        %add3A_2022 = arith.constant 3 : i32
        %add3A_2023 = arith.addi %add3A_381, %add3A_2022 : i32
        %jit3A_2024 = arith.constant 8 : i32
        %div3A_2025 = arith.divsi %add3A_2023, %jit3A_2024 : i32
        %sign3A_2026 = arith.constant 0 : i32
        %sign3A_2027 = arith.cmpi sgt, %add3A_2023, %sign3A_2026 : i32
        %sign3A_2028 = arith.extui %sign3A_2027 : i1 to i32
        %sign3A_2029 = arith.constant 0 : i32
        %sign3A_2030 = arith.cmpi slt, %add3A_2023, %sign3A_2029 : i32
        %sign3A_2031 = arith.extui %sign3A_2030 : i1 to i32
        %sign3A_2032 = arith.subi %sign3A_2028, %sign3A_2031 : i32
        %sign3A_2033 = arith.constant 0 : i32
        %sign3A_2034 = arith.cmpi sgt, %jit3A_2024, %sign3A_2033 : i32
        %sign3A_2035 = arith.extui %sign3A_2034 : i1 to i32
        %sign3A_2036 = arith.constant 0 : i32
        %sign3A_2037 = arith.cmpi slt, %jit3A_2024, %sign3A_2036 : i32
        %sign3A_2038 = arith.extui %sign3A_2037 : i1 to i32
        %sign3A_2039 = arith.subi %sign3A_2035, %sign3A_2038 : i32
        %ne3A_2040 = arith.cmpi ne, %sign3A_2032, %sign3A_2039 : i32
        %rem3A_2041 = arith.remsi %add3A_2023, %jit3A_2024 : i32
        %ne3A_2042 = arith.constant 0 : i32
        %ne3A_2043 = arith.cmpi ne, %rem3A_2041, %ne3A_2042 : i32
        %and3A_2044 = arith.andi %ne3A_2040, %ne3A_2043 : i1
        %sub3A_2045 = arith.constant 1 : i32
        %sub3A_2046 = arith.subi %div3A_2025, %sub3A_2045 : i32
        %select_n3A_2047 = arith.select %and3A_2044, %sub3A_2046, %div3A_2025 : i32
        %rem3A_2048 = arith.constant 8 : i32
        %rem3A_2049 = arith.remsi %add3A_2023, %rem3A_2048 : i32
        %rem3A_2050 = arith.constant 2 : i32
        %rem3A_2051 = arith.remsi %select_n3A_2047, %rem3A_2050 : i32
        %dma_start3A_2052 = arith.constant 0 : i32
        %dma_start3A_2053 = arith.constant 0 : i32
        %dma_start3A_2054 = arith.constant 0 : i32
        %dma_start3A_2055 = arith.constant 0 : i32
        %dma_start3A_2056 = tpu.memref_slice %arg6[%dma_start3A_2052, %dma_start3A_2054, %dma_start3A_2055] : memref<5x128x128xf32, #tpu.memory_space<vmem>> -> memref<1x64x128xf32, #tpu.memory_space<vmem>>
        %dma_start3A_2057 = tpu.memref_squeeze %dma_start3A_2056 : memref<1x64x128xf32, #tpu.memory_space<vmem>> -> memref<64x128xf32, #tpu.memory_space<vmem>>
        %dma_start3A_2058 = arith.constant 0 : i32
        %dma_start3A_2059 = tpu.memref_slice %arg5[%rem3A_2051, %rem3A_2049, %dma_start3A_2058] : memref<2x8x128xi32, #tpu.memory_space<vmem>> -> memref<1x1x64xi32, #tpu.memory_space<vmem>>
        %dma_start3A_2060 = tpu.memref_squeeze %dma_start3A_2059 : memref<1x1x64xi32, #tpu.memory_space<vmem>> -> memref<64xi32, #tpu.memory_space<vmem>>
        %dma_start3A_2061 = arith.constant 0 : i32
        %dma_start3A_2062 = arith.constant 0 : i32
        %dma_start3A_2063 = tpu.memref_slice %arg3[%dma_start3A_2061, %dma_start3A_2062] : memref<1000000x128xf32, #tpu.memory_space<hbm>> -> memref<1000000x128xf32, #tpu.memory_space<hbm>>
        %dma_start3A_2064 = tpu.memref_slice %arg7[%dma_start3A_2053] : memref<5x!tpu.dma_semaphore, #tpu.memory_space<semaphore_mem>> -> memref<1x!tpu.dma_semaphore, #tpu.memory_space<semaphore_mem>>
        %dma_start3A_2065 = tpu.memref_squeeze %dma_start3A_2064 : memref<1x!tpu.dma_semaphore, #tpu.memory_space<semaphore_mem>> -> memref<!tpu.dma_semaphore, #tpu.memory_space<semaphore_mem>>
        tpu.enqueue_indirect_dma source(%dma_start3A_2063 : memref<1000000x128xf32, #tpu.memory_space<hbm>>) target(%dma_start3A_2057 : memref<64x128xf32, #tpu.memory_space<vmem>>) offsets(%dma_start3A_2060 : memref<64xi32, #tpu.memory_space<vmem>>) semaphore(%dma_start3A_2065 : memref<!tpu.dma_semaphore, #tpu.memory_space<semaphore_mem>>)
        %rem3A_2066 = arith.constant 2 : i32
        %rem3A_2067 = arith.remsi %select_n3A_2047, %rem3A_2066 : i32
        %dma_start3A_2068 = arith.constant 0 : i32
        %dma_start3A_2069 = arith.constant 0 : i32
        %dma_start3A_2070 = arith.constant 64 : i32
        %dma_start3A_2071 = arith.constant 0 : i32
        %dma_start3A_2072 = tpu.memref_slice %arg6[%dma_start3A_2068, %dma_start3A_2070, %dma_start3A_2071] : memref<5x128x128xf32, #tpu.memory_space<vmem>> -> memref<1x64x128xf32, #tpu.memory_space<vmem>>
        %dma_start3A_2073 = tpu.memref_squeeze %dma_start3A_2072 : memref<1x64x128xf32, #tpu.memory_space<vmem>> -> memref<64x128xf32, #tpu.memory_space<vmem>>
        %dma_start3A_2074 = arith.constant 64 : i32
        %dma_start3A_2075 = tpu.memref_slice %arg5[%rem3A_2067, %rem3A_2049, %dma_start3A_2074] : memref<2x8x128xi32, #tpu.memory_space<vmem>> -> memref<1x1x64xi32, #tpu.memory_space<vmem>>
        %dma_start3A_2076 = tpu.memref_squeeze %dma_start3A_2075 : memref<1x1x64xi32, #tpu.memory_space<vmem>> -> memref<64xi32, #tpu.memory_space<vmem>>
        %dma_start3A_2077 = arith.constant 0 : i32
        %dma_start3A_2078 = arith.constant 0 : i32
        %dma_start3A_2079 = tpu.memref_slice %arg3[%dma_start3A_2077, %dma_start3A_2078] : memref<1000000x128xf32, #tpu.memory_space<hbm>> -> memref<1000000x128xf32, #tpu.memory_space<hbm>>
        %dma_start3A_2080 = tpu.memref_slice %arg7[%dma_start3A_2069] : memref<5x!tpu.dma_semaphore, #tpu.memory_space<semaphore_mem>> -> memref<1x!tpu.dma_semaphore, #tpu.memory_space<semaphore_mem>>
        %dma_start3A_2081 = tpu.memref_squeeze %dma_start3A_2080 : memref<1x!tpu.dma_semaphore, #tpu.memory_space<semaphore_mem>> -> memref<!tpu.dma_semaphore, #tpu.memory_space<semaphore_mem>>
        tpu.enqueue_indirect_dma source(%dma_start3A_2079 : memref<1000000x128xf32, #tpu.memory_space<hbm>>) target(%dma_start3A_2073 : memref<64x128xf32, #tpu.memory_space<vmem>>) offsets(%dma_start3A_2076 : memref<64xi32, #tpu.memory_space<vmem>>) semaphore(%dma_start3A_2081 : memref<!tpu.dma_semaphore, #tpu.memory_space<semaphore_mem>>)
      } else {
      }
      %add3A_471 = arith.constant 3 : i32
      %add3A_472 = arith.addi %mul3A_208, %add3A_471 : i32
      %jit3A_473 = arith.constant 8 : i32
      %div3A_474 = arith.divsi %add3A_472, %jit3A_473 : i32
      %sign3A_475 = arith.constant 0 : i32
      %sign3A_476 = arith.cmpi sgt, %add3A_472, %sign3A_475 : i32
      %sign3A_477 = arith.extui %sign3A_476 : i1 to i32
      %sign3A_478 = arith.constant 0 : i32
      %sign3A_479 = arith.cmpi slt, %add3A_472, %sign3A_478 : i32
      %sign3A_480 = arith.extui %sign3A_479 : i1 to i32
      %sign3A_481 = arith.subi %sign3A_477, %sign3A_480 : i32
      %sign3A_482 = arith.constant 0 : i32
      %sign3A_483 = arith.cmpi sgt, %jit3A_473, %sign3A_482 : i32
      %sign3A_484 = arith.extui %sign3A_483 : i1 to i32
      %sign3A_485 = arith.constant 0 : i32
      %sign3A_486 = arith.cmpi slt, %jit3A_473, %sign3A_485 : i32
      %sign3A_487 = arith.extui %sign3A_486 : i1 to i32
      %sign3A_488 = arith.subi %sign3A_484, %sign3A_487 : i32
      %ne3A_489 = arith.cmpi ne, %sign3A_481, %sign3A_488 : i32
      %rem3A_490 = arith.remsi %add3A_472, %jit3A_473 : i32
      %ne3A_491 = arith.constant 0 : i32
      %ne3A_492 = arith.cmpi ne, %rem3A_490, %ne3A_491 : i32
      %and3A_493 = arith.andi %ne3A_489, %ne3A_492 : i1
      %sub3A_494 = arith.constant 1 : i32
      %sub3A_495 = arith.subi %div3A_474, %sub3A_494 : i32
      %select_n3A_496 = arith.select %and3A_493, %sub3A_495, %div3A_474 : i32
      %rem3A_497 = arith.constant 8 : i32
      %rem3A_498 = arith.remsi %add3A_472, %rem3A_497 : i32
      %dma_wait3A_499 = arith.constant 3 : i32
      %dma_wait3A_500 = arith.constant 3 : i32
      %dma_wait3A_501 = arith.constant 0 : i32
      %dma_wait3A_502 = arith.constant 0 : i32
      %dma_wait3A_503 = tpu.memref_slice %arg6[%dma_wait3A_499, %dma_wait3A_501, %dma_wait3A_502] : memref<5x128x128xf32, #tpu.memory_space<vmem>> -> memref<1x128x128xf32, #tpu.memory_space<vmem>>
      %dma_wait3A_504 = tpu.memref_squeeze %dma_wait3A_503 : memref<1x128x128xf32, #tpu.memory_space<vmem>> -> memref<128x128xf32, #tpu.memory_space<vmem>>
      %dma_wait3A_505 = arith.constant 0 : i32
      %dma_wait3A_506 = arith.constant 0 : i32
      %dma_wait3A_507 = tpu.memref_slice %arg3[%dma_wait3A_505, %dma_wait3A_506] : memref<1000000x128xf32, #tpu.memory_space<hbm>> -> memref<128x128xf32, #tpu.memory_space<hbm>>
      %dma_wait3A_508 = tpu.memref_slice %arg7[%dma_wait3A_500] : memref<5x!tpu.dma_semaphore, #tpu.memory_space<semaphore_mem>> -> memref<1x!tpu.dma_semaphore, #tpu.memory_space<semaphore_mem>>
      %dma_wait3A_509 = tpu.memref_squeeze %dma_wait3A_508 : memref<1x!tpu.dma_semaphore, #tpu.memory_space<semaphore_mem>> -> memref<!tpu.dma_semaphore, #tpu.memory_space<semaphore_mem>>
      %dma_wait3A_510 = arith.constant 0 : i32
      %dma_wait3A_511 = arith.constant 0 : i32
      %dma_wait3A_512 = tpu.memref_slice %arg6[%dma_wait3A_499, %dma_wait3A_510, %dma_wait3A_511] : memref<5x128x128xf32, #tpu.memory_space<vmem>> -> memref<1x128x128xf32, #tpu.memory_space<vmem>>
      %dma_wait3A_513 = tpu.memref_squeeze %dma_wait3A_512 : memref<1x128x128xf32, #tpu.memory_space<vmem>> -> memref<128x128xf32, #tpu.memory_space<vmem>>
      %dma_wait3A_514 = arith.constant 0 : i32
      %dma_wait3A_515 = arith.constant 0 : i32
      %dma_wait3A_516 = tpu.memref_slice %arg3[%dma_wait3A_514, %dma_wait3A_515] : memref<1000000x128xf32, #tpu.memory_space<hbm>> -> memref<128x128xf32, #tpu.memory_space<hbm>>
      tpu.wait_dma2 semaphore(%dma_wait3A_509 : memref<!tpu.dma_semaphore, #tpu.memory_space<semaphore_mem>>) src(%dma_wait3A_516 : memref<128x128xf32, #tpu.memory_space<hbm>>) dst(%dma_wait3A_513 : memref<128x128xf32, #tpu.memory_space<vmem>>)
      %eq3A_517 = arith.constant 0 : i32
      %eq3A_518 = arith.cmpi eq, %rem3A_498, %eq3A_517 : i32
      %add3A_519 = arith.constant 1 : i32
      %add3A_520 = arith.addi %select_n3A_496, %add3A_519 : i32
      %lt3A_521 = arith.constant 25 : i32
      %lt3A_522 = arith.cmpi slt, %add3A_520, %lt3A_521 : i32
      %and3A_523 = arith.andi %eq3A_518, %lt3A_522 : i1
      %convert_element_type3A_524 = arith.extui %and3A_523 : i1 to i32
      %cond3A_525 = arith.constant 0 : i32
      %cond3A_526 = arith.cmpi ne, %convert_element_type3A_524, %cond3A_525 : i32
      scf.if %cond3A_526 {
        %add3A_2018 = arith.constant 1 : i32
        %add3A_2019 = arith.addi %select_n3A_496, %add3A_2018 : i32
        %mul3A_2020 = arith.constant 8 : i32
        %mul3A_2021 = arith.muli %add3A_2019, %mul3A_2020 : i32
        %add3A_2022 = arith.constant 1 : i32
        %add3A_2023 = arith.addi %select_n3A_496, %add3A_2022 : i32
        %rem3A_2024 = arith.constant 2 : i32
        %rem3A_2025 = arith.remsi %add3A_2023, %rem3A_2024 : i32
        %dma_start3A_2026 = arith.constant 0 : i32
        %dma_start3A_2027 = arith.constant 0 : i32
        %dma_start3A_2028 = tpu.memref_slice %arg5[%rem3A_2025, %dma_start3A_2026, %dma_start3A_2027] : memref<2x8x128xi32, #tpu.memory_space<vmem>> -> memref<1x8x128xi32, #tpu.memory_space<vmem>>
        %dma_start3A_2029 = tpu.memref_squeeze %dma_start3A_2028 : memref<1x8x128xi32, #tpu.memory_space<vmem>> -> memref<8x128xi32, #tpu.memory_space<vmem>>
        %dma_start3A_2030 = tpu.memref_slice %arg2[%mul3A_2021, %mul3A_2] : memref<200x4096xi32, #tpu.memory_space<hbm>> -> memref<8x128xi32, #tpu.memory_space<hbm>>
        %dma_start3A_2031 = arith.constant 0 : i32
        %dma_start3A_2032 = arith.constant 0 : i32
        %dma_start3A_2033 = tpu.memref_slice %arg5[%rem3A_2025, %dma_start3A_2031, %dma_start3A_2032] : memref<2x8x128xi32, #tpu.memory_space<vmem>> -> memref<1x8x128xi32, #tpu.memory_space<vmem>>
        %dma_start3A_2034 = tpu.memref_squeeze %dma_start3A_2033 : memref<1x8x128xi32, #tpu.memory_space<vmem>> -> memref<8x128xi32, #tpu.memory_space<vmem>>
        %dma_start3A_2035 = tpu.memref_slice %arg2[%mul3A_2021, %mul3A_2] : memref<200x4096xi32, #tpu.memory_space<hbm>> -> memref<8x128xi32, #tpu.memory_space<hbm>>
        tpu.enqueue_dma source(%dma_start3A_2035 : memref<8x128xi32, #tpu.memory_space<hbm>>) target(%dma_start3A_2034 : memref<8x128xi32, #tpu.memory_space<vmem>>) target_semaphore(%arg9 : memref<!tpu.dma_semaphore, #tpu.memory_space<semaphore_mem>>)
      } else {
      }
      %dma_start3A_527 = arith.constant 3 : i32
      %dma_start3A_528 = arith.constant 3 : i32
      %dma_start3A_529 = arith.constant 0 : i32
      %dma_start3A_530 = arith.constant 0 : i32
      %dma_start3A_531 = tpu.memref_slice %arg6[%dma_start3A_527, %dma_start3A_529, %dma_start3A_530] : memref<5x128x128xf32, #tpu.memory_space<vmem>> -> memref<1x128x128xf32, #tpu.memory_space<vmem>>
      %dma_start3A_532 = tpu.memref_squeeze %dma_start3A_531 : memref<1x128x128xf32, #tpu.memory_space<vmem>> -> memref<128x128xf32, #tpu.memory_space<vmem>>
      %dma_start3A_533 = arith.constant 0 : i32
      %dma_start3A_534 = tpu.memref_slice %arg4[%add3A_472, %mul3A_2, %dma_start3A_533] : memref<200x4096x128xf32, #tpu.memory_space<hbm>> -> memref<1x128x128xf32, #tpu.memory_space<hbm>>
      %dma_start3A_535 = tpu.memref_squeeze %dma_start3A_534 : memref<1x128x128xf32, #tpu.memory_space<hbm>> -> memref<128x128xf32, #tpu.memory_space<hbm>>
      %dma_start3A_536 = tpu.memref_slice %arg8[%dma_start3A_528] : memref<5x!tpu.dma_semaphore, #tpu.memory_space<semaphore_mem>> -> memref<1x!tpu.dma_semaphore, #tpu.memory_space<semaphore_mem>>
      %dma_start3A_537 = tpu.memref_squeeze %dma_start3A_536 : memref<1x!tpu.dma_semaphore, #tpu.memory_space<semaphore_mem>> -> memref<!tpu.dma_semaphore, #tpu.memory_space<semaphore_mem>>
      %dma_start3A_538 = arith.constant 0 : i32
      %dma_start3A_539 = tpu.memref_slice %arg4[%add3A_472, %mul3A_2, %dma_start3A_538] : memref<200x4096x128xf32, #tpu.memory_space<hbm>> -> memref<1x128x128xf32, #tpu.memory_space<hbm>>
      %dma_start3A_540 = tpu.memref_squeeze %dma_start3A_539 : memref<1x128x128xf32, #tpu.memory_space<hbm>> -> memref<128x128xf32, #tpu.memory_space<hbm>>
      %dma_start3A_541 = arith.constant 0 : i32
      %dma_start3A_542 = arith.constant 0 : i32
      %dma_start3A_543 = tpu.memref_slice %arg6[%dma_start3A_527, %dma_start3A_541, %dma_start3A_542] : memref<5x128x128xf32, #tpu.memory_space<vmem>> -> memref<1x128x128xf32, #tpu.memory_space<vmem>>
      %dma_start3A_544 = tpu.memref_squeeze %dma_start3A_543 : memref<1x128x128xf32, #tpu.memory_space<vmem>> -> memref<128x128xf32, #tpu.memory_space<vmem>>
      tpu.enqueue_dma source(%dma_start3A_544 : memref<128x128xf32, #tpu.memory_space<vmem>>) target(%dma_start3A_540 : memref<128x128xf32, #tpu.memory_space<hbm>>) target_semaphore(%dma_start3A_537 : memref<!tpu.dma_semaphore, #tpu.memory_space<semaphore_mem>>)
      %eq3A_545 = arith.constant 4 : i32
      %eq3A_546 = arith.cmpi eq, %rem3A_498, %eq3A_545 : i32
      %add3A_547 = arith.constant 1 : i32
      %add3A_548 = arith.addi %select_n3A_496, %add3A_547 : i32
      %lt3A_549 = arith.constant 25 : i32
      %lt3A_550 = arith.cmpi slt, %add3A_548, %lt3A_549 : i32
      %and3A_551 = arith.andi %eq3A_546, %lt3A_550 : i1
      %convert_element_type3A_552 = arith.extui %and3A_551 : i1 to i32
      %cond3A_553 = arith.constant 0 : i32
      %cond3A_554 = arith.cmpi ne, %convert_element_type3A_552, %cond3A_553 : i32
      scf.if %cond3A_554 {
        %dma_wait3A_2018 = arith.constant 0 : i32
        %dma_wait3A_2019 = arith.constant 0 : i32
        %dma_wait3A_2020 = arith.constant 0 : i32
        %dma_wait3A_2021 = tpu.memref_slice %arg5[%dma_wait3A_2018, %dma_wait3A_2019, %dma_wait3A_2020] : memref<2x8x128xi32, #tpu.memory_space<vmem>> -> memref<1x8x128xi32, #tpu.memory_space<vmem>>
        %dma_wait3A_2022 = tpu.memref_squeeze %dma_wait3A_2021 : memref<1x8x128xi32, #tpu.memory_space<vmem>> -> memref<8x128xi32, #tpu.memory_space<vmem>>
        %dma_wait3A_2023 = arith.constant 0 : i32
        %dma_wait3A_2024 = arith.constant 0 : i32
        %dma_wait3A_2025 = tpu.memref_slice %arg2[%dma_wait3A_2023, %dma_wait3A_2024] : memref<200x4096xi32, #tpu.memory_space<hbm>> -> memref<8x128xi32, #tpu.memory_space<hbm>>
        %dma_wait3A_2026 = arith.constant 0 : i32
        %dma_wait3A_2027 = arith.constant 0 : i32
        %dma_wait3A_2028 = tpu.memref_slice %arg5[%dma_wait3A_2018, %dma_wait3A_2026, %dma_wait3A_2027] : memref<2x8x128xi32, #tpu.memory_space<vmem>> -> memref<1x8x128xi32, #tpu.memory_space<vmem>>
        %dma_wait3A_2029 = tpu.memref_squeeze %dma_wait3A_2028 : memref<1x8x128xi32, #tpu.memory_space<vmem>> -> memref<8x128xi32, #tpu.memory_space<vmem>>
        %dma_wait3A_2030 = arith.constant 0 : i32
        %dma_wait3A_2031 = arith.constant 0 : i32
        %dma_wait3A_2032 = tpu.memref_slice %arg2[%dma_wait3A_2030, %dma_wait3A_2031] : memref<200x4096xi32, #tpu.memory_space<hbm>> -> memref<8x128xi32, #tpu.memory_space<hbm>>
        tpu.wait_dma2 semaphore(%arg9 : memref<!tpu.dma_semaphore, #tpu.memory_space<semaphore_mem>>) src(%dma_wait3A_2032 : memref<8x128xi32, #tpu.memory_space<hbm>>) dst(%dma_wait3A_2029 : memref<8x128xi32, #tpu.memory_space<vmem>>)
      } else {
      }
      %add3A_555 = arith.constant 3 : i32
      %add3A_556 = arith.addi %add3A_472, %add3A_555 : i32
      %lt3A_557 = arith.constant 200 : i32
      %lt3A_558 = arith.cmpi slt, %add3A_556, %lt3A_557 : i32
      %convert_element_type3A_559 = arith.extui %lt3A_558 : i1 to i32
      %cond3A_560 = arith.constant 0 : i32
      %cond3A_561 = arith.cmpi ne, %convert_element_type3A_559, %cond3A_560 : i32
      scf.if %cond3A_561 {
        %ge3A = arith.constant 2 : i32
        %ge3A_2018 = arith.cmpi sge, %add3A_472, %ge3A : i32
        %convert_element_type3A_2019 = arith.extui %ge3A_2018 : i1 to i32
        %cond3A_2020 = arith.constant 0 : i32
        %cond3A_2021 = arith.cmpi ne, %convert_element_type3A_2019, %cond3A_2020 : i32
        scf.if %cond3A_2021 {
          %dma_wait3A_2082 = arith.constant 1 : i32
          %dma_wait3A_2083 = arith.constant 1 : i32
          %dma_wait3A_2084 = arith.constant 0 : i32
          %dma_wait3A_2085 = arith.constant 0 : i32
          %dma_wait3A_2086 = tpu.memref_slice %arg6[%dma_wait3A_2082, %dma_wait3A_2084, %dma_wait3A_2085] : memref<5x128x128xf32, #tpu.memory_space<vmem>> -> memref<1x128x128xf32, #tpu.memory_space<vmem>>
          %dma_wait3A_2087 = tpu.memref_squeeze %dma_wait3A_2086 : memref<1x128x128xf32, #tpu.memory_space<vmem>> -> memref<128x128xf32, #tpu.memory_space<vmem>>
          %dma_wait3A_2088 = arith.constant 0 : i32
          %dma_wait3A_2089 = arith.constant 0 : i32
          %dma_wait3A_2090 = tpu.memref_slice %arg3[%dma_wait3A_2088, %dma_wait3A_2089] : memref<1000000x128xf32, #tpu.memory_space<hbm>> -> memref<128x128xf32, #tpu.memory_space<hbm>>
          %dma_wait3A_2091 = tpu.memref_slice %arg8[%dma_wait3A_2083] : memref<5x!tpu.dma_semaphore, #tpu.memory_space<semaphore_mem>> -> memref<1x!tpu.dma_semaphore, #tpu.memory_space<semaphore_mem>>
          %dma_wait3A_2092 = tpu.memref_squeeze %dma_wait3A_2091 : memref<1x!tpu.dma_semaphore, #tpu.memory_space<semaphore_mem>> -> memref<!tpu.dma_semaphore, #tpu.memory_space<semaphore_mem>>
          %dma_wait3A_2093 = arith.constant 0 : i32
          %dma_wait3A_2094 = arith.constant 0 : i32
          %dma_wait3A_2095 = tpu.memref_slice %arg6[%dma_wait3A_2082, %dma_wait3A_2093, %dma_wait3A_2094] : memref<5x128x128xf32, #tpu.memory_space<vmem>> -> memref<1x128x128xf32, #tpu.memory_space<vmem>>
          %dma_wait3A_2096 = tpu.memref_squeeze %dma_wait3A_2095 : memref<1x128x128xf32, #tpu.memory_space<vmem>> -> memref<128x128xf32, #tpu.memory_space<vmem>>
          %dma_wait3A_2097 = arith.constant 0 : i32
          %dma_wait3A_2098 = arith.constant 0 : i32
          %dma_wait3A_2099 = tpu.memref_slice %arg3[%dma_wait3A_2097, %dma_wait3A_2098] : memref<1000000x128xf32, #tpu.memory_space<hbm>> -> memref<128x128xf32, #tpu.memory_space<hbm>>
          tpu.wait_dma2 semaphore(%dma_wait3A_2092 : memref<!tpu.dma_semaphore, #tpu.memory_space<semaphore_mem>>) src(%dma_wait3A_2099 : memref<128x128xf32, #tpu.memory_space<hbm>>) dst(%dma_wait3A_2096 : memref<128x128xf32, #tpu.memory_space<vmem>>)
        } else {
        }
        %add3A_2022 = arith.constant 3 : i32
        %add3A_2023 = arith.addi %add3A_472, %add3A_2022 : i32
        %jit3A_2024 = arith.constant 8 : i32
        %div3A_2025 = arith.divsi %add3A_2023, %jit3A_2024 : i32
        %sign3A_2026 = arith.constant 0 : i32
        %sign3A_2027 = arith.cmpi sgt, %add3A_2023, %sign3A_2026 : i32
        %sign3A_2028 = arith.extui %sign3A_2027 : i1 to i32
        %sign3A_2029 = arith.constant 0 : i32
        %sign3A_2030 = arith.cmpi slt, %add3A_2023, %sign3A_2029 : i32
        %sign3A_2031 = arith.extui %sign3A_2030 : i1 to i32
        %sign3A_2032 = arith.subi %sign3A_2028, %sign3A_2031 : i32
        %sign3A_2033 = arith.constant 0 : i32
        %sign3A_2034 = arith.cmpi sgt, %jit3A_2024, %sign3A_2033 : i32
        %sign3A_2035 = arith.extui %sign3A_2034 : i1 to i32
        %sign3A_2036 = arith.constant 0 : i32
        %sign3A_2037 = arith.cmpi slt, %jit3A_2024, %sign3A_2036 : i32
        %sign3A_2038 = arith.extui %sign3A_2037 : i1 to i32
        %sign3A_2039 = arith.subi %sign3A_2035, %sign3A_2038 : i32
        %ne3A_2040 = arith.cmpi ne, %sign3A_2032, %sign3A_2039 : i32
        %rem3A_2041 = arith.remsi %add3A_2023, %jit3A_2024 : i32
        %ne3A_2042 = arith.constant 0 : i32
        %ne3A_2043 = arith.cmpi ne, %rem3A_2041, %ne3A_2042 : i32
        %and3A_2044 = arith.andi %ne3A_2040, %ne3A_2043 : i1
        %sub3A_2045 = arith.constant 1 : i32
        %sub3A_2046 = arith.subi %div3A_2025, %sub3A_2045 : i32
        %select_n3A_2047 = arith.select %and3A_2044, %sub3A_2046, %div3A_2025 : i32
        %rem3A_2048 = arith.constant 8 : i32
        %rem3A_2049 = arith.remsi %add3A_2023, %rem3A_2048 : i32
        %rem3A_2050 = arith.constant 2 : i32
        %rem3A_2051 = arith.remsi %select_n3A_2047, %rem3A_2050 : i32
        %dma_start3A_2052 = arith.constant 1 : i32
        %dma_start3A_2053 = arith.constant 1 : i32
        %dma_start3A_2054 = arith.constant 0 : i32
        %dma_start3A_2055 = arith.constant 0 : i32
        %dma_start3A_2056 = tpu.memref_slice %arg6[%dma_start3A_2052, %dma_start3A_2054, %dma_start3A_2055] : memref<5x128x128xf32, #tpu.memory_space<vmem>> -> memref<1x64x128xf32, #tpu.memory_space<vmem>>
        %dma_start3A_2057 = tpu.memref_squeeze %dma_start3A_2056 : memref<1x64x128xf32, #tpu.memory_space<vmem>> -> memref<64x128xf32, #tpu.memory_space<vmem>>
        %dma_start3A_2058 = arith.constant 0 : i32
        %dma_start3A_2059 = tpu.memref_slice %arg5[%rem3A_2051, %rem3A_2049, %dma_start3A_2058] : memref<2x8x128xi32, #tpu.memory_space<vmem>> -> memref<1x1x64xi32, #tpu.memory_space<vmem>>
        %dma_start3A_2060 = tpu.memref_squeeze %dma_start3A_2059 : memref<1x1x64xi32, #tpu.memory_space<vmem>> -> memref<64xi32, #tpu.memory_space<vmem>>
        %dma_start3A_2061 = arith.constant 0 : i32
        %dma_start3A_2062 = arith.constant 0 : i32
        %dma_start3A_2063 = tpu.memref_slice %arg3[%dma_start3A_2061, %dma_start3A_2062] : memref<1000000x128xf32, #tpu.memory_space<hbm>> -> memref<1000000x128xf32, #tpu.memory_space<hbm>>
        %dma_start3A_2064 = tpu.memref_slice %arg7[%dma_start3A_2053] : memref<5x!tpu.dma_semaphore, #tpu.memory_space<semaphore_mem>> -> memref<1x!tpu.dma_semaphore, #tpu.memory_space<semaphore_mem>>
        %dma_start3A_2065 = tpu.memref_squeeze %dma_start3A_2064 : memref<1x!tpu.dma_semaphore, #tpu.memory_space<semaphore_mem>> -> memref<!tpu.dma_semaphore, #tpu.memory_space<semaphore_mem>>
        tpu.enqueue_indirect_dma source(%dma_start3A_2063 : memref<1000000x128xf32, #tpu.memory_space<hbm>>) target(%dma_start3A_2057 : memref<64x128xf32, #tpu.memory_space<vmem>>) offsets(%dma_start3A_2060 : memref<64xi32, #tpu.memory_space<vmem>>) semaphore(%dma_start3A_2065 : memref<!tpu.dma_semaphore, #tpu.memory_space<semaphore_mem>>)
        %rem3A_2066 = arith.constant 2 : i32
        %rem3A_2067 = arith.remsi %select_n3A_2047, %rem3A_2066 : i32
        %dma_start3A_2068 = arith.constant 1 : i32
        %dma_start3A_2069 = arith.constant 1 : i32
        %dma_start3A_2070 = arith.constant 64 : i32
        %dma_start3A_2071 = arith.constant 0 : i32
        %dma_start3A_2072 = tpu.memref_slice %arg6[%dma_start3A_2068, %dma_start3A_2070, %dma_start3A_2071] : memref<5x128x128xf32, #tpu.memory_space<vmem>> -> memref<1x64x128xf32, #tpu.memory_space<vmem>>
        %dma_start3A_2073 = tpu.memref_squeeze %dma_start3A_2072 : memref<1x64x128xf32, #tpu.memory_space<vmem>> -> memref<64x128xf32, #tpu.memory_space<vmem>>
        %dma_start3A_2074 = arith.constant 64 : i32
        %dma_start3A_2075 = tpu.memref_slice %arg5[%rem3A_2067, %rem3A_2049, %dma_start3A_2074] : memref<2x8x128xi32, #tpu.memory_space<vmem>> -> memref<1x1x64xi32, #tpu.memory_space<vmem>>
        %dma_start3A_2076 = tpu.memref_squeeze %dma_start3A_2075 : memref<1x1x64xi32, #tpu.memory_space<vmem>> -> memref<64xi32, #tpu.memory_space<vmem>>
        %dma_start3A_2077 = arith.constant 0 : i32
        %dma_start3A_2078 = arith.constant 0 : i32
        %dma_start3A_2079 = tpu.memref_slice %arg3[%dma_start3A_2077, %dma_start3A_2078] : memref<1000000x128xf32, #tpu.memory_space<hbm>> -> memref<1000000x128xf32, #tpu.memory_space<hbm>>
        %dma_start3A_2080 = tpu.memref_slice %arg7[%dma_start3A_2069] : memref<5x!tpu.dma_semaphore, #tpu.memory_space<semaphore_mem>> -> memref<1x!tpu.dma_semaphore, #tpu.memory_space<semaphore_mem>>
        %dma_start3A_2081 = tpu.memref_squeeze %dma_start3A_2080 : memref<1x!tpu.dma_semaphore, #tpu.memory_space<semaphore_mem>> -> memref<!tpu.dma_semaphore, #tpu.memory_space<semaphore_mem>>
        tpu.enqueue_indirect_dma source(%dma_start3A_2079 : memref<1000000x128xf32, #tpu.memory_space<hbm>>) target(%dma_start3A_2073 : memref<64x128xf32, #tpu.memory_space<vmem>>) offsets(%dma_start3A_2076 : memref<64xi32, #tpu.memory_space<vmem>>) semaphore(%dma_start3A_2081 : memref<!tpu.dma_semaphore, #tpu.memory_space<semaphore_mem>>)
      } else {
      }
      %add3A_562 = arith.constant 4 : i32
      %add3A_563 = arith.addi %mul3A_208, %add3A_562 : i32
      %jit3A_564 = arith.constant 8 : i32
      %div3A_565 = arith.divsi %add3A_563, %jit3A_564 : i32
      %sign3A_566 = arith.constant 0 : i32
      %sign3A_567 = arith.cmpi sgt, %add3A_563, %sign3A_566 : i32
      %sign3A_568 = arith.extui %sign3A_567 : i1 to i32
      %sign3A_569 = arith.constant 0 : i32
      %sign3A_570 = arith.cmpi slt, %add3A_563, %sign3A_569 : i32
      %sign3A_571 = arith.extui %sign3A_570 : i1 to i32
      %sign3A_572 = arith.subi %sign3A_568, %sign3A_571 : i32
      %sign3A_573 = arith.constant 0 : i32
      %sign3A_574 = arith.cmpi sgt, %jit3A_564, %sign3A_573 : i32
      %sign3A_575 = arith.extui %sign3A_574 : i1 to i32
      %sign3A_576 = arith.constant 0 : i32
      %sign3A_577 = arith.cmpi slt, %jit3A_564, %sign3A_576 : i32
      %sign3A_578 = arith.extui %sign3A_577 : i1 to i32
      %sign3A_579 = arith.subi %sign3A_575, %sign3A_578 : i32
      %ne3A_580 = arith.cmpi ne, %sign3A_572, %sign3A_579 : i32
      %rem3A_581 = arith.remsi %add3A_563, %jit3A_564 : i32
      %ne3A_582 = arith.constant 0 : i32
      %ne3A_583 = arith.cmpi ne, %rem3A_581, %ne3A_582 : i32
      %and3A_584 = arith.andi %ne3A_580, %ne3A_583 : i1
      %sub3A_585 = arith.constant 1 : i32
      %sub3A_586 = arith.subi %div3A_565, %sub3A_585 : i32
      %select_n3A_587 = arith.select %and3A_584, %sub3A_586, %div3A_565 : i32
      %rem3A_588 = arith.constant 8 : i32
      %rem3A_589 = arith.remsi %add3A_563, %rem3A_588 : i32
      %dma_wait3A_590 = arith.constant 4 : i32
      %dma_wait3A_591 = arith.constant 4 : i32
      %dma_wait3A_592 = arith.constant 0 : i32
      %dma_wait3A_593 = arith.constant 0 : i32
      %dma_wait3A_594 = tpu.memref_slice %arg6[%dma_wait3A_590, %dma_wait3A_592, %dma_wait3A_593] : memref<5x128x128xf32, #tpu.memory_space<vmem>> -> memref<1x128x128xf32, #tpu.memory_space<vmem>>
      %dma_wait3A_595 = tpu.memref_squeeze %dma_wait3A_594 : memref<1x128x128xf32, #tpu.memory_space<vmem>> -> memref<128x128xf32, #tpu.memory_space<vmem>>
      %dma_wait3A_596 = arith.constant 0 : i32
      %dma_wait3A_597 = arith.constant 0 : i32
      %dma_wait3A_598 = tpu.memref_slice %arg3[%dma_wait3A_596, %dma_wait3A_597] : memref<1000000x128xf32, #tpu.memory_space<hbm>> -> memref<128x128xf32, #tpu.memory_space<hbm>>
      %dma_wait3A_599 = tpu.memref_slice %arg7[%dma_wait3A_591] : memref<5x!tpu.dma_semaphore, #tpu.memory_space<semaphore_mem>> -> memref<1x!tpu.dma_semaphore, #tpu.memory_space<semaphore_mem>>
      %dma_wait3A_600 = tpu.memref_squeeze %dma_wait3A_599 : memref<1x!tpu.dma_semaphore, #tpu.memory_space<semaphore_mem>> -> memref<!tpu.dma_semaphore, #tpu.memory_space<semaphore_mem>>
      %dma_wait3A_601 = arith.constant 0 : i32
      %dma_wait3A_602 = arith.constant 0 : i32
      %dma_wait3A_603 = tpu.memref_slice %arg6[%dma_wait3A_590, %dma_wait3A_601, %dma_wait3A_602] : memref<5x128x128xf32, #tpu.memory_space<vmem>> -> memref<1x128x128xf32, #tpu.memory_space<vmem>>
      %dma_wait3A_604 = tpu.memref_squeeze %dma_wait3A_603 : memref<1x128x128xf32, #tpu.memory_space<vmem>> -> memref<128x128xf32, #tpu.memory_space<vmem>>
      %dma_wait3A_605 = arith.constant 0 : i32
      %dma_wait3A_606 = arith.constant 0 : i32
      %dma_wait3A_607 = tpu.memref_slice %arg3[%dma_wait3A_605, %dma_wait3A_606] : memref<1000000x128xf32, #tpu.memory_space<hbm>> -> memref<128x128xf32, #tpu.memory_space<hbm>>
      tpu.wait_dma2 semaphore(%dma_wait3A_600 : memref<!tpu.dma_semaphore, #tpu.memory_space<semaphore_mem>>) src(%dma_wait3A_607 : memref<128x128xf32, #tpu.memory_space<hbm>>) dst(%dma_wait3A_604 : memref<128x128xf32, #tpu.memory_space<vmem>>)
      %eq3A_608 = arith.constant 0 : i32
      %eq3A_609 = arith.cmpi eq, %rem3A_589, %eq3A_608 : i32
      %add3A_610 = arith.constant 1 : i32
      %add3A_611 = arith.addi %select_n3A_587, %add3A_610 : i32
      %lt3A_612 = arith.constant 25 : i32
      %lt3A_613 = arith.cmpi slt, %add3A_611, %lt3A_612 : i32
      %and3A_614 = arith.andi %eq3A_609, %lt3A_613 : i1
      %convert_element_type3A_615 = arith.extui %and3A_614 : i1 to i32
      %cond3A_616 = arith.constant 0 : i32
      %cond3A_617 = arith.cmpi ne, %convert_element_type3A_615, %cond3A_616 : i32
      scf.if %cond3A_617 {
        %add3A_2018 = arith.constant 1 : i32
        %add3A_2019 = arith.addi %select_n3A_587, %add3A_2018 : i32
        %mul3A_2020 = arith.constant 8 : i32
        %mul3A_2021 = arith.muli %add3A_2019, %mul3A_2020 : i32
        %add3A_2022 = arith.constant 1 : i32
        %add3A_2023 = arith.addi %select_n3A_587, %add3A_2022 : i32
        %rem3A_2024 = arith.constant 2 : i32
        %rem3A_2025 = arith.remsi %add3A_2023, %rem3A_2024 : i32
        %dma_start3A_2026 = arith.constant 0 : i32
        %dma_start3A_2027 = arith.constant 0 : i32
        %dma_start3A_2028 = tpu.memref_slice %arg5[%rem3A_2025, %dma_start3A_2026, %dma_start3A_2027] : memref<2x8x128xi32, #tpu.memory_space<vmem>> -> memref<1x8x128xi32, #tpu.memory_space<vmem>>
        %dma_start3A_2029 = tpu.memref_squeeze %dma_start3A_2028 : memref<1x8x128xi32, #tpu.memory_space<vmem>> -> memref<8x128xi32, #tpu.memory_space<vmem>>
        %dma_start3A_2030 = tpu.memref_slice %arg2[%mul3A_2021, %mul3A_2] : memref<200x4096xi32, #tpu.memory_space<hbm>> -> memref<8x128xi32, #tpu.memory_space<hbm>>
        %dma_start3A_2031 = arith.constant 0 : i32
        %dma_start3A_2032 = arith.constant 0 : i32
        %dma_start3A_2033 = tpu.memref_slice %arg5[%rem3A_2025, %dma_start3A_2031, %dma_start3A_2032] : memref<2x8x128xi32, #tpu.memory_space<vmem>> -> memref<1x8x128xi32, #tpu.memory_space<vmem>>
        %dma_start3A_2034 = tpu.memref_squeeze %dma_start3A_2033 : memref<1x8x128xi32, #tpu.memory_space<vmem>> -> memref<8x128xi32, #tpu.memory_space<vmem>>
        %dma_start3A_2035 = tpu.memref_slice %arg2[%mul3A_2021, %mul3A_2] : memref<200x4096xi32, #tpu.memory_space<hbm>> -> memref<8x128xi32, #tpu.memory_space<hbm>>
        tpu.enqueue_dma source(%dma_start3A_2035 : memref<8x128xi32, #tpu.memory_space<hbm>>) target(%dma_start3A_2034 : memref<8x128xi32, #tpu.memory_space<vmem>>) target_semaphore(%arg9 : memref<!tpu.dma_semaphore, #tpu.memory_space<semaphore_mem>>)
      } else {
      }
      %dma_start3A_618 = arith.constant 4 : i32
      %dma_start3A_619 = arith.constant 4 : i32
      %dma_start3A_620 = arith.constant 0 : i32
      %dma_start3A_621 = arith.constant 0 : i32
      %dma_start3A_622 = tpu.memref_slice %arg6[%dma_start3A_618, %dma_start3A_620, %dma_start3A_621] : memref<5x128x128xf32, #tpu.memory_space<vmem>> -> memref<1x128x128xf32, #tpu.memory_space<vmem>>
      %dma_start3A_623 = tpu.memref_squeeze %dma_start3A_622 : memref<1x128x128xf32, #tpu.memory_space<vmem>> -> memref<128x128xf32, #tpu.memory_space<vmem>>
      %dma_start3A_624 = arith.constant 0 : i32
      %dma_start3A_625 = tpu.memref_slice %arg4[%add3A_563, %mul3A_2, %dma_start3A_624] : memref<200x4096x128xf32, #tpu.memory_space<hbm>> -> memref<1x128x128xf32, #tpu.memory_space<hbm>>
      %dma_start3A_626 = tpu.memref_squeeze %dma_start3A_625 : memref<1x128x128xf32, #tpu.memory_space<hbm>> -> memref<128x128xf32, #tpu.memory_space<hbm>>
      %dma_start3A_627 = tpu.memref_slice %arg8[%dma_start3A_619] : memref<5x!tpu.dma_semaphore, #tpu.memory_space<semaphore_mem>> -> memref<1x!tpu.dma_semaphore, #tpu.memory_space<semaphore_mem>>
      %dma_start3A_628 = tpu.memref_squeeze %dma_start3A_627 : memref<1x!tpu.dma_semaphore, #tpu.memory_space<semaphore_mem>> -> memref<!tpu.dma_semaphore, #tpu.memory_space<semaphore_mem>>
      %dma_start3A_629 = arith.constant 0 : i32
      %dma_start3A_630 = tpu.memref_slice %arg4[%add3A_563, %mul3A_2, %dma_start3A_629] : memref<200x4096x128xf32, #tpu.memory_space<hbm>> -> memref<1x128x128xf32, #tpu.memory_space<hbm>>
      %dma_start3A_631 = tpu.memref_squeeze %dma_start3A_630 : memref<1x128x128xf32, #tpu.memory_space<hbm>> -> memref<128x128xf32, #tpu.memory_space<hbm>>
      %dma_start3A_632 = arith.constant 0 : i32
      %dma_start3A_633 = arith.constant 0 : i32
      %dma_start3A_634 = tpu.memref_slice %arg6[%dma_start3A_618, %dma_start3A_632, %dma_start3A_633] : memref<5x128x128xf32, #tpu.memory_space<vmem>> -> memref<1x128x128xf32, #tpu.memory_space<vmem>>
      %dma_start3A_635 = tpu.memref_squeeze %dma_start3A_634 : memref<1x128x128xf32, #tpu.memory_space<vmem>> -> memref<128x128xf32, #tpu.memory_space<vmem>>
      tpu.enqueue_dma source(%dma_start3A_635 : memref<128x128xf32, #tpu.memory_space<vmem>>) target(%dma_start3A_631 : memref<128x128xf32, #tpu.memory_space<hbm>>) target_semaphore(%dma_start3A_628 : memref<!tpu.dma_semaphore, #tpu.memory_space<semaphore_mem>>)
      %eq3A_636 = arith.constant 4 : i32
      %eq3A_637 = arith.cmpi eq, %rem3A_589, %eq3A_636 : i32
      %add3A_638 = arith.constant 1 : i32
      %add3A_639 = arith.addi %select_n3A_587, %add3A_638 : i32
      %lt3A_640 = arith.constant 25 : i32
      %lt3A_641 = arith.cmpi slt, %add3A_639, %lt3A_640 : i32
      %and3A_642 = arith.andi %eq3A_637, %lt3A_641 : i1
      %convert_element_type3A_643 = arith.extui %and3A_642 : i1 to i32
      %cond3A_644 = arith.constant 0 : i32
      %cond3A_645 = arith.cmpi ne, %convert_element_type3A_643, %cond3A_644 : i32
      scf.if %cond3A_645 {
        %dma_wait3A_2018 = arith.constant 0 : i32
        %dma_wait3A_2019 = arith.constant 0 : i32
        %dma_wait3A_2020 = arith.constant 0 : i32
        %dma_wait3A_2021 = tpu.memref_slice %arg5[%dma_wait3A_2018, %dma_wait3A_2019, %dma_wait3A_2020] : memref<2x8x128xi32, #tpu.memory_space<vmem>> -> memref<1x8x128xi32, #tpu.memory_space<vmem>>
        %dma_wait3A_2022 = tpu.memref_squeeze %dma_wait3A_2021 : memref<1x8x128xi32, #tpu.memory_space<vmem>> -> memref<8x128xi32, #tpu.memory_space<vmem>>
        %dma_wait3A_2023 = arith.constant 0 : i32
        %dma_wait3A_2024 = arith.constant 0 : i32
        %dma_wait3A_2025 = tpu.memref_slice %arg2[%dma_wait3A_2023, %dma_wait3A_2024] : memref<200x4096xi32, #tpu.memory_space<hbm>> -> memref<8x128xi32, #tpu.memory_space<hbm>>
        %dma_wait3A_2026 = arith.constant 0 : i32
        %dma_wait3A_2027 = arith.constant 0 : i32
        %dma_wait3A_2028 = tpu.memref_slice %arg5[%dma_wait3A_2018, %dma_wait3A_2026, %dma_wait3A_2027] : memref<2x8x128xi32, #tpu.memory_space<vmem>> -> memref<1x8x128xi32, #tpu.memory_space<vmem>>
        %dma_wait3A_2029 = tpu.memref_squeeze %dma_wait3A_2028 : memref<1x8x128xi32, #tpu.memory_space<vmem>> -> memref<8x128xi32, #tpu.memory_space<vmem>>
        %dma_wait3A_2030 = arith.constant 0 : i32
        %dma_wait3A_2031 = arith.constant 0 : i32
        %dma_wait3A_2032 = tpu.memref_slice %arg2[%dma_wait3A_2030, %dma_wait3A_2031] : memref<200x4096xi32, #tpu.memory_space<hbm>> -> memref<8x128xi32, #tpu.memory_space<hbm>>
        tpu.wait_dma2 semaphore(%arg9 : memref<!tpu.dma_semaphore, #tpu.memory_space<semaphore_mem>>) src(%dma_wait3A_2032 : memref<8x128xi32, #tpu.memory_space<hbm>>) dst(%dma_wait3A_2029 : memref<8x128xi32, #tpu.memory_space<vmem>>)
      } else {
      }
      %add3A_646 = arith.constant 3 : i32
      %add3A_647 = arith.addi %add3A_563, %add3A_646 : i32
      %lt3A_648 = arith.constant 200 : i32
      %lt3A_649 = arith.cmpi slt, %add3A_647, %lt3A_648 : i32
      %convert_element_type3A_650 = arith.extui %lt3A_649 : i1 to i32
      %cond3A_651 = arith.constant 0 : i32
      %cond3A_652 = arith.cmpi ne, %convert_element_type3A_650, %cond3A_651 : i32
      scf.if %cond3A_652 {
        %ge3A = arith.constant 2 : i32
        %ge3A_2018 = arith.cmpi sge, %add3A_563, %ge3A : i32
        %convert_element_type3A_2019 = arith.extui %ge3A_2018 : i1 to i32
        %cond3A_2020 = arith.constant 0 : i32
        %cond3A_2021 = arith.cmpi ne, %convert_element_type3A_2019, %cond3A_2020 : i32
        scf.if %cond3A_2021 {
          %dma_wait3A_2082 = arith.constant 2 : i32
          %dma_wait3A_2083 = arith.constant 2 : i32
          %dma_wait3A_2084 = arith.constant 0 : i32
          %dma_wait3A_2085 = arith.constant 0 : i32
          %dma_wait3A_2086 = tpu.memref_slice %arg6[%dma_wait3A_2082, %dma_wait3A_2084, %dma_wait3A_2085] : memref<5x128x128xf32, #tpu.memory_space<vmem>> -> memref<1x128x128xf32, #tpu.memory_space<vmem>>
          %dma_wait3A_2087 = tpu.memref_squeeze %dma_wait3A_2086 : memref<1x128x128xf32, #tpu.memory_space<vmem>> -> memref<128x128xf32, #tpu.memory_space<vmem>>
          %dma_wait3A_2088 = arith.constant 0 : i32
          %dma_wait3A_2089 = arith.constant 0 : i32
          %dma_wait3A_2090 = tpu.memref_slice %arg3[%dma_wait3A_2088, %dma_wait3A_2089] : memref<1000000x128xf32, #tpu.memory_space<hbm>> -> memref<128x128xf32, #tpu.memory_space<hbm>>
          %dma_wait3A_2091 = tpu.memref_slice %arg8[%dma_wait3A_2083] : memref<5x!tpu.dma_semaphore, #tpu.memory_space<semaphore_mem>> -> memref<1x!tpu.dma_semaphore, #tpu.memory_space<semaphore_mem>>
          %dma_wait3A_2092 = tpu.memref_squeeze %dma_wait3A_2091 : memref<1x!tpu.dma_semaphore, #tpu.memory_space<semaphore_mem>> -> memref<!tpu.dma_semaphore, #tpu.memory_space<semaphore_mem>>
          %dma_wait3A_2093 = arith.constant 0 : i32
          %dma_wait3A_2094 = arith.constant 0 : i32
          %dma_wait3A_2095 = tpu.memref_slice %arg6[%dma_wait3A_2082, %dma_wait3A_2093, %dma_wait3A_2094] : memref<5x128x128xf32, #tpu.memory_space<vmem>> -> memref<1x128x128xf32, #tpu.memory_space<vmem>>
          %dma_wait3A_2096 = tpu.memref_squeeze %dma_wait3A_2095 : memref<1x128x128xf32, #tpu.memory_space<vmem>> -> memref<128x128xf32, #tpu.memory_space<vmem>>
          %dma_wait3A_2097 = arith.constant 0 : i32
          %dma_wait3A_2098 = arith.constant 0 : i32
          %dma_wait3A_2099 = tpu.memref_slice %arg3[%dma_wait3A_2097, %dma_wait3A_2098] : memref<1000000x128xf32, #tpu.memory_space<hbm>> -> memref<128x128xf32, #tpu.memory_space<hbm>>
          tpu.wait_dma2 semaphore(%dma_wait3A_2092 : memref<!tpu.dma_semaphore, #tpu.memory_space<semaphore_mem>>) src(%dma_wait3A_2099 : memref<128x128xf32, #tpu.memory_space<hbm>>) dst(%dma_wait3A_2096 : memref<128x128xf32, #tpu.memory_space<vmem>>)
        } else {
        }
        %add3A_2022 = arith.constant 3 : i32
        %add3A_2023 = arith.addi %add3A_563, %add3A_2022 : i32
        %jit3A_2024 = arith.constant 8 : i32
        %div3A_2025 = arith.divsi %add3A_2023, %jit3A_2024 : i32
        %sign3A_2026 = arith.constant 0 : i32
        %sign3A_2027 = arith.cmpi sgt, %add3A_2023, %sign3A_2026 : i32
        %sign3A_2028 = arith.extui %sign3A_2027 : i1 to i32
        %sign3A_2029 = arith.constant 0 : i32
        %sign3A_2030 = arith.cmpi slt, %add3A_2023, %sign3A_2029 : i32
        %sign3A_2031 = arith.extui %sign3A_2030 : i1 to i32
        %sign3A_2032 = arith.subi %sign3A_2028, %sign3A_2031 : i32
        %sign3A_2033 = arith.constant 0 : i32
        %sign3A_2034 = arith.cmpi sgt, %jit3A_2024, %sign3A_2033 : i32
        %sign3A_2035 = arith.extui %sign3A_2034 : i1 to i32
        %sign3A_2036 = arith.constant 0 : i32
        %sign3A_2037 = arith.cmpi slt, %jit3A_2024, %sign3A_2036 : i32
        %sign3A_2038 = arith.extui %sign3A_2037 : i1 to i32
        %sign3A_2039 = arith.subi %sign3A_2035, %sign3A_2038 : i32
        %ne3A_2040 = arith.cmpi ne, %sign3A_2032, %sign3A_2039 : i32
        %rem3A_2041 = arith.remsi %add3A_2023, %jit3A_2024 : i32
        %ne3A_2042 = arith.constant 0 : i32
        %ne3A_2043 = arith.cmpi ne, %rem3A_2041, %ne3A_2042 : i32
        %and3A_2044 = arith.andi %ne3A_2040, %ne3A_2043 : i1
        %sub3A_2045 = arith.constant 1 : i32
        %sub3A_2046 = arith.subi %div3A_2025, %sub3A_2045 : i32
        %select_n3A_2047 = arith.select %and3A_2044, %sub3A_2046, %div3A_2025 : i32
        %rem3A_2048 = arith.constant 8 : i32
        %rem3A_2049 = arith.remsi %add3A_2023, %rem3A_2048 : i32
        %rem3A_2050 = arith.constant 2 : i32
        %rem3A_2051 = arith.remsi %select_n3A_2047, %rem3A_2050 : i32
        %dma_start3A_2052 = arith.constant 2 : i32
        %dma_start3A_2053 = arith.constant 2 : i32
        %dma_start3A_2054 = arith.constant 0 : i32
        %dma_start3A_2055 = arith.constant 0 : i32
        %dma_start3A_2056 = tpu.memref_slice %arg6[%dma_start3A_2052, %dma_start3A_2054, %dma_start3A_2055] : memref<5x128x128xf32, #tpu.memory_space<vmem>> -> memref<1x64x128xf32, #tpu.memory_space<vmem>>
        %dma_start3A_2057 = tpu.memref_squeeze %dma_start3A_2056 : memref<1x64x128xf32, #tpu.memory_space<vmem>> -> memref<64x128xf32, #tpu.memory_space<vmem>>
        %dma_start3A_2058 = arith.constant 0 : i32
        %dma_start3A_2059 = tpu.memref_slice %arg5[%rem3A_2051, %rem3A_2049, %dma_start3A_2058] : memref<2x8x128xi32, #tpu.memory_space<vmem>> -> memref<1x1x64xi32, #tpu.memory_space<vmem>>
        %dma_start3A_2060 = tpu.memref_squeeze %dma_start3A_2059 : memref<1x1x64xi32, #tpu.memory_space<vmem>> -> memref<64xi32, #tpu.memory_space<vmem>>
        %dma_start3A_2061 = arith.constant 0 : i32
        %dma_start3A_2062 = arith.constant 0 : i32
        %dma_start3A_2063 = tpu.memref_slice %arg3[%dma_start3A_2061, %dma_start3A_2062] : memref<1000000x128xf32, #tpu.memory_space<hbm>> -> memref<1000000x128xf32, #tpu.memory_space<hbm>>
        %dma_start3A_2064 = tpu.memref_slice %arg7[%dma_start3A_2053] : memref<5x!tpu.dma_semaphore, #tpu.memory_space<semaphore_mem>> -> memref<1x!tpu.dma_semaphore, #tpu.memory_space<semaphore_mem>>
        %dma_start3A_2065 = tpu.memref_squeeze %dma_start3A_2064 : memref<1x!tpu.dma_semaphore, #tpu.memory_space<semaphore_mem>> -> memref<!tpu.dma_semaphore, #tpu.memory_space<semaphore_mem>>
        tpu.enqueue_indirect_dma source(%dma_start3A_2063 : memref<1000000x128xf32, #tpu.memory_space<hbm>>) target(%dma_start3A_2057 : memref<64x128xf32, #tpu.memory_space<vmem>>) offsets(%dma_start3A_2060 : memref<64xi32, #tpu.memory_space<vmem>>) semaphore(%dma_start3A_2065 : memref<!tpu.dma_semaphore, #tpu.memory_space<semaphore_mem>>)
        %rem3A_2066 = arith.constant 2 : i32
        %rem3A_2067 = arith.remsi %select_n3A_2047, %rem3A_2066 : i32
        %dma_start3A_2068 = arith.constant 2 : i32
        %dma_start3A_2069 = arith.constant 2 : i32
        %dma_start3A_2070 = arith.constant 64 : i32
        %dma_start3A_2071 = arith.constant 0 : i32
        %dma_start3A_2072 = tpu.memref_slice %arg6[%dma_start3A_2068, %dma_start3A_2070, %dma_start3A_2071] : memref<5x128x128xf32, #tpu.memory_space<vmem>> -> memref<1x64x128xf32, #tpu.memory_space<vmem>>
        %dma_start3A_2073 = tpu.memref_squeeze %dma_start3A_2072 : memref<1x64x128xf32, #tpu.memory_space<vmem>> -> memref<64x128xf32, #tpu.memory_space<vmem>>
        %dma_start3A_2074 = arith.constant 64 : i32
        %dma_start3A_2075 = tpu.memref_slice %arg5[%rem3A_2067, %rem3A_2049, %dma_start3A_2074] : memref<2x8x128xi32, #tpu.memory_space<vmem>> -> memref<1x1x64xi32, #tpu.memory_space<vmem>>
        %dma_start3A_2076 = tpu.memref_squeeze %dma_start3A_2075 : memref<1x1x64xi32, #tpu.memory_space<vmem>> -> memref<64xi32, #tpu.memory_space<vmem>>
        %dma_start3A_2077 = arith.constant 0 : i32
        %dma_start3A_2078 = arith.constant 0 : i32
        %dma_start3A_2079 = tpu.memref_slice %arg3[%dma_start3A_2077, %dma_start3A_2078] : memref<1000000x128xf32, #tpu.memory_space<hbm>> -> memref<1000000x128xf32, #tpu.memory_space<hbm>>
        %dma_start3A_2080 = tpu.memref_slice %arg7[%dma_start3A_2069] : memref<5x!tpu.dma_semaphore, #tpu.memory_space<semaphore_mem>> -> memref<1x!tpu.dma_semaphore, #tpu.memory_space<semaphore_mem>>
        %dma_start3A_2081 = tpu.memref_squeeze %dma_start3A_2080 : memref<1x!tpu.dma_semaphore, #tpu.memory_space<semaphore_mem>> -> memref<!tpu.dma_semaphore, #tpu.memory_space<semaphore_mem>>
        tpu.enqueue_indirect_dma source(%dma_start3A_2079 : memref<1000000x128xf32, #tpu.memory_space<hbm>>) target(%dma_start3A_2073 : memref<64x128xf32, #tpu.memory_space<vmem>>) offsets(%dma_start3A_2076 : memref<64xi32, #tpu.memory_space<vmem>>) semaphore(%dma_start3A_2081 : memref<!tpu.dma_semaphore, #tpu.memory_space<semaphore_mem>>)
      } else {
      }
      %add3A_653 = arith.constant 5 : i32
      %add3A_654 = arith.addi %mul3A_208, %add3A_653 : i32
      %jit3A_655 = arith.constant 8 : i32
      %div3A_656 = arith.divsi %add3A_654, %jit3A_655 : i32
      %sign3A_657 = arith.constant 0 : i32
      %sign3A_658 = arith.cmpi sgt, %add3A_654, %sign3A_657 : i32
      %sign3A_659 = arith.extui %sign3A_658 : i1 to i32
      %sign3A_660 = arith.constant 0 : i32
      %sign3A_661 = arith.cmpi slt, %add3A_654, %sign3A_660 : i32
      %sign3A_662 = arith.extui %sign3A_661 : i1 to i32
      %sign3A_663 = arith.subi %sign3A_659, %sign3A_662 : i32
      %sign3A_664 = arith.constant 0 : i32
      %sign3A_665 = arith.cmpi sgt, %jit3A_655, %sign3A_664 : i32
      %sign3A_666 = arith.extui %sign3A_665 : i1 to i32
      %sign3A_667 = arith.constant 0 : i32
      %sign3A_668 = arith.cmpi slt, %jit3A_655, %sign3A_667 : i32
      %sign3A_669 = arith.extui %sign3A_668 : i1 to i32
      %sign3A_670 = arith.subi %sign3A_666, %sign3A_669 : i32
      %ne3A_671 = arith.cmpi ne, %sign3A_663, %sign3A_670 : i32
      %rem3A_672 = arith.remsi %add3A_654, %jit3A_655 : i32
      %ne3A_673 = arith.constant 0 : i32
      %ne3A_674 = arith.cmpi ne, %rem3A_672, %ne3A_673 : i32
      %and3A_675 = arith.andi %ne3A_671, %ne3A_674 : i1
      %sub3A_676 = arith.constant 1 : i32
      %sub3A_677 = arith.subi %div3A_656, %sub3A_676 : i32
      %select_n3A_678 = arith.select %and3A_675, %sub3A_677, %div3A_656 : i32
      %rem3A_679 = arith.constant 8 : i32
      %rem3A_680 = arith.remsi %add3A_654, %rem3A_679 : i32
      %dma_wait3A_681 = arith.constant 0 : i32
      %dma_wait3A_682 = arith.constant 0 : i32
      %dma_wait3A_683 = arith.constant 0 : i32
      %dma_wait3A_684 = arith.constant 0 : i32
      %dma_wait3A_685 = tpu.memref_slice %arg6[%dma_wait3A_681, %dma_wait3A_683, %dma_wait3A_684] : memref<5x128x128xf32, #tpu.memory_space<vmem>> -> memref<1x128x128xf32, #tpu.memory_space<vmem>>
      %dma_wait3A_686 = tpu.memref_squeeze %dma_wait3A_685 : memref<1x128x128xf32, #tpu.memory_space<vmem>> -> memref<128x128xf32, #tpu.memory_space<vmem>>
      %dma_wait3A_687 = arith.constant 0 : i32
      %dma_wait3A_688 = arith.constant 0 : i32
      %dma_wait3A_689 = tpu.memref_slice %arg3[%dma_wait3A_687, %dma_wait3A_688] : memref<1000000x128xf32, #tpu.memory_space<hbm>> -> memref<128x128xf32, #tpu.memory_space<hbm>>
      %dma_wait3A_690 = tpu.memref_slice %arg7[%dma_wait3A_682] : memref<5x!tpu.dma_semaphore, #tpu.memory_space<semaphore_mem>> -> memref<1x!tpu.dma_semaphore, #tpu.memory_space<semaphore_mem>>
      %dma_wait3A_691 = tpu.memref_squeeze %dma_wait3A_690 : memref<1x!tpu.dma_semaphore, #tpu.memory_space<semaphore_mem>> -> memref<!tpu.dma_semaphore, #tpu.memory_space<semaphore_mem>>
      %dma_wait3A_692 = arith.constant 0 : i32
      %dma_wait3A_693 = arith.constant 0 : i32
      %dma_wait3A_694 = tpu.memref_slice %arg6[%dma_wait3A_681, %dma_wait3A_692, %dma_wait3A_693] : memref<5x128x128xf32, #tpu.memory_space<vmem>> -> memref<1x128x128xf32, #tpu.memory_space<vmem>>
      %dma_wait3A_695 = tpu.memref_squeeze %dma_wait3A_694 : memref<1x128x128xf32, #tpu.memory_space<vmem>> -> memref<128x128xf32, #tpu.memory_space<vmem>>
      %dma_wait3A_696 = arith.constant 0 : i32
      %dma_wait3A_697 = arith.constant 0 : i32
      %dma_wait3A_698 = tpu.memref_slice %arg3[%dma_wait3A_696, %dma_wait3A_697] : memref<1000000x128xf32, #tpu.memory_space<hbm>> -> memref<128x128xf32, #tpu.memory_space<hbm>>
      tpu.wait_dma2 semaphore(%dma_wait3A_691 : memref<!tpu.dma_semaphore, #tpu.memory_space<semaphore_mem>>) src(%dma_wait3A_698 : memref<128x128xf32, #tpu.memory_space<hbm>>) dst(%dma_wait3A_695 : memref<128x128xf32, #tpu.memory_space<vmem>>)
      %eq3A_699 = arith.constant 0 : i32
      %eq3A_700 = arith.cmpi eq, %rem3A_680, %eq3A_699 : i32
      %add3A_701 = arith.constant 1 : i32
      %add3A_702 = arith.addi %select_n3A_678, %add3A_701 : i32
      %lt3A_703 = arith.constant 25 : i32
      %lt3A_704 = arith.cmpi slt, %add3A_702, %lt3A_703 : i32
      %and3A_705 = arith.andi %eq3A_700, %lt3A_704 : i1
      %convert_element_type3A_706 = arith.extui %and3A_705 : i1 to i32
      %cond3A_707 = arith.constant 0 : i32
      %cond3A_708 = arith.cmpi ne, %convert_element_type3A_706, %cond3A_707 : i32
      scf.if %cond3A_708 {
        %add3A_2018 = arith.constant 1 : i32
        %add3A_2019 = arith.addi %select_n3A_678, %add3A_2018 : i32
        %mul3A_2020 = arith.constant 8 : i32
        %mul3A_2021 = arith.muli %add3A_2019, %mul3A_2020 : i32
        %add3A_2022 = arith.constant 1 : i32
        %add3A_2023 = arith.addi %select_n3A_678, %add3A_2022 : i32
        %rem3A_2024 = arith.constant 2 : i32
        %rem3A_2025 = arith.remsi %add3A_2023, %rem3A_2024 : i32
        %dma_start3A_2026 = arith.constant 0 : i32
        %dma_start3A_2027 = arith.constant 0 : i32
        %dma_start3A_2028 = tpu.memref_slice %arg5[%rem3A_2025, %dma_start3A_2026, %dma_start3A_2027] : memref<2x8x128xi32, #tpu.memory_space<vmem>> -> memref<1x8x128xi32, #tpu.memory_space<vmem>>
        %dma_start3A_2029 = tpu.memref_squeeze %dma_start3A_2028 : memref<1x8x128xi32, #tpu.memory_space<vmem>> -> memref<8x128xi32, #tpu.memory_space<vmem>>
        %dma_start3A_2030 = tpu.memref_slice %arg2[%mul3A_2021, %mul3A_2] : memref<200x4096xi32, #tpu.memory_space<hbm>> -> memref<8x128xi32, #tpu.memory_space<hbm>>
        %dma_start3A_2031 = arith.constant 0 : i32
        %dma_start3A_2032 = arith.constant 0 : i32
        %dma_start3A_2033 = tpu.memref_slice %arg5[%rem3A_2025, %dma_start3A_2031, %dma_start3A_2032] : memref<2x8x128xi32, #tpu.memory_space<vmem>> -> memref<1x8x128xi32, #tpu.memory_space<vmem>>
        %dma_start3A_2034 = tpu.memref_squeeze %dma_start3A_2033 : memref<1x8x128xi32, #tpu.memory_space<vmem>> -> memref<8x128xi32, #tpu.memory_space<vmem>>
        %dma_start3A_2035 = tpu.memref_slice %arg2[%mul3A_2021, %mul3A_2] : memref<200x4096xi32, #tpu.memory_space<hbm>> -> memref<8x128xi32, #tpu.memory_space<hbm>>
        tpu.enqueue_dma source(%dma_start3A_2035 : memref<8x128xi32, #tpu.memory_space<hbm>>) target(%dma_start3A_2034 : memref<8x128xi32, #tpu.memory_space<vmem>>) target_semaphore(%arg9 : memref<!tpu.dma_semaphore, #tpu.memory_space<semaphore_mem>>)
      } else {
      }
      %dma_start3A_709 = arith.constant 0 : i32
      %dma_start3A_710 = arith.constant 0 : i32
      %dma_start3A_711 = arith.constant 0 : i32
      %dma_start3A_712 = arith.constant 0 : i32
      %dma_start3A_713 = tpu.memref_slice %arg6[%dma_start3A_709, %dma_start3A_711, %dma_start3A_712] : memref<5x128x128xf32, #tpu.memory_space<vmem>> -> memref<1x128x128xf32, #tpu.memory_space<vmem>>
      %dma_start3A_714 = tpu.memref_squeeze %dma_start3A_713 : memref<1x128x128xf32, #tpu.memory_space<vmem>> -> memref<128x128xf32, #tpu.memory_space<vmem>>
      %dma_start3A_715 = arith.constant 0 : i32
      %dma_start3A_716 = tpu.memref_slice %arg4[%add3A_654, %mul3A_2, %dma_start3A_715] : memref<200x4096x128xf32, #tpu.memory_space<hbm>> -> memref<1x128x128xf32, #tpu.memory_space<hbm>>
      %dma_start3A_717 = tpu.memref_squeeze %dma_start3A_716 : memref<1x128x128xf32, #tpu.memory_space<hbm>> -> memref<128x128xf32, #tpu.memory_space<hbm>>
      %dma_start3A_718 = tpu.memref_slice %arg8[%dma_start3A_710] : memref<5x!tpu.dma_semaphore, #tpu.memory_space<semaphore_mem>> -> memref<1x!tpu.dma_semaphore, #tpu.memory_space<semaphore_mem>>
      %dma_start3A_719 = tpu.memref_squeeze %dma_start3A_718 : memref<1x!tpu.dma_semaphore, #tpu.memory_space<semaphore_mem>> -> memref<!tpu.dma_semaphore, #tpu.memory_space<semaphore_mem>>
      %dma_start3A_720 = arith.constant 0 : i32
      %dma_start3A_721 = tpu.memref_slice %arg4[%add3A_654, %mul3A_2, %dma_start3A_720] : memref<200x4096x128xf32, #tpu.memory_space<hbm>> -> memref<1x128x128xf32, #tpu.memory_space<hbm>>
      %dma_start3A_722 = tpu.memref_squeeze %dma_start3A_721 : memref<1x128x128xf32, #tpu.memory_space<hbm>> -> memref<128x128xf32, #tpu.memory_space<hbm>>
      %dma_start3A_723 = arith.constant 0 : i32
      %dma_start3A_724 = arith.constant 0 : i32
      %dma_start3A_725 = tpu.memref_slice %arg6[%dma_start3A_709, %dma_start3A_723, %dma_start3A_724] : memref<5x128x128xf32, #tpu.memory_space<vmem>> -> memref<1x128x128xf32, #tpu.memory_space<vmem>>
      %dma_start3A_726 = tpu.memref_squeeze %dma_start3A_725 : memref<1x128x128xf32, #tpu.memory_space<vmem>> -> memref<128x128xf32, #tpu.memory_space<vmem>>
      tpu.enqueue_dma source(%dma_start3A_726 : memref<128x128xf32, #tpu.memory_space<vmem>>) target(%dma_start3A_722 : memref<128x128xf32, #tpu.memory_space<hbm>>) target_semaphore(%dma_start3A_719 : memref<!tpu.dma_semaphore, #tpu.memory_space<semaphore_mem>>)
      %eq3A_727 = arith.constant 4 : i32
      %eq3A_728 = arith.cmpi eq, %rem3A_680, %eq3A_727 : i32
      %add3A_729 = arith.constant 1 : i32
      %add3A_730 = arith.addi %select_n3A_678, %add3A_729 : i32
      %lt3A_731 = arith.constant 25 : i32
      %lt3A_732 = arith.cmpi slt, %add3A_730, %lt3A_731 : i32
      %and3A_733 = arith.andi %eq3A_728, %lt3A_732 : i1
      %convert_element_type3A_734 = arith.extui %and3A_733 : i1 to i32
      %cond3A_735 = arith.constant 0 : i32
      %cond3A_736 = arith.cmpi ne, %convert_element_type3A_734, %cond3A_735 : i32
      scf.if %cond3A_736 {
        %dma_wait3A_2018 = arith.constant 0 : i32
        %dma_wait3A_2019 = arith.constant 0 : i32
        %dma_wait3A_2020 = arith.constant 0 : i32
        %dma_wait3A_2021 = tpu.memref_slice %arg5[%dma_wait3A_2018, %dma_wait3A_2019, %dma_wait3A_2020] : memref<2x8x128xi32, #tpu.memory_space<vmem>> -> memref<1x8x128xi32, #tpu.memory_space<vmem>>
        %dma_wait3A_2022 = tpu.memref_squeeze %dma_wait3A_2021 : memref<1x8x128xi32, #tpu.memory_space<vmem>> -> memref<8x128xi32, #tpu.memory_space<vmem>>
        %dma_wait3A_2023 = arith.constant 0 : i32
        %dma_wait3A_2024 = arith.constant 0 : i32
        %dma_wait3A_2025 = tpu.memref_slice %arg2[%dma_wait3A_2023, %dma_wait3A_2024] : memref<200x4096xi32, #tpu.memory_space<hbm>> -> memref<8x128xi32, #tpu.memory_space<hbm>>
        %dma_wait3A_2026 = arith.constant 0 : i32
        %dma_wait3A_2027 = arith.constant 0 : i32
        %dma_wait3A_2028 = tpu.memref_slice %arg5[%dma_wait3A_2018, %dma_wait3A_2026, %dma_wait3A_2027] : memref<2x8x128xi32, #tpu.memory_space<vmem>> -> memref<1x8x128xi32, #tpu.memory_space<vmem>>
        %dma_wait3A_2029 = tpu.memref_squeeze %dma_wait3A_2028 : memref<1x8x128xi32, #tpu.memory_space<vmem>> -> memref<8x128xi32, #tpu.memory_space<vmem>>
        %dma_wait3A_2030 = arith.constant 0 : i32
        %dma_wait3A_2031 = arith.constant 0 : i32
        %dma_wait3A_2032 = tpu.memref_slice %arg2[%dma_wait3A_2030, %dma_wait3A_2031] : memref<200x4096xi32, #tpu.memory_space<hbm>> -> memref<8x128xi32, #tpu.memory_space<hbm>>
        tpu.wait_dma2 semaphore(%arg9 : memref<!tpu.dma_semaphore, #tpu.memory_space<semaphore_mem>>) src(%dma_wait3A_2032 : memref<8x128xi32, #tpu.memory_space<hbm>>) dst(%dma_wait3A_2029 : memref<8x128xi32, #tpu.memory_space<vmem>>)
      } else {
      }
      %add3A_737 = arith.constant 3 : i32
      %add3A_738 = arith.addi %add3A_654, %add3A_737 : i32
      %lt3A_739 = arith.constant 200 : i32
      %lt3A_740 = arith.cmpi slt, %add3A_738, %lt3A_739 : i32
      %convert_element_type3A_741 = arith.extui %lt3A_740 : i1 to i32
      %cond3A_742 = arith.constant 0 : i32
      %cond3A_743 = arith.cmpi ne, %convert_element_type3A_741, %cond3A_742 : i32
      scf.if %cond3A_743 {
        %ge3A = arith.constant 2 : i32
        %ge3A_2018 = arith.cmpi sge, %add3A_654, %ge3A : i32
        %convert_element_type3A_2019 = arith.extui %ge3A_2018 : i1 to i32
        %cond3A_2020 = arith.constant 0 : i32
        %cond3A_2021 = arith.cmpi ne, %convert_element_type3A_2019, %cond3A_2020 : i32
        scf.if %cond3A_2021 {
          %dma_wait3A_2082 = arith.constant 3 : i32
          %dma_wait3A_2083 = arith.constant 3 : i32
          %dma_wait3A_2084 = arith.constant 0 : i32
          %dma_wait3A_2085 = arith.constant 0 : i32
          %dma_wait3A_2086 = tpu.memref_slice %arg6[%dma_wait3A_2082, %dma_wait3A_2084, %dma_wait3A_2085] : memref<5x128x128xf32, #tpu.memory_space<vmem>> -> memref<1x128x128xf32, #tpu.memory_space<vmem>>
          %dma_wait3A_2087 = tpu.memref_squeeze %dma_wait3A_2086 : memref<1x128x128xf32, #tpu.memory_space<vmem>> -> memref<128x128xf32, #tpu.memory_space<vmem>>
          %dma_wait3A_2088 = arith.constant 0 : i32
          %dma_wait3A_2089 = arith.constant 0 : i32
          %dma_wait3A_2090 = tpu.memref_slice %arg3[%dma_wait3A_2088, %dma_wait3A_2089] : memref<1000000x128xf32, #tpu.memory_space<hbm>> -> memref<128x128xf32, #tpu.memory_space<hbm>>
          %dma_wait3A_2091 = tpu.memref_slice %arg8[%dma_wait3A_2083] : memref<5x!tpu.dma_semaphore, #tpu.memory_space<semaphore_mem>> -> memref<1x!tpu.dma_semaphore, #tpu.memory_space<semaphore_mem>>
          %dma_wait3A_2092 = tpu.memref_squeeze %dma_wait3A_2091 : memref<1x!tpu.dma_semaphore, #tpu.memory_space<semaphore_mem>> -> memref<!tpu.dma_semaphore, #tpu.memory_space<semaphore_mem>>
          %dma_wait3A_2093 = arith.constant 0 : i32
          %dma_wait3A_2094 = arith.constant 0 : i32
          %dma_wait3A_2095 = tpu.memref_slice %arg6[%dma_wait3A_2082, %dma_wait3A_2093, %dma_wait3A_2094] : memref<5x128x128xf32, #tpu.memory_space<vmem>> -> memref<1x128x128xf32, #tpu.memory_space<vmem>>
          %dma_wait3A_2096 = tpu.memref_squeeze %dma_wait3A_2095 : memref<1x128x128xf32, #tpu.memory_space<vmem>> -> memref<128x128xf32, #tpu.memory_space<vmem>>
          %dma_wait3A_2097 = arith.constant 0 : i32
          %dma_wait3A_2098 = arith.constant 0 : i32
          %dma_wait3A_2099 = tpu.memref_slice %arg3[%dma_wait3A_2097, %dma_wait3A_2098] : memref<1000000x128xf32, #tpu.memory_space<hbm>> -> memref<128x128xf32, #tpu.memory_space<hbm>>
          tpu.wait_dma2 semaphore(%dma_wait3A_2092 : memref<!tpu.dma_semaphore, #tpu.memory_space<semaphore_mem>>) src(%dma_wait3A_2099 : memref<128x128xf32, #tpu.memory_space<hbm>>) dst(%dma_wait3A_2096 : memref<128x128xf32, #tpu.memory_space<vmem>>)
        } else {
        }
        %add3A_2022 = arith.constant 3 : i32
        %add3A_2023 = arith.addi %add3A_654, %add3A_2022 : i32
        %jit3A_2024 = arith.constant 8 : i32
        %div3A_2025 = arith.divsi %add3A_2023, %jit3A_2024 : i32
        %sign3A_2026 = arith.constant 0 : i32
        %sign3A_2027 = arith.cmpi sgt, %add3A_2023, %sign3A_2026 : i32
        %sign3A_2028 = arith.extui %sign3A_2027 : i1 to i32
        %sign3A_2029 = arith.constant 0 : i32
        %sign3A_2030 = arith.cmpi slt, %add3A_2023, %sign3A_2029 : i32
        %sign3A_2031 = arith.extui %sign3A_2030 : i1 to i32
        %sign3A_2032 = arith.subi %sign3A_2028, %sign3A_2031 : i32
        %sign3A_2033 = arith.constant 0 : i32
        %sign3A_2034 = arith.cmpi sgt, %jit3A_2024, %sign3A_2033 : i32
        %sign3A_2035 = arith.extui %sign3A_2034 : i1 to i32
        %sign3A_2036 = arith.constant 0 : i32
        %sign3A_2037 = arith.cmpi slt, %jit3A_2024, %sign3A_2036 : i32
        %sign3A_2038 = arith.extui %sign3A_2037 : i1 to i32
        %sign3A_2039 = arith.subi %sign3A_2035, %sign3A_2038 : i32
        %ne3A_2040 = arith.cmpi ne, %sign3A_2032, %sign3A_2039 : i32
        %rem3A_2041 = arith.remsi %add3A_2023, %jit3A_2024 : i32
        %ne3A_2042 = arith.constant 0 : i32
        %ne3A_2043 = arith.cmpi ne, %rem3A_2041, %ne3A_2042 : i32
        %and3A_2044 = arith.andi %ne3A_2040, %ne3A_2043 : i1
        %sub3A_2045 = arith.constant 1 : i32
        %sub3A_2046 = arith.subi %div3A_2025, %sub3A_2045 : i32
        %select_n3A_2047 = arith.select %and3A_2044, %sub3A_2046, %div3A_2025 : i32
        %rem3A_2048 = arith.constant 8 : i32
        %rem3A_2049 = arith.remsi %add3A_2023, %rem3A_2048 : i32
        %rem3A_2050 = arith.constant 2 : i32
        %rem3A_2051 = arith.remsi %select_n3A_2047, %rem3A_2050 : i32
        %dma_start3A_2052 = arith.constant 3 : i32
        %dma_start3A_2053 = arith.constant 3 : i32
        %dma_start3A_2054 = arith.constant 0 : i32
        %dma_start3A_2055 = arith.constant 0 : i32
        %dma_start3A_2056 = tpu.memref_slice %arg6[%dma_start3A_2052, %dma_start3A_2054, %dma_start3A_2055] : memref<5x128x128xf32, #tpu.memory_space<vmem>> -> memref<1x64x128xf32, #tpu.memory_space<vmem>>
        %dma_start3A_2057 = tpu.memref_squeeze %dma_start3A_2056 : memref<1x64x128xf32, #tpu.memory_space<vmem>> -> memref<64x128xf32, #tpu.memory_space<vmem>>
        %dma_start3A_2058 = arith.constant 0 : i32
        %dma_start3A_2059 = tpu.memref_slice %arg5[%rem3A_2051, %rem3A_2049, %dma_start3A_2058] : memref<2x8x128xi32, #tpu.memory_space<vmem>> -> memref<1x1x64xi32, #tpu.memory_space<vmem>>
        %dma_start3A_2060 = tpu.memref_squeeze %dma_start3A_2059 : memref<1x1x64xi32, #tpu.memory_space<vmem>> -> memref<64xi32, #tpu.memory_space<vmem>>
        %dma_start3A_2061 = arith.constant 0 : i32
        %dma_start3A_2062 = arith.constant 0 : i32
        %dma_start3A_2063 = tpu.memref_slice %arg3[%dma_start3A_2061, %dma_start3A_2062] : memref<1000000x128xf32, #tpu.memory_space<hbm>> -> memref<1000000x128xf32, #tpu.memory_space<hbm>>
        %dma_start3A_2064 = tpu.memref_slice %arg7[%dma_start3A_2053] : memref<5x!tpu.dma_semaphore, #tpu.memory_space<semaphore_mem>> -> memref<1x!tpu.dma_semaphore, #tpu.memory_space<semaphore_mem>>
        %dma_start3A_2065 = tpu.memref_squeeze %dma_start3A_2064 : memref<1x!tpu.dma_semaphore, #tpu.memory_space<semaphore_mem>> -> memref<!tpu.dma_semaphore, #tpu.memory_space<semaphore_mem>>
        tpu.enqueue_indirect_dma source(%dma_start3A_2063 : memref<1000000x128xf32, #tpu.memory_space<hbm>>) target(%dma_start3A_2057 : memref<64x128xf32, #tpu.memory_space<vmem>>) offsets(%dma_start3A_2060 : memref<64xi32, #tpu.memory_space<vmem>>) semaphore(%dma_start3A_2065 : memref<!tpu.dma_semaphore, #tpu.memory_space<semaphore_mem>>)
        %rem3A_2066 = arith.constant 2 : i32
        %rem3A_2067 = arith.remsi %select_n3A_2047, %rem3A_2066 : i32
        %dma_start3A_2068 = arith.constant 3 : i32
        %dma_start3A_2069 = arith.constant 3 : i32
        %dma_start3A_2070 = arith.constant 64 : i32
        %dma_start3A_2071 = arith.constant 0 : i32
        %dma_start3A_2072 = tpu.memref_slice %arg6[%dma_start3A_2068, %dma_start3A_2070, %dma_start3A_2071] : memref<5x128x128xf32, #tpu.memory_space<vmem>> -> memref<1x64x128xf32, #tpu.memory_space<vmem>>
        %dma_start3A_2073 = tpu.memref_squeeze %dma_start3A_2072 : memref<1x64x128xf32, #tpu.memory_space<vmem>> -> memref<64x128xf32, #tpu.memory_space<vmem>>
        %dma_start3A_2074 = arith.constant 64 : i32
        %dma_start3A_2075 = tpu.memref_slice %arg5[%rem3A_2067, %rem3A_2049, %dma_start3A_2074] : memref<2x8x128xi32, #tpu.memory_space<vmem>> -> memref<1x1x64xi32, #tpu.memory_space<vmem>>
        %dma_start3A_2076 = tpu.memref_squeeze %dma_start3A_2075 : memref<1x1x64xi32, #tpu.memory_space<vmem>> -> memref<64xi32, #tpu.memory_space<vmem>>
        %dma_start3A_2077 = arith.constant 0 : i32
        %dma_start3A_2078 = arith.constant 0 : i32
        %dma_start3A_2079 = tpu.memref_slice %arg3[%dma_start3A_2077, %dma_start3A_2078] : memref<1000000x128xf32, #tpu.memory_space<hbm>> -> memref<1000000x128xf32, #tpu.memory_space<hbm>>
        %dma_start3A_2080 = tpu.memref_slice %arg7[%dma_start3A_2069] : memref<5x!tpu.dma_semaphore, #tpu.memory_space<semaphore_mem>> -> memref<1x!tpu.dma_semaphore, #tpu.memory_space<semaphore_mem>>
        %dma_start3A_2081 = tpu.memref_squeeze %dma_start3A_2080 : memref<1x!tpu.dma_semaphore, #tpu.memory_space<semaphore_mem>> -> memref<!tpu.dma_semaphore, #tpu.memory_space<semaphore_mem>>
        tpu.enqueue_indirect_dma source(%dma_start3A_2079 : memref<1000000x128xf32, #tpu.memory_space<hbm>>) target(%dma_start3A_2073 : memref<64x128xf32, #tpu.memory_space<vmem>>) offsets(%dma_start3A_2076 : memref<64xi32, #tpu.memory_space<vmem>>) semaphore(%dma_start3A_2081 : memref<!tpu.dma_semaphore, #tpu.memory_space<semaphore_mem>>)
      } else {
      }
      %add3A_744 = arith.constant 6 : i32
      %add3A_745 = arith.addi %mul3A_208, %add3A_744 : i32
      %jit3A_746 = arith.constant 8 : i32
      %div3A_747 = arith.divsi %add3A_745, %jit3A_746 : i32
      %sign3A_748 = arith.constant 0 : i32
      %sign3A_749 = arith.cmpi sgt, %add3A_745, %sign3A_748 : i32
      %sign3A_750 = arith.extui %sign3A_749 : i1 to i32
      %sign3A_751 = arith.constant 0 : i32
      %sign3A_752 = arith.cmpi slt, %add3A_745, %sign3A_751 : i32
      %sign3A_753 = arith.extui %sign3A_752 : i1 to i32
      %sign3A_754 = arith.subi %sign3A_750, %sign3A_753 : i32
      %sign3A_755 = arith.constant 0 : i32
      %sign3A_756 = arith.cmpi sgt, %jit3A_746, %sign3A_755 : i32
      %sign3A_757 = arith.extui %sign3A_756 : i1 to i32
      %sign3A_758 = arith.constant 0 : i32
      %sign3A_759 = arith.cmpi slt, %jit3A_746, %sign3A_758 : i32
      %sign3A_760 = arith.extui %sign3A_759 : i1 to i32
      %sign3A_761 = arith.subi %sign3A_757, %sign3A_760 : i32
      %ne3A_762 = arith.cmpi ne, %sign3A_754, %sign3A_761 : i32
      %rem3A_763 = arith.remsi %add3A_745, %jit3A_746 : i32
      %ne3A_764 = arith.constant 0 : i32
      %ne3A_765 = arith.cmpi ne, %rem3A_763, %ne3A_764 : i32
      %and3A_766 = arith.andi %ne3A_762, %ne3A_765 : i1
      %sub3A_767 = arith.constant 1 : i32
      %sub3A_768 = arith.subi %div3A_747, %sub3A_767 : i32
      %select_n3A_769 = arith.select %and3A_766, %sub3A_768, %div3A_747 : i32
      %rem3A_770 = arith.constant 8 : i32
      %rem3A_771 = arith.remsi %add3A_745, %rem3A_770 : i32
      %dma_wait3A_772 = arith.constant 1 : i32
      %dma_wait3A_773 = arith.constant 1 : i32
      %dma_wait3A_774 = arith.constant 0 : i32
      %dma_wait3A_775 = arith.constant 0 : i32
      %dma_wait3A_776 = tpu.memref_slice %arg6[%dma_wait3A_772, %dma_wait3A_774, %dma_wait3A_775] : memref<5x128x128xf32, #tpu.memory_space<vmem>> -> memref<1x128x128xf32, #tpu.memory_space<vmem>>
      %dma_wait3A_777 = tpu.memref_squeeze %dma_wait3A_776 : memref<1x128x128xf32, #tpu.memory_space<vmem>> -> memref<128x128xf32, #tpu.memory_space<vmem>>
      %dma_wait3A_778 = arith.constant 0 : i32
      %dma_wait3A_779 = arith.constant 0 : i32
      %dma_wait3A_780 = tpu.memref_slice %arg3[%dma_wait3A_778, %dma_wait3A_779] : memref<1000000x128xf32, #tpu.memory_space<hbm>> -> memref<128x128xf32, #tpu.memory_space<hbm>>
      %dma_wait3A_781 = tpu.memref_slice %arg7[%dma_wait3A_773] : memref<5x!tpu.dma_semaphore, #tpu.memory_space<semaphore_mem>> -> memref<1x!tpu.dma_semaphore, #tpu.memory_space<semaphore_mem>>
      %dma_wait3A_782 = tpu.memref_squeeze %dma_wait3A_781 : memref<1x!tpu.dma_semaphore, #tpu.memory_space<semaphore_mem>> -> memref<!tpu.dma_semaphore, #tpu.memory_space<semaphore_mem>>
      %dma_wait3A_783 = arith.constant 0 : i32
      %dma_wait3A_784 = arith.constant 0 : i32
      %dma_wait3A_785 = tpu.memref_slice %arg6[%dma_wait3A_772, %dma_wait3A_783, %dma_wait3A_784] : memref<5x128x128xf32, #tpu.memory_space<vmem>> -> memref<1x128x128xf32, #tpu.memory_space<vmem>>
      %dma_wait3A_786 = tpu.memref_squeeze %dma_wait3A_785 : memref<1x128x128xf32, #tpu.memory_space<vmem>> -> memref<128x128xf32, #tpu.memory_space<vmem>>
      %dma_wait3A_787 = arith.constant 0 : i32
      %dma_wait3A_788 = arith.constant 0 : i32
      %dma_wait3A_789 = tpu.memref_slice %arg3[%dma_wait3A_787, %dma_wait3A_788] : memref<1000000x128xf32, #tpu.memory_space<hbm>> -> memref<128x128xf32, #tpu.memory_space<hbm>>
      tpu.wait_dma2 semaphore(%dma_wait3A_782 : memref<!tpu.dma_semaphore, #tpu.memory_space<semaphore_mem>>) src(%dma_wait3A_789 : memref<128x128xf32, #tpu.memory_space<hbm>>) dst(%dma_wait3A_786 : memref<128x128xf32, #tpu.memory_space<vmem>>)
      %eq3A_790 = arith.constant 0 : i32
      %eq3A_791 = arith.cmpi eq, %rem3A_771, %eq3A_790 : i32
      %add3A_792 = arith.constant 1 : i32
      %add3A_793 = arith.addi %select_n3A_769, %add3A_792 : i32
      %lt3A_794 = arith.constant 25 : i32
      %lt3A_795 = arith.cmpi slt, %add3A_793, %lt3A_794 : i32
      %and3A_796 = arith.andi %eq3A_791, %lt3A_795 : i1
      %convert_element_type3A_797 = arith.extui %and3A_796 : i1 to i32
      %cond3A_798 = arith.constant 0 : i32
      %cond3A_799 = arith.cmpi ne, %convert_element_type3A_797, %cond3A_798 : i32
      scf.if %cond3A_799 {
        %add3A_2018 = arith.constant 1 : i32
        %add3A_2019 = arith.addi %select_n3A_769, %add3A_2018 : i32
        %mul3A_2020 = arith.constant 8 : i32
        %mul3A_2021 = arith.muli %add3A_2019, %mul3A_2020 : i32
        %add3A_2022 = arith.constant 1 : i32
        %add3A_2023 = arith.addi %select_n3A_769, %add3A_2022 : i32
        %rem3A_2024 = arith.constant 2 : i32
        %rem3A_2025 = arith.remsi %add3A_2023, %rem3A_2024 : i32
        %dma_start3A_2026 = arith.constant 0 : i32
        %dma_start3A_2027 = arith.constant 0 : i32
        %dma_start3A_2028 = tpu.memref_slice %arg5[%rem3A_2025, %dma_start3A_2026, %dma_start3A_2027] : memref<2x8x128xi32, #tpu.memory_space<vmem>> -> memref<1x8x128xi32, #tpu.memory_space<vmem>>
        %dma_start3A_2029 = tpu.memref_squeeze %dma_start3A_2028 : memref<1x8x128xi32, #tpu.memory_space<vmem>> -> memref<8x128xi32, #tpu.memory_space<vmem>>
        %dma_start3A_2030 = tpu.memref_slice %arg2[%mul3A_2021, %mul3A_2] : memref<200x4096xi32, #tpu.memory_space<hbm>> -> memref<8x128xi32, #tpu.memory_space<hbm>>
        %dma_start3A_2031 = arith.constant 0 : i32
        %dma_start3A_2032 = arith.constant 0 : i32
        %dma_start3A_2033 = tpu.memref_slice %arg5[%rem3A_2025, %dma_start3A_2031, %dma_start3A_2032] : memref<2x8x128xi32, #tpu.memory_space<vmem>> -> memref<1x8x128xi32, #tpu.memory_space<vmem>>
        %dma_start3A_2034 = tpu.memref_squeeze %dma_start3A_2033 : memref<1x8x128xi32, #tpu.memory_space<vmem>> -> memref<8x128xi32, #tpu.memory_space<vmem>>
        %dma_start3A_2035 = tpu.memref_slice %arg2[%mul3A_2021, %mul3A_2] : memref<200x4096xi32, #tpu.memory_space<hbm>> -> memref<8x128xi32, #tpu.memory_space<hbm>>
        tpu.enqueue_dma source(%dma_start3A_2035 : memref<8x128xi32, #tpu.memory_space<hbm>>) target(%dma_start3A_2034 : memref<8x128xi32, #tpu.memory_space<vmem>>) target_semaphore(%arg9 : memref<!tpu.dma_semaphore, #tpu.memory_space<semaphore_mem>>)
      } else {
      }
      %dma_start3A_800 = arith.constant 1 : i32
      %dma_start3A_801 = arith.constant 1 : i32
      %dma_start3A_802 = arith.constant 0 : i32
      %dma_start3A_803 = arith.constant 0 : i32
      %dma_start3A_804 = tpu.memref_slice %arg6[%dma_start3A_800, %dma_start3A_802, %dma_start3A_803] : memref<5x128x128xf32, #tpu.memory_space<vmem>> -> memref<1x128x128xf32, #tpu.memory_space<vmem>>
      %dma_start3A_805 = tpu.memref_squeeze %dma_start3A_804 : memref<1x128x128xf32, #tpu.memory_space<vmem>> -> memref<128x128xf32, #tpu.memory_space<vmem>>
      %dma_start3A_806 = arith.constant 0 : i32
      %dma_start3A_807 = tpu.memref_slice %arg4[%add3A_745, %mul3A_2, %dma_start3A_806] : memref<200x4096x128xf32, #tpu.memory_space<hbm>> -> memref<1x128x128xf32, #tpu.memory_space<hbm>>
      %dma_start3A_808 = tpu.memref_squeeze %dma_start3A_807 : memref<1x128x128xf32, #tpu.memory_space<hbm>> -> memref<128x128xf32, #tpu.memory_space<hbm>>
      %dma_start3A_809 = tpu.memref_slice %arg8[%dma_start3A_801] : memref<5x!tpu.dma_semaphore, #tpu.memory_space<semaphore_mem>> -> memref<1x!tpu.dma_semaphore, #tpu.memory_space<semaphore_mem>>
      %dma_start3A_810 = tpu.memref_squeeze %dma_start3A_809 : memref<1x!tpu.dma_semaphore, #tpu.memory_space<semaphore_mem>> -> memref<!tpu.dma_semaphore, #tpu.memory_space<semaphore_mem>>
      %dma_start3A_811 = arith.constant 0 : i32
      %dma_start3A_812 = tpu.memref_slice %arg4[%add3A_745, %mul3A_2, %dma_start3A_811] : memref<200x4096x128xf32, #tpu.memory_space<hbm>> -> memref<1x128x128xf32, #tpu.memory_space<hbm>>
      %dma_start3A_813 = tpu.memref_squeeze %dma_start3A_812 : memref<1x128x128xf32, #tpu.memory_space<hbm>> -> memref<128x128xf32, #tpu.memory_space<hbm>>
      %dma_start3A_814 = arith.constant 0 : i32
      %dma_start3A_815 = arith.constant 0 : i32
      %dma_start3A_816 = tpu.memref_slice %arg6[%dma_start3A_800, %dma_start3A_814, %dma_start3A_815] : memref<5x128x128xf32, #tpu.memory_space<vmem>> -> memref<1x128x128xf32, #tpu.memory_space<vmem>>
      %dma_start3A_817 = tpu.memref_squeeze %dma_start3A_816 : memref<1x128x128xf32, #tpu.memory_space<vmem>> -> memref<128x128xf32, #tpu.memory_space<vmem>>
      tpu.enqueue_dma source(%dma_start3A_817 : memref<128x128xf32, #tpu.memory_space<vmem>>) target(%dma_start3A_813 : memref<128x128xf32, #tpu.memory_space<hbm>>) target_semaphore(%dma_start3A_810 : memref<!tpu.dma_semaphore, #tpu.memory_space<semaphore_mem>>)
      %eq3A_818 = arith.constant 4 : i32
      %eq3A_819 = arith.cmpi eq, %rem3A_771, %eq3A_818 : i32
      %add3A_820 = arith.constant 1 : i32
      %add3A_821 = arith.addi %select_n3A_769, %add3A_820 : i32
      %lt3A_822 = arith.constant 25 : i32
      %lt3A_823 = arith.cmpi slt, %add3A_821, %lt3A_822 : i32
      %and3A_824 = arith.andi %eq3A_819, %lt3A_823 : i1
      %convert_element_type3A_825 = arith.extui %and3A_824 : i1 to i32
      %cond3A_826 = arith.constant 0 : i32
      %cond3A_827 = arith.cmpi ne, %convert_element_type3A_825, %cond3A_826 : i32
      scf.if %cond3A_827 {
        %dma_wait3A_2018 = arith.constant 0 : i32
        %dma_wait3A_2019 = arith.constant 0 : i32
        %dma_wait3A_2020 = arith.constant 0 : i32
        %dma_wait3A_2021 = tpu.memref_slice %arg5[%dma_wait3A_2018, %dma_wait3A_2019, %dma_wait3A_2020] : memref<2x8x128xi32, #tpu.memory_space<vmem>> -> memref<1x8x128xi32, #tpu.memory_space<vmem>>
        %dma_wait3A_2022 = tpu.memref_squeeze %dma_wait3A_2021 : memref<1x8x128xi32, #tpu.memory_space<vmem>> -> memref<8x128xi32, #tpu.memory_space<vmem>>
        %dma_wait3A_2023 = arith.constant 0 : i32
        %dma_wait3A_2024 = arith.constant 0 : i32
        %dma_wait3A_2025 = tpu.memref_slice %arg2[%dma_wait3A_2023, %dma_wait3A_2024] : memref<200x4096xi32, #tpu.memory_space<hbm>> -> memref<8x128xi32, #tpu.memory_space<hbm>>
        %dma_wait3A_2026 = arith.constant 0 : i32
        %dma_wait3A_2027 = arith.constant 0 : i32
        %dma_wait3A_2028 = tpu.memref_slice %arg5[%dma_wait3A_2018, %dma_wait3A_2026, %dma_wait3A_2027] : memref<2x8x128xi32, #tpu.memory_space<vmem>> -> memref<1x8x128xi32, #tpu.memory_space<vmem>>
        %dma_wait3A_2029 = tpu.memref_squeeze %dma_wait3A_2028 : memref<1x8x128xi32, #tpu.memory_space<vmem>> -> memref<8x128xi32, #tpu.memory_space<vmem>>
        %dma_wait3A_2030 = arith.constant 0 : i32
        %dma_wait3A_2031 = arith.constant 0 : i32
        %dma_wait3A_2032 = tpu.memref_slice %arg2[%dma_wait3A_2030, %dma_wait3A_2031] : memref<200x4096xi32, #tpu.memory_space<hbm>> -> memref<8x128xi32, #tpu.memory_space<hbm>>
        tpu.wait_dma2 semaphore(%arg9 : memref<!tpu.dma_semaphore, #tpu.memory_space<semaphore_mem>>) src(%dma_wait3A_2032 : memref<8x128xi32, #tpu.memory_space<hbm>>) dst(%dma_wait3A_2029 : memref<8x128xi32, #tpu.memory_space<vmem>>)
      } else {
      }
      %add3A_828 = arith.constant 3 : i32
      %add3A_829 = arith.addi %add3A_745, %add3A_828 : i32
      %lt3A_830 = arith.constant 200 : i32
      %lt3A_831 = arith.cmpi slt, %add3A_829, %lt3A_830 : i32
      %convert_element_type3A_832 = arith.extui %lt3A_831 : i1 to i32
      %cond3A_833 = arith.constant 0 : i32
      %cond3A_834 = arith.cmpi ne, %convert_element_type3A_832, %cond3A_833 : i32
      scf.if %cond3A_834 {
        %ge3A = arith.constant 2 : i32
        %ge3A_2018 = arith.cmpi sge, %add3A_745, %ge3A : i32
        %convert_element_type3A_2019 = arith.extui %ge3A_2018 : i1 to i32
        %cond3A_2020 = arith.constant 0 : i32
        %cond3A_2021 = arith.cmpi ne, %convert_element_type3A_2019, %cond3A_2020 : i32
        scf.if %cond3A_2021 {
          %dma_wait3A_2082 = arith.constant 4 : i32
          %dma_wait3A_2083 = arith.constant 4 : i32
          %dma_wait3A_2084 = arith.constant 0 : i32
          %dma_wait3A_2085 = arith.constant 0 : i32
          %dma_wait3A_2086 = tpu.memref_slice %arg6[%dma_wait3A_2082, %dma_wait3A_2084, %dma_wait3A_2085] : memref<5x128x128xf32, #tpu.memory_space<vmem>> -> memref<1x128x128xf32, #tpu.memory_space<vmem>>
          %dma_wait3A_2087 = tpu.memref_squeeze %dma_wait3A_2086 : memref<1x128x128xf32, #tpu.memory_space<vmem>> -> memref<128x128xf32, #tpu.memory_space<vmem>>
          %dma_wait3A_2088 = arith.constant 0 : i32
          %dma_wait3A_2089 = arith.constant 0 : i32
          %dma_wait3A_2090 = tpu.memref_slice %arg3[%dma_wait3A_2088, %dma_wait3A_2089] : memref<1000000x128xf32, #tpu.memory_space<hbm>> -> memref<128x128xf32, #tpu.memory_space<hbm>>
          %dma_wait3A_2091 = tpu.memref_slice %arg8[%dma_wait3A_2083] : memref<5x!tpu.dma_semaphore, #tpu.memory_space<semaphore_mem>> -> memref<1x!tpu.dma_semaphore, #tpu.memory_space<semaphore_mem>>
          %dma_wait3A_2092 = tpu.memref_squeeze %dma_wait3A_2091 : memref<1x!tpu.dma_semaphore, #tpu.memory_space<semaphore_mem>> -> memref<!tpu.dma_semaphore, #tpu.memory_space<semaphore_mem>>
          %dma_wait3A_2093 = arith.constant 0 : i32
          %dma_wait3A_2094 = arith.constant 0 : i32
          %dma_wait3A_2095 = tpu.memref_slice %arg6[%dma_wait3A_2082, %dma_wait3A_2093, %dma_wait3A_2094] : memref<5x128x128xf32, #tpu.memory_space<vmem>> -> memref<1x128x128xf32, #tpu.memory_space<vmem>>
          %dma_wait3A_2096 = tpu.memref_squeeze %dma_wait3A_2095 : memref<1x128x128xf32, #tpu.memory_space<vmem>> -> memref<128x128xf32, #tpu.memory_space<vmem>>
          %dma_wait3A_2097 = arith.constant 0 : i32
          %dma_wait3A_2098 = arith.constant 0 : i32
          %dma_wait3A_2099 = tpu.memref_slice %arg3[%dma_wait3A_2097, %dma_wait3A_2098] : memref<1000000x128xf32, #tpu.memory_space<hbm>> -> memref<128x128xf32, #tpu.memory_space<hbm>>
          tpu.wait_dma2 semaphore(%dma_wait3A_2092 : memref<!tpu.dma_semaphore, #tpu.memory_space<semaphore_mem>>) src(%dma_wait3A_2099 : memref<128x128xf32, #tpu.memory_space<hbm>>) dst(%dma_wait3A_2096 : memref<128x128xf32, #tpu.memory_space<vmem>>)
        } else {
        }
        %add3A_2022 = arith.constant 3 : i32
        %add3A_2023 = arith.addi %add3A_745, %add3A_2022 : i32
        %jit3A_2024 = arith.constant 8 : i32
        %div3A_2025 = arith.divsi %add3A_2023, %jit3A_2024 : i32
        %sign3A_2026 = arith.constant 0 : i32
        %sign3A_2027 = arith.cmpi sgt, %add3A_2023, %sign3A_2026 : i32
        %sign3A_2028 = arith.extui %sign3A_2027 : i1 to i32
        %sign3A_2029 = arith.constant 0 : i32
        %sign3A_2030 = arith.cmpi slt, %add3A_2023, %sign3A_2029 : i32
        %sign3A_2031 = arith.extui %sign3A_2030 : i1 to i32
        %sign3A_2032 = arith.subi %sign3A_2028, %sign3A_2031 : i32
        %sign3A_2033 = arith.constant 0 : i32
        %sign3A_2034 = arith.cmpi sgt, %jit3A_2024, %sign3A_2033 : i32
        %sign3A_2035 = arith.extui %sign3A_2034 : i1 to i32
        %sign3A_2036 = arith.constant 0 : i32
        %sign3A_2037 = arith.cmpi slt, %jit3A_2024, %sign3A_2036 : i32
        %sign3A_2038 = arith.extui %sign3A_2037 : i1 to i32
        %sign3A_2039 = arith.subi %sign3A_2035, %sign3A_2038 : i32
        %ne3A_2040 = arith.cmpi ne, %sign3A_2032, %sign3A_2039 : i32
        %rem3A_2041 = arith.remsi %add3A_2023, %jit3A_2024 : i32
        %ne3A_2042 = arith.constant 0 : i32
        %ne3A_2043 = arith.cmpi ne, %rem3A_2041, %ne3A_2042 : i32
        %and3A_2044 = arith.andi %ne3A_2040, %ne3A_2043 : i1
        %sub3A_2045 = arith.constant 1 : i32
        %sub3A_2046 = arith.subi %div3A_2025, %sub3A_2045 : i32
        %select_n3A_2047 = arith.select %and3A_2044, %sub3A_2046, %div3A_2025 : i32
        %rem3A_2048 = arith.constant 8 : i32
        %rem3A_2049 = arith.remsi %add3A_2023, %rem3A_2048 : i32
        %rem3A_2050 = arith.constant 2 : i32
        %rem3A_2051 = arith.remsi %select_n3A_2047, %rem3A_2050 : i32
        %dma_start3A_2052 = arith.constant 4 : i32
        %dma_start3A_2053 = arith.constant 4 : i32
        %dma_start3A_2054 = arith.constant 0 : i32
        %dma_start3A_2055 = arith.constant 0 : i32
        %dma_start3A_2056 = tpu.memref_slice %arg6[%dma_start3A_2052, %dma_start3A_2054, %dma_start3A_2055] : memref<5x128x128xf32, #tpu.memory_space<vmem>> -> memref<1x64x128xf32, #tpu.memory_space<vmem>>
        %dma_start3A_2057 = tpu.memref_squeeze %dma_start3A_2056 : memref<1x64x128xf32, #tpu.memory_space<vmem>> -> memref<64x128xf32, #tpu.memory_space<vmem>>
        %dma_start3A_2058 = arith.constant 0 : i32
        %dma_start3A_2059 = tpu.memref_slice %arg5[%rem3A_2051, %rem3A_2049, %dma_start3A_2058] : memref<2x8x128xi32, #tpu.memory_space<vmem>> -> memref<1x1x64xi32, #tpu.memory_space<vmem>>
        %dma_start3A_2060 = tpu.memref_squeeze %dma_start3A_2059 : memref<1x1x64xi32, #tpu.memory_space<vmem>> -> memref<64xi32, #tpu.memory_space<vmem>>
        %dma_start3A_2061 = arith.constant 0 : i32
        %dma_start3A_2062 = arith.constant 0 : i32
        %dma_start3A_2063 = tpu.memref_slice %arg3[%dma_start3A_2061, %dma_start3A_2062] : memref<1000000x128xf32, #tpu.memory_space<hbm>> -> memref<1000000x128xf32, #tpu.memory_space<hbm>>
        %dma_start3A_2064 = tpu.memref_slice %arg7[%dma_start3A_2053] : memref<5x!tpu.dma_semaphore, #tpu.memory_space<semaphore_mem>> -> memref<1x!tpu.dma_semaphore, #tpu.memory_space<semaphore_mem>>
        %dma_start3A_2065 = tpu.memref_squeeze %dma_start3A_2064 : memref<1x!tpu.dma_semaphore, #tpu.memory_space<semaphore_mem>> -> memref<!tpu.dma_semaphore, #tpu.memory_space<semaphore_mem>>
        tpu.enqueue_indirect_dma source(%dma_start3A_2063 : memref<1000000x128xf32, #tpu.memory_space<hbm>>) target(%dma_start3A_2057 : memref<64x128xf32, #tpu.memory_space<vmem>>) offsets(%dma_start3A_2060 : memref<64xi32, #tpu.memory_space<vmem>>) semaphore(%dma_start3A_2065 : memref<!tpu.dma_semaphore, #tpu.memory_space<semaphore_mem>>)
        %rem3A_2066 = arith.constant 2 : i32
        %rem3A_2067 = arith.remsi %select_n3A_2047, %rem3A_2066 : i32
        %dma_start3A_2068 = arith.constant 4 : i32
        %dma_start3A_2069 = arith.constant 4 : i32
        %dma_start3A_2070 = arith.constant 64 : i32
        %dma_start3A_2071 = arith.constant 0 : i32
        %dma_start3A_2072 = tpu.memref_slice %arg6[%dma_start3A_2068, %dma_start3A_2070, %dma_start3A_2071] : memref<5x128x128xf32, #tpu.memory_space<vmem>> -> memref<1x64x128xf32, #tpu.memory_space<vmem>>
        %dma_start3A_2073 = tpu.memref_squeeze %dma_start3A_2072 : memref<1x64x128xf32, #tpu.memory_space<vmem>> -> memref<64x128xf32, #tpu.memory_space<vmem>>
        %dma_start3A_2074 = arith.constant 64 : i32
        %dma_start3A_2075 = tpu.memref_slice %arg5[%rem3A_2067, %rem3A_2049, %dma_start3A_2074] : memref<2x8x128xi32, #tpu.memory_space<vmem>> -> memref<1x1x64xi32, #tpu.memory_space<vmem>>
        %dma_start3A_2076 = tpu.memref_squeeze %dma_start3A_2075 : memref<1x1x64xi32, #tpu.memory_space<vmem>> -> memref<64xi32, #tpu.memory_space<vmem>>
        %dma_start3A_2077 = arith.constant 0 : i32
        %dma_start3A_2078 = arith.constant 0 : i32
        %dma_start3A_2079 = tpu.memref_slice %arg3[%dma_start3A_2077, %dma_start3A_2078] : memref<1000000x128xf32, #tpu.memory_space<hbm>> -> memref<1000000x128xf32, #tpu.memory_space<hbm>>
        %dma_start3A_2080 = tpu.memref_slice %arg7[%dma_start3A_2069] : memref<5x!tpu.dma_semaphore, #tpu.memory_space<semaphore_mem>> -> memref<1x!tpu.dma_semaphore, #tpu.memory_space<semaphore_mem>>
        %dma_start3A_2081 = tpu.memref_squeeze %dma_start3A_2080 : memref<1x!tpu.dma_semaphore, #tpu.memory_space<semaphore_mem>> -> memref<!tpu.dma_semaphore, #tpu.memory_space<semaphore_mem>>
        tpu.enqueue_indirect_dma source(%dma_start3A_2079 : memref<1000000x128xf32, #tpu.memory_space<hbm>>) target(%dma_start3A_2073 : memref<64x128xf32, #tpu.memory_space<vmem>>) offsets(%dma_start3A_2076 : memref<64xi32, #tpu.memory_space<vmem>>) semaphore(%dma_start3A_2081 : memref<!tpu.dma_semaphore, #tpu.memory_space<semaphore_mem>>)
      } else {
      }
      %add3A_835 = arith.constant 7 : i32
      %add3A_836 = arith.addi %mul3A_208, %add3A_835 : i32
      %jit3A_837 = arith.constant 8 : i32
      %div3A_838 = arith.divsi %add3A_836, %jit3A_837 : i32
      %sign3A_839 = arith.constant 0 : i32
      %sign3A_840 = arith.cmpi sgt, %add3A_836, %sign3A_839 : i32
      %sign3A_841 = arith.extui %sign3A_840 : i1 to i32
      %sign3A_842 = arith.constant 0 : i32
      %sign3A_843 = arith.cmpi slt, %add3A_836, %sign3A_842 : i32
      %sign3A_844 = arith.extui %sign3A_843 : i1 to i32
      %sign3A_845 = arith.subi %sign3A_841, %sign3A_844 : i32
      %sign3A_846 = arith.constant 0 : i32
      %sign3A_847 = arith.cmpi sgt, %jit3A_837, %sign3A_846 : i32
      %sign3A_848 = arith.extui %sign3A_847 : i1 to i32
      %sign3A_849 = arith.constant 0 : i32
      %sign3A_850 = arith.cmpi slt, %jit3A_837, %sign3A_849 : i32
      %sign3A_851 = arith.extui %sign3A_850 : i1 to i32
      %sign3A_852 = arith.subi %sign3A_848, %sign3A_851 : i32
      %ne3A_853 = arith.cmpi ne, %sign3A_845, %sign3A_852 : i32
      %rem3A_854 = arith.remsi %add3A_836, %jit3A_837 : i32
      %ne3A_855 = arith.constant 0 : i32
      %ne3A_856 = arith.cmpi ne, %rem3A_854, %ne3A_855 : i32
      %and3A_857 = arith.andi %ne3A_853, %ne3A_856 : i1
      %sub3A_858 = arith.constant 1 : i32
      %sub3A_859 = arith.subi %div3A_838, %sub3A_858 : i32
      %select_n3A_860 = arith.select %and3A_857, %sub3A_859, %div3A_838 : i32
      %rem3A_861 = arith.constant 8 : i32
      %rem3A_862 = arith.remsi %add3A_836, %rem3A_861 : i32
      %dma_wait3A_863 = arith.constant 2 : i32
      %dma_wait3A_864 = arith.constant 2 : i32
      %dma_wait3A_865 = arith.constant 0 : i32
      %dma_wait3A_866 = arith.constant 0 : i32
      %dma_wait3A_867 = tpu.memref_slice %arg6[%dma_wait3A_863, %dma_wait3A_865, %dma_wait3A_866] : memref<5x128x128xf32, #tpu.memory_space<vmem>> -> memref<1x128x128xf32, #tpu.memory_space<vmem>>
      %dma_wait3A_868 = tpu.memref_squeeze %dma_wait3A_867 : memref<1x128x128xf32, #tpu.memory_space<vmem>> -> memref<128x128xf32, #tpu.memory_space<vmem>>
      %dma_wait3A_869 = arith.constant 0 : i32
      %dma_wait3A_870 = arith.constant 0 : i32
      %dma_wait3A_871 = tpu.memref_slice %arg3[%dma_wait3A_869, %dma_wait3A_870] : memref<1000000x128xf32, #tpu.memory_space<hbm>> -> memref<128x128xf32, #tpu.memory_space<hbm>>
      %dma_wait3A_872 = tpu.memref_slice %arg7[%dma_wait3A_864] : memref<5x!tpu.dma_semaphore, #tpu.memory_space<semaphore_mem>> -> memref<1x!tpu.dma_semaphore, #tpu.memory_space<semaphore_mem>>
      %dma_wait3A_873 = tpu.memref_squeeze %dma_wait3A_872 : memref<1x!tpu.dma_semaphore, #tpu.memory_space<semaphore_mem>> -> memref<!tpu.dma_semaphore, #tpu.memory_space<semaphore_mem>>
      %dma_wait3A_874 = arith.constant 0 : i32
      %dma_wait3A_875 = arith.constant 0 : i32
      %dma_wait3A_876 = tpu.memref_slice %arg6[%dma_wait3A_863, %dma_wait3A_874, %dma_wait3A_875] : memref<5x128x128xf32, #tpu.memory_space<vmem>> -> memref<1x128x128xf32, #tpu.memory_space<vmem>>
      %dma_wait3A_877 = tpu.memref_squeeze %dma_wait3A_876 : memref<1x128x128xf32, #tpu.memory_space<vmem>> -> memref<128x128xf32, #tpu.memory_space<vmem>>
      %dma_wait3A_878 = arith.constant 0 : i32
      %dma_wait3A_879 = arith.constant 0 : i32
      %dma_wait3A_880 = tpu.memref_slice %arg3[%dma_wait3A_878, %dma_wait3A_879] : memref<1000000x128xf32, #tpu.memory_space<hbm>> -> memref<128x128xf32, #tpu.memory_space<hbm>>
      tpu.wait_dma2 semaphore(%dma_wait3A_873 : memref<!tpu.dma_semaphore, #tpu.memory_space<semaphore_mem>>) src(%dma_wait3A_880 : memref<128x128xf32, #tpu.memory_space<hbm>>) dst(%dma_wait3A_877 : memref<128x128xf32, #tpu.memory_space<vmem>>)
      %eq3A_881 = arith.constant 0 : i32
      %eq3A_882 = arith.cmpi eq, %rem3A_862, %eq3A_881 : i32
      %add3A_883 = arith.constant 1 : i32
      %add3A_884 = arith.addi %select_n3A_860, %add3A_883 : i32
      %lt3A_885 = arith.constant 25 : i32
      %lt3A_886 = arith.cmpi slt, %add3A_884, %lt3A_885 : i32
      %and3A_887 = arith.andi %eq3A_882, %lt3A_886 : i1
      %convert_element_type3A_888 = arith.extui %and3A_887 : i1 to i32
      %cond3A_889 = arith.constant 0 : i32
      %cond3A_890 = arith.cmpi ne, %convert_element_type3A_888, %cond3A_889 : i32
      scf.if %cond3A_890 {
        %add3A_2018 = arith.constant 1 : i32
        %add3A_2019 = arith.addi %select_n3A_860, %add3A_2018 : i32
        %mul3A_2020 = arith.constant 8 : i32
        %mul3A_2021 = arith.muli %add3A_2019, %mul3A_2020 : i32
        %add3A_2022 = arith.constant 1 : i32
        %add3A_2023 = arith.addi %select_n3A_860, %add3A_2022 : i32
        %rem3A_2024 = arith.constant 2 : i32
        %rem3A_2025 = arith.remsi %add3A_2023, %rem3A_2024 : i32
        %dma_start3A_2026 = arith.constant 0 : i32
        %dma_start3A_2027 = arith.constant 0 : i32
        %dma_start3A_2028 = tpu.memref_slice %arg5[%rem3A_2025, %dma_start3A_2026, %dma_start3A_2027] : memref<2x8x128xi32, #tpu.memory_space<vmem>> -> memref<1x8x128xi32, #tpu.memory_space<vmem>>
        %dma_start3A_2029 = tpu.memref_squeeze %dma_start3A_2028 : memref<1x8x128xi32, #tpu.memory_space<vmem>> -> memref<8x128xi32, #tpu.memory_space<vmem>>
        %dma_start3A_2030 = tpu.memref_slice %arg2[%mul3A_2021, %mul3A_2] : memref<200x4096xi32, #tpu.memory_space<hbm>> -> memref<8x128xi32, #tpu.memory_space<hbm>>
        %dma_start3A_2031 = arith.constant 0 : i32
        %dma_start3A_2032 = arith.constant 0 : i32
        %dma_start3A_2033 = tpu.memref_slice %arg5[%rem3A_2025, %dma_start3A_2031, %dma_start3A_2032] : memref<2x8x128xi32, #tpu.memory_space<vmem>> -> memref<1x8x128xi32, #tpu.memory_space<vmem>>
        %dma_start3A_2034 = tpu.memref_squeeze %dma_start3A_2033 : memref<1x8x128xi32, #tpu.memory_space<vmem>> -> memref<8x128xi32, #tpu.memory_space<vmem>>
        %dma_start3A_2035 = tpu.memref_slice %arg2[%mul3A_2021, %mul3A_2] : memref<200x4096xi32, #tpu.memory_space<hbm>> -> memref<8x128xi32, #tpu.memory_space<hbm>>
        tpu.enqueue_dma source(%dma_start3A_2035 : memref<8x128xi32, #tpu.memory_space<hbm>>) target(%dma_start3A_2034 : memref<8x128xi32, #tpu.memory_space<vmem>>) target_semaphore(%arg9 : memref<!tpu.dma_semaphore, #tpu.memory_space<semaphore_mem>>)
      } else {
      }
      %dma_start3A_891 = arith.constant 2 : i32
      %dma_start3A_892 = arith.constant 2 : i32
      %dma_start3A_893 = arith.constant 0 : i32
      %dma_start3A_894 = arith.constant 0 : i32
      %dma_start3A_895 = tpu.memref_slice %arg6[%dma_start3A_891, %dma_start3A_893, %dma_start3A_894] : memref<5x128x128xf32, #tpu.memory_space<vmem>> -> memref<1x128x128xf32, #tpu.memory_space<vmem>>
      %dma_start3A_896 = tpu.memref_squeeze %dma_start3A_895 : memref<1x128x128xf32, #tpu.memory_space<vmem>> -> memref<128x128xf32, #tpu.memory_space<vmem>>
      %dma_start3A_897 = arith.constant 0 : i32
      %dma_start3A_898 = tpu.memref_slice %arg4[%add3A_836, %mul3A_2, %dma_start3A_897] : memref<200x4096x128xf32, #tpu.memory_space<hbm>> -> memref<1x128x128xf32, #tpu.memory_space<hbm>>
      %dma_start3A_899 = tpu.memref_squeeze %dma_start3A_898 : memref<1x128x128xf32, #tpu.memory_space<hbm>> -> memref<128x128xf32, #tpu.memory_space<hbm>>
      %dma_start3A_900 = tpu.memref_slice %arg8[%dma_start3A_892] : memref<5x!tpu.dma_semaphore, #tpu.memory_space<semaphore_mem>> -> memref<1x!tpu.dma_semaphore, #tpu.memory_space<semaphore_mem>>
      %dma_start3A_901 = tpu.memref_squeeze %dma_start3A_900 : memref<1x!tpu.dma_semaphore, #tpu.memory_space<semaphore_mem>> -> memref<!tpu.dma_semaphore, #tpu.memory_space<semaphore_mem>>
      %dma_start3A_902 = arith.constant 0 : i32
      %dma_start3A_903 = tpu.memref_slice %arg4[%add3A_836, %mul3A_2, %dma_start3A_902] : memref<200x4096x128xf32, #tpu.memory_space<hbm>> -> memref<1x128x128xf32, #tpu.memory_space<hbm>>
      %dma_start3A_904 = tpu.memref_squeeze %dma_start3A_903 : memref<1x128x128xf32, #tpu.memory_space<hbm>> -> memref<128x128xf32, #tpu.memory_space<hbm>>
      %dma_start3A_905 = arith.constant 0 : i32
      %dma_start3A_906 = arith.constant 0 : i32
      %dma_start3A_907 = tpu.memref_slice %arg6[%dma_start3A_891, %dma_start3A_905, %dma_start3A_906] : memref<5x128x128xf32, #tpu.memory_space<vmem>> -> memref<1x128x128xf32, #tpu.memory_space<vmem>>
      %dma_start3A_908 = tpu.memref_squeeze %dma_start3A_907 : memref<1x128x128xf32, #tpu.memory_space<vmem>> -> memref<128x128xf32, #tpu.memory_space<vmem>>
      tpu.enqueue_dma source(%dma_start3A_908 : memref<128x128xf32, #tpu.memory_space<vmem>>) target(%dma_start3A_904 : memref<128x128xf32, #tpu.memory_space<hbm>>) target_semaphore(%dma_start3A_901 : memref<!tpu.dma_semaphore, #tpu.memory_space<semaphore_mem>>)
      %eq3A_909 = arith.constant 4 : i32
      %eq3A_910 = arith.cmpi eq, %rem3A_862, %eq3A_909 : i32
      %add3A_911 = arith.constant 1 : i32
      %add3A_912 = arith.addi %select_n3A_860, %add3A_911 : i32
      %lt3A_913 = arith.constant 25 : i32
      %lt3A_914 = arith.cmpi slt, %add3A_912, %lt3A_913 : i32
      %and3A_915 = arith.andi %eq3A_910, %lt3A_914 : i1
      %convert_element_type3A_916 = arith.extui %and3A_915 : i1 to i32
      %cond3A_917 = arith.constant 0 : i32
      %cond3A_918 = arith.cmpi ne, %convert_element_type3A_916, %cond3A_917 : i32
      scf.if %cond3A_918 {
        %dma_wait3A_2018 = arith.constant 0 : i32
        %dma_wait3A_2019 = arith.constant 0 : i32
        %dma_wait3A_2020 = arith.constant 0 : i32
        %dma_wait3A_2021 = tpu.memref_slice %arg5[%dma_wait3A_2018, %dma_wait3A_2019, %dma_wait3A_2020] : memref<2x8x128xi32, #tpu.memory_space<vmem>> -> memref<1x8x128xi32, #tpu.memory_space<vmem>>
        %dma_wait3A_2022 = tpu.memref_squeeze %dma_wait3A_2021 : memref<1x8x128xi32, #tpu.memory_space<vmem>> -> memref<8x128xi32, #tpu.memory_space<vmem>>
        %dma_wait3A_2023 = arith.constant 0 : i32
        %dma_wait3A_2024 = arith.constant 0 : i32
        %dma_wait3A_2025 = tpu.memref_slice %arg2[%dma_wait3A_2023, %dma_wait3A_2024] : memref<200x4096xi32, #tpu.memory_space<hbm>> -> memref<8x128xi32, #tpu.memory_space<hbm>>
        %dma_wait3A_2026 = arith.constant 0 : i32
        %dma_wait3A_2027 = arith.constant 0 : i32
        %dma_wait3A_2028 = tpu.memref_slice %arg5[%dma_wait3A_2018, %dma_wait3A_2026, %dma_wait3A_2027] : memref<2x8x128xi32, #tpu.memory_space<vmem>> -> memref<1x8x128xi32, #tpu.memory_space<vmem>>
        %dma_wait3A_2029 = tpu.memref_squeeze %dma_wait3A_2028 : memref<1x8x128xi32, #tpu.memory_space<vmem>> -> memref<8x128xi32, #tpu.memory_space<vmem>>
        %dma_wait3A_2030 = arith.constant 0 : i32
        %dma_wait3A_2031 = arith.constant 0 : i32
        %dma_wait3A_2032 = tpu.memref_slice %arg2[%dma_wait3A_2030, %dma_wait3A_2031] : memref<200x4096xi32, #tpu.memory_space<hbm>> -> memref<8x128xi32, #tpu.memory_space<hbm>>
        tpu.wait_dma2 semaphore(%arg9 : memref<!tpu.dma_semaphore, #tpu.memory_space<semaphore_mem>>) src(%dma_wait3A_2032 : memref<8x128xi32, #tpu.memory_space<hbm>>) dst(%dma_wait3A_2029 : memref<8x128xi32, #tpu.memory_space<vmem>>)
      } else {
      }
      %add3A_919 = arith.constant 3 : i32
      %add3A_920 = arith.addi %add3A_836, %add3A_919 : i32
      %lt3A_921 = arith.constant 200 : i32
      %lt3A_922 = arith.cmpi slt, %add3A_920, %lt3A_921 : i32
      %convert_element_type3A_923 = arith.extui %lt3A_922 : i1 to i32
      %cond3A_924 = arith.constant 0 : i32
      %cond3A_925 = arith.cmpi ne, %convert_element_type3A_923, %cond3A_924 : i32
      scf.if %cond3A_925 {
        %ge3A = arith.constant 2 : i32
        %ge3A_2018 = arith.cmpi sge, %add3A_836, %ge3A : i32
        %convert_element_type3A_2019 = arith.extui %ge3A_2018 : i1 to i32
        %cond3A_2020 = arith.constant 0 : i32
        %cond3A_2021 = arith.cmpi ne, %convert_element_type3A_2019, %cond3A_2020 : i32
        scf.if %cond3A_2021 {
          %dma_wait3A_2082 = arith.constant 0 : i32
          %dma_wait3A_2083 = arith.constant 0 : i32
          %dma_wait3A_2084 = arith.constant 0 : i32
          %dma_wait3A_2085 = arith.constant 0 : i32
          %dma_wait3A_2086 = tpu.memref_slice %arg6[%dma_wait3A_2082, %dma_wait3A_2084, %dma_wait3A_2085] : memref<5x128x128xf32, #tpu.memory_space<vmem>> -> memref<1x128x128xf32, #tpu.memory_space<vmem>>
          %dma_wait3A_2087 = tpu.memref_squeeze %dma_wait3A_2086 : memref<1x128x128xf32, #tpu.memory_space<vmem>> -> memref<128x128xf32, #tpu.memory_space<vmem>>
          %dma_wait3A_2088 = arith.constant 0 : i32
          %dma_wait3A_2089 = arith.constant 0 : i32
          %dma_wait3A_2090 = tpu.memref_slice %arg3[%dma_wait3A_2088, %dma_wait3A_2089] : memref<1000000x128xf32, #tpu.memory_space<hbm>> -> memref<128x128xf32, #tpu.memory_space<hbm>>
          %dma_wait3A_2091 = tpu.memref_slice %arg8[%dma_wait3A_2083] : memref<5x!tpu.dma_semaphore, #tpu.memory_space<semaphore_mem>> -> memref<1x!tpu.dma_semaphore, #tpu.memory_space<semaphore_mem>>
          %dma_wait3A_2092 = tpu.memref_squeeze %dma_wait3A_2091 : memref<1x!tpu.dma_semaphore, #tpu.memory_space<semaphore_mem>> -> memref<!tpu.dma_semaphore, #tpu.memory_space<semaphore_mem>>
          %dma_wait3A_2093 = arith.constant 0 : i32
          %dma_wait3A_2094 = arith.constant 0 : i32
          %dma_wait3A_2095 = tpu.memref_slice %arg6[%dma_wait3A_2082, %dma_wait3A_2093, %dma_wait3A_2094] : memref<5x128x128xf32, #tpu.memory_space<vmem>> -> memref<1x128x128xf32, #tpu.memory_space<vmem>>
          %dma_wait3A_2096 = tpu.memref_squeeze %dma_wait3A_2095 : memref<1x128x128xf32, #tpu.memory_space<vmem>> -> memref<128x128xf32, #tpu.memory_space<vmem>>
          %dma_wait3A_2097 = arith.constant 0 : i32
          %dma_wait3A_2098 = arith.constant 0 : i32
          %dma_wait3A_2099 = tpu.memref_slice %arg3[%dma_wait3A_2097, %dma_wait3A_2098] : memref<1000000x128xf32, #tpu.memory_space<hbm>> -> memref<128x128xf32, #tpu.memory_space<hbm>>
          tpu.wait_dma2 semaphore(%dma_wait3A_2092 : memref<!tpu.dma_semaphore, #tpu.memory_space<semaphore_mem>>) src(%dma_wait3A_2099 : memref<128x128xf32, #tpu.memory_space<hbm>>) dst(%dma_wait3A_2096 : memref<128x128xf32, #tpu.memory_space<vmem>>)
        } else {
        }
        %add3A_2022 = arith.constant 3 : i32
        %add3A_2023 = arith.addi %add3A_836, %add3A_2022 : i32
        %jit3A_2024 = arith.constant 8 : i32
        %div3A_2025 = arith.divsi %add3A_2023, %jit3A_2024 : i32
        %sign3A_2026 = arith.constant 0 : i32
        %sign3A_2027 = arith.cmpi sgt, %add3A_2023, %sign3A_2026 : i32
        %sign3A_2028 = arith.extui %sign3A_2027 : i1 to i32
        %sign3A_2029 = arith.constant 0 : i32
        %sign3A_2030 = arith.cmpi slt, %add3A_2023, %sign3A_2029 : i32
        %sign3A_2031 = arith.extui %sign3A_2030 : i1 to i32
        %sign3A_2032 = arith.subi %sign3A_2028, %sign3A_2031 : i32
        %sign3A_2033 = arith.constant 0 : i32
        %sign3A_2034 = arith.cmpi sgt, %jit3A_2024, %sign3A_2033 : i32
        %sign3A_2035 = arith.extui %sign3A_2034 : i1 to i32
        %sign3A_2036 = arith.constant 0 : i32
        %sign3A_2037 = arith.cmpi slt, %jit3A_2024, %sign3A_2036 : i32
        %sign3A_2038 = arith.extui %sign3A_2037 : i1 to i32
        %sign3A_2039 = arith.subi %sign3A_2035, %sign3A_2038 : i32
        %ne3A_2040 = arith.cmpi ne, %sign3A_2032, %sign3A_2039 : i32
        %rem3A_2041 = arith.remsi %add3A_2023, %jit3A_2024 : i32
        %ne3A_2042 = arith.constant 0 : i32
        %ne3A_2043 = arith.cmpi ne, %rem3A_2041, %ne3A_2042 : i32
        %and3A_2044 = arith.andi %ne3A_2040, %ne3A_2043 : i1
        %sub3A_2045 = arith.constant 1 : i32
        %sub3A_2046 = arith.subi %div3A_2025, %sub3A_2045 : i32
        %select_n3A_2047 = arith.select %and3A_2044, %sub3A_2046, %div3A_2025 : i32
        %rem3A_2048 = arith.constant 8 : i32
        %rem3A_2049 = arith.remsi %add3A_2023, %rem3A_2048 : i32
        %rem3A_2050 = arith.constant 2 : i32
        %rem3A_2051 = arith.remsi %select_n3A_2047, %rem3A_2050 : i32
        %dma_start3A_2052 = arith.constant 0 : i32
        %dma_start3A_2053 = arith.constant 0 : i32
        %dma_start3A_2054 = arith.constant 0 : i32
        %dma_start3A_2055 = arith.constant 0 : i32
        %dma_start3A_2056 = tpu.memref_slice %arg6[%dma_start3A_2052, %dma_start3A_2054, %dma_start3A_2055] : memref<5x128x128xf32, #tpu.memory_space<vmem>> -> memref<1x64x128xf32, #tpu.memory_space<vmem>>
        %dma_start3A_2057 = tpu.memref_squeeze %dma_start3A_2056 : memref<1x64x128xf32, #tpu.memory_space<vmem>> -> memref<64x128xf32, #tpu.memory_space<vmem>>
        %dma_start3A_2058 = arith.constant 0 : i32
        %dma_start3A_2059 = tpu.memref_slice %arg5[%rem3A_2051, %rem3A_2049, %dma_start3A_2058] : memref<2x8x128xi32, #tpu.memory_space<vmem>> -> memref<1x1x64xi32, #tpu.memory_space<vmem>>
        %dma_start3A_2060 = tpu.memref_squeeze %dma_start3A_2059 : memref<1x1x64xi32, #tpu.memory_space<vmem>> -> memref<64xi32, #tpu.memory_space<vmem>>
        %dma_start3A_2061 = arith.constant 0 : i32
        %dma_start3A_2062 = arith.constant 0 : i32
        %dma_start3A_2063 = tpu.memref_slice %arg3[%dma_start3A_2061, %dma_start3A_2062] : memref<1000000x128xf32, #tpu.memory_space<hbm>> -> memref<1000000x128xf32, #tpu.memory_space<hbm>>
        %dma_start3A_2064 = tpu.memref_slice %arg7[%dma_start3A_2053] : memref<5x!tpu.dma_semaphore, #tpu.memory_space<semaphore_mem>> -> memref<1x!tpu.dma_semaphore, #tpu.memory_space<semaphore_mem>>
        %dma_start3A_2065 = tpu.memref_squeeze %dma_start3A_2064 : memref<1x!tpu.dma_semaphore, #tpu.memory_space<semaphore_mem>> -> memref<!tpu.dma_semaphore, #tpu.memory_space<semaphore_mem>>
        tpu.enqueue_indirect_dma source(%dma_start3A_2063 : memref<1000000x128xf32, #tpu.memory_space<hbm>>) target(%dma_start3A_2057 : memref<64x128xf32, #tpu.memory_space<vmem>>) offsets(%dma_start3A_2060 : memref<64xi32, #tpu.memory_space<vmem>>) semaphore(%dma_start3A_2065 : memref<!tpu.dma_semaphore, #tpu.memory_space<semaphore_mem>>)
        %rem3A_2066 = arith.constant 2 : i32
        %rem3A_2067 = arith.remsi %select_n3A_2047, %rem3A_2066 : i32
        %dma_start3A_2068 = arith.constant 0 : i32
        %dma_start3A_2069 = arith.constant 0 : i32
        %dma_start3A_2070 = arith.constant 64 : i32
        %dma_start3A_2071 = arith.constant 0 : i32
        %dma_start3A_2072 = tpu.memref_slice %arg6[%dma_start3A_2068, %dma_start3A_2070, %dma_start3A_2071] : memref<5x128x128xf32, #tpu.memory_space<vmem>> -> memref<1x64x128xf32, #tpu.memory_space<vmem>>
        %dma_start3A_2073 = tpu.memref_squeeze %dma_start3A_2072 : memref<1x64x128xf32, #tpu.memory_space<vmem>> -> memref<64x128xf32, #tpu.memory_space<vmem>>
        %dma_start3A_2074 = arith.constant 64 : i32
        %dma_start3A_2075 = tpu.memref_slice %arg5[%rem3A_2067, %rem3A_2049, %dma_start3A_2074] : memref<2x8x128xi32, #tpu.memory_space<vmem>> -> memref<1x1x64xi32, #tpu.memory_space<vmem>>
        %dma_start3A_2076 = tpu.memref_squeeze %dma_start3A_2075 : memref<1x1x64xi32, #tpu.memory_space<vmem>> -> memref<64xi32, #tpu.memory_space<vmem>>
        %dma_start3A_2077 = arith.constant 0 : i32
        %dma_start3A_2078 = arith.constant 0 : i32
        %dma_start3A_2079 = tpu.memref_slice %arg3[%dma_start3A_2077, %dma_start3A_2078] : memref<1000000x128xf32, #tpu.memory_space<hbm>> -> memref<1000000x128xf32, #tpu.memory_space<hbm>>
        %dma_start3A_2080 = tpu.memref_slice %arg7[%dma_start3A_2069] : memref<5x!tpu.dma_semaphore, #tpu.memory_space<semaphore_mem>> -> memref<1x!tpu.dma_semaphore, #tpu.memory_space<semaphore_mem>>
        %dma_start3A_2081 = tpu.memref_squeeze %dma_start3A_2080 : memref<1x!tpu.dma_semaphore, #tpu.memory_space<semaphore_mem>> -> memref<!tpu.dma_semaphore, #tpu.memory_space<semaphore_mem>>
        tpu.enqueue_indirect_dma source(%dma_start3A_2079 : memref<1000000x128xf32, #tpu.memory_space<hbm>>) target(%dma_start3A_2073 : memref<64x128xf32, #tpu.memory_space<vmem>>) offsets(%dma_start3A_2076 : memref<64xi32, #tpu.memory_space<vmem>>) semaphore(%dma_start3A_2081 : memref<!tpu.dma_semaphore, #tpu.memory_space<semaphore_mem>>)
      } else {
      }
      %add3A_926 = arith.constant 8 : i32
      %add3A_927 = arith.addi %mul3A_208, %add3A_926 : i32
      %jit3A_928 = arith.constant 8 : i32
      %div3A_929 = arith.divsi %add3A_927, %jit3A_928 : i32
      %sign3A_930 = arith.constant 0 : i32
      %sign3A_931 = arith.cmpi sgt, %add3A_927, %sign3A_930 : i32
      %sign3A_932 = arith.extui %sign3A_931 : i1 to i32
      %sign3A_933 = arith.constant 0 : i32
      %sign3A_934 = arith.cmpi slt, %add3A_927, %sign3A_933 : i32
      %sign3A_935 = arith.extui %sign3A_934 : i1 to i32
      %sign3A_936 = arith.subi %sign3A_932, %sign3A_935 : i32
      %sign3A_937 = arith.constant 0 : i32
      %sign3A_938 = arith.cmpi sgt, %jit3A_928, %sign3A_937 : i32
      %sign3A_939 = arith.extui %sign3A_938 : i1 to i32
      %sign3A_940 = arith.constant 0 : i32
      %sign3A_941 = arith.cmpi slt, %jit3A_928, %sign3A_940 : i32
      %sign3A_942 = arith.extui %sign3A_941 : i1 to i32
      %sign3A_943 = arith.subi %sign3A_939, %sign3A_942 : i32
      %ne3A_944 = arith.cmpi ne, %sign3A_936, %sign3A_943 : i32
      %rem3A_945 = arith.remsi %add3A_927, %jit3A_928 : i32
      %ne3A_946 = arith.constant 0 : i32
      %ne3A_947 = arith.cmpi ne, %rem3A_945, %ne3A_946 : i32
      %and3A_948 = arith.andi %ne3A_944, %ne3A_947 : i1
      %sub3A_949 = arith.constant 1 : i32
      %sub3A_950 = arith.subi %div3A_929, %sub3A_949 : i32
      %select_n3A_951 = arith.select %and3A_948, %sub3A_950, %div3A_929 : i32
      %rem3A_952 = arith.constant 8 : i32
      %rem3A_953 = arith.remsi %add3A_927, %rem3A_952 : i32
      %dma_wait3A_954 = arith.constant 3 : i32
      %dma_wait3A_955 = arith.constant 3 : i32
      %dma_wait3A_956 = arith.constant 0 : i32
      %dma_wait3A_957 = arith.constant 0 : i32
      %dma_wait3A_958 = tpu.memref_slice %arg6[%dma_wait3A_954, %dma_wait3A_956, %dma_wait3A_957] : memref<5x128x128xf32, #tpu.memory_space<vmem>> -> memref<1x128x128xf32, #tpu.memory_space<vmem>>
      %dma_wait3A_959 = tpu.memref_squeeze %dma_wait3A_958 : memref<1x128x128xf32, #tpu.memory_space<vmem>> -> memref<128x128xf32, #tpu.memory_space<vmem>>
      %dma_wait3A_960 = arith.constant 0 : i32
      %dma_wait3A_961 = arith.constant 0 : i32
      %dma_wait3A_962 = tpu.memref_slice %arg3[%dma_wait3A_960, %dma_wait3A_961] : memref<1000000x128xf32, #tpu.memory_space<hbm>> -> memref<128x128xf32, #tpu.memory_space<hbm>>
      %dma_wait3A_963 = tpu.memref_slice %arg7[%dma_wait3A_955] : memref<5x!tpu.dma_semaphore, #tpu.memory_space<semaphore_mem>> -> memref<1x!tpu.dma_semaphore, #tpu.memory_space<semaphore_mem>>
      %dma_wait3A_964 = tpu.memref_squeeze %dma_wait3A_963 : memref<1x!tpu.dma_semaphore, #tpu.memory_space<semaphore_mem>> -> memref<!tpu.dma_semaphore, #tpu.memory_space<semaphore_mem>>
      %dma_wait3A_965 = arith.constant 0 : i32
      %dma_wait3A_966 = arith.constant 0 : i32
      %dma_wait3A_967 = tpu.memref_slice %arg6[%dma_wait3A_954, %dma_wait3A_965, %dma_wait3A_966] : memref<5x128x128xf32, #tpu.memory_space<vmem>> -> memref<1x128x128xf32, #tpu.memory_space<vmem>>
      %dma_wait3A_968 = tpu.memref_squeeze %dma_wait3A_967 : memref<1x128x128xf32, #tpu.memory_space<vmem>> -> memref<128x128xf32, #tpu.memory_space<vmem>>
      %dma_wait3A_969 = arith.constant 0 : i32
      %dma_wait3A_970 = arith.constant 0 : i32
      %dma_wait3A_971 = tpu.memref_slice %arg3[%dma_wait3A_969, %dma_wait3A_970] : memref<1000000x128xf32, #tpu.memory_space<hbm>> -> memref<128x128xf32, #tpu.memory_space<hbm>>
      tpu.wait_dma2 semaphore(%dma_wait3A_964 : memref<!tpu.dma_semaphore, #tpu.memory_space<semaphore_mem>>) src(%dma_wait3A_971 : memref<128x128xf32, #tpu.memory_space<hbm>>) dst(%dma_wait3A_968 : memref<128x128xf32, #tpu.memory_space<vmem>>)
      %eq3A_972 = arith.constant 0 : i32
      %eq3A_973 = arith.cmpi eq, %rem3A_953, %eq3A_972 : i32
      %add3A_974 = arith.constant 1 : i32
      %add3A_975 = arith.addi %select_n3A_951, %add3A_974 : i32
      %lt3A_976 = arith.constant 25 : i32
      %lt3A_977 = arith.cmpi slt, %add3A_975, %lt3A_976 : i32
      %and3A_978 = arith.andi %eq3A_973, %lt3A_977 : i1
      %convert_element_type3A_979 = arith.extui %and3A_978 : i1 to i32
      %cond3A_980 = arith.constant 0 : i32
      %cond3A_981 = arith.cmpi ne, %convert_element_type3A_979, %cond3A_980 : i32
      scf.if %cond3A_981 {
        %add3A_2018 = arith.constant 1 : i32
        %add3A_2019 = arith.addi %select_n3A_951, %add3A_2018 : i32
        %mul3A_2020 = arith.constant 8 : i32
        %mul3A_2021 = arith.muli %add3A_2019, %mul3A_2020 : i32
        %add3A_2022 = arith.constant 1 : i32
        %add3A_2023 = arith.addi %select_n3A_951, %add3A_2022 : i32
        %rem3A_2024 = arith.constant 2 : i32
        %rem3A_2025 = arith.remsi %add3A_2023, %rem3A_2024 : i32
        %dma_start3A_2026 = arith.constant 0 : i32
        %dma_start3A_2027 = arith.constant 0 : i32
        %dma_start3A_2028 = tpu.memref_slice %arg5[%rem3A_2025, %dma_start3A_2026, %dma_start3A_2027] : memref<2x8x128xi32, #tpu.memory_space<vmem>> -> memref<1x8x128xi32, #tpu.memory_space<vmem>>
        %dma_start3A_2029 = tpu.memref_squeeze %dma_start3A_2028 : memref<1x8x128xi32, #tpu.memory_space<vmem>> -> memref<8x128xi32, #tpu.memory_space<vmem>>
        %dma_start3A_2030 = tpu.memref_slice %arg2[%mul3A_2021, %mul3A_2] : memref<200x4096xi32, #tpu.memory_space<hbm>> -> memref<8x128xi32, #tpu.memory_space<hbm>>
        %dma_start3A_2031 = arith.constant 0 : i32
        %dma_start3A_2032 = arith.constant 0 : i32
        %dma_start3A_2033 = tpu.memref_slice %arg5[%rem3A_2025, %dma_start3A_2031, %dma_start3A_2032] : memref<2x8x128xi32, #tpu.memory_space<vmem>> -> memref<1x8x128xi32, #tpu.memory_space<vmem>>
        %dma_start3A_2034 = tpu.memref_squeeze %dma_start3A_2033 : memref<1x8x128xi32, #tpu.memory_space<vmem>> -> memref<8x128xi32, #tpu.memory_space<vmem>>
        %dma_start3A_2035 = tpu.memref_slice %arg2[%mul3A_2021, %mul3A_2] : memref<200x4096xi32, #tpu.memory_space<hbm>> -> memref<8x128xi32, #tpu.memory_space<hbm>>
        tpu.enqueue_dma source(%dma_start3A_2035 : memref<8x128xi32, #tpu.memory_space<hbm>>) target(%dma_start3A_2034 : memref<8x128xi32, #tpu.memory_space<vmem>>) target_semaphore(%arg9 : memref<!tpu.dma_semaphore, #tpu.memory_space<semaphore_mem>>)
      } else {
      }
      %dma_start3A_982 = arith.constant 3 : i32
      %dma_start3A_983 = arith.constant 3 : i32
      %dma_start3A_984 = arith.constant 0 : i32
      %dma_start3A_985 = arith.constant 0 : i32
      %dma_start3A_986 = tpu.memref_slice %arg6[%dma_start3A_982, %dma_start3A_984, %dma_start3A_985] : memref<5x128x128xf32, #tpu.memory_space<vmem>> -> memref<1x128x128xf32, #tpu.memory_space<vmem>>
      %dma_start3A_987 = tpu.memref_squeeze %dma_start3A_986 : memref<1x128x128xf32, #tpu.memory_space<vmem>> -> memref<128x128xf32, #tpu.memory_space<vmem>>
      %dma_start3A_988 = arith.constant 0 : i32
      %dma_start3A_989 = tpu.memref_slice %arg4[%add3A_927, %mul3A_2, %dma_start3A_988] : memref<200x4096x128xf32, #tpu.memory_space<hbm>> -> memref<1x128x128xf32, #tpu.memory_space<hbm>>
      %dma_start3A_990 = tpu.memref_squeeze %dma_start3A_989 : memref<1x128x128xf32, #tpu.memory_space<hbm>> -> memref<128x128xf32, #tpu.memory_space<hbm>>
      %dma_start3A_991 = tpu.memref_slice %arg8[%dma_start3A_983] : memref<5x!tpu.dma_semaphore, #tpu.memory_space<semaphore_mem>> -> memref<1x!tpu.dma_semaphore, #tpu.memory_space<semaphore_mem>>
      %dma_start3A_992 = tpu.memref_squeeze %dma_start3A_991 : memref<1x!tpu.dma_semaphore, #tpu.memory_space<semaphore_mem>> -> memref<!tpu.dma_semaphore, #tpu.memory_space<semaphore_mem>>
      %dma_start3A_993 = arith.constant 0 : i32
      %dma_start3A_994 = tpu.memref_slice %arg4[%add3A_927, %mul3A_2, %dma_start3A_993] : memref<200x4096x128xf32, #tpu.memory_space<hbm>> -> memref<1x128x128xf32, #tpu.memory_space<hbm>>
      %dma_start3A_995 = tpu.memref_squeeze %dma_start3A_994 : memref<1x128x128xf32, #tpu.memory_space<hbm>> -> memref<128x128xf32, #tpu.memory_space<hbm>>
      %dma_start3A_996 = arith.constant 0 : i32
      %dma_start3A_997 = arith.constant 0 : i32
      %dma_start3A_998 = tpu.memref_slice %arg6[%dma_start3A_982, %dma_start3A_996, %dma_start3A_997] : memref<5x128x128xf32, #tpu.memory_space<vmem>> -> memref<1x128x128xf32, #tpu.memory_space<vmem>>
      %dma_start3A_999 = tpu.memref_squeeze %dma_start3A_998 : memref<1x128x128xf32, #tpu.memory_space<vmem>> -> memref<128x128xf32, #tpu.memory_space<vmem>>
      tpu.enqueue_dma source(%dma_start3A_999 : memref<128x128xf32, #tpu.memory_space<vmem>>) target(%dma_start3A_995 : memref<128x128xf32, #tpu.memory_space<hbm>>) target_semaphore(%dma_start3A_992 : memref<!tpu.dma_semaphore, #tpu.memory_space<semaphore_mem>>)
      %eq3A_1000 = arith.constant 4 : i32
      %eq3A_1001 = arith.cmpi eq, %rem3A_953, %eq3A_1000 : i32
      %add3A_1002 = arith.constant 1 : i32
      %add3A_1003 = arith.addi %select_n3A_951, %add3A_1002 : i32
      %lt3A_1004 = arith.constant 25 : i32
      %lt3A_1005 = arith.cmpi slt, %add3A_1003, %lt3A_1004 : i32
      %and3A_1006 = arith.andi %eq3A_1001, %lt3A_1005 : i1
      %convert_element_type3A_1007 = arith.extui %and3A_1006 : i1 to i32
      %cond3A_1008 = arith.constant 0 : i32
      %cond3A_1009 = arith.cmpi ne, %convert_element_type3A_1007, %cond3A_1008 : i32
      scf.if %cond3A_1009 {
        %dma_wait3A_2018 = arith.constant 0 : i32
        %dma_wait3A_2019 = arith.constant 0 : i32
        %dma_wait3A_2020 = arith.constant 0 : i32
        %dma_wait3A_2021 = tpu.memref_slice %arg5[%dma_wait3A_2018, %dma_wait3A_2019, %dma_wait3A_2020] : memref<2x8x128xi32, #tpu.memory_space<vmem>> -> memref<1x8x128xi32, #tpu.memory_space<vmem>>
        %dma_wait3A_2022 = tpu.memref_squeeze %dma_wait3A_2021 : memref<1x8x128xi32, #tpu.memory_space<vmem>> -> memref<8x128xi32, #tpu.memory_space<vmem>>
        %dma_wait3A_2023 = arith.constant 0 : i32
        %dma_wait3A_2024 = arith.constant 0 : i32
        %dma_wait3A_2025 = tpu.memref_slice %arg2[%dma_wait3A_2023, %dma_wait3A_2024] : memref<200x4096xi32, #tpu.memory_space<hbm>> -> memref<8x128xi32, #tpu.memory_space<hbm>>
        %dma_wait3A_2026 = arith.constant 0 : i32
        %dma_wait3A_2027 = arith.constant 0 : i32
        %dma_wait3A_2028 = tpu.memref_slice %arg5[%dma_wait3A_2018, %dma_wait3A_2026, %dma_wait3A_2027] : memref<2x8x128xi32, #tpu.memory_space<vmem>> -> memref<1x8x128xi32, #tpu.memory_space<vmem>>
        %dma_wait3A_2029 = tpu.memref_squeeze %dma_wait3A_2028 : memref<1x8x128xi32, #tpu.memory_space<vmem>> -> memref<8x128xi32, #tpu.memory_space<vmem>>
        %dma_wait3A_2030 = arith.constant 0 : i32
        %dma_wait3A_2031 = arith.constant 0 : i32
        %dma_wait3A_2032 = tpu.memref_slice %arg2[%dma_wait3A_2030, %dma_wait3A_2031] : memref<200x4096xi32, #tpu.memory_space<hbm>> -> memref<8x128xi32, #tpu.memory_space<hbm>>
        tpu.wait_dma2 semaphore(%arg9 : memref<!tpu.dma_semaphore, #tpu.memory_space<semaphore_mem>>) src(%dma_wait3A_2032 : memref<8x128xi32, #tpu.memory_space<hbm>>) dst(%dma_wait3A_2029 : memref<8x128xi32, #tpu.memory_space<vmem>>)
      } else {
      }
      %add3A_1010 = arith.constant 3 : i32
      %add3A_1011 = arith.addi %add3A_927, %add3A_1010 : i32
      %lt3A_1012 = arith.constant 200 : i32
      %lt3A_1013 = arith.cmpi slt, %add3A_1011, %lt3A_1012 : i32
      %convert_element_type3A_1014 = arith.extui %lt3A_1013 : i1 to i32
      %cond3A_1015 = arith.constant 0 : i32
      %cond3A_1016 = arith.cmpi ne, %convert_element_type3A_1014, %cond3A_1015 : i32
      scf.if %cond3A_1016 {
        %ge3A = arith.constant 2 : i32
        %ge3A_2018 = arith.cmpi sge, %add3A_927, %ge3A : i32
        %convert_element_type3A_2019 = arith.extui %ge3A_2018 : i1 to i32
        %cond3A_2020 = arith.constant 0 : i32
        %cond3A_2021 = arith.cmpi ne, %convert_element_type3A_2019, %cond3A_2020 : i32
        scf.if %cond3A_2021 {
          %dma_wait3A_2082 = arith.constant 1 : i32
          %dma_wait3A_2083 = arith.constant 1 : i32
          %dma_wait3A_2084 = arith.constant 0 : i32
          %dma_wait3A_2085 = arith.constant 0 : i32
          %dma_wait3A_2086 = tpu.memref_slice %arg6[%dma_wait3A_2082, %dma_wait3A_2084, %dma_wait3A_2085] : memref<5x128x128xf32, #tpu.memory_space<vmem>> -> memref<1x128x128xf32, #tpu.memory_space<vmem>>
          %dma_wait3A_2087 = tpu.memref_squeeze %dma_wait3A_2086 : memref<1x128x128xf32, #tpu.memory_space<vmem>> -> memref<128x128xf32, #tpu.memory_space<vmem>>
          %dma_wait3A_2088 = arith.constant 0 : i32
          %dma_wait3A_2089 = arith.constant 0 : i32
          %dma_wait3A_2090 = tpu.memref_slice %arg3[%dma_wait3A_2088, %dma_wait3A_2089] : memref<1000000x128xf32, #tpu.memory_space<hbm>> -> memref<128x128xf32, #tpu.memory_space<hbm>>
          %dma_wait3A_2091 = tpu.memref_slice %arg8[%dma_wait3A_2083] : memref<5x!tpu.dma_semaphore, #tpu.memory_space<semaphore_mem>> -> memref<1x!tpu.dma_semaphore, #tpu.memory_space<semaphore_mem>>
          %dma_wait3A_2092 = tpu.memref_squeeze %dma_wait3A_2091 : memref<1x!tpu.dma_semaphore, #tpu.memory_space<semaphore_mem>> -> memref<!tpu.dma_semaphore, #tpu.memory_space<semaphore_mem>>
          %dma_wait3A_2093 = arith.constant 0 : i32
          %dma_wait3A_2094 = arith.constant 0 : i32
          %dma_wait3A_2095 = tpu.memref_slice %arg6[%dma_wait3A_2082, %dma_wait3A_2093, %dma_wait3A_2094] : memref<5x128x128xf32, #tpu.memory_space<vmem>> -> memref<1x128x128xf32, #tpu.memory_space<vmem>>
          %dma_wait3A_2096 = tpu.memref_squeeze %dma_wait3A_2095 : memref<1x128x128xf32, #tpu.memory_space<vmem>> -> memref<128x128xf32, #tpu.memory_space<vmem>>
          %dma_wait3A_2097 = arith.constant 0 : i32
          %dma_wait3A_2098 = arith.constant 0 : i32
          %dma_wait3A_2099 = tpu.memref_slice %arg3[%dma_wait3A_2097, %dma_wait3A_2098] : memref<1000000x128xf32, #tpu.memory_space<hbm>> -> memref<128x128xf32, #tpu.memory_space<hbm>>
          tpu.wait_dma2 semaphore(%dma_wait3A_2092 : memref<!tpu.dma_semaphore, #tpu.memory_space<semaphore_mem>>) src(%dma_wait3A_2099 : memref<128x128xf32, #tpu.memory_space<hbm>>) dst(%dma_wait3A_2096 : memref<128x128xf32, #tpu.memory_space<vmem>>)
        } else {
        }
        %add3A_2022 = arith.constant 3 : i32
        %add3A_2023 = arith.addi %add3A_927, %add3A_2022 : i32
        %jit3A_2024 = arith.constant 8 : i32
        %div3A_2025 = arith.divsi %add3A_2023, %jit3A_2024 : i32
        %sign3A_2026 = arith.constant 0 : i32
        %sign3A_2027 = arith.cmpi sgt, %add3A_2023, %sign3A_2026 : i32
        %sign3A_2028 = arith.extui %sign3A_2027 : i1 to i32
        %sign3A_2029 = arith.constant 0 : i32
        %sign3A_2030 = arith.cmpi slt, %add3A_2023, %sign3A_2029 : i32
        %sign3A_2031 = arith.extui %sign3A_2030 : i1 to i32
        %sign3A_2032 = arith.subi %sign3A_2028, %sign3A_2031 : i32
        %sign3A_2033 = arith.constant 0 : i32
        %sign3A_2034 = arith.cmpi sgt, %jit3A_2024, %sign3A_2033 : i32
        %sign3A_2035 = arith.extui %sign3A_2034 : i1 to i32
        %sign3A_2036 = arith.constant 0 : i32
        %sign3A_2037 = arith.cmpi slt, %jit3A_2024, %sign3A_2036 : i32
        %sign3A_2038 = arith.extui %sign3A_2037 : i1 to i32
        %sign3A_2039 = arith.subi %sign3A_2035, %sign3A_2038 : i32
        %ne3A_2040 = arith.cmpi ne, %sign3A_2032, %sign3A_2039 : i32
        %rem3A_2041 = arith.remsi %add3A_2023, %jit3A_2024 : i32
        %ne3A_2042 = arith.constant 0 : i32
        %ne3A_2043 = arith.cmpi ne, %rem3A_2041, %ne3A_2042 : i32
        %and3A_2044 = arith.andi %ne3A_2040, %ne3A_2043 : i1
        %sub3A_2045 = arith.constant 1 : i32
        %sub3A_2046 = arith.subi %div3A_2025, %sub3A_2045 : i32
        %select_n3A_2047 = arith.select %and3A_2044, %sub3A_2046, %div3A_2025 : i32
        %rem3A_2048 = arith.constant 8 : i32
        %rem3A_2049 = arith.remsi %add3A_2023, %rem3A_2048 : i32
        %rem3A_2050 = arith.constant 2 : i32
        %rem3A_2051 = arith.remsi %select_n3A_2047, %rem3A_2050 : i32
        %dma_start3A_2052 = arith.constant 1 : i32
        %dma_start3A_2053 = arith.constant 1 : i32
        %dma_start3A_2054 = arith.constant 0 : i32
        %dma_start3A_2055 = arith.constant 0 : i32
        %dma_start3A_2056 = tpu.memref_slice %arg6[%dma_start3A_2052, %dma_start3A_2054, %dma_start3A_2055] : memref<5x128x128xf32, #tpu.memory_space<vmem>> -> memref<1x64x128xf32, #tpu.memory_space<vmem>>
        %dma_start3A_2057 = tpu.memref_squeeze %dma_start3A_2056 : memref<1x64x128xf32, #tpu.memory_space<vmem>> -> memref<64x128xf32, #tpu.memory_space<vmem>>
        %dma_start3A_2058 = arith.constant 0 : i32
        %dma_start3A_2059 = tpu.memref_slice %arg5[%rem3A_2051, %rem3A_2049, %dma_start3A_2058] : memref<2x8x128xi32, #tpu.memory_space<vmem>> -> memref<1x1x64xi32, #tpu.memory_space<vmem>>
        %dma_start3A_2060 = tpu.memref_squeeze %dma_start3A_2059 : memref<1x1x64xi32, #tpu.memory_space<vmem>> -> memref<64xi32, #tpu.memory_space<vmem>>
        %dma_start3A_2061 = arith.constant 0 : i32
        %dma_start3A_2062 = arith.constant 0 : i32
        %dma_start3A_2063 = tpu.memref_slice %arg3[%dma_start3A_2061, %dma_start3A_2062] : memref<1000000x128xf32, #tpu.memory_space<hbm>> -> memref<1000000x128xf32, #tpu.memory_space<hbm>>
        %dma_start3A_2064 = tpu.memref_slice %arg7[%dma_start3A_2053] : memref<5x!tpu.dma_semaphore, #tpu.memory_space<semaphore_mem>> -> memref<1x!tpu.dma_semaphore, #tpu.memory_space<semaphore_mem>>
        %dma_start3A_2065 = tpu.memref_squeeze %dma_start3A_2064 : memref<1x!tpu.dma_semaphore, #tpu.memory_space<semaphore_mem>> -> memref<!tpu.dma_semaphore, #tpu.memory_space<semaphore_mem>>
        tpu.enqueue_indirect_dma source(%dma_start3A_2063 : memref<1000000x128xf32, #tpu.memory_space<hbm>>) target(%dma_start3A_2057 : memref<64x128xf32, #tpu.memory_space<vmem>>) offsets(%dma_start3A_2060 : memref<64xi32, #tpu.memory_space<vmem>>) semaphore(%dma_start3A_2065 : memref<!tpu.dma_semaphore, #tpu.memory_space<semaphore_mem>>)
        %rem3A_2066 = arith.constant 2 : i32
        %rem3A_2067 = arith.remsi %select_n3A_2047, %rem3A_2066 : i32
        %dma_start3A_2068 = arith.constant 1 : i32
        %dma_start3A_2069 = arith.constant 1 : i32
        %dma_start3A_2070 = arith.constant 64 : i32
        %dma_start3A_2071 = arith.constant 0 : i32
        %dma_start3A_2072 = tpu.memref_slice %arg6[%dma_start3A_2068, %dma_start3A_2070, %dma_start3A_2071] : memref<5x128x128xf32, #tpu.memory_space<vmem>> -> memref<1x64x128xf32, #tpu.memory_space<vmem>>
        %dma_start3A_2073 = tpu.memref_squeeze %dma_start3A_2072 : memref<1x64x128xf32, #tpu.memory_space<vmem>> -> memref<64x128xf32, #tpu.memory_space<vmem>>
        %dma_start3A_2074 = arith.constant 64 : i32
        %dma_start3A_2075 = tpu.memref_slice %arg5[%rem3A_2067, %rem3A_2049, %dma_start3A_2074] : memref<2x8x128xi32, #tpu.memory_space<vmem>> -> memref<1x1x64xi32, #tpu.memory_space<vmem>>
        %dma_start3A_2076 = tpu.memref_squeeze %dma_start3A_2075 : memref<1x1x64xi32, #tpu.memory_space<vmem>> -> memref<64xi32, #tpu.memory_space<vmem>>
        %dma_start3A_2077 = arith.constant 0 : i32
        %dma_start3A_2078 = arith.constant 0 : i32
        %dma_start3A_2079 = tpu.memref_slice %arg3[%dma_start3A_2077, %dma_start3A_2078] : memref<1000000x128xf32, #tpu.memory_space<hbm>> -> memref<1000000x128xf32, #tpu.memory_space<hbm>>
        %dma_start3A_2080 = tpu.memref_slice %arg7[%dma_start3A_2069] : memref<5x!tpu.dma_semaphore, #tpu.memory_space<semaphore_mem>> -> memref<1x!tpu.dma_semaphore, #tpu.memory_space<semaphore_mem>>
        %dma_start3A_2081 = tpu.memref_squeeze %dma_start3A_2080 : memref<1x!tpu.dma_semaphore, #tpu.memory_space<semaphore_mem>> -> memref<!tpu.dma_semaphore, #tpu.memory_space<semaphore_mem>>
        tpu.enqueue_indirect_dma source(%dma_start3A_2079 : memref<1000000x128xf32, #tpu.memory_space<hbm>>) target(%dma_start3A_2073 : memref<64x128xf32, #tpu.memory_space<vmem>>) offsets(%dma_start3A_2076 : memref<64xi32, #tpu.memory_space<vmem>>) semaphore(%dma_start3A_2081 : memref<!tpu.dma_semaphore, #tpu.memory_space<semaphore_mem>>)
      } else {
      }
      %add3A_1017 = arith.constant 9 : i32
      %add3A_1018 = arith.addi %mul3A_208, %add3A_1017 : i32
      %jit3A_1019 = arith.constant 8 : i32
      %div3A_1020 = arith.divsi %add3A_1018, %jit3A_1019 : i32
      %sign3A_1021 = arith.constant 0 : i32
      %sign3A_1022 = arith.cmpi sgt, %add3A_1018, %sign3A_1021 : i32
      %sign3A_1023 = arith.extui %sign3A_1022 : i1 to i32
      %sign3A_1024 = arith.constant 0 : i32
      %sign3A_1025 = arith.cmpi slt, %add3A_1018, %sign3A_1024 : i32
      %sign3A_1026 = arith.extui %sign3A_1025 : i1 to i32
      %sign3A_1027 = arith.subi %sign3A_1023, %sign3A_1026 : i32
      %sign3A_1028 = arith.constant 0 : i32
      %sign3A_1029 = arith.cmpi sgt, %jit3A_1019, %sign3A_1028 : i32
      %sign3A_1030 = arith.extui %sign3A_1029 : i1 to i32
      %sign3A_1031 = arith.constant 0 : i32
      %sign3A_1032 = arith.cmpi slt, %jit3A_1019, %sign3A_1031 : i32
      %sign3A_1033 = arith.extui %sign3A_1032 : i1 to i32
      %sign3A_1034 = arith.subi %sign3A_1030, %sign3A_1033 : i32
      %ne3A_1035 = arith.cmpi ne, %sign3A_1027, %sign3A_1034 : i32
      %rem3A_1036 = arith.remsi %add3A_1018, %jit3A_1019 : i32
      %ne3A_1037 = arith.constant 0 : i32
      %ne3A_1038 = arith.cmpi ne, %rem3A_1036, %ne3A_1037 : i32
      %and3A_1039 = arith.andi %ne3A_1035, %ne3A_1038 : i1
      %sub3A_1040 = arith.constant 1 : i32
      %sub3A_1041 = arith.subi %div3A_1020, %sub3A_1040 : i32
      %select_n3A_1042 = arith.select %and3A_1039, %sub3A_1041, %div3A_1020 : i32
      %rem3A_1043 = arith.constant 8 : i32
      %rem3A_1044 = arith.remsi %add3A_1018, %rem3A_1043 : i32
      %dma_wait3A_1045 = arith.constant 4 : i32
      %dma_wait3A_1046 = arith.constant 4 : i32
      %dma_wait3A_1047 = arith.constant 0 : i32
      %dma_wait3A_1048 = arith.constant 0 : i32
      %dma_wait3A_1049 = tpu.memref_slice %arg6[%dma_wait3A_1045, %dma_wait3A_1047, %dma_wait3A_1048] : memref<5x128x128xf32, #tpu.memory_space<vmem>> -> memref<1x128x128xf32, #tpu.memory_space<vmem>>
      %dma_wait3A_1050 = tpu.memref_squeeze %dma_wait3A_1049 : memref<1x128x128xf32, #tpu.memory_space<vmem>> -> memref<128x128xf32, #tpu.memory_space<vmem>>
      %dma_wait3A_1051 = arith.constant 0 : i32
      %dma_wait3A_1052 = arith.constant 0 : i32
      %dma_wait3A_1053 = tpu.memref_slice %arg3[%dma_wait3A_1051, %dma_wait3A_1052] : memref<1000000x128xf32, #tpu.memory_space<hbm>> -> memref<128x128xf32, #tpu.memory_space<hbm>>
      %dma_wait3A_1054 = tpu.memref_slice %arg7[%dma_wait3A_1046] : memref<5x!tpu.dma_semaphore, #tpu.memory_space<semaphore_mem>> -> memref<1x!tpu.dma_semaphore, #tpu.memory_space<semaphore_mem>>
      %dma_wait3A_1055 = tpu.memref_squeeze %dma_wait3A_1054 : memref<1x!tpu.dma_semaphore, #tpu.memory_space<semaphore_mem>> -> memref<!tpu.dma_semaphore, #tpu.memory_space<semaphore_mem>>
      %dma_wait3A_1056 = arith.constant 0 : i32
      %dma_wait3A_1057 = arith.constant 0 : i32
      %dma_wait3A_1058 = tpu.memref_slice %arg6[%dma_wait3A_1045, %dma_wait3A_1056, %dma_wait3A_1057] : memref<5x128x128xf32, #tpu.memory_space<vmem>> -> memref<1x128x128xf32, #tpu.memory_space<vmem>>
      %dma_wait3A_1059 = tpu.memref_squeeze %dma_wait3A_1058 : memref<1x128x128xf32, #tpu.memory_space<vmem>> -> memref<128x128xf32, #tpu.memory_space<vmem>>
      %dma_wait3A_1060 = arith.constant 0 : i32
      %dma_wait3A_1061 = arith.constant 0 : i32
      %dma_wait3A_1062 = tpu.memref_slice %arg3[%dma_wait3A_1060, %dma_wait3A_1061] : memref<1000000x128xf32, #tpu.memory_space<hbm>> -> memref<128x128xf32, #tpu.memory_space<hbm>>
      tpu.wait_dma2 semaphore(%dma_wait3A_1055 : memref<!tpu.dma_semaphore, #tpu.memory_space<semaphore_mem>>) src(%dma_wait3A_1062 : memref<128x128xf32, #tpu.memory_space<hbm>>) dst(%dma_wait3A_1059 : memref<128x128xf32, #tpu.memory_space<vmem>>)
      %eq3A_1063 = arith.constant 0 : i32
      %eq3A_1064 = arith.cmpi eq, %rem3A_1044, %eq3A_1063 : i32
      %add3A_1065 = arith.constant 1 : i32
      %add3A_1066 = arith.addi %select_n3A_1042, %add3A_1065 : i32
      %lt3A_1067 = arith.constant 25 : i32
      %lt3A_1068 = arith.cmpi slt, %add3A_1066, %lt3A_1067 : i32
      %and3A_1069 = arith.andi %eq3A_1064, %lt3A_1068 : i1
      %convert_element_type3A_1070 = arith.extui %and3A_1069 : i1 to i32
      %cond3A_1071 = arith.constant 0 : i32
      %cond3A_1072 = arith.cmpi ne, %convert_element_type3A_1070, %cond3A_1071 : i32
      scf.if %cond3A_1072 {
        %add3A_2018 = arith.constant 1 : i32
        %add3A_2019 = arith.addi %select_n3A_1042, %add3A_2018 : i32
        %mul3A_2020 = arith.constant 8 : i32
        %mul3A_2021 = arith.muli %add3A_2019, %mul3A_2020 : i32
        %add3A_2022 = arith.constant 1 : i32
        %add3A_2023 = arith.addi %select_n3A_1042, %add3A_2022 : i32
        %rem3A_2024 = arith.constant 2 : i32
        %rem3A_2025 = arith.remsi %add3A_2023, %rem3A_2024 : i32
        %dma_start3A_2026 = arith.constant 0 : i32
        %dma_start3A_2027 = arith.constant 0 : i32
        %dma_start3A_2028 = tpu.memref_slice %arg5[%rem3A_2025, %dma_start3A_2026, %dma_start3A_2027] : memref<2x8x128xi32, #tpu.memory_space<vmem>> -> memref<1x8x128xi32, #tpu.memory_space<vmem>>
        %dma_start3A_2029 = tpu.memref_squeeze %dma_start3A_2028 : memref<1x8x128xi32, #tpu.memory_space<vmem>> -> memref<8x128xi32, #tpu.memory_space<vmem>>
        %dma_start3A_2030 = tpu.memref_slice %arg2[%mul3A_2021, %mul3A_2] : memref<200x4096xi32, #tpu.memory_space<hbm>> -> memref<8x128xi32, #tpu.memory_space<hbm>>
        %dma_start3A_2031 = arith.constant 0 : i32
        %dma_start3A_2032 = arith.constant 0 : i32
        %dma_start3A_2033 = tpu.memref_slice %arg5[%rem3A_2025, %dma_start3A_2031, %dma_start3A_2032] : memref<2x8x128xi32, #tpu.memory_space<vmem>> -> memref<1x8x128xi32, #tpu.memory_space<vmem>>
        %dma_start3A_2034 = tpu.memref_squeeze %dma_start3A_2033 : memref<1x8x128xi32, #tpu.memory_space<vmem>> -> memref<8x128xi32, #tpu.memory_space<vmem>>
        %dma_start3A_2035 = tpu.memref_slice %arg2[%mul3A_2021, %mul3A_2] : memref<200x4096xi32, #tpu.memory_space<hbm>> -> memref<8x128xi32, #tpu.memory_space<hbm>>
        tpu.enqueue_dma source(%dma_start3A_2035 : memref<8x128xi32, #tpu.memory_space<hbm>>) target(%dma_start3A_2034 : memref<8x128xi32, #tpu.memory_space<vmem>>) target_semaphore(%arg9 : memref<!tpu.dma_semaphore, #tpu.memory_space<semaphore_mem>>)
      } else {
      }
      %dma_start3A_1073 = arith.constant 4 : i32
      %dma_start3A_1074 = arith.constant 4 : i32
      %dma_start3A_1075 = arith.constant 0 : i32
      %dma_start3A_1076 = arith.constant 0 : i32
      %dma_start3A_1077 = tpu.memref_slice %arg6[%dma_start3A_1073, %dma_start3A_1075, %dma_start3A_1076] : memref<5x128x128xf32, #tpu.memory_space<vmem>> -> memref<1x128x128xf32, #tpu.memory_space<vmem>>
      %dma_start3A_1078 = tpu.memref_squeeze %dma_start3A_1077 : memref<1x128x128xf32, #tpu.memory_space<vmem>> -> memref<128x128xf32, #tpu.memory_space<vmem>>
      %dma_start3A_1079 = arith.constant 0 : i32
      %dma_start3A_1080 = tpu.memref_slice %arg4[%add3A_1018, %mul3A_2, %dma_start3A_1079] : memref<200x4096x128xf32, #tpu.memory_space<hbm>> -> memref<1x128x128xf32, #tpu.memory_space<hbm>>
      %dma_start3A_1081 = tpu.memref_squeeze %dma_start3A_1080 : memref<1x128x128xf32, #tpu.memory_space<hbm>> -> memref<128x128xf32, #tpu.memory_space<hbm>>
      %dma_start3A_1082 = tpu.memref_slice %arg8[%dma_start3A_1074] : memref<5x!tpu.dma_semaphore, #tpu.memory_space<semaphore_mem>> -> memref<1x!tpu.dma_semaphore, #tpu.memory_space<semaphore_mem>>
      %dma_start3A_1083 = tpu.memref_squeeze %dma_start3A_1082 : memref<1x!tpu.dma_semaphore, #tpu.memory_space<semaphore_mem>> -> memref<!tpu.dma_semaphore, #tpu.memory_space<semaphore_mem>>
      %dma_start3A_1084 = arith.constant 0 : i32
      %dma_start3A_1085 = tpu.memref_slice %arg4[%add3A_1018, %mul3A_2, %dma_start3A_1084] : memref<200x4096x128xf32, #tpu.memory_space<hbm>> -> memref<1x128x128xf32, #tpu.memory_space<hbm>>
      %dma_start3A_1086 = tpu.memref_squeeze %dma_start3A_1085 : memref<1x128x128xf32, #tpu.memory_space<hbm>> -> memref<128x128xf32, #tpu.memory_space<hbm>>
      %dma_start3A_1087 = arith.constant 0 : i32
      %dma_start3A_1088 = arith.constant 0 : i32
      %dma_start3A_1089 = tpu.memref_slice %arg6[%dma_start3A_1073, %dma_start3A_1087, %dma_start3A_1088] : memref<5x128x128xf32, #tpu.memory_space<vmem>> -> memref<1x128x128xf32, #tpu.memory_space<vmem>>
      %dma_start3A_1090 = tpu.memref_squeeze %dma_start3A_1089 : memref<1x128x128xf32, #tpu.memory_space<vmem>> -> memref<128x128xf32, #tpu.memory_space<vmem>>
      tpu.enqueue_dma source(%dma_start3A_1090 : memref<128x128xf32, #tpu.memory_space<vmem>>) target(%dma_start3A_1086 : memref<128x128xf32, #tpu.memory_space<hbm>>) target_semaphore(%dma_start3A_1083 : memref<!tpu.dma_semaphore, #tpu.memory_space<semaphore_mem>>)
      %eq3A_1091 = arith.constant 4 : i32
      %eq3A_1092 = arith.cmpi eq, %rem3A_1044, %eq3A_1091 : i32
      %add3A_1093 = arith.constant 1 : i32
      %add3A_1094 = arith.addi %select_n3A_1042, %add3A_1093 : i32
      %lt3A_1095 = arith.constant 25 : i32
      %lt3A_1096 = arith.cmpi slt, %add3A_1094, %lt3A_1095 : i32
      %and3A_1097 = arith.andi %eq3A_1092, %lt3A_1096 : i1
      %convert_element_type3A_1098 = arith.extui %and3A_1097 : i1 to i32
      %cond3A_1099 = arith.constant 0 : i32
      %cond3A_1100 = arith.cmpi ne, %convert_element_type3A_1098, %cond3A_1099 : i32
      scf.if %cond3A_1100 {
        %dma_wait3A_2018 = arith.constant 0 : i32
        %dma_wait3A_2019 = arith.constant 0 : i32
        %dma_wait3A_2020 = arith.constant 0 : i32
        %dma_wait3A_2021 = tpu.memref_slice %arg5[%dma_wait3A_2018, %dma_wait3A_2019, %dma_wait3A_2020] : memref<2x8x128xi32, #tpu.memory_space<vmem>> -> memref<1x8x128xi32, #tpu.memory_space<vmem>>
        %dma_wait3A_2022 = tpu.memref_squeeze %dma_wait3A_2021 : memref<1x8x128xi32, #tpu.memory_space<vmem>> -> memref<8x128xi32, #tpu.memory_space<vmem>>
        %dma_wait3A_2023 = arith.constant 0 : i32
        %dma_wait3A_2024 = arith.constant 0 : i32
        %dma_wait3A_2025 = tpu.memref_slice %arg2[%dma_wait3A_2023, %dma_wait3A_2024] : memref<200x4096xi32, #tpu.memory_space<hbm>> -> memref<8x128xi32, #tpu.memory_space<hbm>>
        %dma_wait3A_2026 = arith.constant 0 : i32
        %dma_wait3A_2027 = arith.constant 0 : i32
        %dma_wait3A_2028 = tpu.memref_slice %arg5[%dma_wait3A_2018, %dma_wait3A_2026, %dma_wait3A_2027] : memref<2x8x128xi32, #tpu.memory_space<vmem>> -> memref<1x8x128xi32, #tpu.memory_space<vmem>>
        %dma_wait3A_2029 = tpu.memref_squeeze %dma_wait3A_2028 : memref<1x8x128xi32, #tpu.memory_space<vmem>> -> memref<8x128xi32, #tpu.memory_space<vmem>>
        %dma_wait3A_2030 = arith.constant 0 : i32
        %dma_wait3A_2031 = arith.constant 0 : i32
        %dma_wait3A_2032 = tpu.memref_slice %arg2[%dma_wait3A_2030, %dma_wait3A_2031] : memref<200x4096xi32, #tpu.memory_space<hbm>> -> memref<8x128xi32, #tpu.memory_space<hbm>>
        tpu.wait_dma2 semaphore(%arg9 : memref<!tpu.dma_semaphore, #tpu.memory_space<semaphore_mem>>) src(%dma_wait3A_2032 : memref<8x128xi32, #tpu.memory_space<hbm>>) dst(%dma_wait3A_2029 : memref<8x128xi32, #tpu.memory_space<vmem>>)
      } else {
      }
      %add3A_1101 = arith.constant 3 : i32
      %add3A_1102 = arith.addi %add3A_1018, %add3A_1101 : i32
      %lt3A_1103 = arith.constant 200 : i32
      %lt3A_1104 = arith.cmpi slt, %add3A_1102, %lt3A_1103 : i32
      %convert_element_type3A_1105 = arith.extui %lt3A_1104 : i1 to i32
      %cond3A_1106 = arith.constant 0 : i32
      %cond3A_1107 = arith.cmpi ne, %convert_element_type3A_1105, %cond3A_1106 : i32
      scf.if %cond3A_1107 {
        %ge3A = arith.constant 2 : i32
        %ge3A_2018 = arith.cmpi sge, %add3A_1018, %ge3A : i32
        %convert_element_type3A_2019 = arith.extui %ge3A_2018 : i1 to i32
        %cond3A_2020 = arith.constant 0 : i32
        %cond3A_2021 = arith.cmpi ne, %convert_element_type3A_2019, %cond3A_2020 : i32
        scf.if %cond3A_2021 {
          %dma_wait3A_2082 = arith.constant 2 : i32
          %dma_wait3A_2083 = arith.constant 2 : i32
          %dma_wait3A_2084 = arith.constant 0 : i32
          %dma_wait3A_2085 = arith.constant 0 : i32
          %dma_wait3A_2086 = tpu.memref_slice %arg6[%dma_wait3A_2082, %dma_wait3A_2084, %dma_wait3A_2085] : memref<5x128x128xf32, #tpu.memory_space<vmem>> -> memref<1x128x128xf32, #tpu.memory_space<vmem>>
          %dma_wait3A_2087 = tpu.memref_squeeze %dma_wait3A_2086 : memref<1x128x128xf32, #tpu.memory_space<vmem>> -> memref<128x128xf32, #tpu.memory_space<vmem>>
          %dma_wait3A_2088 = arith.constant 0 : i32
          %dma_wait3A_2089 = arith.constant 0 : i32
          %dma_wait3A_2090 = tpu.memref_slice %arg3[%dma_wait3A_2088, %dma_wait3A_2089] : memref<1000000x128xf32, #tpu.memory_space<hbm>> -> memref<128x128xf32, #tpu.memory_space<hbm>>
          %dma_wait3A_2091 = tpu.memref_slice %arg8[%dma_wait3A_2083] : memref<5x!tpu.dma_semaphore, #tpu.memory_space<semaphore_mem>> -> memref<1x!tpu.dma_semaphore, #tpu.memory_space<semaphore_mem>>
          %dma_wait3A_2092 = tpu.memref_squeeze %dma_wait3A_2091 : memref<1x!tpu.dma_semaphore, #tpu.memory_space<semaphore_mem>> -> memref<!tpu.dma_semaphore, #tpu.memory_space<semaphore_mem>>
          %dma_wait3A_2093 = arith.constant 0 : i32
          %dma_wait3A_2094 = arith.constant 0 : i32
          %dma_wait3A_2095 = tpu.memref_slice %arg6[%dma_wait3A_2082, %dma_wait3A_2093, %dma_wait3A_2094] : memref<5x128x128xf32, #tpu.memory_space<vmem>> -> memref<1x128x128xf32, #tpu.memory_space<vmem>>
          %dma_wait3A_2096 = tpu.memref_squeeze %dma_wait3A_2095 : memref<1x128x128xf32, #tpu.memory_space<vmem>> -> memref<128x128xf32, #tpu.memory_space<vmem>>
          %dma_wait3A_2097 = arith.constant 0 : i32
          %dma_wait3A_2098 = arith.constant 0 : i32
          %dma_wait3A_2099 = tpu.memref_slice %arg3[%dma_wait3A_2097, %dma_wait3A_2098] : memref<1000000x128xf32, #tpu.memory_space<hbm>> -> memref<128x128xf32, #tpu.memory_space<hbm>>
          tpu.wait_dma2 semaphore(%dma_wait3A_2092 : memref<!tpu.dma_semaphore, #tpu.memory_space<semaphore_mem>>) src(%dma_wait3A_2099 : memref<128x128xf32, #tpu.memory_space<hbm>>) dst(%dma_wait3A_2096 : memref<128x128xf32, #tpu.memory_space<vmem>>)
        } else {
        }
        %add3A_2022 = arith.constant 3 : i32
        %add3A_2023 = arith.addi %add3A_1018, %add3A_2022 : i32
        %jit3A_2024 = arith.constant 8 : i32
        %div3A_2025 = arith.divsi %add3A_2023, %jit3A_2024 : i32
        %sign3A_2026 = arith.constant 0 : i32
        %sign3A_2027 = arith.cmpi sgt, %add3A_2023, %sign3A_2026 : i32
        %sign3A_2028 = arith.extui %sign3A_2027 : i1 to i32
        %sign3A_2029 = arith.constant 0 : i32
        %sign3A_2030 = arith.cmpi slt, %add3A_2023, %sign3A_2029 : i32
        %sign3A_2031 = arith.extui %sign3A_2030 : i1 to i32
        %sign3A_2032 = arith.subi %sign3A_2028, %sign3A_2031 : i32
        %sign3A_2033 = arith.constant 0 : i32
        %sign3A_2034 = arith.cmpi sgt, %jit3A_2024, %sign3A_2033 : i32
        %sign3A_2035 = arith.extui %sign3A_2034 : i1 to i32
        %sign3A_2036 = arith.constant 0 : i32
        %sign3A_2037 = arith.cmpi slt, %jit3A_2024, %sign3A_2036 : i32
        %sign3A_2038 = arith.extui %sign3A_2037 : i1 to i32
        %sign3A_2039 = arith.subi %sign3A_2035, %sign3A_2038 : i32
        %ne3A_2040 = arith.cmpi ne, %sign3A_2032, %sign3A_2039 : i32
        %rem3A_2041 = arith.remsi %add3A_2023, %jit3A_2024 : i32
        %ne3A_2042 = arith.constant 0 : i32
        %ne3A_2043 = arith.cmpi ne, %rem3A_2041, %ne3A_2042 : i32
        %and3A_2044 = arith.andi %ne3A_2040, %ne3A_2043 : i1
        %sub3A_2045 = arith.constant 1 : i32
        %sub3A_2046 = arith.subi %div3A_2025, %sub3A_2045 : i32
        %select_n3A_2047 = arith.select %and3A_2044, %sub3A_2046, %div3A_2025 : i32
        %rem3A_2048 = arith.constant 8 : i32
        %rem3A_2049 = arith.remsi %add3A_2023, %rem3A_2048 : i32
        %rem3A_2050 = arith.constant 2 : i32
        %rem3A_2051 = arith.remsi %select_n3A_2047, %rem3A_2050 : i32
        %dma_start3A_2052 = arith.constant 2 : i32
        %dma_start3A_2053 = arith.constant 2 : i32
        %dma_start3A_2054 = arith.constant 0 : i32
        %dma_start3A_2055 = arith.constant 0 : i32
        %dma_start3A_2056 = tpu.memref_slice %arg6[%dma_start3A_2052, %dma_start3A_2054, %dma_start3A_2055] : memref<5x128x128xf32, #tpu.memory_space<vmem>> -> memref<1x64x128xf32, #tpu.memory_space<vmem>>
        %dma_start3A_2057 = tpu.memref_squeeze %dma_start3A_2056 : memref<1x64x128xf32, #tpu.memory_space<vmem>> -> memref<64x128xf32, #tpu.memory_space<vmem>>
        %dma_start3A_2058 = arith.constant 0 : i32
        %dma_start3A_2059 = tpu.memref_slice %arg5[%rem3A_2051, %rem3A_2049, %dma_start3A_2058] : memref<2x8x128xi32, #tpu.memory_space<vmem>> -> memref<1x1x64xi32, #tpu.memory_space<vmem>>
        %dma_start3A_2060 = tpu.memref_squeeze %dma_start3A_2059 : memref<1x1x64xi32, #tpu.memory_space<vmem>> -> memref<64xi32, #tpu.memory_space<vmem>>
        %dma_start3A_2061 = arith.constant 0 : i32
        %dma_start3A_2062 = arith.constant 0 : i32
        %dma_start3A_2063 = tpu.memref_slice %arg3[%dma_start3A_2061, %dma_start3A_2062] : memref<1000000x128xf32, #tpu.memory_space<hbm>> -> memref<1000000x128xf32, #tpu.memory_space<hbm>>
        %dma_start3A_2064 = tpu.memref_slice %arg7[%dma_start3A_2053] : memref<5x!tpu.dma_semaphore, #tpu.memory_space<semaphore_mem>> -> memref<1x!tpu.dma_semaphore, #tpu.memory_space<semaphore_mem>>
        %dma_start3A_2065 = tpu.memref_squeeze %dma_start3A_2064 : memref<1x!tpu.dma_semaphore, #tpu.memory_space<semaphore_mem>> -> memref<!tpu.dma_semaphore, #tpu.memory_space<semaphore_mem>>
        tpu.enqueue_indirect_dma source(%dma_start3A_2063 : memref<1000000x128xf32, #tpu.memory_space<hbm>>) target(%dma_start3A_2057 : memref<64x128xf32, #tpu.memory_space<vmem>>) offsets(%dma_start3A_2060 : memref<64xi32, #tpu.memory_space<vmem>>) semaphore(%dma_start3A_2065 : memref<!tpu.dma_semaphore, #tpu.memory_space<semaphore_mem>>)
        %rem3A_2066 = arith.constant 2 : i32
        %rem3A_2067 = arith.remsi %select_n3A_2047, %rem3A_2066 : i32
        %dma_start3A_2068 = arith.constant 2 : i32
        %dma_start3A_2069 = arith.constant 2 : i32
        %dma_start3A_2070 = arith.constant 64 : i32
        %dma_start3A_2071 = arith.constant 0 : i32
        %dma_start3A_2072 = tpu.memref_slice %arg6[%dma_start3A_2068, %dma_start3A_2070, %dma_start3A_2071] : memref<5x128x128xf32, #tpu.memory_space<vmem>> -> memref<1x64x128xf32, #tpu.memory_space<vmem>>
        %dma_start3A_2073 = tpu.memref_squeeze %dma_start3A_2072 : memref<1x64x128xf32, #tpu.memory_space<vmem>> -> memref<64x128xf32, #tpu.memory_space<vmem>>
        %dma_start3A_2074 = arith.constant 64 : i32
        %dma_start3A_2075 = tpu.memref_slice %arg5[%rem3A_2067, %rem3A_2049, %dma_start3A_2074] : memref<2x8x128xi32, #tpu.memory_space<vmem>> -> memref<1x1x64xi32, #tpu.memory_space<vmem>>
        %dma_start3A_2076 = tpu.memref_squeeze %dma_start3A_2075 : memref<1x1x64xi32, #tpu.memory_space<vmem>> -> memref<64xi32, #tpu.memory_space<vmem>>
        %dma_start3A_2077 = arith.constant 0 : i32
        %dma_start3A_2078 = arith.constant 0 : i32
        %dma_start3A_2079 = tpu.memref_slice %arg3[%dma_start3A_2077, %dma_start3A_2078] : memref<1000000x128xf32, #tpu.memory_space<hbm>> -> memref<1000000x128xf32, #tpu.memory_space<hbm>>
        %dma_start3A_2080 = tpu.memref_slice %arg7[%dma_start3A_2069] : memref<5x!tpu.dma_semaphore, #tpu.memory_space<semaphore_mem>> -> memref<1x!tpu.dma_semaphore, #tpu.memory_space<semaphore_mem>>
        %dma_start3A_2081 = tpu.memref_squeeze %dma_start3A_2080 : memref<1x!tpu.dma_semaphore, #tpu.memory_space<semaphore_mem>> -> memref<!tpu.dma_semaphore, #tpu.memory_space<semaphore_mem>>
        tpu.enqueue_indirect_dma source(%dma_start3A_2079 : memref<1000000x128xf32, #tpu.memory_space<hbm>>) target(%dma_start3A_2073 : memref<64x128xf32, #tpu.memory_space<vmem>>) offsets(%dma_start3A_2076 : memref<64xi32, #tpu.memory_space<vmem>>) semaphore(%dma_start3A_2081 : memref<!tpu.dma_semaphore, #tpu.memory_space<semaphore_mem>>)
      } else {
      }
      %add3A_1108 = arith.constant 10 : i32
      %add3A_1109 = arith.addi %mul3A_208, %add3A_1108 : i32
      %jit3A_1110 = arith.constant 8 : i32
      %div3A_1111 = arith.divsi %add3A_1109, %jit3A_1110 : i32
      %sign3A_1112 = arith.constant 0 : i32
      %sign3A_1113 = arith.cmpi sgt, %add3A_1109, %sign3A_1112 : i32
      %sign3A_1114 = arith.extui %sign3A_1113 : i1 to i32
      %sign3A_1115 = arith.constant 0 : i32
      %sign3A_1116 = arith.cmpi slt, %add3A_1109, %sign3A_1115 : i32
      %sign3A_1117 = arith.extui %sign3A_1116 : i1 to i32
      %sign3A_1118 = arith.subi %sign3A_1114, %sign3A_1117 : i32
      %sign3A_1119 = arith.constant 0 : i32
      %sign3A_1120 = arith.cmpi sgt, %jit3A_1110, %sign3A_1119 : i32
      %sign3A_1121 = arith.extui %sign3A_1120 : i1 to i32
      %sign3A_1122 = arith.constant 0 : i32
      %sign3A_1123 = arith.cmpi slt, %jit3A_1110, %sign3A_1122 : i32
      %sign3A_1124 = arith.extui %sign3A_1123 : i1 to i32
      %sign3A_1125 = arith.subi %sign3A_1121, %sign3A_1124 : i32
      %ne3A_1126 = arith.cmpi ne, %sign3A_1118, %sign3A_1125 : i32
      %rem3A_1127 = arith.remsi %add3A_1109, %jit3A_1110 : i32
      %ne3A_1128 = arith.constant 0 : i32
      %ne3A_1129 = arith.cmpi ne, %rem3A_1127, %ne3A_1128 : i32
      %and3A_1130 = arith.andi %ne3A_1126, %ne3A_1129 : i1
      %sub3A_1131 = arith.constant 1 : i32
      %sub3A_1132 = arith.subi %div3A_1111, %sub3A_1131 : i32
      %select_n3A_1133 = arith.select %and3A_1130, %sub3A_1132, %div3A_1111 : i32
      %rem3A_1134 = arith.constant 8 : i32
      %rem3A_1135 = arith.remsi %add3A_1109, %rem3A_1134 : i32
      %dma_wait3A_1136 = arith.constant 0 : i32
      %dma_wait3A_1137 = arith.constant 0 : i32
      %dma_wait3A_1138 = arith.constant 0 : i32
      %dma_wait3A_1139 = arith.constant 0 : i32
      %dma_wait3A_1140 = tpu.memref_slice %arg6[%dma_wait3A_1136, %dma_wait3A_1138, %dma_wait3A_1139] : memref<5x128x128xf32, #tpu.memory_space<vmem>> -> memref<1x128x128xf32, #tpu.memory_space<vmem>>
      %dma_wait3A_1141 = tpu.memref_squeeze %dma_wait3A_1140 : memref<1x128x128xf32, #tpu.memory_space<vmem>> -> memref<128x128xf32, #tpu.memory_space<vmem>>
      %dma_wait3A_1142 = arith.constant 0 : i32
      %dma_wait3A_1143 = arith.constant 0 : i32
      %dma_wait3A_1144 = tpu.memref_slice %arg3[%dma_wait3A_1142, %dma_wait3A_1143] : memref<1000000x128xf32, #tpu.memory_space<hbm>> -> memref<128x128xf32, #tpu.memory_space<hbm>>
      %dma_wait3A_1145 = tpu.memref_slice %arg7[%dma_wait3A_1137] : memref<5x!tpu.dma_semaphore, #tpu.memory_space<semaphore_mem>> -> memref<1x!tpu.dma_semaphore, #tpu.memory_space<semaphore_mem>>
      %dma_wait3A_1146 = tpu.memref_squeeze %dma_wait3A_1145 : memref<1x!tpu.dma_semaphore, #tpu.memory_space<semaphore_mem>> -> memref<!tpu.dma_semaphore, #tpu.memory_space<semaphore_mem>>
      %dma_wait3A_1147 = arith.constant 0 : i32
      %dma_wait3A_1148 = arith.constant 0 : i32
      %dma_wait3A_1149 = tpu.memref_slice %arg6[%dma_wait3A_1136, %dma_wait3A_1147, %dma_wait3A_1148] : memref<5x128x128xf32, #tpu.memory_space<vmem>> -> memref<1x128x128xf32, #tpu.memory_space<vmem>>
      %dma_wait3A_1150 = tpu.memref_squeeze %dma_wait3A_1149 : memref<1x128x128xf32, #tpu.memory_space<vmem>> -> memref<128x128xf32, #tpu.memory_space<vmem>>
      %dma_wait3A_1151 = arith.constant 0 : i32
      %dma_wait3A_1152 = arith.constant 0 : i32
      %dma_wait3A_1153 = tpu.memref_slice %arg3[%dma_wait3A_1151, %dma_wait3A_1152] : memref<1000000x128xf32, #tpu.memory_space<hbm>> -> memref<128x128xf32, #tpu.memory_space<hbm>>
      tpu.wait_dma2 semaphore(%dma_wait3A_1146 : memref<!tpu.dma_semaphore, #tpu.memory_space<semaphore_mem>>) src(%dma_wait3A_1153 : memref<128x128xf32, #tpu.memory_space<hbm>>) dst(%dma_wait3A_1150 : memref<128x128xf32, #tpu.memory_space<vmem>>)
      %eq3A_1154 = arith.constant 0 : i32
      %eq3A_1155 = arith.cmpi eq, %rem3A_1135, %eq3A_1154 : i32
      %add3A_1156 = arith.constant 1 : i32
      %add3A_1157 = arith.addi %select_n3A_1133, %add3A_1156 : i32
      %lt3A_1158 = arith.constant 25 : i32
      %lt3A_1159 = arith.cmpi slt, %add3A_1157, %lt3A_1158 : i32
      %and3A_1160 = arith.andi %eq3A_1155, %lt3A_1159 : i1
      %convert_element_type3A_1161 = arith.extui %and3A_1160 : i1 to i32
      %cond3A_1162 = arith.constant 0 : i32
      %cond3A_1163 = arith.cmpi ne, %convert_element_type3A_1161, %cond3A_1162 : i32
      scf.if %cond3A_1163 {
        %add3A_2018 = arith.constant 1 : i32
        %add3A_2019 = arith.addi %select_n3A_1133, %add3A_2018 : i32
        %mul3A_2020 = arith.constant 8 : i32
        %mul3A_2021 = arith.muli %add3A_2019, %mul3A_2020 : i32
        %add3A_2022 = arith.constant 1 : i32
        %add3A_2023 = arith.addi %select_n3A_1133, %add3A_2022 : i32
        %rem3A_2024 = arith.constant 2 : i32
        %rem3A_2025 = arith.remsi %add3A_2023, %rem3A_2024 : i32
        %dma_start3A_2026 = arith.constant 0 : i32
        %dma_start3A_2027 = arith.constant 0 : i32
        %dma_start3A_2028 = tpu.memref_slice %arg5[%rem3A_2025, %dma_start3A_2026, %dma_start3A_2027] : memref<2x8x128xi32, #tpu.memory_space<vmem>> -> memref<1x8x128xi32, #tpu.memory_space<vmem>>
        %dma_start3A_2029 = tpu.memref_squeeze %dma_start3A_2028 : memref<1x8x128xi32, #tpu.memory_space<vmem>> -> memref<8x128xi32, #tpu.memory_space<vmem>>
        %dma_start3A_2030 = tpu.memref_slice %arg2[%mul3A_2021, %mul3A_2] : memref<200x4096xi32, #tpu.memory_space<hbm>> -> memref<8x128xi32, #tpu.memory_space<hbm>>
        %dma_start3A_2031 = arith.constant 0 : i32
        %dma_start3A_2032 = arith.constant 0 : i32
        %dma_start3A_2033 = tpu.memref_slice %arg5[%rem3A_2025, %dma_start3A_2031, %dma_start3A_2032] : memref<2x8x128xi32, #tpu.memory_space<vmem>> -> memref<1x8x128xi32, #tpu.memory_space<vmem>>
        %dma_start3A_2034 = tpu.memref_squeeze %dma_start3A_2033 : memref<1x8x128xi32, #tpu.memory_space<vmem>> -> memref<8x128xi32, #tpu.memory_space<vmem>>
        %dma_start3A_2035 = tpu.memref_slice %arg2[%mul3A_2021, %mul3A_2] : memref<200x4096xi32, #tpu.memory_space<hbm>> -> memref<8x128xi32, #tpu.memory_space<hbm>>
        tpu.enqueue_dma source(%dma_start3A_2035 : memref<8x128xi32, #tpu.memory_space<hbm>>) target(%dma_start3A_2034 : memref<8x128xi32, #tpu.memory_space<vmem>>) target_semaphore(%arg9 : memref<!tpu.dma_semaphore, #tpu.memory_space<semaphore_mem>>)
      } else {
      }
      %dma_start3A_1164 = arith.constant 0 : i32
      %dma_start3A_1165 = arith.constant 0 : i32
      %dma_start3A_1166 = arith.constant 0 : i32
      %dma_start3A_1167 = arith.constant 0 : i32
      %dma_start3A_1168 = tpu.memref_slice %arg6[%dma_start3A_1164, %dma_start3A_1166, %dma_start3A_1167] : memref<5x128x128xf32, #tpu.memory_space<vmem>> -> memref<1x128x128xf32, #tpu.memory_space<vmem>>
      %dma_start3A_1169 = tpu.memref_squeeze %dma_start3A_1168 : memref<1x128x128xf32, #tpu.memory_space<vmem>> -> memref<128x128xf32, #tpu.memory_space<vmem>>
      %dma_start3A_1170 = arith.constant 0 : i32
      %dma_start3A_1171 = tpu.memref_slice %arg4[%add3A_1109, %mul3A_2, %dma_start3A_1170] : memref<200x4096x128xf32, #tpu.memory_space<hbm>> -> memref<1x128x128xf32, #tpu.memory_space<hbm>>
      %dma_start3A_1172 = tpu.memref_squeeze %dma_start3A_1171 : memref<1x128x128xf32, #tpu.memory_space<hbm>> -> memref<128x128xf32, #tpu.memory_space<hbm>>
      %dma_start3A_1173 = tpu.memref_slice %arg8[%dma_start3A_1165] : memref<5x!tpu.dma_semaphore, #tpu.memory_space<semaphore_mem>> -> memref<1x!tpu.dma_semaphore, #tpu.memory_space<semaphore_mem>>
      %dma_start3A_1174 = tpu.memref_squeeze %dma_start3A_1173 : memref<1x!tpu.dma_semaphore, #tpu.memory_space<semaphore_mem>> -> memref<!tpu.dma_semaphore, #tpu.memory_space<semaphore_mem>>
      %dma_start3A_1175 = arith.constant 0 : i32
      %dma_start3A_1176 = tpu.memref_slice %arg4[%add3A_1109, %mul3A_2, %dma_start3A_1175] : memref<200x4096x128xf32, #tpu.memory_space<hbm>> -> memref<1x128x128xf32, #tpu.memory_space<hbm>>
      %dma_start3A_1177 = tpu.memref_squeeze %dma_start3A_1176 : memref<1x128x128xf32, #tpu.memory_space<hbm>> -> memref<128x128xf32, #tpu.memory_space<hbm>>
      %dma_start3A_1178 = arith.constant 0 : i32
      %dma_start3A_1179 = arith.constant 0 : i32
      %dma_start3A_1180 = tpu.memref_slice %arg6[%dma_start3A_1164, %dma_start3A_1178, %dma_start3A_1179] : memref<5x128x128xf32, #tpu.memory_space<vmem>> -> memref<1x128x128xf32, #tpu.memory_space<vmem>>
      %dma_start3A_1181 = tpu.memref_squeeze %dma_start3A_1180 : memref<1x128x128xf32, #tpu.memory_space<vmem>> -> memref<128x128xf32, #tpu.memory_space<vmem>>
      tpu.enqueue_dma source(%dma_start3A_1181 : memref<128x128xf32, #tpu.memory_space<vmem>>) target(%dma_start3A_1177 : memref<128x128xf32, #tpu.memory_space<hbm>>) target_semaphore(%dma_start3A_1174 : memref<!tpu.dma_semaphore, #tpu.memory_space<semaphore_mem>>)
      %eq3A_1182 = arith.constant 4 : i32
      %eq3A_1183 = arith.cmpi eq, %rem3A_1135, %eq3A_1182 : i32
      %add3A_1184 = arith.constant 1 : i32
      %add3A_1185 = arith.addi %select_n3A_1133, %add3A_1184 : i32
      %lt3A_1186 = arith.constant 25 : i32
      %lt3A_1187 = arith.cmpi slt, %add3A_1185, %lt3A_1186 : i32
      %and3A_1188 = arith.andi %eq3A_1183, %lt3A_1187 : i1
      %convert_element_type3A_1189 = arith.extui %and3A_1188 : i1 to i32
      %cond3A_1190 = arith.constant 0 : i32
      %cond3A_1191 = arith.cmpi ne, %convert_element_type3A_1189, %cond3A_1190 : i32
      scf.if %cond3A_1191 {
        %dma_wait3A_2018 = arith.constant 0 : i32
        %dma_wait3A_2019 = arith.constant 0 : i32
        %dma_wait3A_2020 = arith.constant 0 : i32
        %dma_wait3A_2021 = tpu.memref_slice %arg5[%dma_wait3A_2018, %dma_wait3A_2019, %dma_wait3A_2020] : memref<2x8x128xi32, #tpu.memory_space<vmem>> -> memref<1x8x128xi32, #tpu.memory_space<vmem>>
        %dma_wait3A_2022 = tpu.memref_squeeze %dma_wait3A_2021 : memref<1x8x128xi32, #tpu.memory_space<vmem>> -> memref<8x128xi32, #tpu.memory_space<vmem>>
        %dma_wait3A_2023 = arith.constant 0 : i32
        %dma_wait3A_2024 = arith.constant 0 : i32
        %dma_wait3A_2025 = tpu.memref_slice %arg2[%dma_wait3A_2023, %dma_wait3A_2024] : memref<200x4096xi32, #tpu.memory_space<hbm>> -> memref<8x128xi32, #tpu.memory_space<hbm>>
        %dma_wait3A_2026 = arith.constant 0 : i32
        %dma_wait3A_2027 = arith.constant 0 : i32
        %dma_wait3A_2028 = tpu.memref_slice %arg5[%dma_wait3A_2018, %dma_wait3A_2026, %dma_wait3A_2027] : memref<2x8x128xi32, #tpu.memory_space<vmem>> -> memref<1x8x128xi32, #tpu.memory_space<vmem>>
        %dma_wait3A_2029 = tpu.memref_squeeze %dma_wait3A_2028 : memref<1x8x128xi32, #tpu.memory_space<vmem>> -> memref<8x128xi32, #tpu.memory_space<vmem>>
        %dma_wait3A_2030 = arith.constant 0 : i32
        %dma_wait3A_2031 = arith.constant 0 : i32
        %dma_wait3A_2032 = tpu.memref_slice %arg2[%dma_wait3A_2030, %dma_wait3A_2031] : memref<200x4096xi32, #tpu.memory_space<hbm>> -> memref<8x128xi32, #tpu.memory_space<hbm>>
        tpu.wait_dma2 semaphore(%arg9 : memref<!tpu.dma_semaphore, #tpu.memory_space<semaphore_mem>>) src(%dma_wait3A_2032 : memref<8x128xi32, #tpu.memory_space<hbm>>) dst(%dma_wait3A_2029 : memref<8x128xi32, #tpu.memory_space<vmem>>)
      } else {
      }
      %add3A_1192 = arith.constant 3 : i32
      %add3A_1193 = arith.addi %add3A_1109, %add3A_1192 : i32
      %lt3A_1194 = arith.constant 200 : i32
      %lt3A_1195 = arith.cmpi slt, %add3A_1193, %lt3A_1194 : i32
      %convert_element_type3A_1196 = arith.extui %lt3A_1195 : i1 to i32
      %cond3A_1197 = arith.constant 0 : i32
      %cond3A_1198 = arith.cmpi ne, %convert_element_type3A_1196, %cond3A_1197 : i32
      scf.if %cond3A_1198 {
        %ge3A = arith.constant 2 : i32
        %ge3A_2018 = arith.cmpi sge, %add3A_1109, %ge3A : i32
        %convert_element_type3A_2019 = arith.extui %ge3A_2018 : i1 to i32
        %cond3A_2020 = arith.constant 0 : i32
        %cond3A_2021 = arith.cmpi ne, %convert_element_type3A_2019, %cond3A_2020 : i32
        scf.if %cond3A_2021 {
          %dma_wait3A_2082 = arith.constant 3 : i32
          %dma_wait3A_2083 = arith.constant 3 : i32
          %dma_wait3A_2084 = arith.constant 0 : i32
          %dma_wait3A_2085 = arith.constant 0 : i32
          %dma_wait3A_2086 = tpu.memref_slice %arg6[%dma_wait3A_2082, %dma_wait3A_2084, %dma_wait3A_2085] : memref<5x128x128xf32, #tpu.memory_space<vmem>> -> memref<1x128x128xf32, #tpu.memory_space<vmem>>
          %dma_wait3A_2087 = tpu.memref_squeeze %dma_wait3A_2086 : memref<1x128x128xf32, #tpu.memory_space<vmem>> -> memref<128x128xf32, #tpu.memory_space<vmem>>
          %dma_wait3A_2088 = arith.constant 0 : i32
          %dma_wait3A_2089 = arith.constant 0 : i32
          %dma_wait3A_2090 = tpu.memref_slice %arg3[%dma_wait3A_2088, %dma_wait3A_2089] : memref<1000000x128xf32, #tpu.memory_space<hbm>> -> memref<128x128xf32, #tpu.memory_space<hbm>>
          %dma_wait3A_2091 = tpu.memref_slice %arg8[%dma_wait3A_2083] : memref<5x!tpu.dma_semaphore, #tpu.memory_space<semaphore_mem>> -> memref<1x!tpu.dma_semaphore, #tpu.memory_space<semaphore_mem>>
          %dma_wait3A_2092 = tpu.memref_squeeze %dma_wait3A_2091 : memref<1x!tpu.dma_semaphore, #tpu.memory_space<semaphore_mem>> -> memref<!tpu.dma_semaphore, #tpu.memory_space<semaphore_mem>>
          %dma_wait3A_2093 = arith.constant 0 : i32
          %dma_wait3A_2094 = arith.constant 0 : i32
          %dma_wait3A_2095 = tpu.memref_slice %arg6[%dma_wait3A_2082, %dma_wait3A_2093, %dma_wait3A_2094] : memref<5x128x128xf32, #tpu.memory_space<vmem>> -> memref<1x128x128xf32, #tpu.memory_space<vmem>>
          %dma_wait3A_2096 = tpu.memref_squeeze %dma_wait3A_2095 : memref<1x128x128xf32, #tpu.memory_space<vmem>> -> memref<128x128xf32, #tpu.memory_space<vmem>>
          %dma_wait3A_2097 = arith.constant 0 : i32
          %dma_wait3A_2098 = arith.constant 0 : i32
          %dma_wait3A_2099 = tpu.memref_slice %arg3[%dma_wait3A_2097, %dma_wait3A_2098] : memref<1000000x128xf32, #tpu.memory_space<hbm>> -> memref<128x128xf32, #tpu.memory_space<hbm>>
          tpu.wait_dma2 semaphore(%dma_wait3A_2092 : memref<!tpu.dma_semaphore, #tpu.memory_space<semaphore_mem>>) src(%dma_wait3A_2099 : memref<128x128xf32, #tpu.memory_space<hbm>>) dst(%dma_wait3A_2096 : memref<128x128xf32, #tpu.memory_space<vmem>>)
        } else {
        }
        %add3A_2022 = arith.constant 3 : i32
        %add3A_2023 = arith.addi %add3A_1109, %add3A_2022 : i32
        %jit3A_2024 = arith.constant 8 : i32
        %div3A_2025 = arith.divsi %add3A_2023, %jit3A_2024 : i32
        %sign3A_2026 = arith.constant 0 : i32
        %sign3A_2027 = arith.cmpi sgt, %add3A_2023, %sign3A_2026 : i32
        %sign3A_2028 = arith.extui %sign3A_2027 : i1 to i32
        %sign3A_2029 = arith.constant 0 : i32
        %sign3A_2030 = arith.cmpi slt, %add3A_2023, %sign3A_2029 : i32
        %sign3A_2031 = arith.extui %sign3A_2030 : i1 to i32
        %sign3A_2032 = arith.subi %sign3A_2028, %sign3A_2031 : i32
        %sign3A_2033 = arith.constant 0 : i32
        %sign3A_2034 = arith.cmpi sgt, %jit3A_2024, %sign3A_2033 : i32
        %sign3A_2035 = arith.extui %sign3A_2034 : i1 to i32
        %sign3A_2036 = arith.constant 0 : i32
        %sign3A_2037 = arith.cmpi slt, %jit3A_2024, %sign3A_2036 : i32
        %sign3A_2038 = arith.extui %sign3A_2037 : i1 to i32
        %sign3A_2039 = arith.subi %sign3A_2035, %sign3A_2038 : i32
        %ne3A_2040 = arith.cmpi ne, %sign3A_2032, %sign3A_2039 : i32
        %rem3A_2041 = arith.remsi %add3A_2023, %jit3A_2024 : i32
        %ne3A_2042 = arith.constant 0 : i32
        %ne3A_2043 = arith.cmpi ne, %rem3A_2041, %ne3A_2042 : i32
        %and3A_2044 = arith.andi %ne3A_2040, %ne3A_2043 : i1
        %sub3A_2045 = arith.constant 1 : i32
        %sub3A_2046 = arith.subi %div3A_2025, %sub3A_2045 : i32
        %select_n3A_2047 = arith.select %and3A_2044, %sub3A_2046, %div3A_2025 : i32
        %rem3A_2048 = arith.constant 8 : i32
        %rem3A_2049 = arith.remsi %add3A_2023, %rem3A_2048 : i32
        %rem3A_2050 = arith.constant 2 : i32
        %rem3A_2051 = arith.remsi %select_n3A_2047, %rem3A_2050 : i32
        %dma_start3A_2052 = arith.constant 3 : i32
        %dma_start3A_2053 = arith.constant 3 : i32
        %dma_start3A_2054 = arith.constant 0 : i32
        %dma_start3A_2055 = arith.constant 0 : i32
        %dma_start3A_2056 = tpu.memref_slice %arg6[%dma_start3A_2052, %dma_start3A_2054, %dma_start3A_2055] : memref<5x128x128xf32, #tpu.memory_space<vmem>> -> memref<1x64x128xf32, #tpu.memory_space<vmem>>
        %dma_start3A_2057 = tpu.memref_squeeze %dma_start3A_2056 : memref<1x64x128xf32, #tpu.memory_space<vmem>> -> memref<64x128xf32, #tpu.memory_space<vmem>>
        %dma_start3A_2058 = arith.constant 0 : i32
        %dma_start3A_2059 = tpu.memref_slice %arg5[%rem3A_2051, %rem3A_2049, %dma_start3A_2058] : memref<2x8x128xi32, #tpu.memory_space<vmem>> -> memref<1x1x64xi32, #tpu.memory_space<vmem>>
        %dma_start3A_2060 = tpu.memref_squeeze %dma_start3A_2059 : memref<1x1x64xi32, #tpu.memory_space<vmem>> -> memref<64xi32, #tpu.memory_space<vmem>>
        %dma_start3A_2061 = arith.constant 0 : i32
        %dma_start3A_2062 = arith.constant 0 : i32
        %dma_start3A_2063 = tpu.memref_slice %arg3[%dma_start3A_2061, %dma_start3A_2062] : memref<1000000x128xf32, #tpu.memory_space<hbm>> -> memref<1000000x128xf32, #tpu.memory_space<hbm>>
        %dma_start3A_2064 = tpu.memref_slice %arg7[%dma_start3A_2053] : memref<5x!tpu.dma_semaphore, #tpu.memory_space<semaphore_mem>> -> memref<1x!tpu.dma_semaphore, #tpu.memory_space<semaphore_mem>>
        %dma_start3A_2065 = tpu.memref_squeeze %dma_start3A_2064 : memref<1x!tpu.dma_semaphore, #tpu.memory_space<semaphore_mem>> -> memref<!tpu.dma_semaphore, #tpu.memory_space<semaphore_mem>>
        tpu.enqueue_indirect_dma source(%dma_start3A_2063 : memref<1000000x128xf32, #tpu.memory_space<hbm>>) target(%dma_start3A_2057 : memref<64x128xf32, #tpu.memory_space<vmem>>) offsets(%dma_start3A_2060 : memref<64xi32, #tpu.memory_space<vmem>>) semaphore(%dma_start3A_2065 : memref<!tpu.dma_semaphore, #tpu.memory_space<semaphore_mem>>)
        %rem3A_2066 = arith.constant 2 : i32
        %rem3A_2067 = arith.remsi %select_n3A_2047, %rem3A_2066 : i32
        %dma_start3A_2068 = arith.constant 3 : i32
        %dma_start3A_2069 = arith.constant 3 : i32
        %dma_start3A_2070 = arith.constant 64 : i32
        %dma_start3A_2071 = arith.constant 0 : i32
        %dma_start3A_2072 = tpu.memref_slice %arg6[%dma_start3A_2068, %dma_start3A_2070, %dma_start3A_2071] : memref<5x128x128xf32, #tpu.memory_space<vmem>> -> memref<1x64x128xf32, #tpu.memory_space<vmem>>
        %dma_start3A_2073 = tpu.memref_squeeze %dma_start3A_2072 : memref<1x64x128xf32, #tpu.memory_space<vmem>> -> memref<64x128xf32, #tpu.memory_space<vmem>>
        %dma_start3A_2074 = arith.constant 64 : i32
        %dma_start3A_2075 = tpu.memref_slice %arg5[%rem3A_2067, %rem3A_2049, %dma_start3A_2074] : memref<2x8x128xi32, #tpu.memory_space<vmem>> -> memref<1x1x64xi32, #tpu.memory_space<vmem>>
        %dma_start3A_2076 = tpu.memref_squeeze %dma_start3A_2075 : memref<1x1x64xi32, #tpu.memory_space<vmem>> -> memref<64xi32, #tpu.memory_space<vmem>>
        %dma_start3A_2077 = arith.constant 0 : i32
        %dma_start3A_2078 = arith.constant 0 : i32
        %dma_start3A_2079 = tpu.memref_slice %arg3[%dma_start3A_2077, %dma_start3A_2078] : memref<1000000x128xf32, #tpu.memory_space<hbm>> -> memref<1000000x128xf32, #tpu.memory_space<hbm>>
        %dma_start3A_2080 = tpu.memref_slice %arg7[%dma_start3A_2069] : memref<5x!tpu.dma_semaphore, #tpu.memory_space<semaphore_mem>> -> memref<1x!tpu.dma_semaphore, #tpu.memory_space<semaphore_mem>>
        %dma_start3A_2081 = tpu.memref_squeeze %dma_start3A_2080 : memref<1x!tpu.dma_semaphore, #tpu.memory_space<semaphore_mem>> -> memref<!tpu.dma_semaphore, #tpu.memory_space<semaphore_mem>>
        tpu.enqueue_indirect_dma source(%dma_start3A_2079 : memref<1000000x128xf32, #tpu.memory_space<hbm>>) target(%dma_start3A_2073 : memref<64x128xf32, #tpu.memory_space<vmem>>) offsets(%dma_start3A_2076 : memref<64xi32, #tpu.memory_space<vmem>>) semaphore(%dma_start3A_2081 : memref<!tpu.dma_semaphore, #tpu.memory_space<semaphore_mem>>)
      } else {
      }
      %add3A_1199 = arith.constant 11 : i32
      %add3A_1200 = arith.addi %mul3A_208, %add3A_1199 : i32
      %jit3A_1201 = arith.constant 8 : i32
      %div3A_1202 = arith.divsi %add3A_1200, %jit3A_1201 : i32
      %sign3A_1203 = arith.constant 0 : i32
      %sign3A_1204 = arith.cmpi sgt, %add3A_1200, %sign3A_1203 : i32
      %sign3A_1205 = arith.extui %sign3A_1204 : i1 to i32
      %sign3A_1206 = arith.constant 0 : i32
      %sign3A_1207 = arith.cmpi slt, %add3A_1200, %sign3A_1206 : i32
      %sign3A_1208 = arith.extui %sign3A_1207 : i1 to i32
      %sign3A_1209 = arith.subi %sign3A_1205, %sign3A_1208 : i32
      %sign3A_1210 = arith.constant 0 : i32
      %sign3A_1211 = arith.cmpi sgt, %jit3A_1201, %sign3A_1210 : i32
      %sign3A_1212 = arith.extui %sign3A_1211 : i1 to i32
      %sign3A_1213 = arith.constant 0 : i32
      %sign3A_1214 = arith.cmpi slt, %jit3A_1201, %sign3A_1213 : i32
      %sign3A_1215 = arith.extui %sign3A_1214 : i1 to i32
      %sign3A_1216 = arith.subi %sign3A_1212, %sign3A_1215 : i32
      %ne3A_1217 = arith.cmpi ne, %sign3A_1209, %sign3A_1216 : i32
      %rem3A_1218 = arith.remsi %add3A_1200, %jit3A_1201 : i32
      %ne3A_1219 = arith.constant 0 : i32
      %ne3A_1220 = arith.cmpi ne, %rem3A_1218, %ne3A_1219 : i32
      %and3A_1221 = arith.andi %ne3A_1217, %ne3A_1220 : i1
      %sub3A_1222 = arith.constant 1 : i32
      %sub3A_1223 = arith.subi %div3A_1202, %sub3A_1222 : i32
      %select_n3A_1224 = arith.select %and3A_1221, %sub3A_1223, %div3A_1202 : i32
      %rem3A_1225 = arith.constant 8 : i32
      %rem3A_1226 = arith.remsi %add3A_1200, %rem3A_1225 : i32
      %dma_wait3A_1227 = arith.constant 1 : i32
      %dma_wait3A_1228 = arith.constant 1 : i32
      %dma_wait3A_1229 = arith.constant 0 : i32
      %dma_wait3A_1230 = arith.constant 0 : i32
      %dma_wait3A_1231 = tpu.memref_slice %arg6[%dma_wait3A_1227, %dma_wait3A_1229, %dma_wait3A_1230] : memref<5x128x128xf32, #tpu.memory_space<vmem>> -> memref<1x128x128xf32, #tpu.memory_space<vmem>>
      %dma_wait3A_1232 = tpu.memref_squeeze %dma_wait3A_1231 : memref<1x128x128xf32, #tpu.memory_space<vmem>> -> memref<128x128xf32, #tpu.memory_space<vmem>>
      %dma_wait3A_1233 = arith.constant 0 : i32
      %dma_wait3A_1234 = arith.constant 0 : i32
      %dma_wait3A_1235 = tpu.memref_slice %arg3[%dma_wait3A_1233, %dma_wait3A_1234] : memref<1000000x128xf32, #tpu.memory_space<hbm>> -> memref<128x128xf32, #tpu.memory_space<hbm>>
      %dma_wait3A_1236 = tpu.memref_slice %arg7[%dma_wait3A_1228] : memref<5x!tpu.dma_semaphore, #tpu.memory_space<semaphore_mem>> -> memref<1x!tpu.dma_semaphore, #tpu.memory_space<semaphore_mem>>
      %dma_wait3A_1237 = tpu.memref_squeeze %dma_wait3A_1236 : memref<1x!tpu.dma_semaphore, #tpu.memory_space<semaphore_mem>> -> memref<!tpu.dma_semaphore, #tpu.memory_space<semaphore_mem>>
      %dma_wait3A_1238 = arith.constant 0 : i32
      %dma_wait3A_1239 = arith.constant 0 : i32
      %dma_wait3A_1240 = tpu.memref_slice %arg6[%dma_wait3A_1227, %dma_wait3A_1238, %dma_wait3A_1239] : memref<5x128x128xf32, #tpu.memory_space<vmem>> -> memref<1x128x128xf32, #tpu.memory_space<vmem>>
      %dma_wait3A_1241 = tpu.memref_squeeze %dma_wait3A_1240 : memref<1x128x128xf32, #tpu.memory_space<vmem>> -> memref<128x128xf32, #tpu.memory_space<vmem>>
      %dma_wait3A_1242 = arith.constant 0 : i32
      %dma_wait3A_1243 = arith.constant 0 : i32
      %dma_wait3A_1244 = tpu.memref_slice %arg3[%dma_wait3A_1242, %dma_wait3A_1243] : memref<1000000x128xf32, #tpu.memory_space<hbm>> -> memref<128x128xf32, #tpu.memory_space<hbm>>
      tpu.wait_dma2 semaphore(%dma_wait3A_1237 : memref<!tpu.dma_semaphore, #tpu.memory_space<semaphore_mem>>) src(%dma_wait3A_1244 : memref<128x128xf32, #tpu.memory_space<hbm>>) dst(%dma_wait3A_1241 : memref<128x128xf32, #tpu.memory_space<vmem>>)
      %eq3A_1245 = arith.constant 0 : i32
      %eq3A_1246 = arith.cmpi eq, %rem3A_1226, %eq3A_1245 : i32
      %add3A_1247 = arith.constant 1 : i32
      %add3A_1248 = arith.addi %select_n3A_1224, %add3A_1247 : i32
      %lt3A_1249 = arith.constant 25 : i32
      %lt3A_1250 = arith.cmpi slt, %add3A_1248, %lt3A_1249 : i32
      %and3A_1251 = arith.andi %eq3A_1246, %lt3A_1250 : i1
      %convert_element_type3A_1252 = arith.extui %and3A_1251 : i1 to i32
      %cond3A_1253 = arith.constant 0 : i32
      %cond3A_1254 = arith.cmpi ne, %convert_element_type3A_1252, %cond3A_1253 : i32
      scf.if %cond3A_1254 {
        %add3A_2018 = arith.constant 1 : i32
        %add3A_2019 = arith.addi %select_n3A_1224, %add3A_2018 : i32
        %mul3A_2020 = arith.constant 8 : i32
        %mul3A_2021 = arith.muli %add3A_2019, %mul3A_2020 : i32
        %add3A_2022 = arith.constant 1 : i32
        %add3A_2023 = arith.addi %select_n3A_1224, %add3A_2022 : i32
        %rem3A_2024 = arith.constant 2 : i32
        %rem3A_2025 = arith.remsi %add3A_2023, %rem3A_2024 : i32
        %dma_start3A_2026 = arith.constant 0 : i32
        %dma_start3A_2027 = arith.constant 0 : i32
        %dma_start3A_2028 = tpu.memref_slice %arg5[%rem3A_2025, %dma_start3A_2026, %dma_start3A_2027] : memref<2x8x128xi32, #tpu.memory_space<vmem>> -> memref<1x8x128xi32, #tpu.memory_space<vmem>>
        %dma_start3A_2029 = tpu.memref_squeeze %dma_start3A_2028 : memref<1x8x128xi32, #tpu.memory_space<vmem>> -> memref<8x128xi32, #tpu.memory_space<vmem>>
        %dma_start3A_2030 = tpu.memref_slice %arg2[%mul3A_2021, %mul3A_2] : memref<200x4096xi32, #tpu.memory_space<hbm>> -> memref<8x128xi32, #tpu.memory_space<hbm>>
        %dma_start3A_2031 = arith.constant 0 : i32
        %dma_start3A_2032 = arith.constant 0 : i32
        %dma_start3A_2033 = tpu.memref_slice %arg5[%rem3A_2025, %dma_start3A_2031, %dma_start3A_2032] : memref<2x8x128xi32, #tpu.memory_space<vmem>> -> memref<1x8x128xi32, #tpu.memory_space<vmem>>
        %dma_start3A_2034 = tpu.memref_squeeze %dma_start3A_2033 : memref<1x8x128xi32, #tpu.memory_space<vmem>> -> memref<8x128xi32, #tpu.memory_space<vmem>>
        %dma_start3A_2035 = tpu.memref_slice %arg2[%mul3A_2021, %mul3A_2] : memref<200x4096xi32, #tpu.memory_space<hbm>> -> memref<8x128xi32, #tpu.memory_space<hbm>>
        tpu.enqueue_dma source(%dma_start3A_2035 : memref<8x128xi32, #tpu.memory_space<hbm>>) target(%dma_start3A_2034 : memref<8x128xi32, #tpu.memory_space<vmem>>) target_semaphore(%arg9 : memref<!tpu.dma_semaphore, #tpu.memory_space<semaphore_mem>>)
      } else {
      }
      %dma_start3A_1255 = arith.constant 1 : i32
      %dma_start3A_1256 = arith.constant 1 : i32
      %dma_start3A_1257 = arith.constant 0 : i32
      %dma_start3A_1258 = arith.constant 0 : i32
      %dma_start3A_1259 = tpu.memref_slice %arg6[%dma_start3A_1255, %dma_start3A_1257, %dma_start3A_1258] : memref<5x128x128xf32, #tpu.memory_space<vmem>> -> memref<1x128x128xf32, #tpu.memory_space<vmem>>
      %dma_start3A_1260 = tpu.memref_squeeze %dma_start3A_1259 : memref<1x128x128xf32, #tpu.memory_space<vmem>> -> memref<128x128xf32, #tpu.memory_space<vmem>>
      %dma_start3A_1261 = arith.constant 0 : i32
      %dma_start3A_1262 = tpu.memref_slice %arg4[%add3A_1200, %mul3A_2, %dma_start3A_1261] : memref<200x4096x128xf32, #tpu.memory_space<hbm>> -> memref<1x128x128xf32, #tpu.memory_space<hbm>>
      %dma_start3A_1263 = tpu.memref_squeeze %dma_start3A_1262 : memref<1x128x128xf32, #tpu.memory_space<hbm>> -> memref<128x128xf32, #tpu.memory_space<hbm>>
      %dma_start3A_1264 = tpu.memref_slice %arg8[%dma_start3A_1256] : memref<5x!tpu.dma_semaphore, #tpu.memory_space<semaphore_mem>> -> memref<1x!tpu.dma_semaphore, #tpu.memory_space<semaphore_mem>>
      %dma_start3A_1265 = tpu.memref_squeeze %dma_start3A_1264 : memref<1x!tpu.dma_semaphore, #tpu.memory_space<semaphore_mem>> -> memref<!tpu.dma_semaphore, #tpu.memory_space<semaphore_mem>>
      %dma_start3A_1266 = arith.constant 0 : i32
      %dma_start3A_1267 = tpu.memref_slice %arg4[%add3A_1200, %mul3A_2, %dma_start3A_1266] : memref<200x4096x128xf32, #tpu.memory_space<hbm>> -> memref<1x128x128xf32, #tpu.memory_space<hbm>>
      %dma_start3A_1268 = tpu.memref_squeeze %dma_start3A_1267 : memref<1x128x128xf32, #tpu.memory_space<hbm>> -> memref<128x128xf32, #tpu.memory_space<hbm>>
      %dma_start3A_1269 = arith.constant 0 : i32
      %dma_start3A_1270 = arith.constant 0 : i32
      %dma_start3A_1271 = tpu.memref_slice %arg6[%dma_start3A_1255, %dma_start3A_1269, %dma_start3A_1270] : memref<5x128x128xf32, #tpu.memory_space<vmem>> -> memref<1x128x128xf32, #tpu.memory_space<vmem>>
      %dma_start3A_1272 = tpu.memref_squeeze %dma_start3A_1271 : memref<1x128x128xf32, #tpu.memory_space<vmem>> -> memref<128x128xf32, #tpu.memory_space<vmem>>
      tpu.enqueue_dma source(%dma_start3A_1272 : memref<128x128xf32, #tpu.memory_space<vmem>>) target(%dma_start3A_1268 : memref<128x128xf32, #tpu.memory_space<hbm>>) target_semaphore(%dma_start3A_1265 : memref<!tpu.dma_semaphore, #tpu.memory_space<semaphore_mem>>)
      %eq3A_1273 = arith.constant 4 : i32
      %eq3A_1274 = arith.cmpi eq, %rem3A_1226, %eq3A_1273 : i32
      %add3A_1275 = arith.constant 1 : i32
      %add3A_1276 = arith.addi %select_n3A_1224, %add3A_1275 : i32
      %lt3A_1277 = arith.constant 25 : i32
      %lt3A_1278 = arith.cmpi slt, %add3A_1276, %lt3A_1277 : i32
      %and3A_1279 = arith.andi %eq3A_1274, %lt3A_1278 : i1
      %convert_element_type3A_1280 = arith.extui %and3A_1279 : i1 to i32
      %cond3A_1281 = arith.constant 0 : i32
      %cond3A_1282 = arith.cmpi ne, %convert_element_type3A_1280, %cond3A_1281 : i32
      scf.if %cond3A_1282 {
        %dma_wait3A_2018 = arith.constant 0 : i32
        %dma_wait3A_2019 = arith.constant 0 : i32
        %dma_wait3A_2020 = arith.constant 0 : i32
        %dma_wait3A_2021 = tpu.memref_slice %arg5[%dma_wait3A_2018, %dma_wait3A_2019, %dma_wait3A_2020] : memref<2x8x128xi32, #tpu.memory_space<vmem>> -> memref<1x8x128xi32, #tpu.memory_space<vmem>>
        %dma_wait3A_2022 = tpu.memref_squeeze %dma_wait3A_2021 : memref<1x8x128xi32, #tpu.memory_space<vmem>> -> memref<8x128xi32, #tpu.memory_space<vmem>>
        %dma_wait3A_2023 = arith.constant 0 : i32
        %dma_wait3A_2024 = arith.constant 0 : i32
        %dma_wait3A_2025 = tpu.memref_slice %arg2[%dma_wait3A_2023, %dma_wait3A_2024] : memref<200x4096xi32, #tpu.memory_space<hbm>> -> memref<8x128xi32, #tpu.memory_space<hbm>>
        %dma_wait3A_2026 = arith.constant 0 : i32
        %dma_wait3A_2027 = arith.constant 0 : i32
        %dma_wait3A_2028 = tpu.memref_slice %arg5[%dma_wait3A_2018, %dma_wait3A_2026, %dma_wait3A_2027] : memref<2x8x128xi32, #tpu.memory_space<vmem>> -> memref<1x8x128xi32, #tpu.memory_space<vmem>>
        %dma_wait3A_2029 = tpu.memref_squeeze %dma_wait3A_2028 : memref<1x8x128xi32, #tpu.memory_space<vmem>> -> memref<8x128xi32, #tpu.memory_space<vmem>>
        %dma_wait3A_2030 = arith.constant 0 : i32
        %dma_wait3A_2031 = arith.constant 0 : i32
        %dma_wait3A_2032 = tpu.memref_slice %arg2[%dma_wait3A_2030, %dma_wait3A_2031] : memref<200x4096xi32, #tpu.memory_space<hbm>> -> memref<8x128xi32, #tpu.memory_space<hbm>>
        tpu.wait_dma2 semaphore(%arg9 : memref<!tpu.dma_semaphore, #tpu.memory_space<semaphore_mem>>) src(%dma_wait3A_2032 : memref<8x128xi32, #tpu.memory_space<hbm>>) dst(%dma_wait3A_2029 : memref<8x128xi32, #tpu.memory_space<vmem>>)
      } else {
      }
      %add3A_1283 = arith.constant 3 : i32
      %add3A_1284 = arith.addi %add3A_1200, %add3A_1283 : i32
      %lt3A_1285 = arith.constant 200 : i32
      %lt3A_1286 = arith.cmpi slt, %add3A_1284, %lt3A_1285 : i32
      %convert_element_type3A_1287 = arith.extui %lt3A_1286 : i1 to i32
      %cond3A_1288 = arith.constant 0 : i32
      %cond3A_1289 = arith.cmpi ne, %convert_element_type3A_1287, %cond3A_1288 : i32
      scf.if %cond3A_1289 {
        %ge3A = arith.constant 2 : i32
        %ge3A_2018 = arith.cmpi sge, %add3A_1200, %ge3A : i32
        %convert_element_type3A_2019 = arith.extui %ge3A_2018 : i1 to i32
        %cond3A_2020 = arith.constant 0 : i32
        %cond3A_2021 = arith.cmpi ne, %convert_element_type3A_2019, %cond3A_2020 : i32
        scf.if %cond3A_2021 {
          %dma_wait3A_2082 = arith.constant 4 : i32
          %dma_wait3A_2083 = arith.constant 4 : i32
          %dma_wait3A_2084 = arith.constant 0 : i32
          %dma_wait3A_2085 = arith.constant 0 : i32
          %dma_wait3A_2086 = tpu.memref_slice %arg6[%dma_wait3A_2082, %dma_wait3A_2084, %dma_wait3A_2085] : memref<5x128x128xf32, #tpu.memory_space<vmem>> -> memref<1x128x128xf32, #tpu.memory_space<vmem>>
          %dma_wait3A_2087 = tpu.memref_squeeze %dma_wait3A_2086 : memref<1x128x128xf32, #tpu.memory_space<vmem>> -> memref<128x128xf32, #tpu.memory_space<vmem>>
          %dma_wait3A_2088 = arith.constant 0 : i32
          %dma_wait3A_2089 = arith.constant 0 : i32
          %dma_wait3A_2090 = tpu.memref_slice %arg3[%dma_wait3A_2088, %dma_wait3A_2089] : memref<1000000x128xf32, #tpu.memory_space<hbm>> -> memref<128x128xf32, #tpu.memory_space<hbm>>
          %dma_wait3A_2091 = tpu.memref_slice %arg8[%dma_wait3A_2083] : memref<5x!tpu.dma_semaphore, #tpu.memory_space<semaphore_mem>> -> memref<1x!tpu.dma_semaphore, #tpu.memory_space<semaphore_mem>>
          %dma_wait3A_2092 = tpu.memref_squeeze %dma_wait3A_2091 : memref<1x!tpu.dma_semaphore, #tpu.memory_space<semaphore_mem>> -> memref<!tpu.dma_semaphore, #tpu.memory_space<semaphore_mem>>
          %dma_wait3A_2093 = arith.constant 0 : i32
          %dma_wait3A_2094 = arith.constant 0 : i32
          %dma_wait3A_2095 = tpu.memref_slice %arg6[%dma_wait3A_2082, %dma_wait3A_2093, %dma_wait3A_2094] : memref<5x128x128xf32, #tpu.memory_space<vmem>> -> memref<1x128x128xf32, #tpu.memory_space<vmem>>
          %dma_wait3A_2096 = tpu.memref_squeeze %dma_wait3A_2095 : memref<1x128x128xf32, #tpu.memory_space<vmem>> -> memref<128x128xf32, #tpu.memory_space<vmem>>
          %dma_wait3A_2097 = arith.constant 0 : i32
          %dma_wait3A_2098 = arith.constant 0 : i32
          %dma_wait3A_2099 = tpu.memref_slice %arg3[%dma_wait3A_2097, %dma_wait3A_2098] : memref<1000000x128xf32, #tpu.memory_space<hbm>> -> memref<128x128xf32, #tpu.memory_space<hbm>>
          tpu.wait_dma2 semaphore(%dma_wait3A_2092 : memref<!tpu.dma_semaphore, #tpu.memory_space<semaphore_mem>>) src(%dma_wait3A_2099 : memref<128x128xf32, #tpu.memory_space<hbm>>) dst(%dma_wait3A_2096 : memref<128x128xf32, #tpu.memory_space<vmem>>)
        } else {
        }
        %add3A_2022 = arith.constant 3 : i32
        %add3A_2023 = arith.addi %add3A_1200, %add3A_2022 : i32
        %jit3A_2024 = arith.constant 8 : i32
        %div3A_2025 = arith.divsi %add3A_2023, %jit3A_2024 : i32
        %sign3A_2026 = arith.constant 0 : i32
        %sign3A_2027 = arith.cmpi sgt, %add3A_2023, %sign3A_2026 : i32
        %sign3A_2028 = arith.extui %sign3A_2027 : i1 to i32
        %sign3A_2029 = arith.constant 0 : i32
        %sign3A_2030 = arith.cmpi slt, %add3A_2023, %sign3A_2029 : i32
        %sign3A_2031 = arith.extui %sign3A_2030 : i1 to i32
        %sign3A_2032 = arith.subi %sign3A_2028, %sign3A_2031 : i32
        %sign3A_2033 = arith.constant 0 : i32
        %sign3A_2034 = arith.cmpi sgt, %jit3A_2024, %sign3A_2033 : i32
        %sign3A_2035 = arith.extui %sign3A_2034 : i1 to i32
        %sign3A_2036 = arith.constant 0 : i32
        %sign3A_2037 = arith.cmpi slt, %jit3A_2024, %sign3A_2036 : i32
        %sign3A_2038 = arith.extui %sign3A_2037 : i1 to i32
        %sign3A_2039 = arith.subi %sign3A_2035, %sign3A_2038 : i32
        %ne3A_2040 = arith.cmpi ne, %sign3A_2032, %sign3A_2039 : i32
        %rem3A_2041 = arith.remsi %add3A_2023, %jit3A_2024 : i32
        %ne3A_2042 = arith.constant 0 : i32
        %ne3A_2043 = arith.cmpi ne, %rem3A_2041, %ne3A_2042 : i32
        %and3A_2044 = arith.andi %ne3A_2040, %ne3A_2043 : i1
        %sub3A_2045 = arith.constant 1 : i32
        %sub3A_2046 = arith.subi %div3A_2025, %sub3A_2045 : i32
        %select_n3A_2047 = arith.select %and3A_2044, %sub3A_2046, %div3A_2025 : i32
        %rem3A_2048 = arith.constant 8 : i32
        %rem3A_2049 = arith.remsi %add3A_2023, %rem3A_2048 : i32
        %rem3A_2050 = arith.constant 2 : i32
        %rem3A_2051 = arith.remsi %select_n3A_2047, %rem3A_2050 : i32
        %dma_start3A_2052 = arith.constant 4 : i32
        %dma_start3A_2053 = arith.constant 4 : i32
        %dma_start3A_2054 = arith.constant 0 : i32
        %dma_start3A_2055 = arith.constant 0 : i32
        %dma_start3A_2056 = tpu.memref_slice %arg6[%dma_start3A_2052, %dma_start3A_2054, %dma_start3A_2055] : memref<5x128x128xf32, #tpu.memory_space<vmem>> -> memref<1x64x128xf32, #tpu.memory_space<vmem>>
        %dma_start3A_2057 = tpu.memref_squeeze %dma_start3A_2056 : memref<1x64x128xf32, #tpu.memory_space<vmem>> -> memref<64x128xf32, #tpu.memory_space<vmem>>
        %dma_start3A_2058 = arith.constant 0 : i32
        %dma_start3A_2059 = tpu.memref_slice %arg5[%rem3A_2051, %rem3A_2049, %dma_start3A_2058] : memref<2x8x128xi32, #tpu.memory_space<vmem>> -> memref<1x1x64xi32, #tpu.memory_space<vmem>>
        %dma_start3A_2060 = tpu.memref_squeeze %dma_start3A_2059 : memref<1x1x64xi32, #tpu.memory_space<vmem>> -> memref<64xi32, #tpu.memory_space<vmem>>
        %dma_start3A_2061 = arith.constant 0 : i32
        %dma_start3A_2062 = arith.constant 0 : i32
        %dma_start3A_2063 = tpu.memref_slice %arg3[%dma_start3A_2061, %dma_start3A_2062] : memref<1000000x128xf32, #tpu.memory_space<hbm>> -> memref<1000000x128xf32, #tpu.memory_space<hbm>>
        %dma_start3A_2064 = tpu.memref_slice %arg7[%dma_start3A_2053] : memref<5x!tpu.dma_semaphore, #tpu.memory_space<semaphore_mem>> -> memref<1x!tpu.dma_semaphore, #tpu.memory_space<semaphore_mem>>
        %dma_start3A_2065 = tpu.memref_squeeze %dma_start3A_2064 : memref<1x!tpu.dma_semaphore, #tpu.memory_space<semaphore_mem>> -> memref<!tpu.dma_semaphore, #tpu.memory_space<semaphore_mem>>
        tpu.enqueue_indirect_dma source(%dma_start3A_2063 : memref<1000000x128xf32, #tpu.memory_space<hbm>>) target(%dma_start3A_2057 : memref<64x128xf32, #tpu.memory_space<vmem>>) offsets(%dma_start3A_2060 : memref<64xi32, #tpu.memory_space<vmem>>) semaphore(%dma_start3A_2065 : memref<!tpu.dma_semaphore, #tpu.memory_space<semaphore_mem>>)
        %rem3A_2066 = arith.constant 2 : i32
        %rem3A_2067 = arith.remsi %select_n3A_2047, %rem3A_2066 : i32
        %dma_start3A_2068 = arith.constant 4 : i32
        %dma_start3A_2069 = arith.constant 4 : i32
        %dma_start3A_2070 = arith.constant 64 : i32
        %dma_start3A_2071 = arith.constant 0 : i32
        %dma_start3A_2072 = tpu.memref_slice %arg6[%dma_start3A_2068, %dma_start3A_2070, %dma_start3A_2071] : memref<5x128x128xf32, #tpu.memory_space<vmem>> -> memref<1x64x128xf32, #tpu.memory_space<vmem>>
        %dma_start3A_2073 = tpu.memref_squeeze %dma_start3A_2072 : memref<1x64x128xf32, #tpu.memory_space<vmem>> -> memref<64x128xf32, #tpu.memory_space<vmem>>
        %dma_start3A_2074 = arith.constant 64 : i32
        %dma_start3A_2075 = tpu.memref_slice %arg5[%rem3A_2067, %rem3A_2049, %dma_start3A_2074] : memref<2x8x128xi32, #tpu.memory_space<vmem>> -> memref<1x1x64xi32, #tpu.memory_space<vmem>>
        %dma_start3A_2076 = tpu.memref_squeeze %dma_start3A_2075 : memref<1x1x64xi32, #tpu.memory_space<vmem>> -> memref<64xi32, #tpu.memory_space<vmem>>
        %dma_start3A_2077 = arith.constant 0 : i32
        %dma_start3A_2078 = arith.constant 0 : i32
        %dma_start3A_2079 = tpu.memref_slice %arg3[%dma_start3A_2077, %dma_start3A_2078] : memref<1000000x128xf32, #tpu.memory_space<hbm>> -> memref<1000000x128xf32, #tpu.memory_space<hbm>>
        %dma_start3A_2080 = tpu.memref_slice %arg7[%dma_start3A_2069] : memref<5x!tpu.dma_semaphore, #tpu.memory_space<semaphore_mem>> -> memref<1x!tpu.dma_semaphore, #tpu.memory_space<semaphore_mem>>
        %dma_start3A_2081 = tpu.memref_squeeze %dma_start3A_2080 : memref<1x!tpu.dma_semaphore, #tpu.memory_space<semaphore_mem>> -> memref<!tpu.dma_semaphore, #tpu.memory_space<semaphore_mem>>
        tpu.enqueue_indirect_dma source(%dma_start3A_2079 : memref<1000000x128xf32, #tpu.memory_space<hbm>>) target(%dma_start3A_2073 : memref<64x128xf32, #tpu.memory_space<vmem>>) offsets(%dma_start3A_2076 : memref<64xi32, #tpu.memory_space<vmem>>) semaphore(%dma_start3A_2081 : memref<!tpu.dma_semaphore, #tpu.memory_space<semaphore_mem>>)
      } else {
      }
      %add3A_1290 = arith.constant 12 : i32
      %add3A_1291 = arith.addi %mul3A_208, %add3A_1290 : i32
      %jit3A_1292 = arith.constant 8 : i32
      %div3A_1293 = arith.divsi %add3A_1291, %jit3A_1292 : i32
      %sign3A_1294 = arith.constant 0 : i32
      %sign3A_1295 = arith.cmpi sgt, %add3A_1291, %sign3A_1294 : i32
      %sign3A_1296 = arith.extui %sign3A_1295 : i1 to i32
      %sign3A_1297 = arith.constant 0 : i32
      %sign3A_1298 = arith.cmpi slt, %add3A_1291, %sign3A_1297 : i32
      %sign3A_1299 = arith.extui %sign3A_1298 : i1 to i32
      %sign3A_1300 = arith.subi %sign3A_1296, %sign3A_1299 : i32
      %sign3A_1301 = arith.constant 0 : i32
      %sign3A_1302 = arith.cmpi sgt, %jit3A_1292, %sign3A_1301 : i32
      %sign3A_1303 = arith.extui %sign3A_1302 : i1 to i32
      %sign3A_1304 = arith.constant 0 : i32
      %sign3A_1305 = arith.cmpi slt, %jit3A_1292, %sign3A_1304 : i32
      %sign3A_1306 = arith.extui %sign3A_1305 : i1 to i32
      %sign3A_1307 = arith.subi %sign3A_1303, %sign3A_1306 : i32
      %ne3A_1308 = arith.cmpi ne, %sign3A_1300, %sign3A_1307 : i32
      %rem3A_1309 = arith.remsi %add3A_1291, %jit3A_1292 : i32
      %ne3A_1310 = arith.constant 0 : i32
      %ne3A_1311 = arith.cmpi ne, %rem3A_1309, %ne3A_1310 : i32
      %and3A_1312 = arith.andi %ne3A_1308, %ne3A_1311 : i1
      %sub3A_1313 = arith.constant 1 : i32
      %sub3A_1314 = arith.subi %div3A_1293, %sub3A_1313 : i32
      %select_n3A_1315 = arith.select %and3A_1312, %sub3A_1314, %div3A_1293 : i32
      %rem3A_1316 = arith.constant 8 : i32
      %rem3A_1317 = arith.remsi %add3A_1291, %rem3A_1316 : i32
      %dma_wait3A_1318 = arith.constant 2 : i32
      %dma_wait3A_1319 = arith.constant 2 : i32
      %dma_wait3A_1320 = arith.constant 0 : i32
      %dma_wait3A_1321 = arith.constant 0 : i32
      %dma_wait3A_1322 = tpu.memref_slice %arg6[%dma_wait3A_1318, %dma_wait3A_1320, %dma_wait3A_1321] : memref<5x128x128xf32, #tpu.memory_space<vmem>> -> memref<1x128x128xf32, #tpu.memory_space<vmem>>
      %dma_wait3A_1323 = tpu.memref_squeeze %dma_wait3A_1322 : memref<1x128x128xf32, #tpu.memory_space<vmem>> -> memref<128x128xf32, #tpu.memory_space<vmem>>
      %dma_wait3A_1324 = arith.constant 0 : i32
      %dma_wait3A_1325 = arith.constant 0 : i32
      %dma_wait3A_1326 = tpu.memref_slice %arg3[%dma_wait3A_1324, %dma_wait3A_1325] : memref<1000000x128xf32, #tpu.memory_space<hbm>> -> memref<128x128xf32, #tpu.memory_space<hbm>>
      %dma_wait3A_1327 = tpu.memref_slice %arg7[%dma_wait3A_1319] : memref<5x!tpu.dma_semaphore, #tpu.memory_space<semaphore_mem>> -> memref<1x!tpu.dma_semaphore, #tpu.memory_space<semaphore_mem>>
      %dma_wait3A_1328 = tpu.memref_squeeze %dma_wait3A_1327 : memref<1x!tpu.dma_semaphore, #tpu.memory_space<semaphore_mem>> -> memref<!tpu.dma_semaphore, #tpu.memory_space<semaphore_mem>>
      %dma_wait3A_1329 = arith.constant 0 : i32
      %dma_wait3A_1330 = arith.constant 0 : i32
      %dma_wait3A_1331 = tpu.memref_slice %arg6[%dma_wait3A_1318, %dma_wait3A_1329, %dma_wait3A_1330] : memref<5x128x128xf32, #tpu.memory_space<vmem>> -> memref<1x128x128xf32, #tpu.memory_space<vmem>>
      %dma_wait3A_1332 = tpu.memref_squeeze %dma_wait3A_1331 : memref<1x128x128xf32, #tpu.memory_space<vmem>> -> memref<128x128xf32, #tpu.memory_space<vmem>>
      %dma_wait3A_1333 = arith.constant 0 : i32
      %dma_wait3A_1334 = arith.constant 0 : i32
      %dma_wait3A_1335 = tpu.memref_slice %arg3[%dma_wait3A_1333, %dma_wait3A_1334] : memref<1000000x128xf32, #tpu.memory_space<hbm>> -> memref<128x128xf32, #tpu.memory_space<hbm>>
      tpu.wait_dma2 semaphore(%dma_wait3A_1328 : memref<!tpu.dma_semaphore, #tpu.memory_space<semaphore_mem>>) src(%dma_wait3A_1335 : memref<128x128xf32, #tpu.memory_space<hbm>>) dst(%dma_wait3A_1332 : memref<128x128xf32, #tpu.memory_space<vmem>>)
      %eq3A_1336 = arith.constant 0 : i32
      %eq3A_1337 = arith.cmpi eq, %rem3A_1317, %eq3A_1336 : i32
      %add3A_1338 = arith.constant 1 : i32
      %add3A_1339 = arith.addi %select_n3A_1315, %add3A_1338 : i32
      %lt3A_1340 = arith.constant 25 : i32
      %lt3A_1341 = arith.cmpi slt, %add3A_1339, %lt3A_1340 : i32
      %and3A_1342 = arith.andi %eq3A_1337, %lt3A_1341 : i1
      %convert_element_type3A_1343 = arith.extui %and3A_1342 : i1 to i32
      %cond3A_1344 = arith.constant 0 : i32
      %cond3A_1345 = arith.cmpi ne, %convert_element_type3A_1343, %cond3A_1344 : i32
      scf.if %cond3A_1345 {
        %add3A_2018 = arith.constant 1 : i32
        %add3A_2019 = arith.addi %select_n3A_1315, %add3A_2018 : i32
        %mul3A_2020 = arith.constant 8 : i32
        %mul3A_2021 = arith.muli %add3A_2019, %mul3A_2020 : i32
        %add3A_2022 = arith.constant 1 : i32
        %add3A_2023 = arith.addi %select_n3A_1315, %add3A_2022 : i32
        %rem3A_2024 = arith.constant 2 : i32
        %rem3A_2025 = arith.remsi %add3A_2023, %rem3A_2024 : i32
        %dma_start3A_2026 = arith.constant 0 : i32
        %dma_start3A_2027 = arith.constant 0 : i32
        %dma_start3A_2028 = tpu.memref_slice %arg5[%rem3A_2025, %dma_start3A_2026, %dma_start3A_2027] : memref<2x8x128xi32, #tpu.memory_space<vmem>> -> memref<1x8x128xi32, #tpu.memory_space<vmem>>
        %dma_start3A_2029 = tpu.memref_squeeze %dma_start3A_2028 : memref<1x8x128xi32, #tpu.memory_space<vmem>> -> memref<8x128xi32, #tpu.memory_space<vmem>>
        %dma_start3A_2030 = tpu.memref_slice %arg2[%mul3A_2021, %mul3A_2] : memref<200x4096xi32, #tpu.memory_space<hbm>> -> memref<8x128xi32, #tpu.memory_space<hbm>>
        %dma_start3A_2031 = arith.constant 0 : i32
        %dma_start3A_2032 = arith.constant 0 : i32
        %dma_start3A_2033 = tpu.memref_slice %arg5[%rem3A_2025, %dma_start3A_2031, %dma_start3A_2032] : memref<2x8x128xi32, #tpu.memory_space<vmem>> -> memref<1x8x128xi32, #tpu.memory_space<vmem>>
        %dma_start3A_2034 = tpu.memref_squeeze %dma_start3A_2033 : memref<1x8x128xi32, #tpu.memory_space<vmem>> -> memref<8x128xi32, #tpu.memory_space<vmem>>
        %dma_start3A_2035 = tpu.memref_slice %arg2[%mul3A_2021, %mul3A_2] : memref<200x4096xi32, #tpu.memory_space<hbm>> -> memref<8x128xi32, #tpu.memory_space<hbm>>
        tpu.enqueue_dma source(%dma_start3A_2035 : memref<8x128xi32, #tpu.memory_space<hbm>>) target(%dma_start3A_2034 : memref<8x128xi32, #tpu.memory_space<vmem>>) target_semaphore(%arg9 : memref<!tpu.dma_semaphore, #tpu.memory_space<semaphore_mem>>)
      } else {
      }
      %dma_start3A_1346 = arith.constant 2 : i32
      %dma_start3A_1347 = arith.constant 2 : i32
      %dma_start3A_1348 = arith.constant 0 : i32
      %dma_start3A_1349 = arith.constant 0 : i32
      %dma_start3A_1350 = tpu.memref_slice %arg6[%dma_start3A_1346, %dma_start3A_1348, %dma_start3A_1349] : memref<5x128x128xf32, #tpu.memory_space<vmem>> -> memref<1x128x128xf32, #tpu.memory_space<vmem>>
      %dma_start3A_1351 = tpu.memref_squeeze %dma_start3A_1350 : memref<1x128x128xf32, #tpu.memory_space<vmem>> -> memref<128x128xf32, #tpu.memory_space<vmem>>
      %dma_start3A_1352 = arith.constant 0 : i32
      %dma_start3A_1353 = tpu.memref_slice %arg4[%add3A_1291, %mul3A_2, %dma_start3A_1352] : memref<200x4096x128xf32, #tpu.memory_space<hbm>> -> memref<1x128x128xf32, #tpu.memory_space<hbm>>
      %dma_start3A_1354 = tpu.memref_squeeze %dma_start3A_1353 : memref<1x128x128xf32, #tpu.memory_space<hbm>> -> memref<128x128xf32, #tpu.memory_space<hbm>>
      %dma_start3A_1355 = tpu.memref_slice %arg8[%dma_start3A_1347] : memref<5x!tpu.dma_semaphore, #tpu.memory_space<semaphore_mem>> -> memref<1x!tpu.dma_semaphore, #tpu.memory_space<semaphore_mem>>
      %dma_start3A_1356 = tpu.memref_squeeze %dma_start3A_1355 : memref<1x!tpu.dma_semaphore, #tpu.memory_space<semaphore_mem>> -> memref<!tpu.dma_semaphore, #tpu.memory_space<semaphore_mem>>
      %dma_start3A_1357 = arith.constant 0 : i32
      %dma_start3A_1358 = tpu.memref_slice %arg4[%add3A_1291, %mul3A_2, %dma_start3A_1357] : memref<200x4096x128xf32, #tpu.memory_space<hbm>> -> memref<1x128x128xf32, #tpu.memory_space<hbm>>
      %dma_start3A_1359 = tpu.memref_squeeze %dma_start3A_1358 : memref<1x128x128xf32, #tpu.memory_space<hbm>> -> memref<128x128xf32, #tpu.memory_space<hbm>>
      %dma_start3A_1360 = arith.constant 0 : i32
      %dma_start3A_1361 = arith.constant 0 : i32
      %dma_start3A_1362 = tpu.memref_slice %arg6[%dma_start3A_1346, %dma_start3A_1360, %dma_start3A_1361] : memref<5x128x128xf32, #tpu.memory_space<vmem>> -> memref<1x128x128xf32, #tpu.memory_space<vmem>>
      %dma_start3A_1363 = tpu.memref_squeeze %dma_start3A_1362 : memref<1x128x128xf32, #tpu.memory_space<vmem>> -> memref<128x128xf32, #tpu.memory_space<vmem>>
      tpu.enqueue_dma source(%dma_start3A_1363 : memref<128x128xf32, #tpu.memory_space<vmem>>) target(%dma_start3A_1359 : memref<128x128xf32, #tpu.memory_space<hbm>>) target_semaphore(%dma_start3A_1356 : memref<!tpu.dma_semaphore, #tpu.memory_space<semaphore_mem>>)
      %eq3A_1364 = arith.constant 4 : i32
      %eq3A_1365 = arith.cmpi eq, %rem3A_1317, %eq3A_1364 : i32
      %add3A_1366 = arith.constant 1 : i32
      %add3A_1367 = arith.addi %select_n3A_1315, %add3A_1366 : i32
      %lt3A_1368 = arith.constant 25 : i32
      %lt3A_1369 = arith.cmpi slt, %add3A_1367, %lt3A_1368 : i32
      %and3A_1370 = arith.andi %eq3A_1365, %lt3A_1369 : i1
      %convert_element_type3A_1371 = arith.extui %and3A_1370 : i1 to i32
      %cond3A_1372 = arith.constant 0 : i32
      %cond3A_1373 = arith.cmpi ne, %convert_element_type3A_1371, %cond3A_1372 : i32
      scf.if %cond3A_1373 {
        %dma_wait3A_2018 = arith.constant 0 : i32
        %dma_wait3A_2019 = arith.constant 0 : i32
        %dma_wait3A_2020 = arith.constant 0 : i32
        %dma_wait3A_2021 = tpu.memref_slice %arg5[%dma_wait3A_2018, %dma_wait3A_2019, %dma_wait3A_2020] : memref<2x8x128xi32, #tpu.memory_space<vmem>> -> memref<1x8x128xi32, #tpu.memory_space<vmem>>
        %dma_wait3A_2022 = tpu.memref_squeeze %dma_wait3A_2021 : memref<1x8x128xi32, #tpu.memory_space<vmem>> -> memref<8x128xi32, #tpu.memory_space<vmem>>
        %dma_wait3A_2023 = arith.constant 0 : i32
        %dma_wait3A_2024 = arith.constant 0 : i32
        %dma_wait3A_2025 = tpu.memref_slice %arg2[%dma_wait3A_2023, %dma_wait3A_2024] : memref<200x4096xi32, #tpu.memory_space<hbm>> -> memref<8x128xi32, #tpu.memory_space<hbm>>
        %dma_wait3A_2026 = arith.constant 0 : i32
        %dma_wait3A_2027 = arith.constant 0 : i32
        %dma_wait3A_2028 = tpu.memref_slice %arg5[%dma_wait3A_2018, %dma_wait3A_2026, %dma_wait3A_2027] : memref<2x8x128xi32, #tpu.memory_space<vmem>> -> memref<1x8x128xi32, #tpu.memory_space<vmem>>
        %dma_wait3A_2029 = tpu.memref_squeeze %dma_wait3A_2028 : memref<1x8x128xi32, #tpu.memory_space<vmem>> -> memref<8x128xi32, #tpu.memory_space<vmem>>
        %dma_wait3A_2030 = arith.constant 0 : i32
        %dma_wait3A_2031 = arith.constant 0 : i32
        %dma_wait3A_2032 = tpu.memref_slice %arg2[%dma_wait3A_2030, %dma_wait3A_2031] : memref<200x4096xi32, #tpu.memory_space<hbm>> -> memref<8x128xi32, #tpu.memory_space<hbm>>
        tpu.wait_dma2 semaphore(%arg9 : memref<!tpu.dma_semaphore, #tpu.memory_space<semaphore_mem>>) src(%dma_wait3A_2032 : memref<8x128xi32, #tpu.memory_space<hbm>>) dst(%dma_wait3A_2029 : memref<8x128xi32, #tpu.memory_space<vmem>>)
      } else {
      }
      %add3A_1374 = arith.constant 3 : i32
      %add3A_1375 = arith.addi %add3A_1291, %add3A_1374 : i32
      %lt3A_1376 = arith.constant 200 : i32
      %lt3A_1377 = arith.cmpi slt, %add3A_1375, %lt3A_1376 : i32
      %convert_element_type3A_1378 = arith.extui %lt3A_1377 : i1 to i32
      %cond3A_1379 = arith.constant 0 : i32
      %cond3A_1380 = arith.cmpi ne, %convert_element_type3A_1378, %cond3A_1379 : i32
      scf.if %cond3A_1380 {
        %ge3A = arith.constant 2 : i32
        %ge3A_2018 = arith.cmpi sge, %add3A_1291, %ge3A : i32
        %convert_element_type3A_2019 = arith.extui %ge3A_2018 : i1 to i32
        %cond3A_2020 = arith.constant 0 : i32
        %cond3A_2021 = arith.cmpi ne, %convert_element_type3A_2019, %cond3A_2020 : i32
        scf.if %cond3A_2021 {
          %dma_wait3A_2082 = arith.constant 0 : i32
          %dma_wait3A_2083 = arith.constant 0 : i32
          %dma_wait3A_2084 = arith.constant 0 : i32
          %dma_wait3A_2085 = arith.constant 0 : i32
          %dma_wait3A_2086 = tpu.memref_slice %arg6[%dma_wait3A_2082, %dma_wait3A_2084, %dma_wait3A_2085] : memref<5x128x128xf32, #tpu.memory_space<vmem>> -> memref<1x128x128xf32, #tpu.memory_space<vmem>>
          %dma_wait3A_2087 = tpu.memref_squeeze %dma_wait3A_2086 : memref<1x128x128xf32, #tpu.memory_space<vmem>> -> memref<128x128xf32, #tpu.memory_space<vmem>>
          %dma_wait3A_2088 = arith.constant 0 : i32
          %dma_wait3A_2089 = arith.constant 0 : i32
          %dma_wait3A_2090 = tpu.memref_slice %arg3[%dma_wait3A_2088, %dma_wait3A_2089] : memref<1000000x128xf32, #tpu.memory_space<hbm>> -> memref<128x128xf32, #tpu.memory_space<hbm>>
          %dma_wait3A_2091 = tpu.memref_slice %arg8[%dma_wait3A_2083] : memref<5x!tpu.dma_semaphore, #tpu.memory_space<semaphore_mem>> -> memref<1x!tpu.dma_semaphore, #tpu.memory_space<semaphore_mem>>
          %dma_wait3A_2092 = tpu.memref_squeeze %dma_wait3A_2091 : memref<1x!tpu.dma_semaphore, #tpu.memory_space<semaphore_mem>> -> memref<!tpu.dma_semaphore, #tpu.memory_space<semaphore_mem>>
          %dma_wait3A_2093 = arith.constant 0 : i32
          %dma_wait3A_2094 = arith.constant 0 : i32
          %dma_wait3A_2095 = tpu.memref_slice %arg6[%dma_wait3A_2082, %dma_wait3A_2093, %dma_wait3A_2094] : memref<5x128x128xf32, #tpu.memory_space<vmem>> -> memref<1x128x128xf32, #tpu.memory_space<vmem>>
          %dma_wait3A_2096 = tpu.memref_squeeze %dma_wait3A_2095 : memref<1x128x128xf32, #tpu.memory_space<vmem>> -> memref<128x128xf32, #tpu.memory_space<vmem>>
          %dma_wait3A_2097 = arith.constant 0 : i32
          %dma_wait3A_2098 = arith.constant 0 : i32
          %dma_wait3A_2099 = tpu.memref_slice %arg3[%dma_wait3A_2097, %dma_wait3A_2098] : memref<1000000x128xf32, #tpu.memory_space<hbm>> -> memref<128x128xf32, #tpu.memory_space<hbm>>
          tpu.wait_dma2 semaphore(%dma_wait3A_2092 : memref<!tpu.dma_semaphore, #tpu.memory_space<semaphore_mem>>) src(%dma_wait3A_2099 : memref<128x128xf32, #tpu.memory_space<hbm>>) dst(%dma_wait3A_2096 : memref<128x128xf32, #tpu.memory_space<vmem>>)
        } else {
        }
        %add3A_2022 = arith.constant 3 : i32
        %add3A_2023 = arith.addi %add3A_1291, %add3A_2022 : i32
        %jit3A_2024 = arith.constant 8 : i32
        %div3A_2025 = arith.divsi %add3A_2023, %jit3A_2024 : i32
        %sign3A_2026 = arith.constant 0 : i32
        %sign3A_2027 = arith.cmpi sgt, %add3A_2023, %sign3A_2026 : i32
        %sign3A_2028 = arith.extui %sign3A_2027 : i1 to i32
        %sign3A_2029 = arith.constant 0 : i32
        %sign3A_2030 = arith.cmpi slt, %add3A_2023, %sign3A_2029 : i32
        %sign3A_2031 = arith.extui %sign3A_2030 : i1 to i32
        %sign3A_2032 = arith.subi %sign3A_2028, %sign3A_2031 : i32
        %sign3A_2033 = arith.constant 0 : i32
        %sign3A_2034 = arith.cmpi sgt, %jit3A_2024, %sign3A_2033 : i32
        %sign3A_2035 = arith.extui %sign3A_2034 : i1 to i32
        %sign3A_2036 = arith.constant 0 : i32
        %sign3A_2037 = arith.cmpi slt, %jit3A_2024, %sign3A_2036 : i32
        %sign3A_2038 = arith.extui %sign3A_2037 : i1 to i32
        %sign3A_2039 = arith.subi %sign3A_2035, %sign3A_2038 : i32
        %ne3A_2040 = arith.cmpi ne, %sign3A_2032, %sign3A_2039 : i32
        %rem3A_2041 = arith.remsi %add3A_2023, %jit3A_2024 : i32
        %ne3A_2042 = arith.constant 0 : i32
        %ne3A_2043 = arith.cmpi ne, %rem3A_2041, %ne3A_2042 : i32
        %and3A_2044 = arith.andi %ne3A_2040, %ne3A_2043 : i1
        %sub3A_2045 = arith.constant 1 : i32
        %sub3A_2046 = arith.subi %div3A_2025, %sub3A_2045 : i32
        %select_n3A_2047 = arith.select %and3A_2044, %sub3A_2046, %div3A_2025 : i32
        %rem3A_2048 = arith.constant 8 : i32
        %rem3A_2049 = arith.remsi %add3A_2023, %rem3A_2048 : i32
        %rem3A_2050 = arith.constant 2 : i32
        %rem3A_2051 = arith.remsi %select_n3A_2047, %rem3A_2050 : i32
        %dma_start3A_2052 = arith.constant 0 : i32
        %dma_start3A_2053 = arith.constant 0 : i32
        %dma_start3A_2054 = arith.constant 0 : i32
        %dma_start3A_2055 = arith.constant 0 : i32
        %dma_start3A_2056 = tpu.memref_slice %arg6[%dma_start3A_2052, %dma_start3A_2054, %dma_start3A_2055] : memref<5x128x128xf32, #tpu.memory_space<vmem>> -> memref<1x64x128xf32, #tpu.memory_space<vmem>>
        %dma_start3A_2057 = tpu.memref_squeeze %dma_start3A_2056 : memref<1x64x128xf32, #tpu.memory_space<vmem>> -> memref<64x128xf32, #tpu.memory_space<vmem>>
        %dma_start3A_2058 = arith.constant 0 : i32
        %dma_start3A_2059 = tpu.memref_slice %arg5[%rem3A_2051, %rem3A_2049, %dma_start3A_2058] : memref<2x8x128xi32, #tpu.memory_space<vmem>> -> memref<1x1x64xi32, #tpu.memory_space<vmem>>
        %dma_start3A_2060 = tpu.memref_squeeze %dma_start3A_2059 : memref<1x1x64xi32, #tpu.memory_space<vmem>> -> memref<64xi32, #tpu.memory_space<vmem>>
        %dma_start3A_2061 = arith.constant 0 : i32
        %dma_start3A_2062 = arith.constant 0 : i32
        %dma_start3A_2063 = tpu.memref_slice %arg3[%dma_start3A_2061, %dma_start3A_2062] : memref<1000000x128xf32, #tpu.memory_space<hbm>> -> memref<1000000x128xf32, #tpu.memory_space<hbm>>
        %dma_start3A_2064 = tpu.memref_slice %arg7[%dma_start3A_2053] : memref<5x!tpu.dma_semaphore, #tpu.memory_space<semaphore_mem>> -> memref<1x!tpu.dma_semaphore, #tpu.memory_space<semaphore_mem>>
        %dma_start3A_2065 = tpu.memref_squeeze %dma_start3A_2064 : memref<1x!tpu.dma_semaphore, #tpu.memory_space<semaphore_mem>> -> memref<!tpu.dma_semaphore, #tpu.memory_space<semaphore_mem>>
        tpu.enqueue_indirect_dma source(%dma_start3A_2063 : memref<1000000x128xf32, #tpu.memory_space<hbm>>) target(%dma_start3A_2057 : memref<64x128xf32, #tpu.memory_space<vmem>>) offsets(%dma_start3A_2060 : memref<64xi32, #tpu.memory_space<vmem>>) semaphore(%dma_start3A_2065 : memref<!tpu.dma_semaphore, #tpu.memory_space<semaphore_mem>>)
        %rem3A_2066 = arith.constant 2 : i32
        %rem3A_2067 = arith.remsi %select_n3A_2047, %rem3A_2066 : i32
        %dma_start3A_2068 = arith.constant 0 : i32
        %dma_start3A_2069 = arith.constant 0 : i32
        %dma_start3A_2070 = arith.constant 64 : i32
        %dma_start3A_2071 = arith.constant 0 : i32
        %dma_start3A_2072 = tpu.memref_slice %arg6[%dma_start3A_2068, %dma_start3A_2070, %dma_start3A_2071] : memref<5x128x128xf32, #tpu.memory_space<vmem>> -> memref<1x64x128xf32, #tpu.memory_space<vmem>>
        %dma_start3A_2073 = tpu.memref_squeeze %dma_start3A_2072 : memref<1x64x128xf32, #tpu.memory_space<vmem>> -> memref<64x128xf32, #tpu.memory_space<vmem>>
        %dma_start3A_2074 = arith.constant 64 : i32
        %dma_start3A_2075 = tpu.memref_slice %arg5[%rem3A_2067, %rem3A_2049, %dma_start3A_2074] : memref<2x8x128xi32, #tpu.memory_space<vmem>> -> memref<1x1x64xi32, #tpu.memory_space<vmem>>
        %dma_start3A_2076 = tpu.memref_squeeze %dma_start3A_2075 : memref<1x1x64xi32, #tpu.memory_space<vmem>> -> memref<64xi32, #tpu.memory_space<vmem>>
        %dma_start3A_2077 = arith.constant 0 : i32
        %dma_start3A_2078 = arith.constant 0 : i32
        %dma_start3A_2079 = tpu.memref_slice %arg3[%dma_start3A_2077, %dma_start3A_2078] : memref<1000000x128xf32, #tpu.memory_space<hbm>> -> memref<1000000x128xf32, #tpu.memory_space<hbm>>
        %dma_start3A_2080 = tpu.memref_slice %arg7[%dma_start3A_2069] : memref<5x!tpu.dma_semaphore, #tpu.memory_space<semaphore_mem>> -> memref<1x!tpu.dma_semaphore, #tpu.memory_space<semaphore_mem>>
        %dma_start3A_2081 = tpu.memref_squeeze %dma_start3A_2080 : memref<1x!tpu.dma_semaphore, #tpu.memory_space<semaphore_mem>> -> memref<!tpu.dma_semaphore, #tpu.memory_space<semaphore_mem>>
        tpu.enqueue_indirect_dma source(%dma_start3A_2079 : memref<1000000x128xf32, #tpu.memory_space<hbm>>) target(%dma_start3A_2073 : memref<64x128xf32, #tpu.memory_space<vmem>>) offsets(%dma_start3A_2076 : memref<64xi32, #tpu.memory_space<vmem>>) semaphore(%dma_start3A_2081 : memref<!tpu.dma_semaphore, #tpu.memory_space<semaphore_mem>>)
      } else {
      }
      %add3A_1381 = arith.constant 13 : i32
      %add3A_1382 = arith.addi %mul3A_208, %add3A_1381 : i32
      %jit3A_1383 = arith.constant 8 : i32
      %div3A_1384 = arith.divsi %add3A_1382, %jit3A_1383 : i32
      %sign3A_1385 = arith.constant 0 : i32
      %sign3A_1386 = arith.cmpi sgt, %add3A_1382, %sign3A_1385 : i32
      %sign3A_1387 = arith.extui %sign3A_1386 : i1 to i32
      %sign3A_1388 = arith.constant 0 : i32
      %sign3A_1389 = arith.cmpi slt, %add3A_1382, %sign3A_1388 : i32
      %sign3A_1390 = arith.extui %sign3A_1389 : i1 to i32
      %sign3A_1391 = arith.subi %sign3A_1387, %sign3A_1390 : i32
      %sign3A_1392 = arith.constant 0 : i32
      %sign3A_1393 = arith.cmpi sgt, %jit3A_1383, %sign3A_1392 : i32
      %sign3A_1394 = arith.extui %sign3A_1393 : i1 to i32
      %sign3A_1395 = arith.constant 0 : i32
      %sign3A_1396 = arith.cmpi slt, %jit3A_1383, %sign3A_1395 : i32
      %sign3A_1397 = arith.extui %sign3A_1396 : i1 to i32
      %sign3A_1398 = arith.subi %sign3A_1394, %sign3A_1397 : i32
      %ne3A_1399 = arith.cmpi ne, %sign3A_1391, %sign3A_1398 : i32
      %rem3A_1400 = arith.remsi %add3A_1382, %jit3A_1383 : i32
      %ne3A_1401 = arith.constant 0 : i32
      %ne3A_1402 = arith.cmpi ne, %rem3A_1400, %ne3A_1401 : i32
      %and3A_1403 = arith.andi %ne3A_1399, %ne3A_1402 : i1
      %sub3A_1404 = arith.constant 1 : i32
      %sub3A_1405 = arith.subi %div3A_1384, %sub3A_1404 : i32
      %select_n3A_1406 = arith.select %and3A_1403, %sub3A_1405, %div3A_1384 : i32
      %rem3A_1407 = arith.constant 8 : i32
      %rem3A_1408 = arith.remsi %add3A_1382, %rem3A_1407 : i32
      %dma_wait3A_1409 = arith.constant 3 : i32
      %dma_wait3A_1410 = arith.constant 3 : i32
      %dma_wait3A_1411 = arith.constant 0 : i32
      %dma_wait3A_1412 = arith.constant 0 : i32
      %dma_wait3A_1413 = tpu.memref_slice %arg6[%dma_wait3A_1409, %dma_wait3A_1411, %dma_wait3A_1412] : memref<5x128x128xf32, #tpu.memory_space<vmem>> -> memref<1x128x128xf32, #tpu.memory_space<vmem>>
      %dma_wait3A_1414 = tpu.memref_squeeze %dma_wait3A_1413 : memref<1x128x128xf32, #tpu.memory_space<vmem>> -> memref<128x128xf32, #tpu.memory_space<vmem>>
      %dma_wait3A_1415 = arith.constant 0 : i32
      %dma_wait3A_1416 = arith.constant 0 : i32
      %dma_wait3A_1417 = tpu.memref_slice %arg3[%dma_wait3A_1415, %dma_wait3A_1416] : memref<1000000x128xf32, #tpu.memory_space<hbm>> -> memref<128x128xf32, #tpu.memory_space<hbm>>
      %dma_wait3A_1418 = tpu.memref_slice %arg7[%dma_wait3A_1410] : memref<5x!tpu.dma_semaphore, #tpu.memory_space<semaphore_mem>> -> memref<1x!tpu.dma_semaphore, #tpu.memory_space<semaphore_mem>>
      %dma_wait3A_1419 = tpu.memref_squeeze %dma_wait3A_1418 : memref<1x!tpu.dma_semaphore, #tpu.memory_space<semaphore_mem>> -> memref<!tpu.dma_semaphore, #tpu.memory_space<semaphore_mem>>
      %dma_wait3A_1420 = arith.constant 0 : i32
      %dma_wait3A_1421 = arith.constant 0 : i32
      %dma_wait3A_1422 = tpu.memref_slice %arg6[%dma_wait3A_1409, %dma_wait3A_1420, %dma_wait3A_1421] : memref<5x128x128xf32, #tpu.memory_space<vmem>> -> memref<1x128x128xf32, #tpu.memory_space<vmem>>
      %dma_wait3A_1423 = tpu.memref_squeeze %dma_wait3A_1422 : memref<1x128x128xf32, #tpu.memory_space<vmem>> -> memref<128x128xf32, #tpu.memory_space<vmem>>
      %dma_wait3A_1424 = arith.constant 0 : i32
      %dma_wait3A_1425 = arith.constant 0 : i32
      %dma_wait3A_1426 = tpu.memref_slice %arg3[%dma_wait3A_1424, %dma_wait3A_1425] : memref<1000000x128xf32, #tpu.memory_space<hbm>> -> memref<128x128xf32, #tpu.memory_space<hbm>>
      tpu.wait_dma2 semaphore(%dma_wait3A_1419 : memref<!tpu.dma_semaphore, #tpu.memory_space<semaphore_mem>>) src(%dma_wait3A_1426 : memref<128x128xf32, #tpu.memory_space<hbm>>) dst(%dma_wait3A_1423 : memref<128x128xf32, #tpu.memory_space<vmem>>)
      %eq3A_1427 = arith.constant 0 : i32
      %eq3A_1428 = arith.cmpi eq, %rem3A_1408, %eq3A_1427 : i32
      %add3A_1429 = arith.constant 1 : i32
      %add3A_1430 = arith.addi %select_n3A_1406, %add3A_1429 : i32
      %lt3A_1431 = arith.constant 25 : i32
      %lt3A_1432 = arith.cmpi slt, %add3A_1430, %lt3A_1431 : i32
      %and3A_1433 = arith.andi %eq3A_1428, %lt3A_1432 : i1
      %convert_element_type3A_1434 = arith.extui %and3A_1433 : i1 to i32
      %cond3A_1435 = arith.constant 0 : i32
      %cond3A_1436 = arith.cmpi ne, %convert_element_type3A_1434, %cond3A_1435 : i32
      scf.if %cond3A_1436 {
        %add3A_2018 = arith.constant 1 : i32
        %add3A_2019 = arith.addi %select_n3A_1406, %add3A_2018 : i32
        %mul3A_2020 = arith.constant 8 : i32
        %mul3A_2021 = arith.muli %add3A_2019, %mul3A_2020 : i32
        %add3A_2022 = arith.constant 1 : i32
        %add3A_2023 = arith.addi %select_n3A_1406, %add3A_2022 : i32
        %rem3A_2024 = arith.constant 2 : i32
        %rem3A_2025 = arith.remsi %add3A_2023, %rem3A_2024 : i32
        %dma_start3A_2026 = arith.constant 0 : i32
        %dma_start3A_2027 = arith.constant 0 : i32
        %dma_start3A_2028 = tpu.memref_slice %arg5[%rem3A_2025, %dma_start3A_2026, %dma_start3A_2027] : memref<2x8x128xi32, #tpu.memory_space<vmem>> -> memref<1x8x128xi32, #tpu.memory_space<vmem>>
        %dma_start3A_2029 = tpu.memref_squeeze %dma_start3A_2028 : memref<1x8x128xi32, #tpu.memory_space<vmem>> -> memref<8x128xi32, #tpu.memory_space<vmem>>
        %dma_start3A_2030 = tpu.memref_slice %arg2[%mul3A_2021, %mul3A_2] : memref<200x4096xi32, #tpu.memory_space<hbm>> -> memref<8x128xi32, #tpu.memory_space<hbm>>
        %dma_start3A_2031 = arith.constant 0 : i32
        %dma_start3A_2032 = arith.constant 0 : i32
        %dma_start3A_2033 = tpu.memref_slice %arg5[%rem3A_2025, %dma_start3A_2031, %dma_start3A_2032] : memref<2x8x128xi32, #tpu.memory_space<vmem>> -> memref<1x8x128xi32, #tpu.memory_space<vmem>>
        %dma_start3A_2034 = tpu.memref_squeeze %dma_start3A_2033 : memref<1x8x128xi32, #tpu.memory_space<vmem>> -> memref<8x128xi32, #tpu.memory_space<vmem>>
        %dma_start3A_2035 = tpu.memref_slice %arg2[%mul3A_2021, %mul3A_2] : memref<200x4096xi32, #tpu.memory_space<hbm>> -> memref<8x128xi32, #tpu.memory_space<hbm>>
        tpu.enqueue_dma source(%dma_start3A_2035 : memref<8x128xi32, #tpu.memory_space<hbm>>) target(%dma_start3A_2034 : memref<8x128xi32, #tpu.memory_space<vmem>>) target_semaphore(%arg9 : memref<!tpu.dma_semaphore, #tpu.memory_space<semaphore_mem>>)
      } else {
      }
      %dma_start3A_1437 = arith.constant 3 : i32
      %dma_start3A_1438 = arith.constant 3 : i32
      %dma_start3A_1439 = arith.constant 0 : i32
      %dma_start3A_1440 = arith.constant 0 : i32
      %dma_start3A_1441 = tpu.memref_slice %arg6[%dma_start3A_1437, %dma_start3A_1439, %dma_start3A_1440] : memref<5x128x128xf32, #tpu.memory_space<vmem>> -> memref<1x128x128xf32, #tpu.memory_space<vmem>>
      %dma_start3A_1442 = tpu.memref_squeeze %dma_start3A_1441 : memref<1x128x128xf32, #tpu.memory_space<vmem>> -> memref<128x128xf32, #tpu.memory_space<vmem>>
      %dma_start3A_1443 = arith.constant 0 : i32
      %dma_start3A_1444 = tpu.memref_slice %arg4[%add3A_1382, %mul3A_2, %dma_start3A_1443] : memref<200x4096x128xf32, #tpu.memory_space<hbm>> -> memref<1x128x128xf32, #tpu.memory_space<hbm>>
      %dma_start3A_1445 = tpu.memref_squeeze %dma_start3A_1444 : memref<1x128x128xf32, #tpu.memory_space<hbm>> -> memref<128x128xf32, #tpu.memory_space<hbm>>
      %dma_start3A_1446 = tpu.memref_slice %arg8[%dma_start3A_1438] : memref<5x!tpu.dma_semaphore, #tpu.memory_space<semaphore_mem>> -> memref<1x!tpu.dma_semaphore, #tpu.memory_space<semaphore_mem>>
      %dma_start3A_1447 = tpu.memref_squeeze %dma_start3A_1446 : memref<1x!tpu.dma_semaphore, #tpu.memory_space<semaphore_mem>> -> memref<!tpu.dma_semaphore, #tpu.memory_space<semaphore_mem>>
      %dma_start3A_1448 = arith.constant 0 : i32
      %dma_start3A_1449 = tpu.memref_slice %arg4[%add3A_1382, %mul3A_2, %dma_start3A_1448] : memref<200x4096x128xf32, #tpu.memory_space<hbm>> -> memref<1x128x128xf32, #tpu.memory_space<hbm>>
      %dma_start3A_1450 = tpu.memref_squeeze %dma_start3A_1449 : memref<1x128x128xf32, #tpu.memory_space<hbm>> -> memref<128x128xf32, #tpu.memory_space<hbm>>
      %dma_start3A_1451 = arith.constant 0 : i32
      %dma_start3A_1452 = arith.constant 0 : i32
      %dma_start3A_1453 = tpu.memref_slice %arg6[%dma_start3A_1437, %dma_start3A_1451, %dma_start3A_1452] : memref<5x128x128xf32, #tpu.memory_space<vmem>> -> memref<1x128x128xf32, #tpu.memory_space<vmem>>
      %dma_start3A_1454 = tpu.memref_squeeze %dma_start3A_1453 : memref<1x128x128xf32, #tpu.memory_space<vmem>> -> memref<128x128xf32, #tpu.memory_space<vmem>>
      tpu.enqueue_dma source(%dma_start3A_1454 : memref<128x128xf32, #tpu.memory_space<vmem>>) target(%dma_start3A_1450 : memref<128x128xf32, #tpu.memory_space<hbm>>) target_semaphore(%dma_start3A_1447 : memref<!tpu.dma_semaphore, #tpu.memory_space<semaphore_mem>>)
      %eq3A_1455 = arith.constant 4 : i32
      %eq3A_1456 = arith.cmpi eq, %rem3A_1408, %eq3A_1455 : i32
      %add3A_1457 = arith.constant 1 : i32
      %add3A_1458 = arith.addi %select_n3A_1406, %add3A_1457 : i32
      %lt3A_1459 = arith.constant 25 : i32
      %lt3A_1460 = arith.cmpi slt, %add3A_1458, %lt3A_1459 : i32
      %and3A_1461 = arith.andi %eq3A_1456, %lt3A_1460 : i1
      %convert_element_type3A_1462 = arith.extui %and3A_1461 : i1 to i32
      %cond3A_1463 = arith.constant 0 : i32
      %cond3A_1464 = arith.cmpi ne, %convert_element_type3A_1462, %cond3A_1463 : i32
      scf.if %cond3A_1464 {
        %dma_wait3A_2018 = arith.constant 0 : i32
        %dma_wait3A_2019 = arith.constant 0 : i32
        %dma_wait3A_2020 = arith.constant 0 : i32
        %dma_wait3A_2021 = tpu.memref_slice %arg5[%dma_wait3A_2018, %dma_wait3A_2019, %dma_wait3A_2020] : memref<2x8x128xi32, #tpu.memory_space<vmem>> -> memref<1x8x128xi32, #tpu.memory_space<vmem>>
        %dma_wait3A_2022 = tpu.memref_squeeze %dma_wait3A_2021 : memref<1x8x128xi32, #tpu.memory_space<vmem>> -> memref<8x128xi32, #tpu.memory_space<vmem>>
        %dma_wait3A_2023 = arith.constant 0 : i32
        %dma_wait3A_2024 = arith.constant 0 : i32
        %dma_wait3A_2025 = tpu.memref_slice %arg2[%dma_wait3A_2023, %dma_wait3A_2024] : memref<200x4096xi32, #tpu.memory_space<hbm>> -> memref<8x128xi32, #tpu.memory_space<hbm>>
        %dma_wait3A_2026 = arith.constant 0 : i32
        %dma_wait3A_2027 = arith.constant 0 : i32
        %dma_wait3A_2028 = tpu.memref_slice %arg5[%dma_wait3A_2018, %dma_wait3A_2026, %dma_wait3A_2027] : memref<2x8x128xi32, #tpu.memory_space<vmem>> -> memref<1x8x128xi32, #tpu.memory_space<vmem>>
        %dma_wait3A_2029 = tpu.memref_squeeze %dma_wait3A_2028 : memref<1x8x128xi32, #tpu.memory_space<vmem>> -> memref<8x128xi32, #tpu.memory_space<vmem>>
        %dma_wait3A_2030 = arith.constant 0 : i32
        %dma_wait3A_2031 = arith.constant 0 : i32
        %dma_wait3A_2032 = tpu.memref_slice %arg2[%dma_wait3A_2030, %dma_wait3A_2031] : memref<200x4096xi32, #tpu.memory_space<hbm>> -> memref<8x128xi32, #tpu.memory_space<hbm>>
        tpu.wait_dma2 semaphore(%arg9 : memref<!tpu.dma_semaphore, #tpu.memory_space<semaphore_mem>>) src(%dma_wait3A_2032 : memref<8x128xi32, #tpu.memory_space<hbm>>) dst(%dma_wait3A_2029 : memref<8x128xi32, #tpu.memory_space<vmem>>)
      } else {
      }
      %add3A_1465 = arith.constant 3 : i32
      %add3A_1466 = arith.addi %add3A_1382, %add3A_1465 : i32
      %lt3A_1467 = arith.constant 200 : i32
      %lt3A_1468 = arith.cmpi slt, %add3A_1466, %lt3A_1467 : i32
      %convert_element_type3A_1469 = arith.extui %lt3A_1468 : i1 to i32
      %cond3A_1470 = arith.constant 0 : i32
      %cond3A_1471 = arith.cmpi ne, %convert_element_type3A_1469, %cond3A_1470 : i32
      scf.if %cond3A_1471 {
        %ge3A = arith.constant 2 : i32
        %ge3A_2018 = arith.cmpi sge, %add3A_1382, %ge3A : i32
        %convert_element_type3A_2019 = arith.extui %ge3A_2018 : i1 to i32
        %cond3A_2020 = arith.constant 0 : i32
        %cond3A_2021 = arith.cmpi ne, %convert_element_type3A_2019, %cond3A_2020 : i32
        scf.if %cond3A_2021 {
          %dma_wait3A_2082 = arith.constant 1 : i32
          %dma_wait3A_2083 = arith.constant 1 : i32
          %dma_wait3A_2084 = arith.constant 0 : i32
          %dma_wait3A_2085 = arith.constant 0 : i32
          %dma_wait3A_2086 = tpu.memref_slice %arg6[%dma_wait3A_2082, %dma_wait3A_2084, %dma_wait3A_2085] : memref<5x128x128xf32, #tpu.memory_space<vmem>> -> memref<1x128x128xf32, #tpu.memory_space<vmem>>
          %dma_wait3A_2087 = tpu.memref_squeeze %dma_wait3A_2086 : memref<1x128x128xf32, #tpu.memory_space<vmem>> -> memref<128x128xf32, #tpu.memory_space<vmem>>
          %dma_wait3A_2088 = arith.constant 0 : i32
          %dma_wait3A_2089 = arith.constant 0 : i32
          %dma_wait3A_2090 = tpu.memref_slice %arg3[%dma_wait3A_2088, %dma_wait3A_2089] : memref<1000000x128xf32, #tpu.memory_space<hbm>> -> memref<128x128xf32, #tpu.memory_space<hbm>>
          %dma_wait3A_2091 = tpu.memref_slice %arg8[%dma_wait3A_2083] : memref<5x!tpu.dma_semaphore, #tpu.memory_space<semaphore_mem>> -> memref<1x!tpu.dma_semaphore, #tpu.memory_space<semaphore_mem>>
          %dma_wait3A_2092 = tpu.memref_squeeze %dma_wait3A_2091 : memref<1x!tpu.dma_semaphore, #tpu.memory_space<semaphore_mem>> -> memref<!tpu.dma_semaphore, #tpu.memory_space<semaphore_mem>>
          %dma_wait3A_2093 = arith.constant 0 : i32
          %dma_wait3A_2094 = arith.constant 0 : i32
          %dma_wait3A_2095 = tpu.memref_slice %arg6[%dma_wait3A_2082, %dma_wait3A_2093, %dma_wait3A_2094] : memref<5x128x128xf32, #tpu.memory_space<vmem>> -> memref<1x128x128xf32, #tpu.memory_space<vmem>>
          %dma_wait3A_2096 = tpu.memref_squeeze %dma_wait3A_2095 : memref<1x128x128xf32, #tpu.memory_space<vmem>> -> memref<128x128xf32, #tpu.memory_space<vmem>>
          %dma_wait3A_2097 = arith.constant 0 : i32
          %dma_wait3A_2098 = arith.constant 0 : i32
          %dma_wait3A_2099 = tpu.memref_slice %arg3[%dma_wait3A_2097, %dma_wait3A_2098] : memref<1000000x128xf32, #tpu.memory_space<hbm>> -> memref<128x128xf32, #tpu.memory_space<hbm>>
          tpu.wait_dma2 semaphore(%dma_wait3A_2092 : memref<!tpu.dma_semaphore, #tpu.memory_space<semaphore_mem>>) src(%dma_wait3A_2099 : memref<128x128xf32, #tpu.memory_space<hbm>>) dst(%dma_wait3A_2096 : memref<128x128xf32, #tpu.memory_space<vmem>>)
        } else {
        }
        %add3A_2022 = arith.constant 3 : i32
        %add3A_2023 = arith.addi %add3A_1382, %add3A_2022 : i32
        %jit3A_2024 = arith.constant 8 : i32
        %div3A_2025 = arith.divsi %add3A_2023, %jit3A_2024 : i32
        %sign3A_2026 = arith.constant 0 : i32
        %sign3A_2027 = arith.cmpi sgt, %add3A_2023, %sign3A_2026 : i32
        %sign3A_2028 = arith.extui %sign3A_2027 : i1 to i32
        %sign3A_2029 = arith.constant 0 : i32
        %sign3A_2030 = arith.cmpi slt, %add3A_2023, %sign3A_2029 : i32
        %sign3A_2031 = arith.extui %sign3A_2030 : i1 to i32
        %sign3A_2032 = arith.subi %sign3A_2028, %sign3A_2031 : i32
        %sign3A_2033 = arith.constant 0 : i32
        %sign3A_2034 = arith.cmpi sgt, %jit3A_2024, %sign3A_2033 : i32
        %sign3A_2035 = arith.extui %sign3A_2034 : i1 to i32
        %sign3A_2036 = arith.constant 0 : i32
        %sign3A_2037 = arith.cmpi slt, %jit3A_2024, %sign3A_2036 : i32
        %sign3A_2038 = arith.extui %sign3A_2037 : i1 to i32
        %sign3A_2039 = arith.subi %sign3A_2035, %sign3A_2038 : i32
        %ne3A_2040 = arith.cmpi ne, %sign3A_2032, %sign3A_2039 : i32
        %rem3A_2041 = arith.remsi %add3A_2023, %jit3A_2024 : i32
        %ne3A_2042 = arith.constant 0 : i32
        %ne3A_2043 = arith.cmpi ne, %rem3A_2041, %ne3A_2042 : i32
        %and3A_2044 = arith.andi %ne3A_2040, %ne3A_2043 : i1
        %sub3A_2045 = arith.constant 1 : i32
        %sub3A_2046 = arith.subi %div3A_2025, %sub3A_2045 : i32
        %select_n3A_2047 = arith.select %and3A_2044, %sub3A_2046, %div3A_2025 : i32
        %rem3A_2048 = arith.constant 8 : i32
        %rem3A_2049 = arith.remsi %add3A_2023, %rem3A_2048 : i32
        %rem3A_2050 = arith.constant 2 : i32
        %rem3A_2051 = arith.remsi %select_n3A_2047, %rem3A_2050 : i32
        %dma_start3A_2052 = arith.constant 1 : i32
        %dma_start3A_2053 = arith.constant 1 : i32
        %dma_start3A_2054 = arith.constant 0 : i32
        %dma_start3A_2055 = arith.constant 0 : i32
        %dma_start3A_2056 = tpu.memref_slice %arg6[%dma_start3A_2052, %dma_start3A_2054, %dma_start3A_2055] : memref<5x128x128xf32, #tpu.memory_space<vmem>> -> memref<1x64x128xf32, #tpu.memory_space<vmem>>
        %dma_start3A_2057 = tpu.memref_squeeze %dma_start3A_2056 : memref<1x64x128xf32, #tpu.memory_space<vmem>> -> memref<64x128xf32, #tpu.memory_space<vmem>>
        %dma_start3A_2058 = arith.constant 0 : i32
        %dma_start3A_2059 = tpu.memref_slice %arg5[%rem3A_2051, %rem3A_2049, %dma_start3A_2058] : memref<2x8x128xi32, #tpu.memory_space<vmem>> -> memref<1x1x64xi32, #tpu.memory_space<vmem>>
        %dma_start3A_2060 = tpu.memref_squeeze %dma_start3A_2059 : memref<1x1x64xi32, #tpu.memory_space<vmem>> -> memref<64xi32, #tpu.memory_space<vmem>>
        %dma_start3A_2061 = arith.constant 0 : i32
        %dma_start3A_2062 = arith.constant 0 : i32
        %dma_start3A_2063 = tpu.memref_slice %arg3[%dma_start3A_2061, %dma_start3A_2062] : memref<1000000x128xf32, #tpu.memory_space<hbm>> -> memref<1000000x128xf32, #tpu.memory_space<hbm>>
        %dma_start3A_2064 = tpu.memref_slice %arg7[%dma_start3A_2053] : memref<5x!tpu.dma_semaphore, #tpu.memory_space<semaphore_mem>> -> memref<1x!tpu.dma_semaphore, #tpu.memory_space<semaphore_mem>>
        %dma_start3A_2065 = tpu.memref_squeeze %dma_start3A_2064 : memref<1x!tpu.dma_semaphore, #tpu.memory_space<semaphore_mem>> -> memref<!tpu.dma_semaphore, #tpu.memory_space<semaphore_mem>>
        tpu.enqueue_indirect_dma source(%dma_start3A_2063 : memref<1000000x128xf32, #tpu.memory_space<hbm>>) target(%dma_start3A_2057 : memref<64x128xf32, #tpu.memory_space<vmem>>) offsets(%dma_start3A_2060 : memref<64xi32, #tpu.memory_space<vmem>>) semaphore(%dma_start3A_2065 : memref<!tpu.dma_semaphore, #tpu.memory_space<semaphore_mem>>)
        %rem3A_2066 = arith.constant 2 : i32
        %rem3A_2067 = arith.remsi %select_n3A_2047, %rem3A_2066 : i32
        %dma_start3A_2068 = arith.constant 1 : i32
        %dma_start3A_2069 = arith.constant 1 : i32
        %dma_start3A_2070 = arith.constant 64 : i32
        %dma_start3A_2071 = arith.constant 0 : i32
        %dma_start3A_2072 = tpu.memref_slice %arg6[%dma_start3A_2068, %dma_start3A_2070, %dma_start3A_2071] : memref<5x128x128xf32, #tpu.memory_space<vmem>> -> memref<1x64x128xf32, #tpu.memory_space<vmem>>
        %dma_start3A_2073 = tpu.memref_squeeze %dma_start3A_2072 : memref<1x64x128xf32, #tpu.memory_space<vmem>> -> memref<64x128xf32, #tpu.memory_space<vmem>>
        %dma_start3A_2074 = arith.constant 64 : i32
        %dma_start3A_2075 = tpu.memref_slice %arg5[%rem3A_2067, %rem3A_2049, %dma_start3A_2074] : memref<2x8x128xi32, #tpu.memory_space<vmem>> -> memref<1x1x64xi32, #tpu.memory_space<vmem>>
        %dma_start3A_2076 = tpu.memref_squeeze %dma_start3A_2075 : memref<1x1x64xi32, #tpu.memory_space<vmem>> -> memref<64xi32, #tpu.memory_space<vmem>>
        %dma_start3A_2077 = arith.constant 0 : i32
        %dma_start3A_2078 = arith.constant 0 : i32
        %dma_start3A_2079 = tpu.memref_slice %arg3[%dma_start3A_2077, %dma_start3A_2078] : memref<1000000x128xf32, #tpu.memory_space<hbm>> -> memref<1000000x128xf32, #tpu.memory_space<hbm>>
        %dma_start3A_2080 = tpu.memref_slice %arg7[%dma_start3A_2069] : memref<5x!tpu.dma_semaphore, #tpu.memory_space<semaphore_mem>> -> memref<1x!tpu.dma_semaphore, #tpu.memory_space<semaphore_mem>>
        %dma_start3A_2081 = tpu.memref_squeeze %dma_start3A_2080 : memref<1x!tpu.dma_semaphore, #tpu.memory_space<semaphore_mem>> -> memref<!tpu.dma_semaphore, #tpu.memory_space<semaphore_mem>>
        tpu.enqueue_indirect_dma source(%dma_start3A_2079 : memref<1000000x128xf32, #tpu.memory_space<hbm>>) target(%dma_start3A_2073 : memref<64x128xf32, #tpu.memory_space<vmem>>) offsets(%dma_start3A_2076 : memref<64xi32, #tpu.memory_space<vmem>>) semaphore(%dma_start3A_2081 : memref<!tpu.dma_semaphore, #tpu.memory_space<semaphore_mem>>)
      } else {
      }
      %add3A_1472 = arith.constant 14 : i32
      %add3A_1473 = arith.addi %mul3A_208, %add3A_1472 : i32
      %jit3A_1474 = arith.constant 8 : i32
      %div3A_1475 = arith.divsi %add3A_1473, %jit3A_1474 : i32
      %sign3A_1476 = arith.constant 0 : i32
      %sign3A_1477 = arith.cmpi sgt, %add3A_1473, %sign3A_1476 : i32
      %sign3A_1478 = arith.extui %sign3A_1477 : i1 to i32
      %sign3A_1479 = arith.constant 0 : i32
      %sign3A_1480 = arith.cmpi slt, %add3A_1473, %sign3A_1479 : i32
      %sign3A_1481 = arith.extui %sign3A_1480 : i1 to i32
      %sign3A_1482 = arith.subi %sign3A_1478, %sign3A_1481 : i32
      %sign3A_1483 = arith.constant 0 : i32
      %sign3A_1484 = arith.cmpi sgt, %jit3A_1474, %sign3A_1483 : i32
      %sign3A_1485 = arith.extui %sign3A_1484 : i1 to i32
      %sign3A_1486 = arith.constant 0 : i32
      %sign3A_1487 = arith.cmpi slt, %jit3A_1474, %sign3A_1486 : i32
      %sign3A_1488 = arith.extui %sign3A_1487 : i1 to i32
      %sign3A_1489 = arith.subi %sign3A_1485, %sign3A_1488 : i32
      %ne3A_1490 = arith.cmpi ne, %sign3A_1482, %sign3A_1489 : i32
      %rem3A_1491 = arith.remsi %add3A_1473, %jit3A_1474 : i32
      %ne3A_1492 = arith.constant 0 : i32
      %ne3A_1493 = arith.cmpi ne, %rem3A_1491, %ne3A_1492 : i32
      %and3A_1494 = arith.andi %ne3A_1490, %ne3A_1493 : i1
      %sub3A_1495 = arith.constant 1 : i32
      %sub3A_1496 = arith.subi %div3A_1475, %sub3A_1495 : i32
      %select_n3A_1497 = arith.select %and3A_1494, %sub3A_1496, %div3A_1475 : i32
      %rem3A_1498 = arith.constant 8 : i32
      %rem3A_1499 = arith.remsi %add3A_1473, %rem3A_1498 : i32
      %dma_wait3A_1500 = arith.constant 4 : i32
      %dma_wait3A_1501 = arith.constant 4 : i32
      %dma_wait3A_1502 = arith.constant 0 : i32
      %dma_wait3A_1503 = arith.constant 0 : i32
      %dma_wait3A_1504 = tpu.memref_slice %arg6[%dma_wait3A_1500, %dma_wait3A_1502, %dma_wait3A_1503] : memref<5x128x128xf32, #tpu.memory_space<vmem>> -> memref<1x128x128xf32, #tpu.memory_space<vmem>>
      %dma_wait3A_1505 = tpu.memref_squeeze %dma_wait3A_1504 : memref<1x128x128xf32, #tpu.memory_space<vmem>> -> memref<128x128xf32, #tpu.memory_space<vmem>>
      %dma_wait3A_1506 = arith.constant 0 : i32
      %dma_wait3A_1507 = arith.constant 0 : i32
      %dma_wait3A_1508 = tpu.memref_slice %arg3[%dma_wait3A_1506, %dma_wait3A_1507] : memref<1000000x128xf32, #tpu.memory_space<hbm>> -> memref<128x128xf32, #tpu.memory_space<hbm>>
      %dma_wait3A_1509 = tpu.memref_slice %arg7[%dma_wait3A_1501] : memref<5x!tpu.dma_semaphore, #tpu.memory_space<semaphore_mem>> -> memref<1x!tpu.dma_semaphore, #tpu.memory_space<semaphore_mem>>
      %dma_wait3A_1510 = tpu.memref_squeeze %dma_wait3A_1509 : memref<1x!tpu.dma_semaphore, #tpu.memory_space<semaphore_mem>> -> memref<!tpu.dma_semaphore, #tpu.memory_space<semaphore_mem>>
      %dma_wait3A_1511 = arith.constant 0 : i32
      %dma_wait3A_1512 = arith.constant 0 : i32
      %dma_wait3A_1513 = tpu.memref_slice %arg6[%dma_wait3A_1500, %dma_wait3A_1511, %dma_wait3A_1512] : memref<5x128x128xf32, #tpu.memory_space<vmem>> -> memref<1x128x128xf32, #tpu.memory_space<vmem>>
      %dma_wait3A_1514 = tpu.memref_squeeze %dma_wait3A_1513 : memref<1x128x128xf32, #tpu.memory_space<vmem>> -> memref<128x128xf32, #tpu.memory_space<vmem>>
      %dma_wait3A_1515 = arith.constant 0 : i32
      %dma_wait3A_1516 = arith.constant 0 : i32
      %dma_wait3A_1517 = tpu.memref_slice %arg3[%dma_wait3A_1515, %dma_wait3A_1516] : memref<1000000x128xf32, #tpu.memory_space<hbm>> -> memref<128x128xf32, #tpu.memory_space<hbm>>
      tpu.wait_dma2 semaphore(%dma_wait3A_1510 : memref<!tpu.dma_semaphore, #tpu.memory_space<semaphore_mem>>) src(%dma_wait3A_1517 : memref<128x128xf32, #tpu.memory_space<hbm>>) dst(%dma_wait3A_1514 : memref<128x128xf32, #tpu.memory_space<vmem>>)
      %eq3A_1518 = arith.constant 0 : i32
      %eq3A_1519 = arith.cmpi eq, %rem3A_1499, %eq3A_1518 : i32
      %add3A_1520 = arith.constant 1 : i32
      %add3A_1521 = arith.addi %select_n3A_1497, %add3A_1520 : i32
      %lt3A_1522 = arith.constant 25 : i32
      %lt3A_1523 = arith.cmpi slt, %add3A_1521, %lt3A_1522 : i32
      %and3A_1524 = arith.andi %eq3A_1519, %lt3A_1523 : i1
      %convert_element_type3A_1525 = arith.extui %and3A_1524 : i1 to i32
      %cond3A_1526 = arith.constant 0 : i32
      %cond3A_1527 = arith.cmpi ne, %convert_element_type3A_1525, %cond3A_1526 : i32
      scf.if %cond3A_1527 {
        %add3A_2018 = arith.constant 1 : i32
        %add3A_2019 = arith.addi %select_n3A_1497, %add3A_2018 : i32
        %mul3A_2020 = arith.constant 8 : i32
        %mul3A_2021 = arith.muli %add3A_2019, %mul3A_2020 : i32
        %add3A_2022 = arith.constant 1 : i32
        %add3A_2023 = arith.addi %select_n3A_1497, %add3A_2022 : i32
        %rem3A_2024 = arith.constant 2 : i32
        %rem3A_2025 = arith.remsi %add3A_2023, %rem3A_2024 : i32
        %dma_start3A_2026 = arith.constant 0 : i32
        %dma_start3A_2027 = arith.constant 0 : i32
        %dma_start3A_2028 = tpu.memref_slice %arg5[%rem3A_2025, %dma_start3A_2026, %dma_start3A_2027] : memref<2x8x128xi32, #tpu.memory_space<vmem>> -> memref<1x8x128xi32, #tpu.memory_space<vmem>>
        %dma_start3A_2029 = tpu.memref_squeeze %dma_start3A_2028 : memref<1x8x128xi32, #tpu.memory_space<vmem>> -> memref<8x128xi32, #tpu.memory_space<vmem>>
        %dma_start3A_2030 = tpu.memref_slice %arg2[%mul3A_2021, %mul3A_2] : memref<200x4096xi32, #tpu.memory_space<hbm>> -> memref<8x128xi32, #tpu.memory_space<hbm>>
        %dma_start3A_2031 = arith.constant 0 : i32
        %dma_start3A_2032 = arith.constant 0 : i32
        %dma_start3A_2033 = tpu.memref_slice %arg5[%rem3A_2025, %dma_start3A_2031, %dma_start3A_2032] : memref<2x8x128xi32, #tpu.memory_space<vmem>> -> memref<1x8x128xi32, #tpu.memory_space<vmem>>
        %dma_start3A_2034 = tpu.memref_squeeze %dma_start3A_2033 : memref<1x8x128xi32, #tpu.memory_space<vmem>> -> memref<8x128xi32, #tpu.memory_space<vmem>>
        %dma_start3A_2035 = tpu.memref_slice %arg2[%mul3A_2021, %mul3A_2] : memref<200x4096xi32, #tpu.memory_space<hbm>> -> memref<8x128xi32, #tpu.memory_space<hbm>>
        tpu.enqueue_dma source(%dma_start3A_2035 : memref<8x128xi32, #tpu.memory_space<hbm>>) target(%dma_start3A_2034 : memref<8x128xi32, #tpu.memory_space<vmem>>) target_semaphore(%arg9 : memref<!tpu.dma_semaphore, #tpu.memory_space<semaphore_mem>>)
      } else {
      }
      %dma_start3A_1528 = arith.constant 4 : i32
      %dma_start3A_1529 = arith.constant 4 : i32
      %dma_start3A_1530 = arith.constant 0 : i32
      %dma_start3A_1531 = arith.constant 0 : i32
      %dma_start3A_1532 = tpu.memref_slice %arg6[%dma_start3A_1528, %dma_start3A_1530, %dma_start3A_1531] : memref<5x128x128xf32, #tpu.memory_space<vmem>> -> memref<1x128x128xf32, #tpu.memory_space<vmem>>
      %dma_start3A_1533 = tpu.memref_squeeze %dma_start3A_1532 : memref<1x128x128xf32, #tpu.memory_space<vmem>> -> memref<128x128xf32, #tpu.memory_space<vmem>>
      %dma_start3A_1534 = arith.constant 0 : i32
      %dma_start3A_1535 = tpu.memref_slice %arg4[%add3A_1473, %mul3A_2, %dma_start3A_1534] : memref<200x4096x128xf32, #tpu.memory_space<hbm>> -> memref<1x128x128xf32, #tpu.memory_space<hbm>>
      %dma_start3A_1536 = tpu.memref_squeeze %dma_start3A_1535 : memref<1x128x128xf32, #tpu.memory_space<hbm>> -> memref<128x128xf32, #tpu.memory_space<hbm>>
      %dma_start3A_1537 = tpu.memref_slice %arg8[%dma_start3A_1529] : memref<5x!tpu.dma_semaphore, #tpu.memory_space<semaphore_mem>> -> memref<1x!tpu.dma_semaphore, #tpu.memory_space<semaphore_mem>>
      %dma_start3A_1538 = tpu.memref_squeeze %dma_start3A_1537 : memref<1x!tpu.dma_semaphore, #tpu.memory_space<semaphore_mem>> -> memref<!tpu.dma_semaphore, #tpu.memory_space<semaphore_mem>>
      %dma_start3A_1539 = arith.constant 0 : i32
      %dma_start3A_1540 = tpu.memref_slice %arg4[%add3A_1473, %mul3A_2, %dma_start3A_1539] : memref<200x4096x128xf32, #tpu.memory_space<hbm>> -> memref<1x128x128xf32, #tpu.memory_space<hbm>>
      %dma_start3A_1541 = tpu.memref_squeeze %dma_start3A_1540 : memref<1x128x128xf32, #tpu.memory_space<hbm>> -> memref<128x128xf32, #tpu.memory_space<hbm>>
      %dma_start3A_1542 = arith.constant 0 : i32
      %dma_start3A_1543 = arith.constant 0 : i32
      %dma_start3A_1544 = tpu.memref_slice %arg6[%dma_start3A_1528, %dma_start3A_1542, %dma_start3A_1543] : memref<5x128x128xf32, #tpu.memory_space<vmem>> -> memref<1x128x128xf32, #tpu.memory_space<vmem>>
      %dma_start3A_1545 = tpu.memref_squeeze %dma_start3A_1544 : memref<1x128x128xf32, #tpu.memory_space<vmem>> -> memref<128x128xf32, #tpu.memory_space<vmem>>
      tpu.enqueue_dma source(%dma_start3A_1545 : memref<128x128xf32, #tpu.memory_space<vmem>>) target(%dma_start3A_1541 : memref<128x128xf32, #tpu.memory_space<hbm>>) target_semaphore(%dma_start3A_1538 : memref<!tpu.dma_semaphore, #tpu.memory_space<semaphore_mem>>)
      %eq3A_1546 = arith.constant 4 : i32
      %eq3A_1547 = arith.cmpi eq, %rem3A_1499, %eq3A_1546 : i32
      %add3A_1548 = arith.constant 1 : i32
      %add3A_1549 = arith.addi %select_n3A_1497, %add3A_1548 : i32
      %lt3A_1550 = arith.constant 25 : i32
      %lt3A_1551 = arith.cmpi slt, %add3A_1549, %lt3A_1550 : i32
      %and3A_1552 = arith.andi %eq3A_1547, %lt3A_1551 : i1
      %convert_element_type3A_1553 = arith.extui %and3A_1552 : i1 to i32
      %cond3A_1554 = arith.constant 0 : i32
      %cond3A_1555 = arith.cmpi ne, %convert_element_type3A_1553, %cond3A_1554 : i32
      scf.if %cond3A_1555 {
        %dma_wait3A_2018 = arith.constant 0 : i32
        %dma_wait3A_2019 = arith.constant 0 : i32
        %dma_wait3A_2020 = arith.constant 0 : i32
        %dma_wait3A_2021 = tpu.memref_slice %arg5[%dma_wait3A_2018, %dma_wait3A_2019, %dma_wait3A_2020] : memref<2x8x128xi32, #tpu.memory_space<vmem>> -> memref<1x8x128xi32, #tpu.memory_space<vmem>>
        %dma_wait3A_2022 = tpu.memref_squeeze %dma_wait3A_2021 : memref<1x8x128xi32, #tpu.memory_space<vmem>> -> memref<8x128xi32, #tpu.memory_space<vmem>>
        %dma_wait3A_2023 = arith.constant 0 : i32
        %dma_wait3A_2024 = arith.constant 0 : i32
        %dma_wait3A_2025 = tpu.memref_slice %arg2[%dma_wait3A_2023, %dma_wait3A_2024] : memref<200x4096xi32, #tpu.memory_space<hbm>> -> memref<8x128xi32, #tpu.memory_space<hbm>>
        %dma_wait3A_2026 = arith.constant 0 : i32
        %dma_wait3A_2027 = arith.constant 0 : i32
        %dma_wait3A_2028 = tpu.memref_slice %arg5[%dma_wait3A_2018, %dma_wait3A_2026, %dma_wait3A_2027] : memref<2x8x128xi32, #tpu.memory_space<vmem>> -> memref<1x8x128xi32, #tpu.memory_space<vmem>>
        %dma_wait3A_2029 = tpu.memref_squeeze %dma_wait3A_2028 : memref<1x8x128xi32, #tpu.memory_space<vmem>> -> memref<8x128xi32, #tpu.memory_space<vmem>>
        %dma_wait3A_2030 = arith.constant 0 : i32
        %dma_wait3A_2031 = arith.constant 0 : i32
        %dma_wait3A_2032 = tpu.memref_slice %arg2[%dma_wait3A_2030, %dma_wait3A_2031] : memref<200x4096xi32, #tpu.memory_space<hbm>> -> memref<8x128xi32, #tpu.memory_space<hbm>>
        tpu.wait_dma2 semaphore(%arg9 : memref<!tpu.dma_semaphore, #tpu.memory_space<semaphore_mem>>) src(%dma_wait3A_2032 : memref<8x128xi32, #tpu.memory_space<hbm>>) dst(%dma_wait3A_2029 : memref<8x128xi32, #tpu.memory_space<vmem>>)
      } else {
      }
      %add3A_1556 = arith.constant 3 : i32
      %add3A_1557 = arith.addi %add3A_1473, %add3A_1556 : i32
      %lt3A_1558 = arith.constant 200 : i32
      %lt3A_1559 = arith.cmpi slt, %add3A_1557, %lt3A_1558 : i32
      %convert_element_type3A_1560 = arith.extui %lt3A_1559 : i1 to i32
      %cond3A_1561 = arith.constant 0 : i32
      %cond3A_1562 = arith.cmpi ne, %convert_element_type3A_1560, %cond3A_1561 : i32
      scf.if %cond3A_1562 {
        %ge3A = arith.constant 2 : i32
        %ge3A_2018 = arith.cmpi sge, %add3A_1473, %ge3A : i32
        %convert_element_type3A_2019 = arith.extui %ge3A_2018 : i1 to i32
        %cond3A_2020 = arith.constant 0 : i32
        %cond3A_2021 = arith.cmpi ne, %convert_element_type3A_2019, %cond3A_2020 : i32
        scf.if %cond3A_2021 {
          %dma_wait3A_2082 = arith.constant 2 : i32
          %dma_wait3A_2083 = arith.constant 2 : i32
          %dma_wait3A_2084 = arith.constant 0 : i32
          %dma_wait3A_2085 = arith.constant 0 : i32
          %dma_wait3A_2086 = tpu.memref_slice %arg6[%dma_wait3A_2082, %dma_wait3A_2084, %dma_wait3A_2085] : memref<5x128x128xf32, #tpu.memory_space<vmem>> -> memref<1x128x128xf32, #tpu.memory_space<vmem>>
          %dma_wait3A_2087 = tpu.memref_squeeze %dma_wait3A_2086 : memref<1x128x128xf32, #tpu.memory_space<vmem>> -> memref<128x128xf32, #tpu.memory_space<vmem>>
          %dma_wait3A_2088 = arith.constant 0 : i32
          %dma_wait3A_2089 = arith.constant 0 : i32
          %dma_wait3A_2090 = tpu.memref_slice %arg3[%dma_wait3A_2088, %dma_wait3A_2089] : memref<1000000x128xf32, #tpu.memory_space<hbm>> -> memref<128x128xf32, #tpu.memory_space<hbm>>
          %dma_wait3A_2091 = tpu.memref_slice %arg8[%dma_wait3A_2083] : memref<5x!tpu.dma_semaphore, #tpu.memory_space<semaphore_mem>> -> memref<1x!tpu.dma_semaphore, #tpu.memory_space<semaphore_mem>>
          %dma_wait3A_2092 = tpu.memref_squeeze %dma_wait3A_2091 : memref<1x!tpu.dma_semaphore, #tpu.memory_space<semaphore_mem>> -> memref<!tpu.dma_semaphore, #tpu.memory_space<semaphore_mem>>
          %dma_wait3A_2093 = arith.constant 0 : i32
          %dma_wait3A_2094 = arith.constant 0 : i32
          %dma_wait3A_2095 = tpu.memref_slice %arg6[%dma_wait3A_2082, %dma_wait3A_2093, %dma_wait3A_2094] : memref<5x128x128xf32, #tpu.memory_space<vmem>> -> memref<1x128x128xf32, #tpu.memory_space<vmem>>
          %dma_wait3A_2096 = tpu.memref_squeeze %dma_wait3A_2095 : memref<1x128x128xf32, #tpu.memory_space<vmem>> -> memref<128x128xf32, #tpu.memory_space<vmem>>
          %dma_wait3A_2097 = arith.constant 0 : i32
          %dma_wait3A_2098 = arith.constant 0 : i32
          %dma_wait3A_2099 = tpu.memref_slice %arg3[%dma_wait3A_2097, %dma_wait3A_2098] : memref<1000000x128xf32, #tpu.memory_space<hbm>> -> memref<128x128xf32, #tpu.memory_space<hbm>>
          tpu.wait_dma2 semaphore(%dma_wait3A_2092 : memref<!tpu.dma_semaphore, #tpu.memory_space<semaphore_mem>>) src(%dma_wait3A_2099 : memref<128x128xf32, #tpu.memory_space<hbm>>) dst(%dma_wait3A_2096 : memref<128x128xf32, #tpu.memory_space<vmem>>)
        } else {
        }
        %add3A_2022 = arith.constant 3 : i32
        %add3A_2023 = arith.addi %add3A_1473, %add3A_2022 : i32
        %jit3A_2024 = arith.constant 8 : i32
        %div3A_2025 = arith.divsi %add3A_2023, %jit3A_2024 : i32
        %sign3A_2026 = arith.constant 0 : i32
        %sign3A_2027 = arith.cmpi sgt, %add3A_2023, %sign3A_2026 : i32
        %sign3A_2028 = arith.extui %sign3A_2027 : i1 to i32
        %sign3A_2029 = arith.constant 0 : i32
        %sign3A_2030 = arith.cmpi slt, %add3A_2023, %sign3A_2029 : i32
        %sign3A_2031 = arith.extui %sign3A_2030 : i1 to i32
        %sign3A_2032 = arith.subi %sign3A_2028, %sign3A_2031 : i32
        %sign3A_2033 = arith.constant 0 : i32
        %sign3A_2034 = arith.cmpi sgt, %jit3A_2024, %sign3A_2033 : i32
        %sign3A_2035 = arith.extui %sign3A_2034 : i1 to i32
        %sign3A_2036 = arith.constant 0 : i32
        %sign3A_2037 = arith.cmpi slt, %jit3A_2024, %sign3A_2036 : i32
        %sign3A_2038 = arith.extui %sign3A_2037 : i1 to i32
        %sign3A_2039 = arith.subi %sign3A_2035, %sign3A_2038 : i32
        %ne3A_2040 = arith.cmpi ne, %sign3A_2032, %sign3A_2039 : i32
        %rem3A_2041 = arith.remsi %add3A_2023, %jit3A_2024 : i32
        %ne3A_2042 = arith.constant 0 : i32
        %ne3A_2043 = arith.cmpi ne, %rem3A_2041, %ne3A_2042 : i32
        %and3A_2044 = arith.andi %ne3A_2040, %ne3A_2043 : i1
        %sub3A_2045 = arith.constant 1 : i32
        %sub3A_2046 = arith.subi %div3A_2025, %sub3A_2045 : i32
        %select_n3A_2047 = arith.select %and3A_2044, %sub3A_2046, %div3A_2025 : i32
        %rem3A_2048 = arith.constant 8 : i32
        %rem3A_2049 = arith.remsi %add3A_2023, %rem3A_2048 : i32
        %rem3A_2050 = arith.constant 2 : i32
        %rem3A_2051 = arith.remsi %select_n3A_2047, %rem3A_2050 : i32
        %dma_start3A_2052 = arith.constant 2 : i32
        %dma_start3A_2053 = arith.constant 2 : i32
        %dma_start3A_2054 = arith.constant 0 : i32
        %dma_start3A_2055 = arith.constant 0 : i32
        %dma_start3A_2056 = tpu.memref_slice %arg6[%dma_start3A_2052, %dma_start3A_2054, %dma_start3A_2055] : memref<5x128x128xf32, #tpu.memory_space<vmem>> -> memref<1x64x128xf32, #tpu.memory_space<vmem>>
        %dma_start3A_2057 = tpu.memref_squeeze %dma_start3A_2056 : memref<1x64x128xf32, #tpu.memory_space<vmem>> -> memref<64x128xf32, #tpu.memory_space<vmem>>
        %dma_start3A_2058 = arith.constant 0 : i32
        %dma_start3A_2059 = tpu.memref_slice %arg5[%rem3A_2051, %rem3A_2049, %dma_start3A_2058] : memref<2x8x128xi32, #tpu.memory_space<vmem>> -> memref<1x1x64xi32, #tpu.memory_space<vmem>>
        %dma_start3A_2060 = tpu.memref_squeeze %dma_start3A_2059 : memref<1x1x64xi32, #tpu.memory_space<vmem>> -> memref<64xi32, #tpu.memory_space<vmem>>
        %dma_start3A_2061 = arith.constant 0 : i32
        %dma_start3A_2062 = arith.constant 0 : i32
        %dma_start3A_2063 = tpu.memref_slice %arg3[%dma_start3A_2061, %dma_start3A_2062] : memref<1000000x128xf32, #tpu.memory_space<hbm>> -> memref<1000000x128xf32, #tpu.memory_space<hbm>>
        %dma_start3A_2064 = tpu.memref_slice %arg7[%dma_start3A_2053] : memref<5x!tpu.dma_semaphore, #tpu.memory_space<semaphore_mem>> -> memref<1x!tpu.dma_semaphore, #tpu.memory_space<semaphore_mem>>
        %dma_start3A_2065 = tpu.memref_squeeze %dma_start3A_2064 : memref<1x!tpu.dma_semaphore, #tpu.memory_space<semaphore_mem>> -> memref<!tpu.dma_semaphore, #tpu.memory_space<semaphore_mem>>
        tpu.enqueue_indirect_dma source(%dma_start3A_2063 : memref<1000000x128xf32, #tpu.memory_space<hbm>>) target(%dma_start3A_2057 : memref<64x128xf32, #tpu.memory_space<vmem>>) offsets(%dma_start3A_2060 : memref<64xi32, #tpu.memory_space<vmem>>) semaphore(%dma_start3A_2065 : memref<!tpu.dma_semaphore, #tpu.memory_space<semaphore_mem>>)
        %rem3A_2066 = arith.constant 2 : i32
        %rem3A_2067 = arith.remsi %select_n3A_2047, %rem3A_2066 : i32
        %dma_start3A_2068 = arith.constant 2 : i32
        %dma_start3A_2069 = arith.constant 2 : i32
        %dma_start3A_2070 = arith.constant 64 : i32
        %dma_start3A_2071 = arith.constant 0 : i32
        %dma_start3A_2072 = tpu.memref_slice %arg6[%dma_start3A_2068, %dma_start3A_2070, %dma_start3A_2071] : memref<5x128x128xf32, #tpu.memory_space<vmem>> -> memref<1x64x128xf32, #tpu.memory_space<vmem>>
        %dma_start3A_2073 = tpu.memref_squeeze %dma_start3A_2072 : memref<1x64x128xf32, #tpu.memory_space<vmem>> -> memref<64x128xf32, #tpu.memory_space<vmem>>
        %dma_start3A_2074 = arith.constant 64 : i32
        %dma_start3A_2075 = tpu.memref_slice %arg5[%rem3A_2067, %rem3A_2049, %dma_start3A_2074] : memref<2x8x128xi32, #tpu.memory_space<vmem>> -> memref<1x1x64xi32, #tpu.memory_space<vmem>>
        %dma_start3A_2076 = tpu.memref_squeeze %dma_start3A_2075 : memref<1x1x64xi32, #tpu.memory_space<vmem>> -> memref<64xi32, #tpu.memory_space<vmem>>
        %dma_start3A_2077 = arith.constant 0 : i32
        %dma_start3A_2078 = arith.constant 0 : i32
        %dma_start3A_2079 = tpu.memref_slice %arg3[%dma_start3A_2077, %dma_start3A_2078] : memref<1000000x128xf32, #tpu.memory_space<hbm>> -> memref<1000000x128xf32, #tpu.memory_space<hbm>>
        %dma_start3A_2080 = tpu.memref_slice %arg7[%dma_start3A_2069] : memref<5x!tpu.dma_semaphore, #tpu.memory_space<semaphore_mem>> -> memref<1x!tpu.dma_semaphore, #tpu.memory_space<semaphore_mem>>
        %dma_start3A_2081 = tpu.memref_squeeze %dma_start3A_2080 : memref<1x!tpu.dma_semaphore, #tpu.memory_space<semaphore_mem>> -> memref<!tpu.dma_semaphore, #tpu.memory_space<semaphore_mem>>
        tpu.enqueue_indirect_dma source(%dma_start3A_2079 : memref<1000000x128xf32, #tpu.memory_space<hbm>>) target(%dma_start3A_2073 : memref<64x128xf32, #tpu.memory_space<vmem>>) offsets(%dma_start3A_2076 : memref<64xi32, #tpu.memory_space<vmem>>) semaphore(%dma_start3A_2081 : memref<!tpu.dma_semaphore, #tpu.memory_space<semaphore_mem>>)
      } else {
      }
      %add3A_1563 = arith.constant 15 : i32
      %add3A_1564 = arith.addi %mul3A_208, %add3A_1563 : i32
      %jit3A_1565 = arith.constant 8 : i32
      %div3A_1566 = arith.divsi %add3A_1564, %jit3A_1565 : i32
      %sign3A_1567 = arith.constant 0 : i32
      %sign3A_1568 = arith.cmpi sgt, %add3A_1564, %sign3A_1567 : i32
      %sign3A_1569 = arith.extui %sign3A_1568 : i1 to i32
      %sign3A_1570 = arith.constant 0 : i32
      %sign3A_1571 = arith.cmpi slt, %add3A_1564, %sign3A_1570 : i32
      %sign3A_1572 = arith.extui %sign3A_1571 : i1 to i32
      %sign3A_1573 = arith.subi %sign3A_1569, %sign3A_1572 : i32
      %sign3A_1574 = arith.constant 0 : i32
      %sign3A_1575 = arith.cmpi sgt, %jit3A_1565, %sign3A_1574 : i32
      %sign3A_1576 = arith.extui %sign3A_1575 : i1 to i32
      %sign3A_1577 = arith.constant 0 : i32
      %sign3A_1578 = arith.cmpi slt, %jit3A_1565, %sign3A_1577 : i32
      %sign3A_1579 = arith.extui %sign3A_1578 : i1 to i32
      %sign3A_1580 = arith.subi %sign3A_1576, %sign3A_1579 : i32
      %ne3A_1581 = arith.cmpi ne, %sign3A_1573, %sign3A_1580 : i32
      %rem3A_1582 = arith.remsi %add3A_1564, %jit3A_1565 : i32
      %ne3A_1583 = arith.constant 0 : i32
      %ne3A_1584 = arith.cmpi ne, %rem3A_1582, %ne3A_1583 : i32
      %and3A_1585 = arith.andi %ne3A_1581, %ne3A_1584 : i1
      %sub3A_1586 = arith.constant 1 : i32
      %sub3A_1587 = arith.subi %div3A_1566, %sub3A_1586 : i32
      %select_n3A_1588 = arith.select %and3A_1585, %sub3A_1587, %div3A_1566 : i32
      %rem3A_1589 = arith.constant 8 : i32
      %rem3A_1590 = arith.remsi %add3A_1564, %rem3A_1589 : i32
      %dma_wait3A_1591 = arith.constant 0 : i32
      %dma_wait3A_1592 = arith.constant 0 : i32
      %dma_wait3A_1593 = arith.constant 0 : i32
      %dma_wait3A_1594 = arith.constant 0 : i32
      %dma_wait3A_1595 = tpu.memref_slice %arg6[%dma_wait3A_1591, %dma_wait3A_1593, %dma_wait3A_1594] : memref<5x128x128xf32, #tpu.memory_space<vmem>> -> memref<1x128x128xf32, #tpu.memory_space<vmem>>
      %dma_wait3A_1596 = tpu.memref_squeeze %dma_wait3A_1595 : memref<1x128x128xf32, #tpu.memory_space<vmem>> -> memref<128x128xf32, #tpu.memory_space<vmem>>
      %dma_wait3A_1597 = arith.constant 0 : i32
      %dma_wait3A_1598 = arith.constant 0 : i32
      %dma_wait3A_1599 = tpu.memref_slice %arg3[%dma_wait3A_1597, %dma_wait3A_1598] : memref<1000000x128xf32, #tpu.memory_space<hbm>> -> memref<128x128xf32, #tpu.memory_space<hbm>>
      %dma_wait3A_1600 = tpu.memref_slice %arg7[%dma_wait3A_1592] : memref<5x!tpu.dma_semaphore, #tpu.memory_space<semaphore_mem>> -> memref<1x!tpu.dma_semaphore, #tpu.memory_space<semaphore_mem>>
      %dma_wait3A_1601 = tpu.memref_squeeze %dma_wait3A_1600 : memref<1x!tpu.dma_semaphore, #tpu.memory_space<semaphore_mem>> -> memref<!tpu.dma_semaphore, #tpu.memory_space<semaphore_mem>>
      %dma_wait3A_1602 = arith.constant 0 : i32
      %dma_wait3A_1603 = arith.constant 0 : i32
      %dma_wait3A_1604 = tpu.memref_slice %arg6[%dma_wait3A_1591, %dma_wait3A_1602, %dma_wait3A_1603] : memref<5x128x128xf32, #tpu.memory_space<vmem>> -> memref<1x128x128xf32, #tpu.memory_space<vmem>>
      %dma_wait3A_1605 = tpu.memref_squeeze %dma_wait3A_1604 : memref<1x128x128xf32, #tpu.memory_space<vmem>> -> memref<128x128xf32, #tpu.memory_space<vmem>>
      %dma_wait3A_1606 = arith.constant 0 : i32
      %dma_wait3A_1607 = arith.constant 0 : i32
      %dma_wait3A_1608 = tpu.memref_slice %arg3[%dma_wait3A_1606, %dma_wait3A_1607] : memref<1000000x128xf32, #tpu.memory_space<hbm>> -> memref<128x128xf32, #tpu.memory_space<hbm>>
      tpu.wait_dma2 semaphore(%dma_wait3A_1601 : memref<!tpu.dma_semaphore, #tpu.memory_space<semaphore_mem>>) src(%dma_wait3A_1608 : memref<128x128xf32, #tpu.memory_space<hbm>>) dst(%dma_wait3A_1605 : memref<128x128xf32, #tpu.memory_space<vmem>>)
      %eq3A_1609 = arith.constant 0 : i32
      %eq3A_1610 = arith.cmpi eq, %rem3A_1590, %eq3A_1609 : i32
      %add3A_1611 = arith.constant 1 : i32
      %add3A_1612 = arith.addi %select_n3A_1588, %add3A_1611 : i32
      %lt3A_1613 = arith.constant 25 : i32
      %lt3A_1614 = arith.cmpi slt, %add3A_1612, %lt3A_1613 : i32
      %and3A_1615 = arith.andi %eq3A_1610, %lt3A_1614 : i1
      %convert_element_type3A_1616 = arith.extui %and3A_1615 : i1 to i32
      %cond3A_1617 = arith.constant 0 : i32
      %cond3A_1618 = arith.cmpi ne, %convert_element_type3A_1616, %cond3A_1617 : i32
      scf.if %cond3A_1618 {
        %add3A_2018 = arith.constant 1 : i32
        %add3A_2019 = arith.addi %select_n3A_1588, %add3A_2018 : i32
        %mul3A_2020 = arith.constant 8 : i32
        %mul3A_2021 = arith.muli %add3A_2019, %mul3A_2020 : i32
        %add3A_2022 = arith.constant 1 : i32
        %add3A_2023 = arith.addi %select_n3A_1588, %add3A_2022 : i32
        %rem3A_2024 = arith.constant 2 : i32
        %rem3A_2025 = arith.remsi %add3A_2023, %rem3A_2024 : i32
        %dma_start3A_2026 = arith.constant 0 : i32
        %dma_start3A_2027 = arith.constant 0 : i32
        %dma_start3A_2028 = tpu.memref_slice %arg5[%rem3A_2025, %dma_start3A_2026, %dma_start3A_2027] : memref<2x8x128xi32, #tpu.memory_space<vmem>> -> memref<1x8x128xi32, #tpu.memory_space<vmem>>
        %dma_start3A_2029 = tpu.memref_squeeze %dma_start3A_2028 : memref<1x8x128xi32, #tpu.memory_space<vmem>> -> memref<8x128xi32, #tpu.memory_space<vmem>>
        %dma_start3A_2030 = tpu.memref_slice %arg2[%mul3A_2021, %mul3A_2] : memref<200x4096xi32, #tpu.memory_space<hbm>> -> memref<8x128xi32, #tpu.memory_space<hbm>>
        %dma_start3A_2031 = arith.constant 0 : i32
        %dma_start3A_2032 = arith.constant 0 : i32
        %dma_start3A_2033 = tpu.memref_slice %arg5[%rem3A_2025, %dma_start3A_2031, %dma_start3A_2032] : memref<2x8x128xi32, #tpu.memory_space<vmem>> -> memref<1x8x128xi32, #tpu.memory_space<vmem>>
        %dma_start3A_2034 = tpu.memref_squeeze %dma_start3A_2033 : memref<1x8x128xi32, #tpu.memory_space<vmem>> -> memref<8x128xi32, #tpu.memory_space<vmem>>
        %dma_start3A_2035 = tpu.memref_slice %arg2[%mul3A_2021, %mul3A_2] : memref<200x4096xi32, #tpu.memory_space<hbm>> -> memref<8x128xi32, #tpu.memory_space<hbm>>
        tpu.enqueue_dma source(%dma_start3A_2035 : memref<8x128xi32, #tpu.memory_space<hbm>>) target(%dma_start3A_2034 : memref<8x128xi32, #tpu.memory_space<vmem>>) target_semaphore(%arg9 : memref<!tpu.dma_semaphore, #tpu.memory_space<semaphore_mem>>)
      } else {
      }
      %dma_start3A_1619 = arith.constant 0 : i32
      %dma_start3A_1620 = arith.constant 0 : i32
      %dma_start3A_1621 = arith.constant 0 : i32
      %dma_start3A_1622 = arith.constant 0 : i32
      %dma_start3A_1623 = tpu.memref_slice %arg6[%dma_start3A_1619, %dma_start3A_1621, %dma_start3A_1622] : memref<5x128x128xf32, #tpu.memory_space<vmem>> -> memref<1x128x128xf32, #tpu.memory_space<vmem>>
      %dma_start3A_1624 = tpu.memref_squeeze %dma_start3A_1623 : memref<1x128x128xf32, #tpu.memory_space<vmem>> -> memref<128x128xf32, #tpu.memory_space<vmem>>
      %dma_start3A_1625 = arith.constant 0 : i32
      %dma_start3A_1626 = tpu.memref_slice %arg4[%add3A_1564, %mul3A_2, %dma_start3A_1625] : memref<200x4096x128xf32, #tpu.memory_space<hbm>> -> memref<1x128x128xf32, #tpu.memory_space<hbm>>
      %dma_start3A_1627 = tpu.memref_squeeze %dma_start3A_1626 : memref<1x128x128xf32, #tpu.memory_space<hbm>> -> memref<128x128xf32, #tpu.memory_space<hbm>>
      %dma_start3A_1628 = tpu.memref_slice %arg8[%dma_start3A_1620] : memref<5x!tpu.dma_semaphore, #tpu.memory_space<semaphore_mem>> -> memref<1x!tpu.dma_semaphore, #tpu.memory_space<semaphore_mem>>
      %dma_start3A_1629 = tpu.memref_squeeze %dma_start3A_1628 : memref<1x!tpu.dma_semaphore, #tpu.memory_space<semaphore_mem>> -> memref<!tpu.dma_semaphore, #tpu.memory_space<semaphore_mem>>
      %dma_start3A_1630 = arith.constant 0 : i32
      %dma_start3A_1631 = tpu.memref_slice %arg4[%add3A_1564, %mul3A_2, %dma_start3A_1630] : memref<200x4096x128xf32, #tpu.memory_space<hbm>> -> memref<1x128x128xf32, #tpu.memory_space<hbm>>
      %dma_start3A_1632 = tpu.memref_squeeze %dma_start3A_1631 : memref<1x128x128xf32, #tpu.memory_space<hbm>> -> memref<128x128xf32, #tpu.memory_space<hbm>>
      %dma_start3A_1633 = arith.constant 0 : i32
      %dma_start3A_1634 = arith.constant 0 : i32
      %dma_start3A_1635 = tpu.memref_slice %arg6[%dma_start3A_1619, %dma_start3A_1633, %dma_start3A_1634] : memref<5x128x128xf32, #tpu.memory_space<vmem>> -> memref<1x128x128xf32, #tpu.memory_space<vmem>>
      %dma_start3A_1636 = tpu.memref_squeeze %dma_start3A_1635 : memref<1x128x128xf32, #tpu.memory_space<vmem>> -> memref<128x128xf32, #tpu.memory_space<vmem>>
      tpu.enqueue_dma source(%dma_start3A_1636 : memref<128x128xf32, #tpu.memory_space<vmem>>) target(%dma_start3A_1632 : memref<128x128xf32, #tpu.memory_space<hbm>>) target_semaphore(%dma_start3A_1629 : memref<!tpu.dma_semaphore, #tpu.memory_space<semaphore_mem>>)
      %eq3A_1637 = arith.constant 4 : i32
      %eq3A_1638 = arith.cmpi eq, %rem3A_1590, %eq3A_1637 : i32
      %add3A_1639 = arith.constant 1 : i32
      %add3A_1640 = arith.addi %select_n3A_1588, %add3A_1639 : i32
      %lt3A_1641 = arith.constant 25 : i32
      %lt3A_1642 = arith.cmpi slt, %add3A_1640, %lt3A_1641 : i32
      %and3A_1643 = arith.andi %eq3A_1638, %lt3A_1642 : i1
      %convert_element_type3A_1644 = arith.extui %and3A_1643 : i1 to i32
      %cond3A_1645 = arith.constant 0 : i32
      %cond3A_1646 = arith.cmpi ne, %convert_element_type3A_1644, %cond3A_1645 : i32
      scf.if %cond3A_1646 {
        %dma_wait3A_2018 = arith.constant 0 : i32
        %dma_wait3A_2019 = arith.constant 0 : i32
        %dma_wait3A_2020 = arith.constant 0 : i32
        %dma_wait3A_2021 = tpu.memref_slice %arg5[%dma_wait3A_2018, %dma_wait3A_2019, %dma_wait3A_2020] : memref<2x8x128xi32, #tpu.memory_space<vmem>> -> memref<1x8x128xi32, #tpu.memory_space<vmem>>
        %dma_wait3A_2022 = tpu.memref_squeeze %dma_wait3A_2021 : memref<1x8x128xi32, #tpu.memory_space<vmem>> -> memref<8x128xi32, #tpu.memory_space<vmem>>
        %dma_wait3A_2023 = arith.constant 0 : i32
        %dma_wait3A_2024 = arith.constant 0 : i32
        %dma_wait3A_2025 = tpu.memref_slice %arg2[%dma_wait3A_2023, %dma_wait3A_2024] : memref<200x4096xi32, #tpu.memory_space<hbm>> -> memref<8x128xi32, #tpu.memory_space<hbm>>
        %dma_wait3A_2026 = arith.constant 0 : i32
        %dma_wait3A_2027 = arith.constant 0 : i32
        %dma_wait3A_2028 = tpu.memref_slice %arg5[%dma_wait3A_2018, %dma_wait3A_2026, %dma_wait3A_2027] : memref<2x8x128xi32, #tpu.memory_space<vmem>> -> memref<1x8x128xi32, #tpu.memory_space<vmem>>
        %dma_wait3A_2029 = tpu.memref_squeeze %dma_wait3A_2028 : memref<1x8x128xi32, #tpu.memory_space<vmem>> -> memref<8x128xi32, #tpu.memory_space<vmem>>
        %dma_wait3A_2030 = arith.constant 0 : i32
        %dma_wait3A_2031 = arith.constant 0 : i32
        %dma_wait3A_2032 = tpu.memref_slice %arg2[%dma_wait3A_2030, %dma_wait3A_2031] : memref<200x4096xi32, #tpu.memory_space<hbm>> -> memref<8x128xi32, #tpu.memory_space<hbm>>
        tpu.wait_dma2 semaphore(%arg9 : memref<!tpu.dma_semaphore, #tpu.memory_space<semaphore_mem>>) src(%dma_wait3A_2032 : memref<8x128xi32, #tpu.memory_space<hbm>>) dst(%dma_wait3A_2029 : memref<8x128xi32, #tpu.memory_space<vmem>>)
      } else {
      }
      %add3A_1647 = arith.constant 3 : i32
      %add3A_1648 = arith.addi %add3A_1564, %add3A_1647 : i32
      %lt3A_1649 = arith.constant 200 : i32
      %lt3A_1650 = arith.cmpi slt, %add3A_1648, %lt3A_1649 : i32
      %convert_element_type3A_1651 = arith.extui %lt3A_1650 : i1 to i32
      %cond3A_1652 = arith.constant 0 : i32
      %cond3A_1653 = arith.cmpi ne, %convert_element_type3A_1651, %cond3A_1652 : i32
      scf.if %cond3A_1653 {
        %ge3A = arith.constant 2 : i32
        %ge3A_2018 = arith.cmpi sge, %add3A_1564, %ge3A : i32
        %convert_element_type3A_2019 = arith.extui %ge3A_2018 : i1 to i32
        %cond3A_2020 = arith.constant 0 : i32
        %cond3A_2021 = arith.cmpi ne, %convert_element_type3A_2019, %cond3A_2020 : i32
        scf.if %cond3A_2021 {
          %dma_wait3A_2082 = arith.constant 3 : i32
          %dma_wait3A_2083 = arith.constant 3 : i32
          %dma_wait3A_2084 = arith.constant 0 : i32
          %dma_wait3A_2085 = arith.constant 0 : i32
          %dma_wait3A_2086 = tpu.memref_slice %arg6[%dma_wait3A_2082, %dma_wait3A_2084, %dma_wait3A_2085] : memref<5x128x128xf32, #tpu.memory_space<vmem>> -> memref<1x128x128xf32, #tpu.memory_space<vmem>>
          %dma_wait3A_2087 = tpu.memref_squeeze %dma_wait3A_2086 : memref<1x128x128xf32, #tpu.memory_space<vmem>> -> memref<128x128xf32, #tpu.memory_space<vmem>>
          %dma_wait3A_2088 = arith.constant 0 : i32
          %dma_wait3A_2089 = arith.constant 0 : i32
          %dma_wait3A_2090 = tpu.memref_slice %arg3[%dma_wait3A_2088, %dma_wait3A_2089] : memref<1000000x128xf32, #tpu.memory_space<hbm>> -> memref<128x128xf32, #tpu.memory_space<hbm>>
          %dma_wait3A_2091 = tpu.memref_slice %arg8[%dma_wait3A_2083] : memref<5x!tpu.dma_semaphore, #tpu.memory_space<semaphore_mem>> -> memref<1x!tpu.dma_semaphore, #tpu.memory_space<semaphore_mem>>
          %dma_wait3A_2092 = tpu.memref_squeeze %dma_wait3A_2091 : memref<1x!tpu.dma_semaphore, #tpu.memory_space<semaphore_mem>> -> memref<!tpu.dma_semaphore, #tpu.memory_space<semaphore_mem>>
          %dma_wait3A_2093 = arith.constant 0 : i32
          %dma_wait3A_2094 = arith.constant 0 : i32
          %dma_wait3A_2095 = tpu.memref_slice %arg6[%dma_wait3A_2082, %dma_wait3A_2093, %dma_wait3A_2094] : memref<5x128x128xf32, #tpu.memory_space<vmem>> -> memref<1x128x128xf32, #tpu.memory_space<vmem>>
          %dma_wait3A_2096 = tpu.memref_squeeze %dma_wait3A_2095 : memref<1x128x128xf32, #tpu.memory_space<vmem>> -> memref<128x128xf32, #tpu.memory_space<vmem>>
          %dma_wait3A_2097 = arith.constant 0 : i32
          %dma_wait3A_2098 = arith.constant 0 : i32
          %dma_wait3A_2099 = tpu.memref_slice %arg3[%dma_wait3A_2097, %dma_wait3A_2098] : memref<1000000x128xf32, #tpu.memory_space<hbm>> -> memref<128x128xf32, #tpu.memory_space<hbm>>
          tpu.wait_dma2 semaphore(%dma_wait3A_2092 : memref<!tpu.dma_semaphore, #tpu.memory_space<semaphore_mem>>) src(%dma_wait3A_2099 : memref<128x128xf32, #tpu.memory_space<hbm>>) dst(%dma_wait3A_2096 : memref<128x128xf32, #tpu.memory_space<vmem>>)
        } else {
        }
        %add3A_2022 = arith.constant 3 : i32
        %add3A_2023 = arith.addi %add3A_1564, %add3A_2022 : i32
        %jit3A_2024 = arith.constant 8 : i32
        %div3A_2025 = arith.divsi %add3A_2023, %jit3A_2024 : i32
        %sign3A_2026 = arith.constant 0 : i32
        %sign3A_2027 = arith.cmpi sgt, %add3A_2023, %sign3A_2026 : i32
        %sign3A_2028 = arith.extui %sign3A_2027 : i1 to i32
        %sign3A_2029 = arith.constant 0 : i32
        %sign3A_2030 = arith.cmpi slt, %add3A_2023, %sign3A_2029 : i32
        %sign3A_2031 = arith.extui %sign3A_2030 : i1 to i32
        %sign3A_2032 = arith.subi %sign3A_2028, %sign3A_2031 : i32
        %sign3A_2033 = arith.constant 0 : i32
        %sign3A_2034 = arith.cmpi sgt, %jit3A_2024, %sign3A_2033 : i32
        %sign3A_2035 = arith.extui %sign3A_2034 : i1 to i32
        %sign3A_2036 = arith.constant 0 : i32
        %sign3A_2037 = arith.cmpi slt, %jit3A_2024, %sign3A_2036 : i32
        %sign3A_2038 = arith.extui %sign3A_2037 : i1 to i32
        %sign3A_2039 = arith.subi %sign3A_2035, %sign3A_2038 : i32
        %ne3A_2040 = arith.cmpi ne, %sign3A_2032, %sign3A_2039 : i32
        %rem3A_2041 = arith.remsi %add3A_2023, %jit3A_2024 : i32
        %ne3A_2042 = arith.constant 0 : i32
        %ne3A_2043 = arith.cmpi ne, %rem3A_2041, %ne3A_2042 : i32
        %and3A_2044 = arith.andi %ne3A_2040, %ne3A_2043 : i1
        %sub3A_2045 = arith.constant 1 : i32
        %sub3A_2046 = arith.subi %div3A_2025, %sub3A_2045 : i32
        %select_n3A_2047 = arith.select %and3A_2044, %sub3A_2046, %div3A_2025 : i32
        %rem3A_2048 = arith.constant 8 : i32
        %rem3A_2049 = arith.remsi %add3A_2023, %rem3A_2048 : i32
        %rem3A_2050 = arith.constant 2 : i32
        %rem3A_2051 = arith.remsi %select_n3A_2047, %rem3A_2050 : i32
        %dma_start3A_2052 = arith.constant 3 : i32
        %dma_start3A_2053 = arith.constant 3 : i32
        %dma_start3A_2054 = arith.constant 0 : i32
        %dma_start3A_2055 = arith.constant 0 : i32
        %dma_start3A_2056 = tpu.memref_slice %arg6[%dma_start3A_2052, %dma_start3A_2054, %dma_start3A_2055] : memref<5x128x128xf32, #tpu.memory_space<vmem>> -> memref<1x64x128xf32, #tpu.memory_space<vmem>>
        %dma_start3A_2057 = tpu.memref_squeeze %dma_start3A_2056 : memref<1x64x128xf32, #tpu.memory_space<vmem>> -> memref<64x128xf32, #tpu.memory_space<vmem>>
        %dma_start3A_2058 = arith.constant 0 : i32
        %dma_start3A_2059 = tpu.memref_slice %arg5[%rem3A_2051, %rem3A_2049, %dma_start3A_2058] : memref<2x8x128xi32, #tpu.memory_space<vmem>> -> memref<1x1x64xi32, #tpu.memory_space<vmem>>
        %dma_start3A_2060 = tpu.memref_squeeze %dma_start3A_2059 : memref<1x1x64xi32, #tpu.memory_space<vmem>> -> memref<64xi32, #tpu.memory_space<vmem>>
        %dma_start3A_2061 = arith.constant 0 : i32
        %dma_start3A_2062 = arith.constant 0 : i32
        %dma_start3A_2063 = tpu.memref_slice %arg3[%dma_start3A_2061, %dma_start3A_2062] : memref<1000000x128xf32, #tpu.memory_space<hbm>> -> memref<1000000x128xf32, #tpu.memory_space<hbm>>
        %dma_start3A_2064 = tpu.memref_slice %arg7[%dma_start3A_2053] : memref<5x!tpu.dma_semaphore, #tpu.memory_space<semaphore_mem>> -> memref<1x!tpu.dma_semaphore, #tpu.memory_space<semaphore_mem>>
        %dma_start3A_2065 = tpu.memref_squeeze %dma_start3A_2064 : memref<1x!tpu.dma_semaphore, #tpu.memory_space<semaphore_mem>> -> memref<!tpu.dma_semaphore, #tpu.memory_space<semaphore_mem>>
        tpu.enqueue_indirect_dma source(%dma_start3A_2063 : memref<1000000x128xf32, #tpu.memory_space<hbm>>) target(%dma_start3A_2057 : memref<64x128xf32, #tpu.memory_space<vmem>>) offsets(%dma_start3A_2060 : memref<64xi32, #tpu.memory_space<vmem>>) semaphore(%dma_start3A_2065 : memref<!tpu.dma_semaphore, #tpu.memory_space<semaphore_mem>>)
        %rem3A_2066 = arith.constant 2 : i32
        %rem3A_2067 = arith.remsi %select_n3A_2047, %rem3A_2066 : i32
        %dma_start3A_2068 = arith.constant 3 : i32
        %dma_start3A_2069 = arith.constant 3 : i32
        %dma_start3A_2070 = arith.constant 64 : i32
        %dma_start3A_2071 = arith.constant 0 : i32
        %dma_start3A_2072 = tpu.memref_slice %arg6[%dma_start3A_2068, %dma_start3A_2070, %dma_start3A_2071] : memref<5x128x128xf32, #tpu.memory_space<vmem>> -> memref<1x64x128xf32, #tpu.memory_space<vmem>>
        %dma_start3A_2073 = tpu.memref_squeeze %dma_start3A_2072 : memref<1x64x128xf32, #tpu.memory_space<vmem>> -> memref<64x128xf32, #tpu.memory_space<vmem>>
        %dma_start3A_2074 = arith.constant 64 : i32
        %dma_start3A_2075 = tpu.memref_slice %arg5[%rem3A_2067, %rem3A_2049, %dma_start3A_2074] : memref<2x8x128xi32, #tpu.memory_space<vmem>> -> memref<1x1x64xi32, #tpu.memory_space<vmem>>
        %dma_start3A_2076 = tpu.memref_squeeze %dma_start3A_2075 : memref<1x1x64xi32, #tpu.memory_space<vmem>> -> memref<64xi32, #tpu.memory_space<vmem>>
        %dma_start3A_2077 = arith.constant 0 : i32
        %dma_start3A_2078 = arith.constant 0 : i32
        %dma_start3A_2079 = tpu.memref_slice %arg3[%dma_start3A_2077, %dma_start3A_2078] : memref<1000000x128xf32, #tpu.memory_space<hbm>> -> memref<1000000x128xf32, #tpu.memory_space<hbm>>
        %dma_start3A_2080 = tpu.memref_slice %arg7[%dma_start3A_2069] : memref<5x!tpu.dma_semaphore, #tpu.memory_space<semaphore_mem>> -> memref<1x!tpu.dma_semaphore, #tpu.memory_space<semaphore_mem>>
        %dma_start3A_2081 = tpu.memref_squeeze %dma_start3A_2080 : memref<1x!tpu.dma_semaphore, #tpu.memory_space<semaphore_mem>> -> memref<!tpu.dma_semaphore, #tpu.memory_space<semaphore_mem>>
        tpu.enqueue_indirect_dma source(%dma_start3A_2079 : memref<1000000x128xf32, #tpu.memory_space<hbm>>) target(%dma_start3A_2073 : memref<64x128xf32, #tpu.memory_space<vmem>>) offsets(%dma_start3A_2076 : memref<64xi32, #tpu.memory_space<vmem>>) semaphore(%dma_start3A_2081 : memref<!tpu.dma_semaphore, #tpu.memory_space<semaphore_mem>>)
      } else {
      }
      %add3A_1654 = arith.constant 16 : i32
      %add3A_1655 = arith.addi %mul3A_208, %add3A_1654 : i32
      %jit3A_1656 = arith.constant 8 : i32
      %div3A_1657 = arith.divsi %add3A_1655, %jit3A_1656 : i32
      %sign3A_1658 = arith.constant 0 : i32
      %sign3A_1659 = arith.cmpi sgt, %add3A_1655, %sign3A_1658 : i32
      %sign3A_1660 = arith.extui %sign3A_1659 : i1 to i32
      %sign3A_1661 = arith.constant 0 : i32
      %sign3A_1662 = arith.cmpi slt, %add3A_1655, %sign3A_1661 : i32
      %sign3A_1663 = arith.extui %sign3A_1662 : i1 to i32
      %sign3A_1664 = arith.subi %sign3A_1660, %sign3A_1663 : i32
      %sign3A_1665 = arith.constant 0 : i32
      %sign3A_1666 = arith.cmpi sgt, %jit3A_1656, %sign3A_1665 : i32
      %sign3A_1667 = arith.extui %sign3A_1666 : i1 to i32
      %sign3A_1668 = arith.constant 0 : i32
      %sign3A_1669 = arith.cmpi slt, %jit3A_1656, %sign3A_1668 : i32
      %sign3A_1670 = arith.extui %sign3A_1669 : i1 to i32
      %sign3A_1671 = arith.subi %sign3A_1667, %sign3A_1670 : i32
      %ne3A_1672 = arith.cmpi ne, %sign3A_1664, %sign3A_1671 : i32
      %rem3A_1673 = arith.remsi %add3A_1655, %jit3A_1656 : i32
      %ne3A_1674 = arith.constant 0 : i32
      %ne3A_1675 = arith.cmpi ne, %rem3A_1673, %ne3A_1674 : i32
      %and3A_1676 = arith.andi %ne3A_1672, %ne3A_1675 : i1
      %sub3A_1677 = arith.constant 1 : i32
      %sub3A_1678 = arith.subi %div3A_1657, %sub3A_1677 : i32
      %select_n3A_1679 = arith.select %and3A_1676, %sub3A_1678, %div3A_1657 : i32
      %rem3A_1680 = arith.constant 8 : i32
      %rem3A_1681 = arith.remsi %add3A_1655, %rem3A_1680 : i32
      %dma_wait3A_1682 = arith.constant 1 : i32
      %dma_wait3A_1683 = arith.constant 1 : i32
      %dma_wait3A_1684 = arith.constant 0 : i32
      %dma_wait3A_1685 = arith.constant 0 : i32
      %dma_wait3A_1686 = tpu.memref_slice %arg6[%dma_wait3A_1682, %dma_wait3A_1684, %dma_wait3A_1685] : memref<5x128x128xf32, #tpu.memory_space<vmem>> -> memref<1x128x128xf32, #tpu.memory_space<vmem>>
      %dma_wait3A_1687 = tpu.memref_squeeze %dma_wait3A_1686 : memref<1x128x128xf32, #tpu.memory_space<vmem>> -> memref<128x128xf32, #tpu.memory_space<vmem>>
      %dma_wait3A_1688 = arith.constant 0 : i32
      %dma_wait3A_1689 = arith.constant 0 : i32
      %dma_wait3A_1690 = tpu.memref_slice %arg3[%dma_wait3A_1688, %dma_wait3A_1689] : memref<1000000x128xf32, #tpu.memory_space<hbm>> -> memref<128x128xf32, #tpu.memory_space<hbm>>
      %dma_wait3A_1691 = tpu.memref_slice %arg7[%dma_wait3A_1683] : memref<5x!tpu.dma_semaphore, #tpu.memory_space<semaphore_mem>> -> memref<1x!tpu.dma_semaphore, #tpu.memory_space<semaphore_mem>>
      %dma_wait3A_1692 = tpu.memref_squeeze %dma_wait3A_1691 : memref<1x!tpu.dma_semaphore, #tpu.memory_space<semaphore_mem>> -> memref<!tpu.dma_semaphore, #tpu.memory_space<semaphore_mem>>
      %dma_wait3A_1693 = arith.constant 0 : i32
      %dma_wait3A_1694 = arith.constant 0 : i32
      %dma_wait3A_1695 = tpu.memref_slice %arg6[%dma_wait3A_1682, %dma_wait3A_1693, %dma_wait3A_1694] : memref<5x128x128xf32, #tpu.memory_space<vmem>> -> memref<1x128x128xf32, #tpu.memory_space<vmem>>
      %dma_wait3A_1696 = tpu.memref_squeeze %dma_wait3A_1695 : memref<1x128x128xf32, #tpu.memory_space<vmem>> -> memref<128x128xf32, #tpu.memory_space<vmem>>
      %dma_wait3A_1697 = arith.constant 0 : i32
      %dma_wait3A_1698 = arith.constant 0 : i32
      %dma_wait3A_1699 = tpu.memref_slice %arg3[%dma_wait3A_1697, %dma_wait3A_1698] : memref<1000000x128xf32, #tpu.memory_space<hbm>> -> memref<128x128xf32, #tpu.memory_space<hbm>>
      tpu.wait_dma2 semaphore(%dma_wait3A_1692 : memref<!tpu.dma_semaphore, #tpu.memory_space<semaphore_mem>>) src(%dma_wait3A_1699 : memref<128x128xf32, #tpu.memory_space<hbm>>) dst(%dma_wait3A_1696 : memref<128x128xf32, #tpu.memory_space<vmem>>)
      %eq3A_1700 = arith.constant 0 : i32
      %eq3A_1701 = arith.cmpi eq, %rem3A_1681, %eq3A_1700 : i32
      %add3A_1702 = arith.constant 1 : i32
      %add3A_1703 = arith.addi %select_n3A_1679, %add3A_1702 : i32
      %lt3A_1704 = arith.constant 25 : i32
      %lt3A_1705 = arith.cmpi slt, %add3A_1703, %lt3A_1704 : i32
      %and3A_1706 = arith.andi %eq3A_1701, %lt3A_1705 : i1
      %convert_element_type3A_1707 = arith.extui %and3A_1706 : i1 to i32
      %cond3A_1708 = arith.constant 0 : i32
      %cond3A_1709 = arith.cmpi ne, %convert_element_type3A_1707, %cond3A_1708 : i32
      scf.if %cond3A_1709 {
        %add3A_2018 = arith.constant 1 : i32
        %add3A_2019 = arith.addi %select_n3A_1679, %add3A_2018 : i32
        %mul3A_2020 = arith.constant 8 : i32
        %mul3A_2021 = arith.muli %add3A_2019, %mul3A_2020 : i32
        %add3A_2022 = arith.constant 1 : i32
        %add3A_2023 = arith.addi %select_n3A_1679, %add3A_2022 : i32
        %rem3A_2024 = arith.constant 2 : i32
        %rem3A_2025 = arith.remsi %add3A_2023, %rem3A_2024 : i32
        %dma_start3A_2026 = arith.constant 0 : i32
        %dma_start3A_2027 = arith.constant 0 : i32
        %dma_start3A_2028 = tpu.memref_slice %arg5[%rem3A_2025, %dma_start3A_2026, %dma_start3A_2027] : memref<2x8x128xi32, #tpu.memory_space<vmem>> -> memref<1x8x128xi32, #tpu.memory_space<vmem>>
        %dma_start3A_2029 = tpu.memref_squeeze %dma_start3A_2028 : memref<1x8x128xi32, #tpu.memory_space<vmem>> -> memref<8x128xi32, #tpu.memory_space<vmem>>
        %dma_start3A_2030 = tpu.memref_slice %arg2[%mul3A_2021, %mul3A_2] : memref<200x4096xi32, #tpu.memory_space<hbm>> -> memref<8x128xi32, #tpu.memory_space<hbm>>
        %dma_start3A_2031 = arith.constant 0 : i32
        %dma_start3A_2032 = arith.constant 0 : i32
        %dma_start3A_2033 = tpu.memref_slice %arg5[%rem3A_2025, %dma_start3A_2031, %dma_start3A_2032] : memref<2x8x128xi32, #tpu.memory_space<vmem>> -> memref<1x8x128xi32, #tpu.memory_space<vmem>>
        %dma_start3A_2034 = tpu.memref_squeeze %dma_start3A_2033 : memref<1x8x128xi32, #tpu.memory_space<vmem>> -> memref<8x128xi32, #tpu.memory_space<vmem>>
        %dma_start3A_2035 = tpu.memref_slice %arg2[%mul3A_2021, %mul3A_2] : memref<200x4096xi32, #tpu.memory_space<hbm>> -> memref<8x128xi32, #tpu.memory_space<hbm>>
        tpu.enqueue_dma source(%dma_start3A_2035 : memref<8x128xi32, #tpu.memory_space<hbm>>) target(%dma_start3A_2034 : memref<8x128xi32, #tpu.memory_space<vmem>>) target_semaphore(%arg9 : memref<!tpu.dma_semaphore, #tpu.memory_space<semaphore_mem>>)
      } else {
      }
      %dma_start3A_1710 = arith.constant 1 : i32
      %dma_start3A_1711 = arith.constant 1 : i32
      %dma_start3A_1712 = arith.constant 0 : i32
      %dma_start3A_1713 = arith.constant 0 : i32
      %dma_start3A_1714 = tpu.memref_slice %arg6[%dma_start3A_1710, %dma_start3A_1712, %dma_start3A_1713] : memref<5x128x128xf32, #tpu.memory_space<vmem>> -> memref<1x128x128xf32, #tpu.memory_space<vmem>>
      %dma_start3A_1715 = tpu.memref_squeeze %dma_start3A_1714 : memref<1x128x128xf32, #tpu.memory_space<vmem>> -> memref<128x128xf32, #tpu.memory_space<vmem>>
      %dma_start3A_1716 = arith.constant 0 : i32
      %dma_start3A_1717 = tpu.memref_slice %arg4[%add3A_1655, %mul3A_2, %dma_start3A_1716] : memref<200x4096x128xf32, #tpu.memory_space<hbm>> -> memref<1x128x128xf32, #tpu.memory_space<hbm>>
      %dma_start3A_1718 = tpu.memref_squeeze %dma_start3A_1717 : memref<1x128x128xf32, #tpu.memory_space<hbm>> -> memref<128x128xf32, #tpu.memory_space<hbm>>
      %dma_start3A_1719 = tpu.memref_slice %arg8[%dma_start3A_1711] : memref<5x!tpu.dma_semaphore, #tpu.memory_space<semaphore_mem>> -> memref<1x!tpu.dma_semaphore, #tpu.memory_space<semaphore_mem>>
      %dma_start3A_1720 = tpu.memref_squeeze %dma_start3A_1719 : memref<1x!tpu.dma_semaphore, #tpu.memory_space<semaphore_mem>> -> memref<!tpu.dma_semaphore, #tpu.memory_space<semaphore_mem>>
      %dma_start3A_1721 = arith.constant 0 : i32
      %dma_start3A_1722 = tpu.memref_slice %arg4[%add3A_1655, %mul3A_2, %dma_start3A_1721] : memref<200x4096x128xf32, #tpu.memory_space<hbm>> -> memref<1x128x128xf32, #tpu.memory_space<hbm>>
      %dma_start3A_1723 = tpu.memref_squeeze %dma_start3A_1722 : memref<1x128x128xf32, #tpu.memory_space<hbm>> -> memref<128x128xf32, #tpu.memory_space<hbm>>
      %dma_start3A_1724 = arith.constant 0 : i32
      %dma_start3A_1725 = arith.constant 0 : i32
      %dma_start3A_1726 = tpu.memref_slice %arg6[%dma_start3A_1710, %dma_start3A_1724, %dma_start3A_1725] : memref<5x128x128xf32, #tpu.memory_space<vmem>> -> memref<1x128x128xf32, #tpu.memory_space<vmem>>
      %dma_start3A_1727 = tpu.memref_squeeze %dma_start3A_1726 : memref<1x128x128xf32, #tpu.memory_space<vmem>> -> memref<128x128xf32, #tpu.memory_space<vmem>>
      tpu.enqueue_dma source(%dma_start3A_1727 : memref<128x128xf32, #tpu.memory_space<vmem>>) target(%dma_start3A_1723 : memref<128x128xf32, #tpu.memory_space<hbm>>) target_semaphore(%dma_start3A_1720 : memref<!tpu.dma_semaphore, #tpu.memory_space<semaphore_mem>>)
      %eq3A_1728 = arith.constant 4 : i32
      %eq3A_1729 = arith.cmpi eq, %rem3A_1681, %eq3A_1728 : i32
      %add3A_1730 = arith.constant 1 : i32
      %add3A_1731 = arith.addi %select_n3A_1679, %add3A_1730 : i32
      %lt3A_1732 = arith.constant 25 : i32
      %lt3A_1733 = arith.cmpi slt, %add3A_1731, %lt3A_1732 : i32
      %and3A_1734 = arith.andi %eq3A_1729, %lt3A_1733 : i1
      %convert_element_type3A_1735 = arith.extui %and3A_1734 : i1 to i32
      %cond3A_1736 = arith.constant 0 : i32
      %cond3A_1737 = arith.cmpi ne, %convert_element_type3A_1735, %cond3A_1736 : i32
      scf.if %cond3A_1737 {
        %dma_wait3A_2018 = arith.constant 0 : i32
        %dma_wait3A_2019 = arith.constant 0 : i32
        %dma_wait3A_2020 = arith.constant 0 : i32
        %dma_wait3A_2021 = tpu.memref_slice %arg5[%dma_wait3A_2018, %dma_wait3A_2019, %dma_wait3A_2020] : memref<2x8x128xi32, #tpu.memory_space<vmem>> -> memref<1x8x128xi32, #tpu.memory_space<vmem>>
        %dma_wait3A_2022 = tpu.memref_squeeze %dma_wait3A_2021 : memref<1x8x128xi32, #tpu.memory_space<vmem>> -> memref<8x128xi32, #tpu.memory_space<vmem>>
        %dma_wait3A_2023 = arith.constant 0 : i32
        %dma_wait3A_2024 = arith.constant 0 : i32
        %dma_wait3A_2025 = tpu.memref_slice %arg2[%dma_wait3A_2023, %dma_wait3A_2024] : memref<200x4096xi32, #tpu.memory_space<hbm>> -> memref<8x128xi32, #tpu.memory_space<hbm>>
        %dma_wait3A_2026 = arith.constant 0 : i32
        %dma_wait3A_2027 = arith.constant 0 : i32
        %dma_wait3A_2028 = tpu.memref_slice %arg5[%dma_wait3A_2018, %dma_wait3A_2026, %dma_wait3A_2027] : memref<2x8x128xi32, #tpu.memory_space<vmem>> -> memref<1x8x128xi32, #tpu.memory_space<vmem>>
        %dma_wait3A_2029 = tpu.memref_squeeze %dma_wait3A_2028 : memref<1x8x128xi32, #tpu.memory_space<vmem>> -> memref<8x128xi32, #tpu.memory_space<vmem>>
        %dma_wait3A_2030 = arith.constant 0 : i32
        %dma_wait3A_2031 = arith.constant 0 : i32
        %dma_wait3A_2032 = tpu.memref_slice %arg2[%dma_wait3A_2030, %dma_wait3A_2031] : memref<200x4096xi32, #tpu.memory_space<hbm>> -> memref<8x128xi32, #tpu.memory_space<hbm>>
        tpu.wait_dma2 semaphore(%arg9 : memref<!tpu.dma_semaphore, #tpu.memory_space<semaphore_mem>>) src(%dma_wait3A_2032 : memref<8x128xi32, #tpu.memory_space<hbm>>) dst(%dma_wait3A_2029 : memref<8x128xi32, #tpu.memory_space<vmem>>)
      } else {
      }
      %add3A_1738 = arith.constant 3 : i32
      %add3A_1739 = arith.addi %add3A_1655, %add3A_1738 : i32
      %lt3A_1740 = arith.constant 200 : i32
      %lt3A_1741 = arith.cmpi slt, %add3A_1739, %lt3A_1740 : i32
      %convert_element_type3A_1742 = arith.extui %lt3A_1741 : i1 to i32
      %cond3A_1743 = arith.constant 0 : i32
      %cond3A_1744 = arith.cmpi ne, %convert_element_type3A_1742, %cond3A_1743 : i32
      scf.if %cond3A_1744 {
        %ge3A = arith.constant 2 : i32
        %ge3A_2018 = arith.cmpi sge, %add3A_1655, %ge3A : i32
        %convert_element_type3A_2019 = arith.extui %ge3A_2018 : i1 to i32
        %cond3A_2020 = arith.constant 0 : i32
        %cond3A_2021 = arith.cmpi ne, %convert_element_type3A_2019, %cond3A_2020 : i32
        scf.if %cond3A_2021 {
          %dma_wait3A_2082 = arith.constant 4 : i32
          %dma_wait3A_2083 = arith.constant 4 : i32
          %dma_wait3A_2084 = arith.constant 0 : i32
          %dma_wait3A_2085 = arith.constant 0 : i32
          %dma_wait3A_2086 = tpu.memref_slice %arg6[%dma_wait3A_2082, %dma_wait3A_2084, %dma_wait3A_2085] : memref<5x128x128xf32, #tpu.memory_space<vmem>> -> memref<1x128x128xf32, #tpu.memory_space<vmem>>
          %dma_wait3A_2087 = tpu.memref_squeeze %dma_wait3A_2086 : memref<1x128x128xf32, #tpu.memory_space<vmem>> -> memref<128x128xf32, #tpu.memory_space<vmem>>
          %dma_wait3A_2088 = arith.constant 0 : i32
          %dma_wait3A_2089 = arith.constant 0 : i32
          %dma_wait3A_2090 = tpu.memref_slice %arg3[%dma_wait3A_2088, %dma_wait3A_2089] : memref<1000000x128xf32, #tpu.memory_space<hbm>> -> memref<128x128xf32, #tpu.memory_space<hbm>>
          %dma_wait3A_2091 = tpu.memref_slice %arg8[%dma_wait3A_2083] : memref<5x!tpu.dma_semaphore, #tpu.memory_space<semaphore_mem>> -> memref<1x!tpu.dma_semaphore, #tpu.memory_space<semaphore_mem>>
          %dma_wait3A_2092 = tpu.memref_squeeze %dma_wait3A_2091 : memref<1x!tpu.dma_semaphore, #tpu.memory_space<semaphore_mem>> -> memref<!tpu.dma_semaphore, #tpu.memory_space<semaphore_mem>>
          %dma_wait3A_2093 = arith.constant 0 : i32
          %dma_wait3A_2094 = arith.constant 0 : i32
          %dma_wait3A_2095 = tpu.memref_slice %arg6[%dma_wait3A_2082, %dma_wait3A_2093, %dma_wait3A_2094] : memref<5x128x128xf32, #tpu.memory_space<vmem>> -> memref<1x128x128xf32, #tpu.memory_space<vmem>>
          %dma_wait3A_2096 = tpu.memref_squeeze %dma_wait3A_2095 : memref<1x128x128xf32, #tpu.memory_space<vmem>> -> memref<128x128xf32, #tpu.memory_space<vmem>>
          %dma_wait3A_2097 = arith.constant 0 : i32
          %dma_wait3A_2098 = arith.constant 0 : i32
          %dma_wait3A_2099 = tpu.memref_slice %arg3[%dma_wait3A_2097, %dma_wait3A_2098] : memref<1000000x128xf32, #tpu.memory_space<hbm>> -> memref<128x128xf32, #tpu.memory_space<hbm>>
          tpu.wait_dma2 semaphore(%dma_wait3A_2092 : memref<!tpu.dma_semaphore, #tpu.memory_space<semaphore_mem>>) src(%dma_wait3A_2099 : memref<128x128xf32, #tpu.memory_space<hbm>>) dst(%dma_wait3A_2096 : memref<128x128xf32, #tpu.memory_space<vmem>>)
        } else {
        }
        %add3A_2022 = arith.constant 3 : i32
        %add3A_2023 = arith.addi %add3A_1655, %add3A_2022 : i32
        %jit3A_2024 = arith.constant 8 : i32
        %div3A_2025 = arith.divsi %add3A_2023, %jit3A_2024 : i32
        %sign3A_2026 = arith.constant 0 : i32
        %sign3A_2027 = arith.cmpi sgt, %add3A_2023, %sign3A_2026 : i32
        %sign3A_2028 = arith.extui %sign3A_2027 : i1 to i32
        %sign3A_2029 = arith.constant 0 : i32
        %sign3A_2030 = arith.cmpi slt, %add3A_2023, %sign3A_2029 : i32
        %sign3A_2031 = arith.extui %sign3A_2030 : i1 to i32
        %sign3A_2032 = arith.subi %sign3A_2028, %sign3A_2031 : i32
        %sign3A_2033 = arith.constant 0 : i32
        %sign3A_2034 = arith.cmpi sgt, %jit3A_2024, %sign3A_2033 : i32
        %sign3A_2035 = arith.extui %sign3A_2034 : i1 to i32
        %sign3A_2036 = arith.constant 0 : i32
        %sign3A_2037 = arith.cmpi slt, %jit3A_2024, %sign3A_2036 : i32
        %sign3A_2038 = arith.extui %sign3A_2037 : i1 to i32
        %sign3A_2039 = arith.subi %sign3A_2035, %sign3A_2038 : i32
        %ne3A_2040 = arith.cmpi ne, %sign3A_2032, %sign3A_2039 : i32
        %rem3A_2041 = arith.remsi %add3A_2023, %jit3A_2024 : i32
        %ne3A_2042 = arith.constant 0 : i32
        %ne3A_2043 = arith.cmpi ne, %rem3A_2041, %ne3A_2042 : i32
        %and3A_2044 = arith.andi %ne3A_2040, %ne3A_2043 : i1
        %sub3A_2045 = arith.constant 1 : i32
        %sub3A_2046 = arith.subi %div3A_2025, %sub3A_2045 : i32
        %select_n3A_2047 = arith.select %and3A_2044, %sub3A_2046, %div3A_2025 : i32
        %rem3A_2048 = arith.constant 8 : i32
        %rem3A_2049 = arith.remsi %add3A_2023, %rem3A_2048 : i32
        %rem3A_2050 = arith.constant 2 : i32
        %rem3A_2051 = arith.remsi %select_n3A_2047, %rem3A_2050 : i32
        %dma_start3A_2052 = arith.constant 4 : i32
        %dma_start3A_2053 = arith.constant 4 : i32
        %dma_start3A_2054 = arith.constant 0 : i32
        %dma_start3A_2055 = arith.constant 0 : i32
        %dma_start3A_2056 = tpu.memref_slice %arg6[%dma_start3A_2052, %dma_start3A_2054, %dma_start3A_2055] : memref<5x128x128xf32, #tpu.memory_space<vmem>> -> memref<1x64x128xf32, #tpu.memory_space<vmem>>
        %dma_start3A_2057 = tpu.memref_squeeze %dma_start3A_2056 : memref<1x64x128xf32, #tpu.memory_space<vmem>> -> memref<64x128xf32, #tpu.memory_space<vmem>>
        %dma_start3A_2058 = arith.constant 0 : i32
        %dma_start3A_2059 = tpu.memref_slice %arg5[%rem3A_2051, %rem3A_2049, %dma_start3A_2058] : memref<2x8x128xi32, #tpu.memory_space<vmem>> -> memref<1x1x64xi32, #tpu.memory_space<vmem>>
        %dma_start3A_2060 = tpu.memref_squeeze %dma_start3A_2059 : memref<1x1x64xi32, #tpu.memory_space<vmem>> -> memref<64xi32, #tpu.memory_space<vmem>>
        %dma_start3A_2061 = arith.constant 0 : i32
        %dma_start3A_2062 = arith.constant 0 : i32
        %dma_start3A_2063 = tpu.memref_slice %arg3[%dma_start3A_2061, %dma_start3A_2062] : memref<1000000x128xf32, #tpu.memory_space<hbm>> -> memref<1000000x128xf32, #tpu.memory_space<hbm>>
        %dma_start3A_2064 = tpu.memref_slice %arg7[%dma_start3A_2053] : memref<5x!tpu.dma_semaphore, #tpu.memory_space<semaphore_mem>> -> memref<1x!tpu.dma_semaphore, #tpu.memory_space<semaphore_mem>>
        %dma_start3A_2065 = tpu.memref_squeeze %dma_start3A_2064 : memref<1x!tpu.dma_semaphore, #tpu.memory_space<semaphore_mem>> -> memref<!tpu.dma_semaphore, #tpu.memory_space<semaphore_mem>>
        tpu.enqueue_indirect_dma source(%dma_start3A_2063 : memref<1000000x128xf32, #tpu.memory_space<hbm>>) target(%dma_start3A_2057 : memref<64x128xf32, #tpu.memory_space<vmem>>) offsets(%dma_start3A_2060 : memref<64xi32, #tpu.memory_space<vmem>>) semaphore(%dma_start3A_2065 : memref<!tpu.dma_semaphore, #tpu.memory_space<semaphore_mem>>)
        %rem3A_2066 = arith.constant 2 : i32
        %rem3A_2067 = arith.remsi %select_n3A_2047, %rem3A_2066 : i32
        %dma_start3A_2068 = arith.constant 4 : i32
        %dma_start3A_2069 = arith.constant 4 : i32
        %dma_start3A_2070 = arith.constant 64 : i32
        %dma_start3A_2071 = arith.constant 0 : i32
        %dma_start3A_2072 = tpu.memref_slice %arg6[%dma_start3A_2068, %dma_start3A_2070, %dma_start3A_2071] : memref<5x128x128xf32, #tpu.memory_space<vmem>> -> memref<1x64x128xf32, #tpu.memory_space<vmem>>
        %dma_start3A_2073 = tpu.memref_squeeze %dma_start3A_2072 : memref<1x64x128xf32, #tpu.memory_space<vmem>> -> memref<64x128xf32, #tpu.memory_space<vmem>>
        %dma_start3A_2074 = arith.constant 64 : i32
        %dma_start3A_2075 = tpu.memref_slice %arg5[%rem3A_2067, %rem3A_2049, %dma_start3A_2074] : memref<2x8x128xi32, #tpu.memory_space<vmem>> -> memref<1x1x64xi32, #tpu.memory_space<vmem>>
        %dma_start3A_2076 = tpu.memref_squeeze %dma_start3A_2075 : memref<1x1x64xi32, #tpu.memory_space<vmem>> -> memref<64xi32, #tpu.memory_space<vmem>>
        %dma_start3A_2077 = arith.constant 0 : i32
        %dma_start3A_2078 = arith.constant 0 : i32
        %dma_start3A_2079 = tpu.memref_slice %arg3[%dma_start3A_2077, %dma_start3A_2078] : memref<1000000x128xf32, #tpu.memory_space<hbm>> -> memref<1000000x128xf32, #tpu.memory_space<hbm>>
        %dma_start3A_2080 = tpu.memref_slice %arg7[%dma_start3A_2069] : memref<5x!tpu.dma_semaphore, #tpu.memory_space<semaphore_mem>> -> memref<1x!tpu.dma_semaphore, #tpu.memory_space<semaphore_mem>>
        %dma_start3A_2081 = tpu.memref_squeeze %dma_start3A_2080 : memref<1x!tpu.dma_semaphore, #tpu.memory_space<semaphore_mem>> -> memref<!tpu.dma_semaphore, #tpu.memory_space<semaphore_mem>>
        tpu.enqueue_indirect_dma source(%dma_start3A_2079 : memref<1000000x128xf32, #tpu.memory_space<hbm>>) target(%dma_start3A_2073 : memref<64x128xf32, #tpu.memory_space<vmem>>) offsets(%dma_start3A_2076 : memref<64xi32, #tpu.memory_space<vmem>>) semaphore(%dma_start3A_2081 : memref<!tpu.dma_semaphore, #tpu.memory_space<semaphore_mem>>)
      } else {
      }
      %add3A_1745 = arith.constant 17 : i32
      %add3A_1746 = arith.addi %mul3A_208, %add3A_1745 : i32
      %jit3A_1747 = arith.constant 8 : i32
      %div3A_1748 = arith.divsi %add3A_1746, %jit3A_1747 : i32
      %sign3A_1749 = arith.constant 0 : i32
      %sign3A_1750 = arith.cmpi sgt, %add3A_1746, %sign3A_1749 : i32
      %sign3A_1751 = arith.extui %sign3A_1750 : i1 to i32
      %sign3A_1752 = arith.constant 0 : i32
      %sign3A_1753 = arith.cmpi slt, %add3A_1746, %sign3A_1752 : i32
      %sign3A_1754 = arith.extui %sign3A_1753 : i1 to i32
      %sign3A_1755 = arith.subi %sign3A_1751, %sign3A_1754 : i32
      %sign3A_1756 = arith.constant 0 : i32
      %sign3A_1757 = arith.cmpi sgt, %jit3A_1747, %sign3A_1756 : i32
      %sign3A_1758 = arith.extui %sign3A_1757 : i1 to i32
      %sign3A_1759 = arith.constant 0 : i32
      %sign3A_1760 = arith.cmpi slt, %jit3A_1747, %sign3A_1759 : i32
      %sign3A_1761 = arith.extui %sign3A_1760 : i1 to i32
      %sign3A_1762 = arith.subi %sign3A_1758, %sign3A_1761 : i32
      %ne3A_1763 = arith.cmpi ne, %sign3A_1755, %sign3A_1762 : i32
      %rem3A_1764 = arith.remsi %add3A_1746, %jit3A_1747 : i32
      %ne3A_1765 = arith.constant 0 : i32
      %ne3A_1766 = arith.cmpi ne, %rem3A_1764, %ne3A_1765 : i32
      %and3A_1767 = arith.andi %ne3A_1763, %ne3A_1766 : i1
      %sub3A_1768 = arith.constant 1 : i32
      %sub3A_1769 = arith.subi %div3A_1748, %sub3A_1768 : i32
      %select_n3A_1770 = arith.select %and3A_1767, %sub3A_1769, %div3A_1748 : i32
      %rem3A_1771 = arith.constant 8 : i32
      %rem3A_1772 = arith.remsi %add3A_1746, %rem3A_1771 : i32
      %dma_wait3A_1773 = arith.constant 2 : i32
      %dma_wait3A_1774 = arith.constant 2 : i32
      %dma_wait3A_1775 = arith.constant 0 : i32
      %dma_wait3A_1776 = arith.constant 0 : i32
      %dma_wait3A_1777 = tpu.memref_slice %arg6[%dma_wait3A_1773, %dma_wait3A_1775, %dma_wait3A_1776] : memref<5x128x128xf32, #tpu.memory_space<vmem>> -> memref<1x128x128xf32, #tpu.memory_space<vmem>>
      %dma_wait3A_1778 = tpu.memref_squeeze %dma_wait3A_1777 : memref<1x128x128xf32, #tpu.memory_space<vmem>> -> memref<128x128xf32, #tpu.memory_space<vmem>>
      %dma_wait3A_1779 = arith.constant 0 : i32
      %dma_wait3A_1780 = arith.constant 0 : i32
      %dma_wait3A_1781 = tpu.memref_slice %arg3[%dma_wait3A_1779, %dma_wait3A_1780] : memref<1000000x128xf32, #tpu.memory_space<hbm>> -> memref<128x128xf32, #tpu.memory_space<hbm>>
      %dma_wait3A_1782 = tpu.memref_slice %arg7[%dma_wait3A_1774] : memref<5x!tpu.dma_semaphore, #tpu.memory_space<semaphore_mem>> -> memref<1x!tpu.dma_semaphore, #tpu.memory_space<semaphore_mem>>
      %dma_wait3A_1783 = tpu.memref_squeeze %dma_wait3A_1782 : memref<1x!tpu.dma_semaphore, #tpu.memory_space<semaphore_mem>> -> memref<!tpu.dma_semaphore, #tpu.memory_space<semaphore_mem>>
      %dma_wait3A_1784 = arith.constant 0 : i32
      %dma_wait3A_1785 = arith.constant 0 : i32
      %dma_wait3A_1786 = tpu.memref_slice %arg6[%dma_wait3A_1773, %dma_wait3A_1784, %dma_wait3A_1785] : memref<5x128x128xf32, #tpu.memory_space<vmem>> -> memref<1x128x128xf32, #tpu.memory_space<vmem>>
      %dma_wait3A_1787 = tpu.memref_squeeze %dma_wait3A_1786 : memref<1x128x128xf32, #tpu.memory_space<vmem>> -> memref<128x128xf32, #tpu.memory_space<vmem>>
      %dma_wait3A_1788 = arith.constant 0 : i32
      %dma_wait3A_1789 = arith.constant 0 : i32
      %dma_wait3A_1790 = tpu.memref_slice %arg3[%dma_wait3A_1788, %dma_wait3A_1789] : memref<1000000x128xf32, #tpu.memory_space<hbm>> -> memref<128x128xf32, #tpu.memory_space<hbm>>
      tpu.wait_dma2 semaphore(%dma_wait3A_1783 : memref<!tpu.dma_semaphore, #tpu.memory_space<semaphore_mem>>) src(%dma_wait3A_1790 : memref<128x128xf32, #tpu.memory_space<hbm>>) dst(%dma_wait3A_1787 : memref<128x128xf32, #tpu.memory_space<vmem>>)
      %eq3A_1791 = arith.constant 0 : i32
      %eq3A_1792 = arith.cmpi eq, %rem3A_1772, %eq3A_1791 : i32
      %add3A_1793 = arith.constant 1 : i32
      %add3A_1794 = arith.addi %select_n3A_1770, %add3A_1793 : i32
      %lt3A_1795 = arith.constant 25 : i32
      %lt3A_1796 = arith.cmpi slt, %add3A_1794, %lt3A_1795 : i32
      %and3A_1797 = arith.andi %eq3A_1792, %lt3A_1796 : i1
      %convert_element_type3A_1798 = arith.extui %and3A_1797 : i1 to i32
      %cond3A_1799 = arith.constant 0 : i32
      %cond3A_1800 = arith.cmpi ne, %convert_element_type3A_1798, %cond3A_1799 : i32
      scf.if %cond3A_1800 {
        %add3A_2018 = arith.constant 1 : i32
        %add3A_2019 = arith.addi %select_n3A_1770, %add3A_2018 : i32
        %mul3A_2020 = arith.constant 8 : i32
        %mul3A_2021 = arith.muli %add3A_2019, %mul3A_2020 : i32
        %add3A_2022 = arith.constant 1 : i32
        %add3A_2023 = arith.addi %select_n3A_1770, %add3A_2022 : i32
        %rem3A_2024 = arith.constant 2 : i32
        %rem3A_2025 = arith.remsi %add3A_2023, %rem3A_2024 : i32
        %dma_start3A_2026 = arith.constant 0 : i32
        %dma_start3A_2027 = arith.constant 0 : i32
        %dma_start3A_2028 = tpu.memref_slice %arg5[%rem3A_2025, %dma_start3A_2026, %dma_start3A_2027] : memref<2x8x128xi32, #tpu.memory_space<vmem>> -> memref<1x8x128xi32, #tpu.memory_space<vmem>>
        %dma_start3A_2029 = tpu.memref_squeeze %dma_start3A_2028 : memref<1x8x128xi32, #tpu.memory_space<vmem>> -> memref<8x128xi32, #tpu.memory_space<vmem>>
        %dma_start3A_2030 = tpu.memref_slice %arg2[%mul3A_2021, %mul3A_2] : memref<200x4096xi32, #tpu.memory_space<hbm>> -> memref<8x128xi32, #tpu.memory_space<hbm>>
        %dma_start3A_2031 = arith.constant 0 : i32
        %dma_start3A_2032 = arith.constant 0 : i32
        %dma_start3A_2033 = tpu.memref_slice %arg5[%rem3A_2025, %dma_start3A_2031, %dma_start3A_2032] : memref<2x8x128xi32, #tpu.memory_space<vmem>> -> memref<1x8x128xi32, #tpu.memory_space<vmem>>
        %dma_start3A_2034 = tpu.memref_squeeze %dma_start3A_2033 : memref<1x8x128xi32, #tpu.memory_space<vmem>> -> memref<8x128xi32, #tpu.memory_space<vmem>>
        %dma_start3A_2035 = tpu.memref_slice %arg2[%mul3A_2021, %mul3A_2] : memref<200x4096xi32, #tpu.memory_space<hbm>> -> memref<8x128xi32, #tpu.memory_space<hbm>>
        tpu.enqueue_dma source(%dma_start3A_2035 : memref<8x128xi32, #tpu.memory_space<hbm>>) target(%dma_start3A_2034 : memref<8x128xi32, #tpu.memory_space<vmem>>) target_semaphore(%arg9 : memref<!tpu.dma_semaphore, #tpu.memory_space<semaphore_mem>>)
      } else {
      }
      %dma_start3A_1801 = arith.constant 2 : i32
      %dma_start3A_1802 = arith.constant 2 : i32
      %dma_start3A_1803 = arith.constant 0 : i32
      %dma_start3A_1804 = arith.constant 0 : i32
      %dma_start3A_1805 = tpu.memref_slice %arg6[%dma_start3A_1801, %dma_start3A_1803, %dma_start3A_1804] : memref<5x128x128xf32, #tpu.memory_space<vmem>> -> memref<1x128x128xf32, #tpu.memory_space<vmem>>
      %dma_start3A_1806 = tpu.memref_squeeze %dma_start3A_1805 : memref<1x128x128xf32, #tpu.memory_space<vmem>> -> memref<128x128xf32, #tpu.memory_space<vmem>>
      %dma_start3A_1807 = arith.constant 0 : i32
      %dma_start3A_1808 = tpu.memref_slice %arg4[%add3A_1746, %mul3A_2, %dma_start3A_1807] : memref<200x4096x128xf32, #tpu.memory_space<hbm>> -> memref<1x128x128xf32, #tpu.memory_space<hbm>>
      %dma_start3A_1809 = tpu.memref_squeeze %dma_start3A_1808 : memref<1x128x128xf32, #tpu.memory_space<hbm>> -> memref<128x128xf32, #tpu.memory_space<hbm>>
      %dma_start3A_1810 = tpu.memref_slice %arg8[%dma_start3A_1802] : memref<5x!tpu.dma_semaphore, #tpu.memory_space<semaphore_mem>> -> memref<1x!tpu.dma_semaphore, #tpu.memory_space<semaphore_mem>>
      %dma_start3A_1811 = tpu.memref_squeeze %dma_start3A_1810 : memref<1x!tpu.dma_semaphore, #tpu.memory_space<semaphore_mem>> -> memref<!tpu.dma_semaphore, #tpu.memory_space<semaphore_mem>>
      %dma_start3A_1812 = arith.constant 0 : i32
      %dma_start3A_1813 = tpu.memref_slice %arg4[%add3A_1746, %mul3A_2, %dma_start3A_1812] : memref<200x4096x128xf32, #tpu.memory_space<hbm>> -> memref<1x128x128xf32, #tpu.memory_space<hbm>>
      %dma_start3A_1814 = tpu.memref_squeeze %dma_start3A_1813 : memref<1x128x128xf32, #tpu.memory_space<hbm>> -> memref<128x128xf32, #tpu.memory_space<hbm>>
      %dma_start3A_1815 = arith.constant 0 : i32
      %dma_start3A_1816 = arith.constant 0 : i32
      %dma_start3A_1817 = tpu.memref_slice %arg6[%dma_start3A_1801, %dma_start3A_1815, %dma_start3A_1816] : memref<5x128x128xf32, #tpu.memory_space<vmem>> -> memref<1x128x128xf32, #tpu.memory_space<vmem>>
      %dma_start3A_1818 = tpu.memref_squeeze %dma_start3A_1817 : memref<1x128x128xf32, #tpu.memory_space<vmem>> -> memref<128x128xf32, #tpu.memory_space<vmem>>
      tpu.enqueue_dma source(%dma_start3A_1818 : memref<128x128xf32, #tpu.memory_space<vmem>>) target(%dma_start3A_1814 : memref<128x128xf32, #tpu.memory_space<hbm>>) target_semaphore(%dma_start3A_1811 : memref<!tpu.dma_semaphore, #tpu.memory_space<semaphore_mem>>)
      %eq3A_1819 = arith.constant 4 : i32
      %eq3A_1820 = arith.cmpi eq, %rem3A_1772, %eq3A_1819 : i32
      %add3A_1821 = arith.constant 1 : i32
      %add3A_1822 = arith.addi %select_n3A_1770, %add3A_1821 : i32
      %lt3A_1823 = arith.constant 25 : i32
      %lt3A_1824 = arith.cmpi slt, %add3A_1822, %lt3A_1823 : i32
      %and3A_1825 = arith.andi %eq3A_1820, %lt3A_1824 : i1
      %convert_element_type3A_1826 = arith.extui %and3A_1825 : i1 to i32
      %cond3A_1827 = arith.constant 0 : i32
      %cond3A_1828 = arith.cmpi ne, %convert_element_type3A_1826, %cond3A_1827 : i32
      scf.if %cond3A_1828 {
        %dma_wait3A_2018 = arith.constant 0 : i32
        %dma_wait3A_2019 = arith.constant 0 : i32
        %dma_wait3A_2020 = arith.constant 0 : i32
        %dma_wait3A_2021 = tpu.memref_slice %arg5[%dma_wait3A_2018, %dma_wait3A_2019, %dma_wait3A_2020] : memref<2x8x128xi32, #tpu.memory_space<vmem>> -> memref<1x8x128xi32, #tpu.memory_space<vmem>>
        %dma_wait3A_2022 = tpu.memref_squeeze %dma_wait3A_2021 : memref<1x8x128xi32, #tpu.memory_space<vmem>> -> memref<8x128xi32, #tpu.memory_space<vmem>>
        %dma_wait3A_2023 = arith.constant 0 : i32
        %dma_wait3A_2024 = arith.constant 0 : i32
        %dma_wait3A_2025 = tpu.memref_slice %arg2[%dma_wait3A_2023, %dma_wait3A_2024] : memref<200x4096xi32, #tpu.memory_space<hbm>> -> memref<8x128xi32, #tpu.memory_space<hbm>>
        %dma_wait3A_2026 = arith.constant 0 : i32
        %dma_wait3A_2027 = arith.constant 0 : i32
        %dma_wait3A_2028 = tpu.memref_slice %arg5[%dma_wait3A_2018, %dma_wait3A_2026, %dma_wait3A_2027] : memref<2x8x128xi32, #tpu.memory_space<vmem>> -> memref<1x8x128xi32, #tpu.memory_space<vmem>>
        %dma_wait3A_2029 = tpu.memref_squeeze %dma_wait3A_2028 : memref<1x8x128xi32, #tpu.memory_space<vmem>> -> memref<8x128xi32, #tpu.memory_space<vmem>>
        %dma_wait3A_2030 = arith.constant 0 : i32
        %dma_wait3A_2031 = arith.constant 0 : i32
        %dma_wait3A_2032 = tpu.memref_slice %arg2[%dma_wait3A_2030, %dma_wait3A_2031] : memref<200x4096xi32, #tpu.memory_space<hbm>> -> memref<8x128xi32, #tpu.memory_space<hbm>>
        tpu.wait_dma2 semaphore(%arg9 : memref<!tpu.dma_semaphore, #tpu.memory_space<semaphore_mem>>) src(%dma_wait3A_2032 : memref<8x128xi32, #tpu.memory_space<hbm>>) dst(%dma_wait3A_2029 : memref<8x128xi32, #tpu.memory_space<vmem>>)
      } else {
      }
      %add3A_1829 = arith.constant 3 : i32
      %add3A_1830 = arith.addi %add3A_1746, %add3A_1829 : i32
      %lt3A_1831 = arith.constant 200 : i32
      %lt3A_1832 = arith.cmpi slt, %add3A_1830, %lt3A_1831 : i32
      %convert_element_type3A_1833 = arith.extui %lt3A_1832 : i1 to i32
      %cond3A_1834 = arith.constant 0 : i32
      %cond3A_1835 = arith.cmpi ne, %convert_element_type3A_1833, %cond3A_1834 : i32
      scf.if %cond3A_1835 {
        %ge3A = arith.constant 2 : i32
        %ge3A_2018 = arith.cmpi sge, %add3A_1746, %ge3A : i32
        %convert_element_type3A_2019 = arith.extui %ge3A_2018 : i1 to i32
        %cond3A_2020 = arith.constant 0 : i32
        %cond3A_2021 = arith.cmpi ne, %convert_element_type3A_2019, %cond3A_2020 : i32
        scf.if %cond3A_2021 {
          %dma_wait3A_2082 = arith.constant 0 : i32
          %dma_wait3A_2083 = arith.constant 0 : i32
          %dma_wait3A_2084 = arith.constant 0 : i32
          %dma_wait3A_2085 = arith.constant 0 : i32
          %dma_wait3A_2086 = tpu.memref_slice %arg6[%dma_wait3A_2082, %dma_wait3A_2084, %dma_wait3A_2085] : memref<5x128x128xf32, #tpu.memory_space<vmem>> -> memref<1x128x128xf32, #tpu.memory_space<vmem>>
          %dma_wait3A_2087 = tpu.memref_squeeze %dma_wait3A_2086 : memref<1x128x128xf32, #tpu.memory_space<vmem>> -> memref<128x128xf32, #tpu.memory_space<vmem>>
          %dma_wait3A_2088 = arith.constant 0 : i32
          %dma_wait3A_2089 = arith.constant 0 : i32
          %dma_wait3A_2090 = tpu.memref_slice %arg3[%dma_wait3A_2088, %dma_wait3A_2089] : memref<1000000x128xf32, #tpu.memory_space<hbm>> -> memref<128x128xf32, #tpu.memory_space<hbm>>
          %dma_wait3A_2091 = tpu.memref_slice %arg8[%dma_wait3A_2083] : memref<5x!tpu.dma_semaphore, #tpu.memory_space<semaphore_mem>> -> memref<1x!tpu.dma_semaphore, #tpu.memory_space<semaphore_mem>>
          %dma_wait3A_2092 = tpu.memref_squeeze %dma_wait3A_2091 : memref<1x!tpu.dma_semaphore, #tpu.memory_space<semaphore_mem>> -> memref<!tpu.dma_semaphore, #tpu.memory_space<semaphore_mem>>
          %dma_wait3A_2093 = arith.constant 0 : i32
          %dma_wait3A_2094 = arith.constant 0 : i32
          %dma_wait3A_2095 = tpu.memref_slice %arg6[%dma_wait3A_2082, %dma_wait3A_2093, %dma_wait3A_2094] : memref<5x128x128xf32, #tpu.memory_space<vmem>> -> memref<1x128x128xf32, #tpu.memory_space<vmem>>
          %dma_wait3A_2096 = tpu.memref_squeeze %dma_wait3A_2095 : memref<1x128x128xf32, #tpu.memory_space<vmem>> -> memref<128x128xf32, #tpu.memory_space<vmem>>
          %dma_wait3A_2097 = arith.constant 0 : i32
          %dma_wait3A_2098 = arith.constant 0 : i32
          %dma_wait3A_2099 = tpu.memref_slice %arg3[%dma_wait3A_2097, %dma_wait3A_2098] : memref<1000000x128xf32, #tpu.memory_space<hbm>> -> memref<128x128xf32, #tpu.memory_space<hbm>>
          tpu.wait_dma2 semaphore(%dma_wait3A_2092 : memref<!tpu.dma_semaphore, #tpu.memory_space<semaphore_mem>>) src(%dma_wait3A_2099 : memref<128x128xf32, #tpu.memory_space<hbm>>) dst(%dma_wait3A_2096 : memref<128x128xf32, #tpu.memory_space<vmem>>)
        } else {
        }
        %add3A_2022 = arith.constant 3 : i32
        %add3A_2023 = arith.addi %add3A_1746, %add3A_2022 : i32
        %jit3A_2024 = arith.constant 8 : i32
        %div3A_2025 = arith.divsi %add3A_2023, %jit3A_2024 : i32
        %sign3A_2026 = arith.constant 0 : i32
        %sign3A_2027 = arith.cmpi sgt, %add3A_2023, %sign3A_2026 : i32
        %sign3A_2028 = arith.extui %sign3A_2027 : i1 to i32
        %sign3A_2029 = arith.constant 0 : i32
        %sign3A_2030 = arith.cmpi slt, %add3A_2023, %sign3A_2029 : i32
        %sign3A_2031 = arith.extui %sign3A_2030 : i1 to i32
        %sign3A_2032 = arith.subi %sign3A_2028, %sign3A_2031 : i32
        %sign3A_2033 = arith.constant 0 : i32
        %sign3A_2034 = arith.cmpi sgt, %jit3A_2024, %sign3A_2033 : i32
        %sign3A_2035 = arith.extui %sign3A_2034 : i1 to i32
        %sign3A_2036 = arith.constant 0 : i32
        %sign3A_2037 = arith.cmpi slt, %jit3A_2024, %sign3A_2036 : i32
        %sign3A_2038 = arith.extui %sign3A_2037 : i1 to i32
        %sign3A_2039 = arith.subi %sign3A_2035, %sign3A_2038 : i32
        %ne3A_2040 = arith.cmpi ne, %sign3A_2032, %sign3A_2039 : i32
        %rem3A_2041 = arith.remsi %add3A_2023, %jit3A_2024 : i32
        %ne3A_2042 = arith.constant 0 : i32
        %ne3A_2043 = arith.cmpi ne, %rem3A_2041, %ne3A_2042 : i32
        %and3A_2044 = arith.andi %ne3A_2040, %ne3A_2043 : i1
        %sub3A_2045 = arith.constant 1 : i32
        %sub3A_2046 = arith.subi %div3A_2025, %sub3A_2045 : i32
        %select_n3A_2047 = arith.select %and3A_2044, %sub3A_2046, %div3A_2025 : i32
        %rem3A_2048 = arith.constant 8 : i32
        %rem3A_2049 = arith.remsi %add3A_2023, %rem3A_2048 : i32
        %rem3A_2050 = arith.constant 2 : i32
        %rem3A_2051 = arith.remsi %select_n3A_2047, %rem3A_2050 : i32
        %dma_start3A_2052 = arith.constant 0 : i32
        %dma_start3A_2053 = arith.constant 0 : i32
        %dma_start3A_2054 = arith.constant 0 : i32
        %dma_start3A_2055 = arith.constant 0 : i32
        %dma_start3A_2056 = tpu.memref_slice %arg6[%dma_start3A_2052, %dma_start3A_2054, %dma_start3A_2055] : memref<5x128x128xf32, #tpu.memory_space<vmem>> -> memref<1x64x128xf32, #tpu.memory_space<vmem>>
        %dma_start3A_2057 = tpu.memref_squeeze %dma_start3A_2056 : memref<1x64x128xf32, #tpu.memory_space<vmem>> -> memref<64x128xf32, #tpu.memory_space<vmem>>
        %dma_start3A_2058 = arith.constant 0 : i32
        %dma_start3A_2059 = tpu.memref_slice %arg5[%rem3A_2051, %rem3A_2049, %dma_start3A_2058] : memref<2x8x128xi32, #tpu.memory_space<vmem>> -> memref<1x1x64xi32, #tpu.memory_space<vmem>>
        %dma_start3A_2060 = tpu.memref_squeeze %dma_start3A_2059 : memref<1x1x64xi32, #tpu.memory_space<vmem>> -> memref<64xi32, #tpu.memory_space<vmem>>
        %dma_start3A_2061 = arith.constant 0 : i32
        %dma_start3A_2062 = arith.constant 0 : i32
        %dma_start3A_2063 = tpu.memref_slice %arg3[%dma_start3A_2061, %dma_start3A_2062] : memref<1000000x128xf32, #tpu.memory_space<hbm>> -> memref<1000000x128xf32, #tpu.memory_space<hbm>>
        %dma_start3A_2064 = tpu.memref_slice %arg7[%dma_start3A_2053] : memref<5x!tpu.dma_semaphore, #tpu.memory_space<semaphore_mem>> -> memref<1x!tpu.dma_semaphore, #tpu.memory_space<semaphore_mem>>
        %dma_start3A_2065 = tpu.memref_squeeze %dma_start3A_2064 : memref<1x!tpu.dma_semaphore, #tpu.memory_space<semaphore_mem>> -> memref<!tpu.dma_semaphore, #tpu.memory_space<semaphore_mem>>
        tpu.enqueue_indirect_dma source(%dma_start3A_2063 : memref<1000000x128xf32, #tpu.memory_space<hbm>>) target(%dma_start3A_2057 : memref<64x128xf32, #tpu.memory_space<vmem>>) offsets(%dma_start3A_2060 : memref<64xi32, #tpu.memory_space<vmem>>) semaphore(%dma_start3A_2065 : memref<!tpu.dma_semaphore, #tpu.memory_space<semaphore_mem>>)
        %rem3A_2066 = arith.constant 2 : i32
        %rem3A_2067 = arith.remsi %select_n3A_2047, %rem3A_2066 : i32
        %dma_start3A_2068 = arith.constant 0 : i32
        %dma_start3A_2069 = arith.constant 0 : i32
        %dma_start3A_2070 = arith.constant 64 : i32
        %dma_start3A_2071 = arith.constant 0 : i32
        %dma_start3A_2072 = tpu.memref_slice %arg6[%dma_start3A_2068, %dma_start3A_2070, %dma_start3A_2071] : memref<5x128x128xf32, #tpu.memory_space<vmem>> -> memref<1x64x128xf32, #tpu.memory_space<vmem>>
        %dma_start3A_2073 = tpu.memref_squeeze %dma_start3A_2072 : memref<1x64x128xf32, #tpu.memory_space<vmem>> -> memref<64x128xf32, #tpu.memory_space<vmem>>
        %dma_start3A_2074 = arith.constant 64 : i32
        %dma_start3A_2075 = tpu.memref_slice %arg5[%rem3A_2067, %rem3A_2049, %dma_start3A_2074] : memref<2x8x128xi32, #tpu.memory_space<vmem>> -> memref<1x1x64xi32, #tpu.memory_space<vmem>>
        %dma_start3A_2076 = tpu.memref_squeeze %dma_start3A_2075 : memref<1x1x64xi32, #tpu.memory_space<vmem>> -> memref<64xi32, #tpu.memory_space<vmem>>
        %dma_start3A_2077 = arith.constant 0 : i32
        %dma_start3A_2078 = arith.constant 0 : i32
        %dma_start3A_2079 = tpu.memref_slice %arg3[%dma_start3A_2077, %dma_start3A_2078] : memref<1000000x128xf32, #tpu.memory_space<hbm>> -> memref<1000000x128xf32, #tpu.memory_space<hbm>>
        %dma_start3A_2080 = tpu.memref_slice %arg7[%dma_start3A_2069] : memref<5x!tpu.dma_semaphore, #tpu.memory_space<semaphore_mem>> -> memref<1x!tpu.dma_semaphore, #tpu.memory_space<semaphore_mem>>
        %dma_start3A_2081 = tpu.memref_squeeze %dma_start3A_2080 : memref<1x!tpu.dma_semaphore, #tpu.memory_space<semaphore_mem>> -> memref<!tpu.dma_semaphore, #tpu.memory_space<semaphore_mem>>
        tpu.enqueue_indirect_dma source(%dma_start3A_2079 : memref<1000000x128xf32, #tpu.memory_space<hbm>>) target(%dma_start3A_2073 : memref<64x128xf32, #tpu.memory_space<vmem>>) offsets(%dma_start3A_2076 : memref<64xi32, #tpu.memory_space<vmem>>) semaphore(%dma_start3A_2081 : memref<!tpu.dma_semaphore, #tpu.memory_space<semaphore_mem>>)
      } else {
      }
      %add3A_1836 = arith.constant 18 : i32
      %add3A_1837 = arith.addi %mul3A_208, %add3A_1836 : i32
      %jit3A_1838 = arith.constant 8 : i32
      %div3A_1839 = arith.divsi %add3A_1837, %jit3A_1838 : i32
      %sign3A_1840 = arith.constant 0 : i32
      %sign3A_1841 = arith.cmpi sgt, %add3A_1837, %sign3A_1840 : i32
      %sign3A_1842 = arith.extui %sign3A_1841 : i1 to i32
      %sign3A_1843 = arith.constant 0 : i32
      %sign3A_1844 = arith.cmpi slt, %add3A_1837, %sign3A_1843 : i32
      %sign3A_1845 = arith.extui %sign3A_1844 : i1 to i32
      %sign3A_1846 = arith.subi %sign3A_1842, %sign3A_1845 : i32
      %sign3A_1847 = arith.constant 0 : i32
      %sign3A_1848 = arith.cmpi sgt, %jit3A_1838, %sign3A_1847 : i32
      %sign3A_1849 = arith.extui %sign3A_1848 : i1 to i32
      %sign3A_1850 = arith.constant 0 : i32
      %sign3A_1851 = arith.cmpi slt, %jit3A_1838, %sign3A_1850 : i32
      %sign3A_1852 = arith.extui %sign3A_1851 : i1 to i32
      %sign3A_1853 = arith.subi %sign3A_1849, %sign3A_1852 : i32
      %ne3A_1854 = arith.cmpi ne, %sign3A_1846, %sign3A_1853 : i32
      %rem3A_1855 = arith.remsi %add3A_1837, %jit3A_1838 : i32
      %ne3A_1856 = arith.constant 0 : i32
      %ne3A_1857 = arith.cmpi ne, %rem3A_1855, %ne3A_1856 : i32
      %and3A_1858 = arith.andi %ne3A_1854, %ne3A_1857 : i1
      %sub3A_1859 = arith.constant 1 : i32
      %sub3A_1860 = arith.subi %div3A_1839, %sub3A_1859 : i32
      %select_n3A_1861 = arith.select %and3A_1858, %sub3A_1860, %div3A_1839 : i32
      %rem3A_1862 = arith.constant 8 : i32
      %rem3A_1863 = arith.remsi %add3A_1837, %rem3A_1862 : i32
      %dma_wait3A_1864 = arith.constant 3 : i32
      %dma_wait3A_1865 = arith.constant 3 : i32
      %dma_wait3A_1866 = arith.constant 0 : i32
      %dma_wait3A_1867 = arith.constant 0 : i32
      %dma_wait3A_1868 = tpu.memref_slice %arg6[%dma_wait3A_1864, %dma_wait3A_1866, %dma_wait3A_1867] : memref<5x128x128xf32, #tpu.memory_space<vmem>> -> memref<1x128x128xf32, #tpu.memory_space<vmem>>
      %dma_wait3A_1869 = tpu.memref_squeeze %dma_wait3A_1868 : memref<1x128x128xf32, #tpu.memory_space<vmem>> -> memref<128x128xf32, #tpu.memory_space<vmem>>
      %dma_wait3A_1870 = arith.constant 0 : i32
      %dma_wait3A_1871 = arith.constant 0 : i32
      %dma_wait3A_1872 = tpu.memref_slice %arg3[%dma_wait3A_1870, %dma_wait3A_1871] : memref<1000000x128xf32, #tpu.memory_space<hbm>> -> memref<128x128xf32, #tpu.memory_space<hbm>>
      %dma_wait3A_1873 = tpu.memref_slice %arg7[%dma_wait3A_1865] : memref<5x!tpu.dma_semaphore, #tpu.memory_space<semaphore_mem>> -> memref<1x!tpu.dma_semaphore, #tpu.memory_space<semaphore_mem>>
      %dma_wait3A_1874 = tpu.memref_squeeze %dma_wait3A_1873 : memref<1x!tpu.dma_semaphore, #tpu.memory_space<semaphore_mem>> -> memref<!tpu.dma_semaphore, #tpu.memory_space<semaphore_mem>>
      %dma_wait3A_1875 = arith.constant 0 : i32
      %dma_wait3A_1876 = arith.constant 0 : i32
      %dma_wait3A_1877 = tpu.memref_slice %arg6[%dma_wait3A_1864, %dma_wait3A_1875, %dma_wait3A_1876] : memref<5x128x128xf32, #tpu.memory_space<vmem>> -> memref<1x128x128xf32, #tpu.memory_space<vmem>>
      %dma_wait3A_1878 = tpu.memref_squeeze %dma_wait3A_1877 : memref<1x128x128xf32, #tpu.memory_space<vmem>> -> memref<128x128xf32, #tpu.memory_space<vmem>>
      %dma_wait3A_1879 = arith.constant 0 : i32
      %dma_wait3A_1880 = arith.constant 0 : i32
      %dma_wait3A_1881 = tpu.memref_slice %arg3[%dma_wait3A_1879, %dma_wait3A_1880] : memref<1000000x128xf32, #tpu.memory_space<hbm>> -> memref<128x128xf32, #tpu.memory_space<hbm>>
      tpu.wait_dma2 semaphore(%dma_wait3A_1874 : memref<!tpu.dma_semaphore, #tpu.memory_space<semaphore_mem>>) src(%dma_wait3A_1881 : memref<128x128xf32, #tpu.memory_space<hbm>>) dst(%dma_wait3A_1878 : memref<128x128xf32, #tpu.memory_space<vmem>>)
      %eq3A_1882 = arith.constant 0 : i32
      %eq3A_1883 = arith.cmpi eq, %rem3A_1863, %eq3A_1882 : i32
      %add3A_1884 = arith.constant 1 : i32
      %add3A_1885 = arith.addi %select_n3A_1861, %add3A_1884 : i32
      %lt3A_1886 = arith.constant 25 : i32
      %lt3A_1887 = arith.cmpi slt, %add3A_1885, %lt3A_1886 : i32
      %and3A_1888 = arith.andi %eq3A_1883, %lt3A_1887 : i1
      %convert_element_type3A_1889 = arith.extui %and3A_1888 : i1 to i32
      %cond3A_1890 = arith.constant 0 : i32
      %cond3A_1891 = arith.cmpi ne, %convert_element_type3A_1889, %cond3A_1890 : i32
      scf.if %cond3A_1891 {
        %add3A_2018 = arith.constant 1 : i32
        %add3A_2019 = arith.addi %select_n3A_1861, %add3A_2018 : i32
        %mul3A_2020 = arith.constant 8 : i32
        %mul3A_2021 = arith.muli %add3A_2019, %mul3A_2020 : i32
        %add3A_2022 = arith.constant 1 : i32
        %add3A_2023 = arith.addi %select_n3A_1861, %add3A_2022 : i32
        %rem3A_2024 = arith.constant 2 : i32
        %rem3A_2025 = arith.remsi %add3A_2023, %rem3A_2024 : i32
        %dma_start3A_2026 = arith.constant 0 : i32
        %dma_start3A_2027 = arith.constant 0 : i32
        %dma_start3A_2028 = tpu.memref_slice %arg5[%rem3A_2025, %dma_start3A_2026, %dma_start3A_2027] : memref<2x8x128xi32, #tpu.memory_space<vmem>> -> memref<1x8x128xi32, #tpu.memory_space<vmem>>
        %dma_start3A_2029 = tpu.memref_squeeze %dma_start3A_2028 : memref<1x8x128xi32, #tpu.memory_space<vmem>> -> memref<8x128xi32, #tpu.memory_space<vmem>>
        %dma_start3A_2030 = tpu.memref_slice %arg2[%mul3A_2021, %mul3A_2] : memref<200x4096xi32, #tpu.memory_space<hbm>> -> memref<8x128xi32, #tpu.memory_space<hbm>>
        %dma_start3A_2031 = arith.constant 0 : i32
        %dma_start3A_2032 = arith.constant 0 : i32
        %dma_start3A_2033 = tpu.memref_slice %arg5[%rem3A_2025, %dma_start3A_2031, %dma_start3A_2032] : memref<2x8x128xi32, #tpu.memory_space<vmem>> -> memref<1x8x128xi32, #tpu.memory_space<vmem>>
        %dma_start3A_2034 = tpu.memref_squeeze %dma_start3A_2033 : memref<1x8x128xi32, #tpu.memory_space<vmem>> -> memref<8x128xi32, #tpu.memory_space<vmem>>
        %dma_start3A_2035 = tpu.memref_slice %arg2[%mul3A_2021, %mul3A_2] : memref<200x4096xi32, #tpu.memory_space<hbm>> -> memref<8x128xi32, #tpu.memory_space<hbm>>
        tpu.enqueue_dma source(%dma_start3A_2035 : memref<8x128xi32, #tpu.memory_space<hbm>>) target(%dma_start3A_2034 : memref<8x128xi32, #tpu.memory_space<vmem>>) target_semaphore(%arg9 : memref<!tpu.dma_semaphore, #tpu.memory_space<semaphore_mem>>)
      } else {
      }
      %dma_start3A_1892 = arith.constant 3 : i32
      %dma_start3A_1893 = arith.constant 3 : i32
      %dma_start3A_1894 = arith.constant 0 : i32
      %dma_start3A_1895 = arith.constant 0 : i32
      %dma_start3A_1896 = tpu.memref_slice %arg6[%dma_start3A_1892, %dma_start3A_1894, %dma_start3A_1895] : memref<5x128x128xf32, #tpu.memory_space<vmem>> -> memref<1x128x128xf32, #tpu.memory_space<vmem>>
      %dma_start3A_1897 = tpu.memref_squeeze %dma_start3A_1896 : memref<1x128x128xf32, #tpu.memory_space<vmem>> -> memref<128x128xf32, #tpu.memory_space<vmem>>
      %dma_start3A_1898 = arith.constant 0 : i32
      %dma_start3A_1899 = tpu.memref_slice %arg4[%add3A_1837, %mul3A_2, %dma_start3A_1898] : memref<200x4096x128xf32, #tpu.memory_space<hbm>> -> memref<1x128x128xf32, #tpu.memory_space<hbm>>
      %dma_start3A_1900 = tpu.memref_squeeze %dma_start3A_1899 : memref<1x128x128xf32, #tpu.memory_space<hbm>> -> memref<128x128xf32, #tpu.memory_space<hbm>>
      %dma_start3A_1901 = tpu.memref_slice %arg8[%dma_start3A_1893] : memref<5x!tpu.dma_semaphore, #tpu.memory_space<semaphore_mem>> -> memref<1x!tpu.dma_semaphore, #tpu.memory_space<semaphore_mem>>
      %dma_start3A_1902 = tpu.memref_squeeze %dma_start3A_1901 : memref<1x!tpu.dma_semaphore, #tpu.memory_space<semaphore_mem>> -> memref<!tpu.dma_semaphore, #tpu.memory_space<semaphore_mem>>
      %dma_start3A_1903 = arith.constant 0 : i32
      %dma_start3A_1904 = tpu.memref_slice %arg4[%add3A_1837, %mul3A_2, %dma_start3A_1903] : memref<200x4096x128xf32, #tpu.memory_space<hbm>> -> memref<1x128x128xf32, #tpu.memory_space<hbm>>
      %dma_start3A_1905 = tpu.memref_squeeze %dma_start3A_1904 : memref<1x128x128xf32, #tpu.memory_space<hbm>> -> memref<128x128xf32, #tpu.memory_space<hbm>>
      %dma_start3A_1906 = arith.constant 0 : i32
      %dma_start3A_1907 = arith.constant 0 : i32
      %dma_start3A_1908 = tpu.memref_slice %arg6[%dma_start3A_1892, %dma_start3A_1906, %dma_start3A_1907] : memref<5x128x128xf32, #tpu.memory_space<vmem>> -> memref<1x128x128xf32, #tpu.memory_space<vmem>>
      %dma_start3A_1909 = tpu.memref_squeeze %dma_start3A_1908 : memref<1x128x128xf32, #tpu.memory_space<vmem>> -> memref<128x128xf32, #tpu.memory_space<vmem>>
      tpu.enqueue_dma source(%dma_start3A_1909 : memref<128x128xf32, #tpu.memory_space<vmem>>) target(%dma_start3A_1905 : memref<128x128xf32, #tpu.memory_space<hbm>>) target_semaphore(%dma_start3A_1902 : memref<!tpu.dma_semaphore, #tpu.memory_space<semaphore_mem>>)
      %eq3A_1910 = arith.constant 4 : i32
      %eq3A_1911 = arith.cmpi eq, %rem3A_1863, %eq3A_1910 : i32
      %add3A_1912 = arith.constant 1 : i32
      %add3A_1913 = arith.addi %select_n3A_1861, %add3A_1912 : i32
      %lt3A_1914 = arith.constant 25 : i32
      %lt3A_1915 = arith.cmpi slt, %add3A_1913, %lt3A_1914 : i32
      %and3A_1916 = arith.andi %eq3A_1911, %lt3A_1915 : i1
      %convert_element_type3A_1917 = arith.extui %and3A_1916 : i1 to i32
      %cond3A_1918 = arith.constant 0 : i32
      %cond3A_1919 = arith.cmpi ne, %convert_element_type3A_1917, %cond3A_1918 : i32
      scf.if %cond3A_1919 {
        %dma_wait3A_2018 = arith.constant 0 : i32
        %dma_wait3A_2019 = arith.constant 0 : i32
        %dma_wait3A_2020 = arith.constant 0 : i32
        %dma_wait3A_2021 = tpu.memref_slice %arg5[%dma_wait3A_2018, %dma_wait3A_2019, %dma_wait3A_2020] : memref<2x8x128xi32, #tpu.memory_space<vmem>> -> memref<1x8x128xi32, #tpu.memory_space<vmem>>
        %dma_wait3A_2022 = tpu.memref_squeeze %dma_wait3A_2021 : memref<1x8x128xi32, #tpu.memory_space<vmem>> -> memref<8x128xi32, #tpu.memory_space<vmem>>
        %dma_wait3A_2023 = arith.constant 0 : i32
        %dma_wait3A_2024 = arith.constant 0 : i32
        %dma_wait3A_2025 = tpu.memref_slice %arg2[%dma_wait3A_2023, %dma_wait3A_2024] : memref<200x4096xi32, #tpu.memory_space<hbm>> -> memref<8x128xi32, #tpu.memory_space<hbm>>
        %dma_wait3A_2026 = arith.constant 0 : i32
        %dma_wait3A_2027 = arith.constant 0 : i32
        %dma_wait3A_2028 = tpu.memref_slice %arg5[%dma_wait3A_2018, %dma_wait3A_2026, %dma_wait3A_2027] : memref<2x8x128xi32, #tpu.memory_space<vmem>> -> memref<1x8x128xi32, #tpu.memory_space<vmem>>
        %dma_wait3A_2029 = tpu.memref_squeeze %dma_wait3A_2028 : memref<1x8x128xi32, #tpu.memory_space<vmem>> -> memref<8x128xi32, #tpu.memory_space<vmem>>
        %dma_wait3A_2030 = arith.constant 0 : i32
        %dma_wait3A_2031 = arith.constant 0 : i32
        %dma_wait3A_2032 = tpu.memref_slice %arg2[%dma_wait3A_2030, %dma_wait3A_2031] : memref<200x4096xi32, #tpu.memory_space<hbm>> -> memref<8x128xi32, #tpu.memory_space<hbm>>
        tpu.wait_dma2 semaphore(%arg9 : memref<!tpu.dma_semaphore, #tpu.memory_space<semaphore_mem>>) src(%dma_wait3A_2032 : memref<8x128xi32, #tpu.memory_space<hbm>>) dst(%dma_wait3A_2029 : memref<8x128xi32, #tpu.memory_space<vmem>>)
      } else {
      }
      %add3A_1920 = arith.constant 3 : i32
      %add3A_1921 = arith.addi %add3A_1837, %add3A_1920 : i32
      %lt3A_1922 = arith.constant 200 : i32
      %lt3A_1923 = arith.cmpi slt, %add3A_1921, %lt3A_1922 : i32
      %convert_element_type3A_1924 = arith.extui %lt3A_1923 : i1 to i32
      %cond3A_1925 = arith.constant 0 : i32
      %cond3A_1926 = arith.cmpi ne, %convert_element_type3A_1924, %cond3A_1925 : i32
      scf.if %cond3A_1926 {
        %ge3A = arith.constant 2 : i32
        %ge3A_2018 = arith.cmpi sge, %add3A_1837, %ge3A : i32
        %convert_element_type3A_2019 = arith.extui %ge3A_2018 : i1 to i32
        %cond3A_2020 = arith.constant 0 : i32
        %cond3A_2021 = arith.cmpi ne, %convert_element_type3A_2019, %cond3A_2020 : i32
        scf.if %cond3A_2021 {
          %dma_wait3A_2082 = arith.constant 1 : i32
          %dma_wait3A_2083 = arith.constant 1 : i32
          %dma_wait3A_2084 = arith.constant 0 : i32
          %dma_wait3A_2085 = arith.constant 0 : i32
          %dma_wait3A_2086 = tpu.memref_slice %arg6[%dma_wait3A_2082, %dma_wait3A_2084, %dma_wait3A_2085] : memref<5x128x128xf32, #tpu.memory_space<vmem>> -> memref<1x128x128xf32, #tpu.memory_space<vmem>>
          %dma_wait3A_2087 = tpu.memref_squeeze %dma_wait3A_2086 : memref<1x128x128xf32, #tpu.memory_space<vmem>> -> memref<128x128xf32, #tpu.memory_space<vmem>>
          %dma_wait3A_2088 = arith.constant 0 : i32
          %dma_wait3A_2089 = arith.constant 0 : i32
          %dma_wait3A_2090 = tpu.memref_slice %arg3[%dma_wait3A_2088, %dma_wait3A_2089] : memref<1000000x128xf32, #tpu.memory_space<hbm>> -> memref<128x128xf32, #tpu.memory_space<hbm>>
          %dma_wait3A_2091 = tpu.memref_slice %arg8[%dma_wait3A_2083] : memref<5x!tpu.dma_semaphore, #tpu.memory_space<semaphore_mem>> -> memref<1x!tpu.dma_semaphore, #tpu.memory_space<semaphore_mem>>
          %dma_wait3A_2092 = tpu.memref_squeeze %dma_wait3A_2091 : memref<1x!tpu.dma_semaphore, #tpu.memory_space<semaphore_mem>> -> memref<!tpu.dma_semaphore, #tpu.memory_space<semaphore_mem>>
          %dma_wait3A_2093 = arith.constant 0 : i32
          %dma_wait3A_2094 = arith.constant 0 : i32
          %dma_wait3A_2095 = tpu.memref_slice %arg6[%dma_wait3A_2082, %dma_wait3A_2093, %dma_wait3A_2094] : memref<5x128x128xf32, #tpu.memory_space<vmem>> -> memref<1x128x128xf32, #tpu.memory_space<vmem>>
          %dma_wait3A_2096 = tpu.memref_squeeze %dma_wait3A_2095 : memref<1x128x128xf32, #tpu.memory_space<vmem>> -> memref<128x128xf32, #tpu.memory_space<vmem>>
          %dma_wait3A_2097 = arith.constant 0 : i32
          %dma_wait3A_2098 = arith.constant 0 : i32
          %dma_wait3A_2099 = tpu.memref_slice %arg3[%dma_wait3A_2097, %dma_wait3A_2098] : memref<1000000x128xf32, #tpu.memory_space<hbm>> -> memref<128x128xf32, #tpu.memory_space<hbm>>
          tpu.wait_dma2 semaphore(%dma_wait3A_2092 : memref<!tpu.dma_semaphore, #tpu.memory_space<semaphore_mem>>) src(%dma_wait3A_2099 : memref<128x128xf32, #tpu.memory_space<hbm>>) dst(%dma_wait3A_2096 : memref<128x128xf32, #tpu.memory_space<vmem>>)
        } else {
        }
        %add3A_2022 = arith.constant 3 : i32
        %add3A_2023 = arith.addi %add3A_1837, %add3A_2022 : i32
        %jit3A_2024 = arith.constant 8 : i32
        %div3A_2025 = arith.divsi %add3A_2023, %jit3A_2024 : i32
        %sign3A_2026 = arith.constant 0 : i32
        %sign3A_2027 = arith.cmpi sgt, %add3A_2023, %sign3A_2026 : i32
        %sign3A_2028 = arith.extui %sign3A_2027 : i1 to i32
        %sign3A_2029 = arith.constant 0 : i32
        %sign3A_2030 = arith.cmpi slt, %add3A_2023, %sign3A_2029 : i32
        %sign3A_2031 = arith.extui %sign3A_2030 : i1 to i32
        %sign3A_2032 = arith.subi %sign3A_2028, %sign3A_2031 : i32
        %sign3A_2033 = arith.constant 0 : i32
        %sign3A_2034 = arith.cmpi sgt, %jit3A_2024, %sign3A_2033 : i32
        %sign3A_2035 = arith.extui %sign3A_2034 : i1 to i32
        %sign3A_2036 = arith.constant 0 : i32
        %sign3A_2037 = arith.cmpi slt, %jit3A_2024, %sign3A_2036 : i32
        %sign3A_2038 = arith.extui %sign3A_2037 : i1 to i32
        %sign3A_2039 = arith.subi %sign3A_2035, %sign3A_2038 : i32
        %ne3A_2040 = arith.cmpi ne, %sign3A_2032, %sign3A_2039 : i32
        %rem3A_2041 = arith.remsi %add3A_2023, %jit3A_2024 : i32
        %ne3A_2042 = arith.constant 0 : i32
        %ne3A_2043 = arith.cmpi ne, %rem3A_2041, %ne3A_2042 : i32
        %and3A_2044 = arith.andi %ne3A_2040, %ne3A_2043 : i1
        %sub3A_2045 = arith.constant 1 : i32
        %sub3A_2046 = arith.subi %div3A_2025, %sub3A_2045 : i32
        %select_n3A_2047 = arith.select %and3A_2044, %sub3A_2046, %div3A_2025 : i32
        %rem3A_2048 = arith.constant 8 : i32
        %rem3A_2049 = arith.remsi %add3A_2023, %rem3A_2048 : i32
        %rem3A_2050 = arith.constant 2 : i32
        %rem3A_2051 = arith.remsi %select_n3A_2047, %rem3A_2050 : i32
        %dma_start3A_2052 = arith.constant 1 : i32
        %dma_start3A_2053 = arith.constant 1 : i32
        %dma_start3A_2054 = arith.constant 0 : i32
        %dma_start3A_2055 = arith.constant 0 : i32
        %dma_start3A_2056 = tpu.memref_slice %arg6[%dma_start3A_2052, %dma_start3A_2054, %dma_start3A_2055] : memref<5x128x128xf32, #tpu.memory_space<vmem>> -> memref<1x64x128xf32, #tpu.memory_space<vmem>>
        %dma_start3A_2057 = tpu.memref_squeeze %dma_start3A_2056 : memref<1x64x128xf32, #tpu.memory_space<vmem>> -> memref<64x128xf32, #tpu.memory_space<vmem>>
        %dma_start3A_2058 = arith.constant 0 : i32
        %dma_start3A_2059 = tpu.memref_slice %arg5[%rem3A_2051, %rem3A_2049, %dma_start3A_2058] : memref<2x8x128xi32, #tpu.memory_space<vmem>> -> memref<1x1x64xi32, #tpu.memory_space<vmem>>
        %dma_start3A_2060 = tpu.memref_squeeze %dma_start3A_2059 : memref<1x1x64xi32, #tpu.memory_space<vmem>> -> memref<64xi32, #tpu.memory_space<vmem>>
        %dma_start3A_2061 = arith.constant 0 : i32
        %dma_start3A_2062 = arith.constant 0 : i32
        %dma_start3A_2063 = tpu.memref_slice %arg3[%dma_start3A_2061, %dma_start3A_2062] : memref<1000000x128xf32, #tpu.memory_space<hbm>> -> memref<1000000x128xf32, #tpu.memory_space<hbm>>
        %dma_start3A_2064 = tpu.memref_slice %arg7[%dma_start3A_2053] : memref<5x!tpu.dma_semaphore, #tpu.memory_space<semaphore_mem>> -> memref<1x!tpu.dma_semaphore, #tpu.memory_space<semaphore_mem>>
        %dma_start3A_2065 = tpu.memref_squeeze %dma_start3A_2064 : memref<1x!tpu.dma_semaphore, #tpu.memory_space<semaphore_mem>> -> memref<!tpu.dma_semaphore, #tpu.memory_space<semaphore_mem>>
        tpu.enqueue_indirect_dma source(%dma_start3A_2063 : memref<1000000x128xf32, #tpu.memory_space<hbm>>) target(%dma_start3A_2057 : memref<64x128xf32, #tpu.memory_space<vmem>>) offsets(%dma_start3A_2060 : memref<64xi32, #tpu.memory_space<vmem>>) semaphore(%dma_start3A_2065 : memref<!tpu.dma_semaphore, #tpu.memory_space<semaphore_mem>>)
        %rem3A_2066 = arith.constant 2 : i32
        %rem3A_2067 = arith.remsi %select_n3A_2047, %rem3A_2066 : i32
        %dma_start3A_2068 = arith.constant 1 : i32
        %dma_start3A_2069 = arith.constant 1 : i32
        %dma_start3A_2070 = arith.constant 64 : i32
        %dma_start3A_2071 = arith.constant 0 : i32
        %dma_start3A_2072 = tpu.memref_slice %arg6[%dma_start3A_2068, %dma_start3A_2070, %dma_start3A_2071] : memref<5x128x128xf32, #tpu.memory_space<vmem>> -> memref<1x64x128xf32, #tpu.memory_space<vmem>>
        %dma_start3A_2073 = tpu.memref_squeeze %dma_start3A_2072 : memref<1x64x128xf32, #tpu.memory_space<vmem>> -> memref<64x128xf32, #tpu.memory_space<vmem>>
        %dma_start3A_2074 = arith.constant 64 : i32
        %dma_start3A_2075 = tpu.memref_slice %arg5[%rem3A_2067, %rem3A_2049, %dma_start3A_2074] : memref<2x8x128xi32, #tpu.memory_space<vmem>> -> memref<1x1x64xi32, #tpu.memory_space<vmem>>
        %dma_start3A_2076 = tpu.memref_squeeze %dma_start3A_2075 : memref<1x1x64xi32, #tpu.memory_space<vmem>> -> memref<64xi32, #tpu.memory_space<vmem>>
        %dma_start3A_2077 = arith.constant 0 : i32
        %dma_start3A_2078 = arith.constant 0 : i32
        %dma_start3A_2079 = tpu.memref_slice %arg3[%dma_start3A_2077, %dma_start3A_2078] : memref<1000000x128xf32, #tpu.memory_space<hbm>> -> memref<1000000x128xf32, #tpu.memory_space<hbm>>
        %dma_start3A_2080 = tpu.memref_slice %arg7[%dma_start3A_2069] : memref<5x!tpu.dma_semaphore, #tpu.memory_space<semaphore_mem>> -> memref<1x!tpu.dma_semaphore, #tpu.memory_space<semaphore_mem>>
        %dma_start3A_2081 = tpu.memref_squeeze %dma_start3A_2080 : memref<1x!tpu.dma_semaphore, #tpu.memory_space<semaphore_mem>> -> memref<!tpu.dma_semaphore, #tpu.memory_space<semaphore_mem>>
        tpu.enqueue_indirect_dma source(%dma_start3A_2079 : memref<1000000x128xf32, #tpu.memory_space<hbm>>) target(%dma_start3A_2073 : memref<64x128xf32, #tpu.memory_space<vmem>>) offsets(%dma_start3A_2076 : memref<64xi32, #tpu.memory_space<vmem>>) semaphore(%dma_start3A_2081 : memref<!tpu.dma_semaphore, #tpu.memory_space<semaphore_mem>>)
      } else {
      }
      %add3A_1927 = arith.constant 19 : i32
      %add3A_1928 = arith.addi %mul3A_208, %add3A_1927 : i32
      %jit3A_1929 = arith.constant 8 : i32
      %div3A_1930 = arith.divsi %add3A_1928, %jit3A_1929 : i32
      %sign3A_1931 = arith.constant 0 : i32
      %sign3A_1932 = arith.cmpi sgt, %add3A_1928, %sign3A_1931 : i32
      %sign3A_1933 = arith.extui %sign3A_1932 : i1 to i32
      %sign3A_1934 = arith.constant 0 : i32
      %sign3A_1935 = arith.cmpi slt, %add3A_1928, %sign3A_1934 : i32
      %sign3A_1936 = arith.extui %sign3A_1935 : i1 to i32
      %sign3A_1937 = arith.subi %sign3A_1933, %sign3A_1936 : i32
      %sign3A_1938 = arith.constant 0 : i32
      %sign3A_1939 = arith.cmpi sgt, %jit3A_1929, %sign3A_1938 : i32
      %sign3A_1940 = arith.extui %sign3A_1939 : i1 to i32
      %sign3A_1941 = arith.constant 0 : i32
      %sign3A_1942 = arith.cmpi slt, %jit3A_1929, %sign3A_1941 : i32
      %sign3A_1943 = arith.extui %sign3A_1942 : i1 to i32
      %sign3A_1944 = arith.subi %sign3A_1940, %sign3A_1943 : i32
      %ne3A_1945 = arith.cmpi ne, %sign3A_1937, %sign3A_1944 : i32
      %rem3A_1946 = arith.remsi %add3A_1928, %jit3A_1929 : i32
      %ne3A_1947 = arith.constant 0 : i32
      %ne3A_1948 = arith.cmpi ne, %rem3A_1946, %ne3A_1947 : i32
      %and3A_1949 = arith.andi %ne3A_1945, %ne3A_1948 : i1
      %sub3A_1950 = arith.constant 1 : i32
      %sub3A_1951 = arith.subi %div3A_1930, %sub3A_1950 : i32
      %select_n3A_1952 = arith.select %and3A_1949, %sub3A_1951, %div3A_1930 : i32
      %rem3A_1953 = arith.constant 8 : i32
      %rem3A_1954 = arith.remsi %add3A_1928, %rem3A_1953 : i32
      %dma_wait3A_1955 = arith.constant 4 : i32
      %dma_wait3A_1956 = arith.constant 4 : i32
      %dma_wait3A_1957 = arith.constant 0 : i32
      %dma_wait3A_1958 = arith.constant 0 : i32
      %dma_wait3A_1959 = tpu.memref_slice %arg6[%dma_wait3A_1955, %dma_wait3A_1957, %dma_wait3A_1958] : memref<5x128x128xf32, #tpu.memory_space<vmem>> -> memref<1x128x128xf32, #tpu.memory_space<vmem>>
      %dma_wait3A_1960 = tpu.memref_squeeze %dma_wait3A_1959 : memref<1x128x128xf32, #tpu.memory_space<vmem>> -> memref<128x128xf32, #tpu.memory_space<vmem>>
      %dma_wait3A_1961 = arith.constant 0 : i32
      %dma_wait3A_1962 = arith.constant 0 : i32
      %dma_wait3A_1963 = tpu.memref_slice %arg3[%dma_wait3A_1961, %dma_wait3A_1962] : memref<1000000x128xf32, #tpu.memory_space<hbm>> -> memref<128x128xf32, #tpu.memory_space<hbm>>
      %dma_wait3A_1964 = tpu.memref_slice %arg7[%dma_wait3A_1956] : memref<5x!tpu.dma_semaphore, #tpu.memory_space<semaphore_mem>> -> memref<1x!tpu.dma_semaphore, #tpu.memory_space<semaphore_mem>>
      %dma_wait3A_1965 = tpu.memref_squeeze %dma_wait3A_1964 : memref<1x!tpu.dma_semaphore, #tpu.memory_space<semaphore_mem>> -> memref<!tpu.dma_semaphore, #tpu.memory_space<semaphore_mem>>
      %dma_wait3A_1966 = arith.constant 0 : i32
      %dma_wait3A_1967 = arith.constant 0 : i32
      %dma_wait3A_1968 = tpu.memref_slice %arg6[%dma_wait3A_1955, %dma_wait3A_1966, %dma_wait3A_1967] : memref<5x128x128xf32, #tpu.memory_space<vmem>> -> memref<1x128x128xf32, #tpu.memory_space<vmem>>
      %dma_wait3A_1969 = tpu.memref_squeeze %dma_wait3A_1968 : memref<1x128x128xf32, #tpu.memory_space<vmem>> -> memref<128x128xf32, #tpu.memory_space<vmem>>
      %dma_wait3A_1970 = arith.constant 0 : i32
      %dma_wait3A_1971 = arith.constant 0 : i32
      %dma_wait3A_1972 = tpu.memref_slice %arg3[%dma_wait3A_1970, %dma_wait3A_1971] : memref<1000000x128xf32, #tpu.memory_space<hbm>> -> memref<128x128xf32, #tpu.memory_space<hbm>>
      tpu.wait_dma2 semaphore(%dma_wait3A_1965 : memref<!tpu.dma_semaphore, #tpu.memory_space<semaphore_mem>>) src(%dma_wait3A_1972 : memref<128x128xf32, #tpu.memory_space<hbm>>) dst(%dma_wait3A_1969 : memref<128x128xf32, #tpu.memory_space<vmem>>)
      %eq3A_1973 = arith.constant 0 : i32
      %eq3A_1974 = arith.cmpi eq, %rem3A_1954, %eq3A_1973 : i32
      %add3A_1975 = arith.constant 1 : i32
      %add3A_1976 = arith.addi %select_n3A_1952, %add3A_1975 : i32
      %lt3A_1977 = arith.constant 25 : i32
      %lt3A_1978 = arith.cmpi slt, %add3A_1976, %lt3A_1977 : i32
      %and3A_1979 = arith.andi %eq3A_1974, %lt3A_1978 : i1
      %convert_element_type3A_1980 = arith.extui %and3A_1979 : i1 to i32
      %cond3A_1981 = arith.constant 0 : i32
      %cond3A_1982 = arith.cmpi ne, %convert_element_type3A_1980, %cond3A_1981 : i32
      scf.if %cond3A_1982 {
        %add3A_2018 = arith.constant 1 : i32
        %add3A_2019 = arith.addi %select_n3A_1952, %add3A_2018 : i32
        %mul3A_2020 = arith.constant 8 : i32
        %mul3A_2021 = arith.muli %add3A_2019, %mul3A_2020 : i32
        %add3A_2022 = arith.constant 1 : i32
        %add3A_2023 = arith.addi %select_n3A_1952, %add3A_2022 : i32
        %rem3A_2024 = arith.constant 2 : i32
        %rem3A_2025 = arith.remsi %add3A_2023, %rem3A_2024 : i32
        %dma_start3A_2026 = arith.constant 0 : i32
        %dma_start3A_2027 = arith.constant 0 : i32
        %dma_start3A_2028 = tpu.memref_slice %arg5[%rem3A_2025, %dma_start3A_2026, %dma_start3A_2027] : memref<2x8x128xi32, #tpu.memory_space<vmem>> -> memref<1x8x128xi32, #tpu.memory_space<vmem>>
        %dma_start3A_2029 = tpu.memref_squeeze %dma_start3A_2028 : memref<1x8x128xi32, #tpu.memory_space<vmem>> -> memref<8x128xi32, #tpu.memory_space<vmem>>
        %dma_start3A_2030 = tpu.memref_slice %arg2[%mul3A_2021, %mul3A_2] : memref<200x4096xi32, #tpu.memory_space<hbm>> -> memref<8x128xi32, #tpu.memory_space<hbm>>
        %dma_start3A_2031 = arith.constant 0 : i32
        %dma_start3A_2032 = arith.constant 0 : i32
        %dma_start3A_2033 = tpu.memref_slice %arg5[%rem3A_2025, %dma_start3A_2031, %dma_start3A_2032] : memref<2x8x128xi32, #tpu.memory_space<vmem>> -> memref<1x8x128xi32, #tpu.memory_space<vmem>>
        %dma_start3A_2034 = tpu.memref_squeeze %dma_start3A_2033 : memref<1x8x128xi32, #tpu.memory_space<vmem>> -> memref<8x128xi32, #tpu.memory_space<vmem>>
        %dma_start3A_2035 = tpu.memref_slice %arg2[%mul3A_2021, %mul3A_2] : memref<200x4096xi32, #tpu.memory_space<hbm>> -> memref<8x128xi32, #tpu.memory_space<hbm>>
        tpu.enqueue_dma source(%dma_start3A_2035 : memref<8x128xi32, #tpu.memory_space<hbm>>) target(%dma_start3A_2034 : memref<8x128xi32, #tpu.memory_space<vmem>>) target_semaphore(%arg9 : memref<!tpu.dma_semaphore, #tpu.memory_space<semaphore_mem>>)
      } else {
      }
      %dma_start3A_1983 = arith.constant 4 : i32
      %dma_start3A_1984 = arith.constant 4 : i32
      %dma_start3A_1985 = arith.constant 0 : i32
      %dma_start3A_1986 = arith.constant 0 : i32
      %dma_start3A_1987 = tpu.memref_slice %arg6[%dma_start3A_1983, %dma_start3A_1985, %dma_start3A_1986] : memref<5x128x128xf32, #tpu.memory_space<vmem>> -> memref<1x128x128xf32, #tpu.memory_space<vmem>>
      %dma_start3A_1988 = tpu.memref_squeeze %dma_start3A_1987 : memref<1x128x128xf32, #tpu.memory_space<vmem>> -> memref<128x128xf32, #tpu.memory_space<vmem>>
      %dma_start3A_1989 = arith.constant 0 : i32
      %dma_start3A_1990 = tpu.memref_slice %arg4[%add3A_1928, %mul3A_2, %dma_start3A_1989] : memref<200x4096x128xf32, #tpu.memory_space<hbm>> -> memref<1x128x128xf32, #tpu.memory_space<hbm>>
      %dma_start3A_1991 = tpu.memref_squeeze %dma_start3A_1990 : memref<1x128x128xf32, #tpu.memory_space<hbm>> -> memref<128x128xf32, #tpu.memory_space<hbm>>
      %dma_start3A_1992 = tpu.memref_slice %arg8[%dma_start3A_1984] : memref<5x!tpu.dma_semaphore, #tpu.memory_space<semaphore_mem>> -> memref<1x!tpu.dma_semaphore, #tpu.memory_space<semaphore_mem>>
      %dma_start3A_1993 = tpu.memref_squeeze %dma_start3A_1992 : memref<1x!tpu.dma_semaphore, #tpu.memory_space<semaphore_mem>> -> memref<!tpu.dma_semaphore, #tpu.memory_space<semaphore_mem>>
      %dma_start3A_1994 = arith.constant 0 : i32
      %dma_start3A_1995 = tpu.memref_slice %arg4[%add3A_1928, %mul3A_2, %dma_start3A_1994] : memref<200x4096x128xf32, #tpu.memory_space<hbm>> -> memref<1x128x128xf32, #tpu.memory_space<hbm>>
      %dma_start3A_1996 = tpu.memref_squeeze %dma_start3A_1995 : memref<1x128x128xf32, #tpu.memory_space<hbm>> -> memref<128x128xf32, #tpu.memory_space<hbm>>
      %dma_start3A_1997 = arith.constant 0 : i32
      %dma_start3A_1998 = arith.constant 0 : i32
      %dma_start3A_1999 = tpu.memref_slice %arg6[%dma_start3A_1983, %dma_start3A_1997, %dma_start3A_1998] : memref<5x128x128xf32, #tpu.memory_space<vmem>> -> memref<1x128x128xf32, #tpu.memory_space<vmem>>
      %dma_start3A_2000 = tpu.memref_squeeze %dma_start3A_1999 : memref<1x128x128xf32, #tpu.memory_space<vmem>> -> memref<128x128xf32, #tpu.memory_space<vmem>>
      tpu.enqueue_dma source(%dma_start3A_2000 : memref<128x128xf32, #tpu.memory_space<vmem>>) target(%dma_start3A_1996 : memref<128x128xf32, #tpu.memory_space<hbm>>) target_semaphore(%dma_start3A_1993 : memref<!tpu.dma_semaphore, #tpu.memory_space<semaphore_mem>>)
      %eq3A_2001 = arith.constant 4 : i32
      %eq3A_2002 = arith.cmpi eq, %rem3A_1954, %eq3A_2001 : i32
      %add3A_2003 = arith.constant 1 : i32
      %add3A_2004 = arith.addi %select_n3A_1952, %add3A_2003 : i32
      %lt3A_2005 = arith.constant 25 : i32
      %lt3A_2006 = arith.cmpi slt, %add3A_2004, %lt3A_2005 : i32
      %and3A_2007 = arith.andi %eq3A_2002, %lt3A_2006 : i1
      %convert_element_type3A_2008 = arith.extui %and3A_2007 : i1 to i32
      %cond3A_2009 = arith.constant 0 : i32
      %cond3A_2010 = arith.cmpi ne, %convert_element_type3A_2008, %cond3A_2009 : i32
      scf.if %cond3A_2010 {
        %dma_wait3A_2018 = arith.constant 0 : i32
        %dma_wait3A_2019 = arith.constant 0 : i32
        %dma_wait3A_2020 = arith.constant 0 : i32
        %dma_wait3A_2021 = tpu.memref_slice %arg5[%dma_wait3A_2018, %dma_wait3A_2019, %dma_wait3A_2020] : memref<2x8x128xi32, #tpu.memory_space<vmem>> -> memref<1x8x128xi32, #tpu.memory_space<vmem>>
        %dma_wait3A_2022 = tpu.memref_squeeze %dma_wait3A_2021 : memref<1x8x128xi32, #tpu.memory_space<vmem>> -> memref<8x128xi32, #tpu.memory_space<vmem>>
        %dma_wait3A_2023 = arith.constant 0 : i32
        %dma_wait3A_2024 = arith.constant 0 : i32
        %dma_wait3A_2025 = tpu.memref_slice %arg2[%dma_wait3A_2023, %dma_wait3A_2024] : memref<200x4096xi32, #tpu.memory_space<hbm>> -> memref<8x128xi32, #tpu.memory_space<hbm>>
        %dma_wait3A_2026 = arith.constant 0 : i32
        %dma_wait3A_2027 = arith.constant 0 : i32
        %dma_wait3A_2028 = tpu.memref_slice %arg5[%dma_wait3A_2018, %dma_wait3A_2026, %dma_wait3A_2027] : memref<2x8x128xi32, #tpu.memory_space<vmem>> -> memref<1x8x128xi32, #tpu.memory_space<vmem>>
        %dma_wait3A_2029 = tpu.memref_squeeze %dma_wait3A_2028 : memref<1x8x128xi32, #tpu.memory_space<vmem>> -> memref<8x128xi32, #tpu.memory_space<vmem>>
        %dma_wait3A_2030 = arith.constant 0 : i32
        %dma_wait3A_2031 = arith.constant 0 : i32
        %dma_wait3A_2032 = tpu.memref_slice %arg2[%dma_wait3A_2030, %dma_wait3A_2031] : memref<200x4096xi32, #tpu.memory_space<hbm>> -> memref<8x128xi32, #tpu.memory_space<hbm>>
        tpu.wait_dma2 semaphore(%arg9 : memref<!tpu.dma_semaphore, #tpu.memory_space<semaphore_mem>>) src(%dma_wait3A_2032 : memref<8x128xi32, #tpu.memory_space<hbm>>) dst(%dma_wait3A_2029 : memref<8x128xi32, #tpu.memory_space<vmem>>)
      } else {
      }
      %add3A_2011 = arith.constant 3 : i32
      %add3A_2012 = arith.addi %add3A_1928, %add3A_2011 : i32
      %lt3A_2013 = arith.constant 200 : i32
      %lt3A_2014 = arith.cmpi slt, %add3A_2012, %lt3A_2013 : i32
      %convert_element_type3A_2015 = arith.extui %lt3A_2014 : i1 to i32
      %cond3A_2016 = arith.constant 0 : i32
      %cond3A_2017 = arith.cmpi ne, %convert_element_type3A_2015, %cond3A_2016 : i32
      scf.if %cond3A_2017 {
        %ge3A = arith.constant 2 : i32
        %ge3A_2018 = arith.cmpi sge, %add3A_1928, %ge3A : i32
        %convert_element_type3A_2019 = arith.extui %ge3A_2018 : i1 to i32
        %cond3A_2020 = arith.constant 0 : i32
        %cond3A_2021 = arith.cmpi ne, %convert_element_type3A_2019, %cond3A_2020 : i32
        scf.if %cond3A_2021 {
          %dma_wait3A_2082 = arith.constant 2 : i32
          %dma_wait3A_2083 = arith.constant 2 : i32
          %dma_wait3A_2084 = arith.constant 0 : i32
          %dma_wait3A_2085 = arith.constant 0 : i32
          %dma_wait3A_2086 = tpu.memref_slice %arg6[%dma_wait3A_2082, %dma_wait3A_2084, %dma_wait3A_2085] : memref<5x128x128xf32, #tpu.memory_space<vmem>> -> memref<1x128x128xf32, #tpu.memory_space<vmem>>
          %dma_wait3A_2087 = tpu.memref_squeeze %dma_wait3A_2086 : memref<1x128x128xf32, #tpu.memory_space<vmem>> -> memref<128x128xf32, #tpu.memory_space<vmem>>
          %dma_wait3A_2088 = arith.constant 0 : i32
          %dma_wait3A_2089 = arith.constant 0 : i32
          %dma_wait3A_2090 = tpu.memref_slice %arg3[%dma_wait3A_2088, %dma_wait3A_2089] : memref<1000000x128xf32, #tpu.memory_space<hbm>> -> memref<128x128xf32, #tpu.memory_space<hbm>>
          %dma_wait3A_2091 = tpu.memref_slice %arg8[%dma_wait3A_2083] : memref<5x!tpu.dma_semaphore, #tpu.memory_space<semaphore_mem>> -> memref<1x!tpu.dma_semaphore, #tpu.memory_space<semaphore_mem>>
          %dma_wait3A_2092 = tpu.memref_squeeze %dma_wait3A_2091 : memref<1x!tpu.dma_semaphore, #tpu.memory_space<semaphore_mem>> -> memref<!tpu.dma_semaphore, #tpu.memory_space<semaphore_mem>>
          %dma_wait3A_2093 = arith.constant 0 : i32
          %dma_wait3A_2094 = arith.constant 0 : i32
          %dma_wait3A_2095 = tpu.memref_slice %arg6[%dma_wait3A_2082, %dma_wait3A_2093, %dma_wait3A_2094] : memref<5x128x128xf32, #tpu.memory_space<vmem>> -> memref<1x128x128xf32, #tpu.memory_space<vmem>>
          %dma_wait3A_2096 = tpu.memref_squeeze %dma_wait3A_2095 : memref<1x128x128xf32, #tpu.memory_space<vmem>> -> memref<128x128xf32, #tpu.memory_space<vmem>>
          %dma_wait3A_2097 = arith.constant 0 : i32
          %dma_wait3A_2098 = arith.constant 0 : i32
          %dma_wait3A_2099 = tpu.memref_slice %arg3[%dma_wait3A_2097, %dma_wait3A_2098] : memref<1000000x128xf32, #tpu.memory_space<hbm>> -> memref<128x128xf32, #tpu.memory_space<hbm>>
          tpu.wait_dma2 semaphore(%dma_wait3A_2092 : memref<!tpu.dma_semaphore, #tpu.memory_space<semaphore_mem>>) src(%dma_wait3A_2099 : memref<128x128xf32, #tpu.memory_space<hbm>>) dst(%dma_wait3A_2096 : memref<128x128xf32, #tpu.memory_space<vmem>>)
        } else {
        }
        %add3A_2022 = arith.constant 3 : i32
        %add3A_2023 = arith.addi %add3A_1928, %add3A_2022 : i32
        %jit3A_2024 = arith.constant 8 : i32
        %div3A_2025 = arith.divsi %add3A_2023, %jit3A_2024 : i32
        %sign3A_2026 = arith.constant 0 : i32
        %sign3A_2027 = arith.cmpi sgt, %add3A_2023, %sign3A_2026 : i32
        %sign3A_2028 = arith.extui %sign3A_2027 : i1 to i32
        %sign3A_2029 = arith.constant 0 : i32
        %sign3A_2030 = arith.cmpi slt, %add3A_2023, %sign3A_2029 : i32
        %sign3A_2031 = arith.extui %sign3A_2030 : i1 to i32
        %sign3A_2032 = arith.subi %sign3A_2028, %sign3A_2031 : i32
        %sign3A_2033 = arith.constant 0 : i32
        %sign3A_2034 = arith.cmpi sgt, %jit3A_2024, %sign3A_2033 : i32
        %sign3A_2035 = arith.extui %sign3A_2034 : i1 to i32
        %sign3A_2036 = arith.constant 0 : i32
        %sign3A_2037 = arith.cmpi slt, %jit3A_2024, %sign3A_2036 : i32
        %sign3A_2038 = arith.extui %sign3A_2037 : i1 to i32
        %sign3A_2039 = arith.subi %sign3A_2035, %sign3A_2038 : i32
        %ne3A_2040 = arith.cmpi ne, %sign3A_2032, %sign3A_2039 : i32
        %rem3A_2041 = arith.remsi %add3A_2023, %jit3A_2024 : i32
        %ne3A_2042 = arith.constant 0 : i32
        %ne3A_2043 = arith.cmpi ne, %rem3A_2041, %ne3A_2042 : i32
        %and3A_2044 = arith.andi %ne3A_2040, %ne3A_2043 : i1
        %sub3A_2045 = arith.constant 1 : i32
        %sub3A_2046 = arith.subi %div3A_2025, %sub3A_2045 : i32
        %select_n3A_2047 = arith.select %and3A_2044, %sub3A_2046, %div3A_2025 : i32
        %rem3A_2048 = arith.constant 8 : i32
        %rem3A_2049 = arith.remsi %add3A_2023, %rem3A_2048 : i32
        %rem3A_2050 = arith.constant 2 : i32
        %rem3A_2051 = arith.remsi %select_n3A_2047, %rem3A_2050 : i32
        %dma_start3A_2052 = arith.constant 2 : i32
        %dma_start3A_2053 = arith.constant 2 : i32
        %dma_start3A_2054 = arith.constant 0 : i32
        %dma_start3A_2055 = arith.constant 0 : i32
        %dma_start3A_2056 = tpu.memref_slice %arg6[%dma_start3A_2052, %dma_start3A_2054, %dma_start3A_2055] : memref<5x128x128xf32, #tpu.memory_space<vmem>> -> memref<1x64x128xf32, #tpu.memory_space<vmem>>
        %dma_start3A_2057 = tpu.memref_squeeze %dma_start3A_2056 : memref<1x64x128xf32, #tpu.memory_space<vmem>> -> memref<64x128xf32, #tpu.memory_space<vmem>>
        %dma_start3A_2058 = arith.constant 0 : i32
        %dma_start3A_2059 = tpu.memref_slice %arg5[%rem3A_2051, %rem3A_2049, %dma_start3A_2058] : memref<2x8x128xi32, #tpu.memory_space<vmem>> -> memref<1x1x64xi32, #tpu.memory_space<vmem>>
        %dma_start3A_2060 = tpu.memref_squeeze %dma_start3A_2059 : memref<1x1x64xi32, #tpu.memory_space<vmem>> -> memref<64xi32, #tpu.memory_space<vmem>>
        %dma_start3A_2061 = arith.constant 0 : i32
        %dma_start3A_2062 = arith.constant 0 : i32
        %dma_start3A_2063 = tpu.memref_slice %arg3[%dma_start3A_2061, %dma_start3A_2062] : memref<1000000x128xf32, #tpu.memory_space<hbm>> -> memref<1000000x128xf32, #tpu.memory_space<hbm>>
        %dma_start3A_2064 = tpu.memref_slice %arg7[%dma_start3A_2053] : memref<5x!tpu.dma_semaphore, #tpu.memory_space<semaphore_mem>> -> memref<1x!tpu.dma_semaphore, #tpu.memory_space<semaphore_mem>>
        %dma_start3A_2065 = tpu.memref_squeeze %dma_start3A_2064 : memref<1x!tpu.dma_semaphore, #tpu.memory_space<semaphore_mem>> -> memref<!tpu.dma_semaphore, #tpu.memory_space<semaphore_mem>>
        tpu.enqueue_indirect_dma source(%dma_start3A_2063 : memref<1000000x128xf32, #tpu.memory_space<hbm>>) target(%dma_start3A_2057 : memref<64x128xf32, #tpu.memory_space<vmem>>) offsets(%dma_start3A_2060 : memref<64xi32, #tpu.memory_space<vmem>>) semaphore(%dma_start3A_2065 : memref<!tpu.dma_semaphore, #tpu.memory_space<semaphore_mem>>)
        %rem3A_2066 = arith.constant 2 : i32
        %rem3A_2067 = arith.remsi %select_n3A_2047, %rem3A_2066 : i32
        %dma_start3A_2068 = arith.constant 2 : i32
        %dma_start3A_2069 = arith.constant 2 : i32
        %dma_start3A_2070 = arith.constant 64 : i32
        %dma_start3A_2071 = arith.constant 0 : i32
        %dma_start3A_2072 = tpu.memref_slice %arg6[%dma_start3A_2068, %dma_start3A_2070, %dma_start3A_2071] : memref<5x128x128xf32, #tpu.memory_space<vmem>> -> memref<1x64x128xf32, #tpu.memory_space<vmem>>
        %dma_start3A_2073 = tpu.memref_squeeze %dma_start3A_2072 : memref<1x64x128xf32, #tpu.memory_space<vmem>> -> memref<64x128xf32, #tpu.memory_space<vmem>>
        %dma_start3A_2074 = arith.constant 64 : i32
        %dma_start3A_2075 = tpu.memref_slice %arg5[%rem3A_2067, %rem3A_2049, %dma_start3A_2074] : memref<2x8x128xi32, #tpu.memory_space<vmem>> -> memref<1x1x64xi32, #tpu.memory_space<vmem>>
        %dma_start3A_2076 = tpu.memref_squeeze %dma_start3A_2075 : memref<1x1x64xi32, #tpu.memory_space<vmem>> -> memref<64xi32, #tpu.memory_space<vmem>>
        %dma_start3A_2077 = arith.constant 0 : i32
        %dma_start3A_2078 = arith.constant 0 : i32
        %dma_start3A_2079 = tpu.memref_slice %arg3[%dma_start3A_2077, %dma_start3A_2078] : memref<1000000x128xf32, #tpu.memory_space<hbm>> -> memref<1000000x128xf32, #tpu.memory_space<hbm>>
        %dma_start3A_2080 = tpu.memref_slice %arg7[%dma_start3A_2069] : memref<5x!tpu.dma_semaphore, #tpu.memory_space<semaphore_mem>> -> memref<1x!tpu.dma_semaphore, #tpu.memory_space<semaphore_mem>>
        %dma_start3A_2081 = tpu.memref_squeeze %dma_start3A_2080 : memref<1x!tpu.dma_semaphore, #tpu.memory_space<semaphore_mem>> -> memref<!tpu.dma_semaphore, #tpu.memory_space<semaphore_mem>>
        tpu.enqueue_indirect_dma source(%dma_start3A_2079 : memref<1000000x128xf32, #tpu.memory_space<hbm>>) target(%dma_start3A_2073 : memref<64x128xf32, #tpu.memory_space<vmem>>) offsets(%dma_start3A_2076 : memref<64xi32, #tpu.memory_space<vmem>>) semaphore(%dma_start3A_2081 : memref<!tpu.dma_semaphore, #tpu.memory_space<semaphore_mem>>)
      } else {
      }
    }
    %scan3A_116 = arith.constant 10 : i32
    %dma_wait3A = arith.constant 0 : i32
    %dma_wait3A_117 = arith.constant 0 : i32
    %dma_wait3A_118 = arith.constant 0 : i32
    %dma_wait3A_119 = arith.constant 0 : i32
    %dma_wait3A_120 = tpu.memref_slice %arg6[%dma_wait3A, %dma_wait3A_118, %dma_wait3A_119] : memref<5x128x128xf32, #tpu.memory_space<vmem>> -> memref<1x128x128xf32, #tpu.memory_space<vmem>>
    %dma_wait3A_121 = tpu.memref_squeeze %dma_wait3A_120 : memref<1x128x128xf32, #tpu.memory_space<vmem>> -> memref<128x128xf32, #tpu.memory_space<vmem>>
    %dma_wait3A_122 = arith.constant 0 : i32
    %dma_wait3A_123 = arith.constant 0 : i32
    %dma_wait3A_124 = tpu.memref_slice %arg3[%dma_wait3A_122, %dma_wait3A_123] : memref<1000000x128xf32, #tpu.memory_space<hbm>> -> memref<128x128xf32, #tpu.memory_space<hbm>>
    %dma_wait3A_125 = tpu.memref_slice %arg8[%dma_wait3A_117] : memref<5x!tpu.dma_semaphore, #tpu.memory_space<semaphore_mem>> -> memref<1x!tpu.dma_semaphore, #tpu.memory_space<semaphore_mem>>
    %dma_wait3A_126 = tpu.memref_squeeze %dma_wait3A_125 : memref<1x!tpu.dma_semaphore, #tpu.memory_space<semaphore_mem>> -> memref<!tpu.dma_semaphore, #tpu.memory_space<semaphore_mem>>
    %dma_wait3A_127 = arith.constant 0 : i32
    %dma_wait3A_128 = arith.constant 0 : i32
    %dma_wait3A_129 = tpu.memref_slice %arg6[%dma_wait3A, %dma_wait3A_127, %dma_wait3A_128] : memref<5x128x128xf32, #tpu.memory_space<vmem>> -> memref<1x128x128xf32, #tpu.memory_space<vmem>>
    %dma_wait3A_130 = tpu.memref_squeeze %dma_wait3A_129 : memref<1x128x128xf32, #tpu.memory_space<vmem>> -> memref<128x128xf32, #tpu.memory_space<vmem>>
    %dma_wait3A_131 = arith.constant 0 : i32
    %dma_wait3A_132 = arith.constant 0 : i32
    %dma_wait3A_133 = tpu.memref_slice %arg3[%dma_wait3A_131, %dma_wait3A_132] : memref<1000000x128xf32, #tpu.memory_space<hbm>> -> memref<128x128xf32, #tpu.memory_space<hbm>>
    tpu.wait_dma2 semaphore(%dma_wait3A_126 : memref<!tpu.dma_semaphore, #tpu.memory_space<semaphore_mem>>) src(%dma_wait3A_133 : memref<128x128xf32, #tpu.memory_space<hbm>>) dst(%dma_wait3A_130 : memref<128x128xf32, #tpu.memory_space<vmem>>)
    %dma_wait3A_134 = arith.constant 1 : i32
    %dma_wait3A_135 = arith.constant 1 : i32
    %dma_wait3A_136 = arith.constant 0 : i32
    %dma_wait3A_137 = arith.constant 0 : i32
    %dma_wait3A_138 = tpu.memref_slice %arg6[%dma_wait3A_134, %dma_wait3A_136, %dma_wait3A_137] : memref<5x128x128xf32, #tpu.memory_space<vmem>> -> memref<1x128x128xf32, #tpu.memory_space<vmem>>
    %dma_wait3A_139 = tpu.memref_squeeze %dma_wait3A_138 : memref<1x128x128xf32, #tpu.memory_space<vmem>> -> memref<128x128xf32, #tpu.memory_space<vmem>>
    %dma_wait3A_140 = arith.constant 0 : i32
    %dma_wait3A_141 = arith.constant 0 : i32
    %dma_wait3A_142 = tpu.memref_slice %arg3[%dma_wait3A_140, %dma_wait3A_141] : memref<1000000x128xf32, #tpu.memory_space<hbm>> -> memref<128x128xf32, #tpu.memory_space<hbm>>
    %dma_wait3A_143 = tpu.memref_slice %arg8[%dma_wait3A_135] : memref<5x!tpu.dma_semaphore, #tpu.memory_space<semaphore_mem>> -> memref<1x!tpu.dma_semaphore, #tpu.memory_space<semaphore_mem>>
    %dma_wait3A_144 = tpu.memref_squeeze %dma_wait3A_143 : memref<1x!tpu.dma_semaphore, #tpu.memory_space<semaphore_mem>> -> memref<!tpu.dma_semaphore, #tpu.memory_space<semaphore_mem>>
    %dma_wait3A_145 = arith.constant 0 : i32
    %dma_wait3A_146 = arith.constant 0 : i32
    %dma_wait3A_147 = tpu.memref_slice %arg6[%dma_wait3A_134, %dma_wait3A_145, %dma_wait3A_146] : memref<5x128x128xf32, #tpu.memory_space<vmem>> -> memref<1x128x128xf32, #tpu.memory_space<vmem>>
    %dma_wait3A_148 = tpu.memref_squeeze %dma_wait3A_147 : memref<1x128x128xf32, #tpu.memory_space<vmem>> -> memref<128x128xf32, #tpu.memory_space<vmem>>
    %dma_wait3A_149 = arith.constant 0 : i32
    %dma_wait3A_150 = arith.constant 0 : i32
    %dma_wait3A_151 = tpu.memref_slice %arg3[%dma_wait3A_149, %dma_wait3A_150] : memref<1000000x128xf32, #tpu.memory_space<hbm>> -> memref<128x128xf32, #tpu.memory_space<hbm>>
    tpu.wait_dma2 semaphore(%dma_wait3A_144 : memref<!tpu.dma_semaphore, #tpu.memory_space<semaphore_mem>>) src(%dma_wait3A_151 : memref<128x128xf32, #tpu.memory_space<hbm>>) dst(%dma_wait3A_148 : memref<128x128xf32, #tpu.memory_space<vmem>>)
    %dma_wait3A_152 = arith.constant 2 : i32
    %dma_wait3A_153 = arith.constant 2 : i32
    %dma_wait3A_154 = arith.constant 0 : i32
    %dma_wait3A_155 = arith.constant 0 : i32
    %dma_wait3A_156 = tpu.memref_slice %arg6[%dma_wait3A_152, %dma_wait3A_154, %dma_wait3A_155] : memref<5x128x128xf32, #tpu.memory_space<vmem>> -> memref<1x128x128xf32, #tpu.memory_space<vmem>>
    %dma_wait3A_157 = tpu.memref_squeeze %dma_wait3A_156 : memref<1x128x128xf32, #tpu.memory_space<vmem>> -> memref<128x128xf32, #tpu.memory_space<vmem>>
    %dma_wait3A_158 = arith.constant 0 : i32
    %dma_wait3A_159 = arith.constant 0 : i32
    %dma_wait3A_160 = tpu.memref_slice %arg3[%dma_wait3A_158, %dma_wait3A_159] : memref<1000000x128xf32, #tpu.memory_space<hbm>> -> memref<128x128xf32, #tpu.memory_space<hbm>>
    %dma_wait3A_161 = tpu.memref_slice %arg8[%dma_wait3A_153] : memref<5x!tpu.dma_semaphore, #tpu.memory_space<semaphore_mem>> -> memref<1x!tpu.dma_semaphore, #tpu.memory_space<semaphore_mem>>
    %dma_wait3A_162 = tpu.memref_squeeze %dma_wait3A_161 : memref<1x!tpu.dma_semaphore, #tpu.memory_space<semaphore_mem>> -> memref<!tpu.dma_semaphore, #tpu.memory_space<semaphore_mem>>
    %dma_wait3A_163 = arith.constant 0 : i32
    %dma_wait3A_164 = arith.constant 0 : i32
    %dma_wait3A_165 = tpu.memref_slice %arg6[%dma_wait3A_152, %dma_wait3A_163, %dma_wait3A_164] : memref<5x128x128xf32, #tpu.memory_space<vmem>> -> memref<1x128x128xf32, #tpu.memory_space<vmem>>
    %dma_wait3A_166 = tpu.memref_squeeze %dma_wait3A_165 : memref<1x128x128xf32, #tpu.memory_space<vmem>> -> memref<128x128xf32, #tpu.memory_space<vmem>>
    %dma_wait3A_167 = arith.constant 0 : i32
    %dma_wait3A_168 = arith.constant 0 : i32
    %dma_wait3A_169 = tpu.memref_slice %arg3[%dma_wait3A_167, %dma_wait3A_168] : memref<1000000x128xf32, #tpu.memory_space<hbm>> -> memref<128x128xf32, #tpu.memory_space<hbm>>
    tpu.wait_dma2 semaphore(%dma_wait3A_162 : memref<!tpu.dma_semaphore, #tpu.memory_space<semaphore_mem>>) src(%dma_wait3A_169 : memref<128x128xf32, #tpu.memory_space<hbm>>) dst(%dma_wait3A_166 : memref<128x128xf32, #tpu.memory_space<vmem>>)
    %dma_wait3A_170 = arith.constant 3 : i32
    %dma_wait3A_171 = arith.constant 3 : i32
    %dma_wait3A_172 = arith.constant 0 : i32
    %dma_wait3A_173 = arith.constant 0 : i32
    %dma_wait3A_174 = tpu.memref_slice %arg6[%dma_wait3A_170, %dma_wait3A_172, %dma_wait3A_173] : memref<5x128x128xf32, #tpu.memory_space<vmem>> -> memref<1x128x128xf32, #tpu.memory_space<vmem>>
    %dma_wait3A_175 = tpu.memref_squeeze %dma_wait3A_174 : memref<1x128x128xf32, #tpu.memory_space<vmem>> -> memref<128x128xf32, #tpu.memory_space<vmem>>
    %dma_wait3A_176 = arith.constant 0 : i32
    %dma_wait3A_177 = arith.constant 0 : i32
    %dma_wait3A_178 = tpu.memref_slice %arg3[%dma_wait3A_176, %dma_wait3A_177] : memref<1000000x128xf32, #tpu.memory_space<hbm>> -> memref<128x128xf32, #tpu.memory_space<hbm>>
    %dma_wait3A_179 = tpu.memref_slice %arg8[%dma_wait3A_171] : memref<5x!tpu.dma_semaphore, #tpu.memory_space<semaphore_mem>> -> memref<1x!tpu.dma_semaphore, #tpu.memory_space<semaphore_mem>>
    %dma_wait3A_180 = tpu.memref_squeeze %dma_wait3A_179 : memref<1x!tpu.dma_semaphore, #tpu.memory_space<semaphore_mem>> -> memref<!tpu.dma_semaphore, #tpu.memory_space<semaphore_mem>>
    %dma_wait3A_181 = arith.constant 0 : i32
    %dma_wait3A_182 = arith.constant 0 : i32
    %dma_wait3A_183 = tpu.memref_slice %arg6[%dma_wait3A_170, %dma_wait3A_181, %dma_wait3A_182] : memref<5x128x128xf32, #tpu.memory_space<vmem>> -> memref<1x128x128xf32, #tpu.memory_space<vmem>>
    %dma_wait3A_184 = tpu.memref_squeeze %dma_wait3A_183 : memref<1x128x128xf32, #tpu.memory_space<vmem>> -> memref<128x128xf32, #tpu.memory_space<vmem>>
    %dma_wait3A_185 = arith.constant 0 : i32
    %dma_wait3A_186 = arith.constant 0 : i32
    %dma_wait3A_187 = tpu.memref_slice %arg3[%dma_wait3A_185, %dma_wait3A_186] : memref<1000000x128xf32, #tpu.memory_space<hbm>> -> memref<128x128xf32, #tpu.memory_space<hbm>>
    tpu.wait_dma2 semaphore(%dma_wait3A_180 : memref<!tpu.dma_semaphore, #tpu.memory_space<semaphore_mem>>) src(%dma_wait3A_187 : memref<128x128xf32, #tpu.memory_space<hbm>>) dst(%dma_wait3A_184 : memref<128x128xf32, #tpu.memory_space<vmem>>)
    %dma_wait3A_188 = arith.constant 4 : i32
    %dma_wait3A_189 = arith.constant 4 : i32
    %dma_wait3A_190 = arith.constant 0 : i32
    %dma_wait3A_191 = arith.constant 0 : i32
    %dma_wait3A_192 = tpu.memref_slice %arg6[%dma_wait3A_188, %dma_wait3A_190, %dma_wait3A_191] : memref<5x128x128xf32, #tpu.memory_space<vmem>> -> memref<1x128x128xf32, #tpu.memory_space<vmem>>
    %dma_wait3A_193 = tpu.memref_squeeze %dma_wait3A_192 : memref<1x128x128xf32, #tpu.memory_space<vmem>> -> memref<128x128xf32, #tpu.memory_space<vmem>>
    %dma_wait3A_194 = arith.constant 0 : i32
    %dma_wait3A_195 = arith.constant 0 : i32
    %dma_wait3A_196 = tpu.memref_slice %arg3[%dma_wait3A_194, %dma_wait3A_195] : memref<1000000x128xf32, #tpu.memory_space<hbm>> -> memref<128x128xf32, #tpu.memory_space<hbm>>
    %dma_wait3A_197 = tpu.memref_slice %arg8[%dma_wait3A_189] : memref<5x!tpu.dma_semaphore, #tpu.memory_space<semaphore_mem>> -> memref<1x!tpu.dma_semaphore, #tpu.memory_space<semaphore_mem>>
    %dma_wait3A_198 = tpu.memref_squeeze %dma_wait3A_197 : memref<1x!tpu.dma_semaphore, #tpu.memory_space<semaphore_mem>> -> memref<!tpu.dma_semaphore, #tpu.memory_space<semaphore_mem>>
    %dma_wait3A_199 = arith.constant 0 : i32
    %dma_wait3A_200 = arith.constant 0 : i32
    %dma_wait3A_201 = tpu.memref_slice %arg6[%dma_wait3A_188, %dma_wait3A_199, %dma_wait3A_200] : memref<5x128x128xf32, #tpu.memory_space<vmem>> -> memref<1x128x128xf32, #tpu.memory_space<vmem>>
    %dma_wait3A_202 = tpu.memref_squeeze %dma_wait3A_201 : memref<1x128x128xf32, #tpu.memory_space<vmem>> -> memref<128x128xf32, #tpu.memory_space<vmem>>
    %dma_wait3A_203 = arith.constant 0 : i32
    %dma_wait3A_204 = arith.constant 0 : i32
    %dma_wait3A_205 = tpu.memref_slice %arg3[%dma_wait3A_203, %dma_wait3A_204] : memref<1000000x128xf32, #tpu.memory_space<hbm>> -> memref<128x128xf32, #tpu.memory_space<hbm>>
    tpu.wait_dma2 semaphore(%dma_wait3A_198 : memref<!tpu.dma_semaphore, #tpu.memory_space<semaphore_mem>>) src(%dma_wait3A_205 : memref<128x128xf32, #tpu.memory_space<hbm>>) dst(%dma_wait3A_202 : memref<128x128xf32, #tpu.memory_space<vmem>>)
    return
  }
}

</mosaic_0001>

<sc_bundles>
// kernel: _gather.3.cloned.1.call-start
scs
__scs_entry_jumppad:
0x0: {  	(pc) =	sbr.rel $0x88, $3  }
0x1: {  	(tag) =	ssettag $0x0;
	lr =	simm.s32 $0x1  }
0x2: {  	[smem:$0x3F9F] =	sst lr;
	_ =	strace $0xD0000000  }
0x3: {  	_ = 	snop  }
0x4: {  	_ = 	snop  }
0x5: {  	_ = 	snop  }
0x6: {  	_ = 	snop  }
0x7: {  	_ = 	snop  }
__scs_overlays_trampoline_lowered:
0x8: {  	[smem:$0x3FAE] =	sst s0  }
0x9: {  	[smem:$0x3FAF] =	sst s1  }
0xa: {  	[smem:$0x3FB0] =	sst s2  }
0xb: {  	[smem:$0x3FB1] =	sst s3  }
0xc: {  	[smem:$0x3FB2] =	sst s4  }
0xd: {  	[smem:$0x3FB3] =	sst s5  }
0xe: {  	[smem:$0x3FB4] =	sst s6  }
0xf: {  	[smem:$0x3FB5] =	sst s7  }
0x10: {  	[smem:$0x3FB6] =	sst s8  }
0x11: {  	[smem:$0x3FB7] =	sst s9;
	s0 =	simm.s32 @!p0 $0x0  }
0x12: {  	s1 =	sld [smem:$0x3F9D];
	s0 =	simm.s32 @p0 $0x1  }
0x13: {  	[smem:$0x3FB8] =	sst s0;
	s0 =	simm.s32 @!p1 $0x0  }
0x14: {  	s2 =	sld [smem:$0x3F9C];
	s0 =	simm.s32 @p1 $0x1  }
0x15: {  	[smem:$0x3FB9] =	sst s0;
	s0 =	simm.s32 @!p2 $0x0  }
0x16: {  	s3 =	sld [smem:$0x3FDB];
	s0 =	simm.s32 @p2 $0x1  }
0x17: {  	s4 =	simm.s32 $0x1BF5;
	[smem:$0x3FBB] =	sst s0  }
0x18: {  	s0 =	sld [smem:$0x3F9E];
	_ =	swait.ge [sflag:s4], $0x0  }
0x19: {  	s7 =	sld [smem:$0x3F9F]  }
0x1a: {  	s8 =	sadd.s32 $0xFFFFE003, lr  }
0x1b: {  	s9 =	sadd.s32 $0xFFFFFEF7, lr;
	s5 =	simm.s32 $0xFFFFFFFF;
	p2 =	slt.u32 s8, $0xFFFFF086  }
0x1c: {  	p1 =	slt.u32 s9, $0xF7A;
	s5 =	simm.s32 @!p2 $0x0  }
0x1d: {  	s5 =	simm.s32 @p1 $0x1;
	p0 =	seq.s32 s7, s2  }
0x1e: {  	s7 =	smul.u32 @!p0 $0xF7A, s2;
	p2 =	seq.s32 @!p0 s5, $0x0  }
0x1f: {  	s9 =	smul.u32 $0xF7A, s1;
	s8 =	simm.s32 @!p0 $0x1BF5;
	p2 =	por !p2, p0  }
0x20: {  	[sflag:s8] =	ssyncset.s32 @!p0 $0xFFFFF086;
	s6 =	sadd.s32 @!p0 s3, s7;
	s7 =	simm.s32 @!p0 $0x108  }
0x21: {  	s3 =	sadd.s32 s3, s9;
	s6 =	sadd.s32 @!p0 $0x88, s6;
	s7 =	simm.s32 @p2 $0x1082  }
0x22: {  	[simem:s7], [sflag:s8] =	dma.local @!p0 [hbm:s6], $0xF7A  }
0x23: {  	s9 =	sor.u32 $0xD0000000, s2;
	s6 =	simm.s32 $0x108;
	_ =	swait.ge @!p0 [sflag:s8], $0x0  }
0x24: {  	s3 =	sadd.s32 $0x88, s3;
	s6 =	simm.s32 @!p1 $0x1082;
	[sflag:s4] =	ssyncset.s32 $0xFFFFF086  }
0x25: {  	[simem:s6], [sflag:s4] =	dma.local [hbm:s3], $0xF7A  }
0x26: {  	[smem:$0x3F9F] =	sst s1;
	(tag) =	ssettag s2;
	_ =	strace s9  }
0x27: {  	s1 =	sld [smem:$0x3FAF]  }
0x28: {  	s2 =	sld [smem:$0x3FB0]  }
0x29: {  	s4 =	sld [smem:$0x3FB2]  }
0x2a: {  	p0 =	seq.s32 s5, $0x0;
	s5 =	sld [smem:$0x3FB3]  }
0x2b: {  	s6 =	sld [smem:$0x3FB4]  }
0x2c: {  	s7 =	sld [smem:$0x3FB5]  }
0x2d: {  	s3 =	simm.s32 $0x108;
	s8 =	sld [smem:$0x3FB6]  }
0x2e: {  	s3 =	simm.s32 @!p0 $0x1082;
	s9 =	sld [smem:$0x3FB7]  }
0x2f: {  	lr =	sadd.s32 s0, s3;
	s0 =	sld [smem:$0x3FAE]  }
0x30: {  	s3 =	sld [smem:$0x3FB1]  }
0x31: {  	[smem:$0x3FBA] =	sst s10  }
0x32: {  	s10 =	sld [smem:$0x3FB8];
	_ =	sdelay $0x3  }
0x33: {  	p0 =	seq.s32 s10, $0x1;
	s10 =	sld [smem:$0x3FBA];
	_ =	sdelay $0x3  }
0x34: {  	[smem:$0x3FBA] =	sst s10  }
0x35: {  	s10 =	sld [smem:$0x3FB9];
	_ =	sdelay $0x3  }
0x36: {  	p1 =	seq.s32 s10, $0x1;
	s10 =	sld [smem:$0x3FBA];
	_ =	sdelay $0x3  }
0x37: {  	[smem:$0x3FBA] =	sst s10  }
0x38: {  	s10 =	sld [smem:$0x3FBB]  }
0x39: {  	_ = 	snop;
	(pc) =	sbr.ind lr, $3  }
0x3a: {  	_ = 	snop  }
0x3b: {  	_ = 	snop  }
0x3c: {  	p2 =	seq.s32 s10, $0x1;
	s10 =	sld [smem:$0x3FBA]  }
0x3d: {  	_ =	shalt  }
0x3e: {  	_ =	shalt  }
0x3f: {  	_ =	shalt  }
0x40: {  	_ =	shalt  }
0x41: {  	_ =	shalt  }
0x42: {  	_ =	shalt  }
0x43: {  	_ =	shalt  }
0x44: {  	_ =	shalt  }
0x45: {  	_ =	shalt  }
0x46: {  	_ =	shalt  }
0x47: {  	_ =	shalt  }
0x48: {  	_ =	shalt  }
0x49: {  	_ =	shalt  }
0x4a: {  	_ =	shalt  }
0x4b: {  	_ =	shalt  }
0x4c: {  	_ =	shalt  }
0x4d: {  	_ =	shalt  }
0x4e: {  	_ =	shalt  }
0x4f: {  	_ =	shalt  }
0x50: {  	_ =	shalt  }
0x51: {  	_ =	shalt  }
0x52: {  	_ =	shalt  }
0x53: {  	_ =	shalt  }
0x54: {  	_ =	shalt  }
0x55: {  	_ =	shalt  }
0x56: {  	_ =	shalt  }
0x57: {  	_ =	shalt  }
0x58: {  	_ =	shalt  }
0x59: {  	_ =	shalt  }
0x5a: {  	_ =	shalt  }
0x5b: {  	_ =	shalt  }
0x5c: {  	_ =	shalt  }
0x5d: {  	_ =	shalt  }
0x5e: {  	_ =	shalt  }
0x5f: {  	_ =	shalt  }
0x60: {  	_ =	shalt  }
0x61: {  	_ =	shalt  }
0x62: {  	_ =	shalt  }
0x63: {  	_ =	shalt  }
0x64: {  	_ =	shalt  }
0x65: {  	_ =	shalt  }
0x66: {  	_ =	shalt  }
0x67: {  	_ =	shalt  }
0x68: {  	_ =	shalt  }
0x69: {  	_ =	shalt  }
0x6a: {  	_ =	shalt  }
0x6b: {  	_ =	shalt  }
0x6c: {  	_ =	shalt  }
0x6d: {  	_ =	shalt  }
0x6e: {  	_ =	shalt  }
0x6f: {  	_ =	shalt  }
0x70: {  	_ =	shalt  }
0x71: {  	_ =	shalt  }
0x72: {  	_ =	shalt  }
0x73: {  	_ =	shalt  }
0x74: {  	_ =	shalt  }
0x75: {  	_ =	shalt  }
0x76: {  	_ =	shalt  }
0x77: {  	_ =	shalt  }
0x78: {  	_ =	shalt  }
0x79: {  	_ =	shalt  }
0x7a: {  	_ =	shalt  }
0x7b: {  	_ =	shalt  }
0x7c: {  	_ =	shalt  }
0x7d: {  	_ =	shalt  }
0x7e: {  	_ =	shalt  }
0x7f: {  	_ =	shalt  }
0x80: {  	_ =	shalt  }
0x81: {  	_ =	shalt  }
0x82: {  	_ =	shalt  }
0x83: {  	_ =	shalt  }
0x84: {  	_ =	shalt  }
0x85: {  	_ =	shalt  }
0x86: {  	_ =	shalt  }
0x87: {  	_ =	shalt  }
.Lfunc_end0:
.L_simem_size_0:
called_computation_lowered:
.L_overlay_start_0:
0x88: {  	s2 =	sld [smem:$0x3FD9]  }
0x89: {  	s3 =	sld [smem:$0x3FFE];
	_ =	sdelay $0x1  }
0x8a: {  	s1 =	srdreg.scid  }
0x8b: {  	s0 =	sand.u32 $0x1, s1  }
0x8c: {  	s18 =	sshll.u32 s0, $0xA;
	s2 =	sadd.s32 s3, s2  }
0x8d: {  	s2 =	sadd.s32 s2, s18  }
0x8e: {  	[smem:$0x3FC6] =	sst s2  }
0x8f: {  	_ = 	snop  }
0x90: {  	s2 =	sld [smem:$0x3FC9]  }
0x91: {  	s19 =	sld [smem:$0x3FC8]  }
0x92: {  	s4 =	sld [smem:$0x3FD0];
	(tm) =	ssettm $0x1  }
0x93: {  	s5 =	sld [smem:$0x3FFB];
	_ =	sdelay $0x3  }
0x94: {  	_ =	strace s5  }
0x95: {  	s5 =	sld [smem:$0x3FFC];
	_ =	sdelay $0x3  }
0x96: {  	_ =	strace s5  }
0x97: {  	s5 =	sld [smem:$0x3FFD];
	_ =	sdelay $0x3  }
0x98: {  	_ =	strace s5  }
0x99: {  	_ =	strace $0x8FFFFFFF  }
0x9a: {  	s20 =	sld [smem:$0x3FDB];
	_ =	sdelay $0x1  }
0x9b: {  	s6 =	simm.s32 $_scs_section_size  }
0x9c: {  	s7 =	simm.s32 $_size__tile_overlayer_lowered;
	s8 =	simm.s32 $_tile_overlayer_lowered  }
0x9d: {  	s23 =	simm.s32 $0x1BFF;
	s22 =	sshll.u32 s8, $0x1;
	s5 =	sadd.s32 s6, s20  }
0x9e: {  	s9 =	simm.s32 $0x0;
	s21 =	sshll.u32 s7, $0x1;
	s7 =	sadd.s32 s22, s5  }
0x9f: {  	[timem:s9], [sflag:s23] =	dma.local [hbm:s7], s21  }
0xa0: {  	_ =	swait.ge [sflag:s23], s21  }
0xa1: {  	s6 =	ssub.s32 $0x0, s21;
	[sflag:s23] =	ssyncset.done $0x0  }
0xa2: {  	[sflag:s23] =	ssyncadd.s32 s6;
	_ =	sdelay $0x1  }
0xa3: {  	s24 =	simm.s32 $0x1B8B  }
0xa4: {  	_ =	swait.ge [sflag:s24], $0x1  }
0xa5: {  	[sflag:s24] =	ssyncset.done $0x0  }
0xa6: {  	s25 =	simm.s32 $0x1B8E;
	[sflag:s24] =	ssyncadd.s32 $0xFFFFFFFF  }
0xa7: {  	s26 =	simm.s32 $execute0_lowered;
	[smem:$0x3FD2] =	sst s25  }
0xa8: {  	s6 =	sshll.u32 s26, $0x1;
	_ =	strace $0x80000046;
	[dreg:$0x1] =	wrdreg $0xFFFFFFFF  }
0xa9: {  	s28 =	simm.s32 $_size_execute0_lowered;
	s5 =	sadd.s32 s5, s6;
	[dreg:$0x0] =	wrdreg $0x0  }
0xaa: {  	s6 =	sshll.u32 s28, $0x1;
	[dreg:$0x2] =	wrdreg s5  }
0xab: {  	[dreg:$0x3] =	wrdreg s6  }
0xac: {  	[dreg:$0x4] =	wrdreg $0xC0  }
0xad: {  	_ =	task [dreg:s9], $0x5FFFF  }
0xae: {  	[dreg:$0x1] =	wrdreg $0xFFFFFFFF  }
0xaf: {  	[dreg:$0x0] =	wrdreg $0x60  }
0xb0: {  	[dreg:$0x2] =	wrdreg s2  }
0xb1: {  	[dreg:$0x3] =	wrdreg s19  }
0xb2: {  	[dreg:$0x4] =	wrdreg s4  }
0xb3: {  	[dreg:$0x5] =	wrdreg $0x9  }
0xb4: {  	_ =	task.clear_ibuf [dreg:s9], $0x6FFFF;
	_ =	strace $0x90000046  }
0xb5: {  	s29 =	simm.s32 $0x9;
	_ =	strace $0x80000048  }
0xb6: {  	_ =	swait.ge [sflag:s29], $0x1  }
0xb7: {  	[sflag:s29] =	ssyncadd.s32 $0xFFFFFFFF  }
0xb8: {  	_ =	strace $0x90000048  }
0xb9: {  	_ =	sfence  }
0xba: {  	s30 =	sld [smem:$0x0];
	_ =	sdelay $0x2  }
0xbb: {  	s31 =	sshll.u32 s1, $0xD;
	s1 =	sshrl.u32 s1, $0x2  }
0xbc: {  	s3 =	sand.u32 $0x4000, s31;
	s1 =	sadd.s32 s1, s30  }
0xbd: {  	s0 =	sor.u32 s3, s0;
	s1 =	sshll.u32 s1, $0x11  }
0xbe: {  	s0 =	sor.u32 s1, s0  }
0xbf: {  	s0 =	sadd.s32 $0x8F2B, s0  }
0xc0: {  	[sflag:s0] =	ssyncadd.remote.s32 $0x1  }
0xc1: {  	_ =	sfence.sel $0xFFFF  }
0xc2: {  	[dreg:$0x0] =	wrdreg $0xFFFFFFFF;
	(pc) =	sbr.abs _section_cstart, $3  }
0xc3: {  	[dreg:$0x1] =	wrdreg $0xFFFFFFFF  }
0xc4: {  	_ =	task.clear_ibuf [dreg:s9], $0x2FFFF;
	_ =	strace $0x9FFFFFFF  }
0xc5: {  	(tm) =	ssettm $0x7FFFFFFF  }
tec
execute0_lowered:
.L_overlay_start_1:
0x0: {  	(tag) =	ssettag $0x1  }
0x1: {  	s2 =	rddreg [dreg:$0x0]  }
0x2: {  	s1 =	rddreg [dreg:$0x1]  }
0x3: {  	s0 =	rddreg [dreg:$0x2];
	s4 =	srdreg.scid;
	s3 =	simm.s32 $0x0  }
0x4: {  	s9 =	stileid.u32;
	s28 =	simm.s32 $0x6800;
	s31 =	simm.s32 $0x800  }
0x5: {  	s4 =	sand.u32 $0x1, s4;
	[smem:$0x7FF] =	sst s3;
	s7 =	sshll.u32 s9, $0x8  }
0x6: {  	s9 =	sshll.u32 s9, $0xF;
	s5 =	ssub.s32 $0x2, s4;
	_ =	strace $0x80000047  }
0x7: {  	s8 =	sshll.u32 s4, $0x7;
	s4 =	sshll.u32 s4, $0xE;
	s6 =	sshrl.u32 s5, $0x1  }
0x8: {  	s23 =	sor.u32 s8, s7;
	s4 =	sor.u32 s4, s9;
	s5 =	ssub.s32 s5, s6  }
0x9: {  	s6 =	sadd.s32 s2, s23;
	s24 =	sshrl.u32 s4, $0x3;
	s25 =	sor.u32 $0x180000, s4  }
0xa: {  	s26 =	sor.u32 $0x980000, s4;
	s9 =	sor.u32 $0x900000, s4;
	s2 =	sadd.s32 s7, s2  }
0xb: {  	s11 =	sor.u32 $0x780000, s4;
	s12 =	sor.u32 $0x700000, s4;
	s13 =	sor.u32 $0x680000, s4  }
0xc: {  	s16 =	sor.u32 $0x600000, s4;
	s17 =	sor.u32 $0x580000, s4;
	s18 =	sor.u32 $0x500000, s4  }
0xd: {  	s21 =	sor.u32 $0x480000, s4;
	s22 =	sor.u32 $0x400000, s4;
	s23 =	sor.u32 $0x380000, s4  }
0xe: {  	s7 =	simm.s32 $0xA800;
	[dreg:$0x4] =	wrdreg s6;
	s5 =	smax.u32 s5, $0x1  }
0xf: {  	s6 =	sshrl.u32 s26, $0x3;
	s30 =	sshrl.u32 s9, $0x3;
	s9 =	sor.u32 $0x800000, s4  }
0x10: {  	s2 =	sadd.s32 s8, s2;
	s26 =	sor.u32 $0x300000, s4;
	[dreg:$0x5] =	wrdreg s5  }
0x11: {  	s5 =	sadd.s32 s24, s0;
	s29 =	sadd.s32 s6, s0;
	[dreg:$0xb] =	wrdreg s2  }
0x12: {  	s6 =	sor.u32 $0x880000, s4;
	s2 =	sshrl.u32 s11, $0x3;
	[dreg:$0x6] =	wrdreg s5  }
0x13: {  	s5 =	sshrl.u32 s25, $0x3;
	[dreg:$0x8] =	wrdreg s29;
	s2 =	sadd.s32 s2, s0  }
0x14: {  	s29 =	sor.u32 $0x280000, s4;
	s4 =	sor.u32 $0x200000, s4;
	s5 =	sadd.s32 s5, s0  }
0x15: {  	[dreg:$0xd] =	wrdreg s2;
	s2 =	sshrl.u32 s16, $0x3;
	s4 =	sshrl.u32 s4, $0x3  }
0x16: {  	s16 =	simm.s32 $0x7;
	[dreg:$0x7] =	wrdreg s5;
	s5 =	sadd.s32 s30, s0  }
0x17: {  	s2 =	sadd.s32 s2, s0;
	[dreg:$0x9] =	wrdreg s5;
	s5 =	sshrl.u32 s6, $0x3  }
0x18: {  	s6 =	sshrl.u32 s9, $0x3;
	[dreg:$0x10] =	wrdreg s2;
	s2 =	sshrl.u32 s21, $0x3  }
0x19: {  	s9 =	simm.s32 $0x3;
	s5 =	sadd.s32 s5, s0;
	s10 =	sadd.s32 s6, s0  }
0x1a: {  	s6 =	sshrl.u32 s13, $0x3;
	s2 =	sadd.s32 s2, s0;
	[dreg:$0xa] =	wrdreg s5  }
0x1b: {  	[dreg:$0xc] =	wrdreg s10;
	s5 =	sshrl.u32 s12, $0x3;
	s15 =	sadd.s32 s6, s0  }
0x1c: {  	s6 =	sshrl.u32 s18, $0x3;
	[dreg:$0x13] =	wrdreg s2;
	s2 =	sshrl.u32 s26, $0x3  }
0x1d: {  	s26 =	simm.s32 $0x40;
	s10 =	simm.s32 $0x1;
	s12 =	simm.s32 $0x4  }
0x1e: {  	s14 =	sadd.s32 s5, s0;
	[dreg:$0xf] =	wrdreg s15;
	s5 =	sshrl.u32 s17, $0x3  }
0x1f: {  	s20 =	sadd.s32 s6, s0;
	s6 =	sshrl.u32 s23, $0x3;
	s2 =	sadd.s32 s2, s0  }
0x20: {  	s15 =	simm.s32 $0x8;
	s17 =	simm.s32 $0x9;
	[dreg:$0xe] =	wrdreg s14  }
0x21: {  	s19 =	sadd.s32 s5, s0;
	[dreg:$0x12] =	wrdreg s20;
	s5 =	sshrl.u32 s22, $0x3  }
0x22: {  	s25 =	sadd.s32 s6, s0;
	[dreg:$0x16] =	wrdreg s2;
	s6 =	simm.s32 $0x2  }
.Ltmp0:
0x23: {  	s14 =	simm.s32 $0x5;
	[dreg:$0x11] =	wrdreg s19;
	(pc) =	sbr.rel .LBB2_1-.Ltmp0, $4  }
0x24: {  	s24 =	sadd.s32 s5, s0;
	[dreg:$0x15] =	wrdreg s25;
	s5 =	sshrl.u32 s29, $0x3  }
0x25: {  	s25 =	simm.s32 $0x2800;
	[dreg:$0x14] =	wrdreg s24;
	s30 =	sadd.s32 s5, s0  }
0x26: {  	s0 =	sadd.s32 s4, s0;
	s24 =	simm.s32 $0x800;
	[dreg:$0x17] =	wrdreg s30  }
0x27: {  	s5 =	simm.s32 $0x4800;
	s4 =	simm.s32 $0x0;
	[dreg:$0x18] =	wrdreg s0  }
.LBB2_4:
0x28: {  	s0 =	simm.s32 $0x6  }
0x29: {  	_ =	swait.ge [sflag:s0], $0x4000  }
0x2a: {  	[sflag:s0] =	ssyncset.done $0x0  }
0x2b: {  	s23 =	simm.s32 $0x7;
	[sflag:s0] =	ssyncadd.s32 $0xFFFFC000  }
0x2c: {  	_ =	swait.ge [sflag:s23], $0x4000  }
0x2d: {  	[sflag:s23] =	ssyncset.done $0x0  }
0x2e: {  	[sflag:s23] =	ssyncadd.s32 $0xFFFFC000  }
0x2f: {  	_ =	swait.ge [sflag:s15], $0x4000  }
0x30: {  	[sflag:s15] =	ssyncset.done $0x0  }
0x31: {  	s29 =	simm.s32 $0x9;
	[sflag:s15] =	ssyncadd.s32 $0xFFFFC000  }
0x32: {  	_ =	swait.ge [sflag:s29], $0x4000  }
0x33: {  	[sflag:s29] =	ssyncset.done $0x0  }
0x34: {  	s30 =	simm.s32 $0xA;
	[sflag:s29] =	ssyncadd.s32 $0xFFFFC000  }
0x35: {  	_ =	swait.ge [sflag:s30], $0x4000  }
0x36: {  	s4 =	rddreg [dreg:$0x19]  }
0x37: {  	s2 =	rddreg [dreg:$0x5];
	s4 =	sadd.s32 $0x1, s4  }
0x38: {  	p0 =	sne.s32 s4, s2  }
.Ltmp1:
0x39: {  	_ = 	snop;
	(pc) =	sbr.rel @!p0 .LBB2_5-.Ltmp1, $3  }
0x3a: {  	_ =	sdelay $0x1  }
0x3b: {  	[sflag:s30] =	ssyncset.done $0x0  }
0x3c: {  	[sflag:s30] =	ssyncadd.s32 $0xFFFFC000  }
.LBB2_1:
0x3d: {  	[dreg:$0x19] =	wrdreg s4  }
0x3e: {  	s2 =	rddreg [dreg:$0x4];
	s22 =	simm.s32 $0xC  }
0x3f: {  	[tilespmem:s3], [sflag:$0xC] =	stream.linear.gather [hbm4b:s2+s3], $0x400, $0x38;
	[tilespmem:$0x14800] =	vst v63  }
0x40: {  	_ =	swait.ge [sflag:s22], $0x400  }
0x41: {  	[sflag:s22] =	ssyncset.done $0x0  }
0x42: {  	[sflag:s22] =	ssyncadd.s32 $0xFFFFFC00  }
0x43: {  	[tilespmem:s24], [sflag:$0x1] =	stream.indirect.gather [hbm4b:s1+s26], $0x80, s3, s26, $0xb8;
	[tilespmem:$0x14800] =	vst v63  }
0x44: {  	s23 =	simm.s32 $0x80  }
0x45: {  	[tilespmem:s25], [sflag:$0x1] =	stream.indirect.gather [hbm4b:s1+s26], $0x80, s26, s26, $0xb8;
	[tilespmem:$0x14800] =	vst v63  }
0x46: {  	s0 =	simm.s32 $0x100;
	s18 =	simm.s32 $0x980;
	s19 =	simm.s32 $0x300  }
0x47: {  	[tilespmem:s5], [sflag:$0x2] =	stream.indirect.gather [hbm4b:s1+s26], $0x80, s23, s26, $0xb8;
	[tilespmem:$0x14800] =	vst v63  }
0x48: {  	s21 =	simm.s32 $0x0;
	s30 =	simm.s32 $0x0;
	s24 =	simm.s32 $0xC0  }
0x49: {  	[tilespmem:s28], [sflag:$0x2] =	stream.indirect.gather [hbm4b:s1+s26], $0x80, s24, s26, $0xb8;
	[tilespmem:$0x14800] =	vst v63  }
0x4a: {  	s29 =	simm.s32 $0xA800;
	[dreg:$0x1a] =	wrdreg s30;
	s25 =	simm.s32 $0x8800  }
0x4b: {  	[tilespmem:s25], [sflag:$0x3] =	stream.indirect.gather [hbm4b:s1+s26], $0x80, s0, s26, $0xb8;
	[tilespmem:$0x14800] =	vst v63  }
0x4c: {  	s23 =	simm.s32 $0x0;
	s28 =	simm.s32 $0x140;
	s0 =	simm.s32 $0x8800  }
0x4d: {  	[tilespmem:s7], [sflag:$0x3] =	stream.indirect.gather [hbm4b:s1+s26], $0x80, s28, s26, $0xb8;
	[tilespmem:$0x14800] =	vst v63  }
.LBB2_2:
0x4e: {  	s22 =	rddreg [dreg:$0x1a]  }
0x4f: {  	s5 =	sand.u32 $0x4, s22  }
0x50: {  	[dreg:$0x1b] =	wrdreg s5;
	p0 =	sne.s32 s5, $0x0  }
0x51: {  	p1 =	seq.s32 s5, $0x0;
	_ =	swait.ge [sflag:s10], $0x4000;
	s2 =	sxor.u32 @!p0 $0xFFFFFFFF, s21  }
0x52: {  	s4 =	simm.s32 @!p0 $0x0;
	[sflag:s10] =	ssyncset.done $0x0;
	s28 =	rddreg [dreg:$0xb]  }
0x53: {  	s20 =	sand.u32 @!p0 $0x1000, s2;
	s8 =	rddreg [dreg:$0x6];
	s2 =	sadd.s32 @!p0 s21, s28  }
0x54: {  	[sflag:s10] =	ssyncadd.s32 $0xFFFFC000;
	s24 =	sshrl.u32 @!p0 s20, $0x2;
	s30 =	sadd.s32 @!p0 $0x1000, s2  }
0x55: {  	[tilespmem:s24], [sflag:$0xB] =	stream.linear.gather @!p0 [hbm4b:s30+s4], $0x400, $0x38;
	[tilespmem:$0x14800] =	vst v63  }
0x56: {  	s30 =	sadd.s32 s23, s8;
	s24 =	simm.s32 @!p1 $0xB  }
0x57: {  	[hbm4b:s30+s3] =	stream.linear.scatter [tilespmem:s31], [sflag:$0x6], $0x4000, $0x38;
	[tilespmem:$0x14800] =	vst v63  }
0x58: {  	_ =	swait.ge @!p1 [sflag:s24], $0x400  }
0x59: {  	p2 =	seq.s32 s23, $0x0;
	[sflag:s24] =	ssyncset.done @!p1 $0x0  }
0x5a: {  	s25 =	simm.s32 @!p2 $0x9;
	[sflag:s24] =	ssyncadd.s32 @!p1 $0xFFFFFC00  }
0x5b: {  	s7 =	sadd.s32 $0xFFFFF800, s18;
	s24 =	sadd.s32 $0xFFFFFD00, s19;
	_ =	swait.ge @!p2 [sflag:s25], $0x4000  }
0x5c: {  	s8 =	sand.u32 $0x380, s7;
	s11 =	sand.u32 $0x400, s24;
	[sflag:s25] =	ssyncset.done @!p2 $0x0  }
0x5d: {  	s8 =	sor.u32 s8, s11;
	s11 =	simm.s32 $0xC800;
	[sflag:s25] =	ssyncadd.s32 @!p2 $0xFFFFC000  }
0x5e: {  	[tilespmem:s11], [sflag:$0x4] =	stream.indirect.gather [hbm4b:s1+s26], $0x80, s8, s26, $0xb8;
	[tilespmem:$0x14800] =	vst v63  }
0x5f: {  	s13 =	simm.s32 $0xE800;
	s8 =	sor.u32 $0x40, s8  }
0x60: {  	[tilespmem:s13], [sflag:$0x4] =	stream.indirect.gather [hbm4b:s1+s26], $0x80, s8, s26, $0xb8;
	[tilespmem:$0x14800] =	vst v63  }
0x61: {  	_ =	swait.ge [sflag:s6], $0x4000  }
0x62: {  	s7 =	simm.s32 $0x4800;
	[sflag:s6] =	ssyncset.done $0x0  }
0x63: {  	s25 =	sadd.s32 $0x10000, s30;
	s8 =	simm.s32 @!p2 $0xA;
	[sflag:s6] =	ssyncadd.s32 $0xFFFFC000  }
0x64: {  	[hbm4b:s25+s3] =	stream.linear.scatter [tilespmem:s7], [sflag:$0x7], $0x4000, $0x38;
	[tilespmem:$0x14800] =	vst v63  }
0x65: {  	_ =	swait.ge @!p2 [sflag:s8], $0x4000  }
0x66: {  	s4 =	sadd.s32 $0xFFFFF880, s18;
	[sflag:s8] =	ssyncset.done @!p2 $0x0  }
0x67: {  	s11 =	sand.u32 $0x600, s4;
	s13 =	simm.s32 $0x10800;
	[sflag:s8] =	ssyncadd.s32 @!p2 $0xFFFFC000  }
0x68: {  	[tilespmem:s13], [sflag:$0x5] =	stream.indirect.gather [hbm4b:s1+s26], $0x80, s11, s26, $0xb8;
	[tilespmem:$0x14800] =	vst v63  }
0x69: {  	s25 =	simm.s32 $0x12800;
	s8 =	sor.u32 $0x40, s11  }
0x6a: {  	[tilespmem:s25], [sflag:$0x5] =	stream.indirect.gather [hbm4b:s1+s26], $0x80, s8, s26, $0xb8;
	[tilespmem:$0x14800] =	vst v63  }
0x6b: {  	_ =	swait.ge [sflag:s9], $0x4000  }
0x6c: {  	[sflag:s9] =	ssyncset.done $0x0  }
0x6d: {  	s30 =	sadd.s32 $0x20000, s30;
	s13 =	simm.s32 $0x6;
	[sflag:s9] =	ssyncadd.s32 $0xFFFFC000  }
0x6e: {  	[hbm4b:s30+s3] =	stream.linear.scatter [tilespmem:s0], [sflag:$0x8], $0x4000, $0x38;
	[tilespmem:$0x14800] =	vst v63  }
0x6f: {  	_ =	swait.ge [sflag:s13], $0x4000  }
0x70: {  	s0 =	sadd.s32 $0xFFFFF900, s18;
	[sflag:s13] =	ssyncset.done $0x0  }
0x71: {  	s8 =	sand.u32 $0x680, s0;
	[sflag:s13] =	ssyncadd.s32 $0xFFFFC000  }
0x72: {  	[tilespmem:s31], [sflag:$0x1] =	stream.indirect.gather [hbm4b:s1+s26], $0x80, s8, s26, $0xb8;
	[tilespmem:$0x14800] =	vst v63  }
0x73: {  	s4 =	simm.s32 $0x2800;
	s8 =	sor.u32 $0x40, s8  }
0x74: {  	[tilespmem:s4], [sflag:$0x1] =	stream.indirect.gather [hbm4b:s1+s26], $0x80, s8, s26, $0xb8;
	[tilespmem:$0x14800] =	vst v63  }
0x75: {  	_ =	swait.ge [sflag:s12], $0x4000  }
0x76: {  	[sflag:s12] =	ssyncset.done $0x0;
	s11 =	rddreg [dreg:$0x7]  }
0x77: {  	s20 =	simm.s32 $0xC800;
	[sflag:s12] =	ssyncadd.s32 $0xFFFFC000;
	s8 =	sadd.s32 s23, s11  }
0x78: {  	[hbm4b:s8+s3] =	stream.linear.scatter [tilespmem:s20], [sflag:$0x9], $0x4000, $0x38;
	[tilespmem:$0x14800] =	vst v63  }
0x79: {  	_ =	swait.ge [sflag:s16], $0x4000  }
0x7a: {  	s25 =	sadd.s32 $0xFFFFF980, s18;
	[sflag:s16] =	ssyncset.done $0x0  }
0x7b: {  	s8 =	sand.u32 $0x700, s25;
	[sflag:s16] =	ssyncadd.s32 $0xFFFFC000  }
0x7c: {  	[tilespmem:s7], [sflag:$0x2] =	stream.indirect.gather [hbm4b:s1+s26], $0x80, s8, s26, $0xb8;
	[tilespmem:$0x14800] =	vst v63  }
0x7d: {  	s30 =	simm.s32 $0x6800;
	s8 =	sor.u32 $0x40, s8  }
0x7e: {  	[tilespmem:s30], [sflag:$0x2] =	stream.indirect.gather [hbm4b:s1+s26], $0x80, s8, s26, $0xb8;
	[tilespmem:$0x14800] =	vst v63  }
0x7f: {  	_ =	swait.ge [sflag:s14], $0x4000  }
0x80: {  	s11 =	simm.s32 @p1 $0x0;
	[sflag:s14] =	ssyncset.done $0x0;
	s30 =	rddreg [dreg:$0x18]  }
0x81: {  	s25 =	simm.s32 @p1 $0x10800;
	[sflag:s14] =	ssyncadd.s32 $0xFFFFC000;
	s8 =	sadd.s32 @p1 s23, s30  }
0x82: {  	[hbm4b:s8+s11] =	stream.linear.scatter @p1 [tilespmem:s25], [sflag:$0xA], $0x4000, $0x38;
	[tilespmem:$0x14800] =	vst v63  }
0x83: {  	s8 =	simm.s32 @p1 $0xB  }
0x84: {  	_ =	swait.ge @p1 [sflag:s8], $0x400  }
0x85: {  	s11 =	sadd.s32 @!p1 $0x1800, s21;
	[sflag:s8] =	ssyncset.done @p1 $0x0  }
0x86: {  	[sflag:s8] =	ssyncadd.s32 @p1 $0xFFFFFC00;
	s8 =	sand.u32 @!p1 $0x1000, s11;
	s11 =	sadd.s32 @!p1 s21, s28  }
0x87: {  	s25 =	simm.s32 @!p1 $0x0;
	s8 =	sshrl.u32 @!p1 s8, $0x2;
	s11 =	sadd.s32 @!p1 $0x1800, s11  }
0x88: {  	[tilespmem:s8], [sflag:$0xB] =	stream.linear.gather @!p1 [hbm4b:s11+s25], $0x400, $0x38;
	[tilespmem:$0x14800] =	vst v63  }
0x89: {  	s8 =	sadd.s32 @!p1 s23, s30;
	s11 =	simm.s32 @!p1 $0x10800  }
0x8a: {  	[hbm4b:s8+s25] =	stream.linear.scatter @!p1 [tilespmem:s11], [sflag:$0xA], $0x4000, $0x38;
	[tilespmem:$0x14800] =	vst v63  }
0x8b: {  	_ =	swait.ge [sflag:s15], $0x4000  }
0x8c: {  	s11 =	sadd.s32 $0xFFFFFA00, s18;
	[sflag:s15] =	ssyncset.done $0x0  }
0x8d: {  	s0 =	simm.s32 $0x8800;
	s8 =	sand.u32 $0x780, s11;
	[sflag:s15] =	ssyncadd.s32 $0xFFFFC000  }
0x8e: {  	[tilespmem:s0], [sflag:$0x3] =	stream.indirect.gather [hbm4b:s1+s26], $0x80, s8, s26, $0xb8;
	[tilespmem:$0x14800] =	vst v63  }
0x8f: {  	s8 =	sor.u32 $0x40, s8  }
0x90: {  	[tilespmem:s29], [sflag:$0x3] =	stream.indirect.gather [hbm4b:s1+s26], $0x80, s8, s26, $0xb8;
	[tilespmem:$0x14800] =	vst v63  }
0x91: {  	_ =	swait.ge [sflag:s10], $0x4000  }
0x92: {  	[sflag:s10] =	ssyncset.done $0x0;
	s25 =	rddreg [dreg:$0x17]  }
0x93: {  	[sflag:s10] =	ssyncadd.s32 $0xFFFFC000;
	s8 =	sadd.s32 s23, s25  }
0x94: {  	[hbm4b:s8+s3] =	stream.linear.scatter [tilespmem:s31], [sflag:$0x6], $0x4000, $0x38;
	[tilespmem:$0x14800] =	vst v63  }
0x95: {  	s30 =	sadd.s32 $0xFFFFFA80, s18;
	_ =	swait.ge [sflag:s17], $0x4000  }
0x96: {  	s4 =	sand.u32 $0x200, s24;
	s8 =	sand.u32 $0x400, s30;
	[sflag:s17] =	ssyncset.done $0x0  }
0x97: {  	s8 =	sor.u32 s4, s8;
	[sflag:s17] =	ssyncadd.s32 $0xFFFFC000  }
0x98: {  	[tilespmem:s20], [sflag:$0x4] =	stream.indirect.gather [hbm4b:s1+s26], $0x80, s8, s26, $0xb8;
	[tilespmem:$0x14800] =	vst v63  }
0x99: {  	s5 =	simm.s32 $0xE800;
	s8 =	sor.u32 $0x40, s8  }
0x9a: {  	[tilespmem:s5], [sflag:$0x4] =	stream.indirect.gather [hbm4b:s1+s26], $0x80, s8, s26, $0xb8;
	[tilespmem:$0x14800] =	vst v63  }
0x9b: {  	_ =	swait.ge [sflag:s6], $0x4000  }
0x9c: {  	[sflag:s6] =	ssyncset.done $0x0;
	s11 =	rddreg [dreg:$0x16]  }
0x9d: {  	s4 =	simm.s32 $0xA;
	[sflag:s6] =	ssyncadd.s32 $0xFFFFC000;
	s8 =	sadd.s32 s23, s11  }
0x9e: {  	[hbm4b:s8+s3] =	stream.linear.scatter [tilespmem:s7], [sflag:$0x7], $0x4000, $0x38;
	[tilespmem:$0x14800] =	vst v63  }
0x9f: {  	_ =	swait.ge [sflag:s4], $0x4000  }
0xa0: {  	s25 =	sadd.s32 $0xFFFFFB00, s18;
	[sflag:s4] =	ssyncset.done $0x0  }
0xa1: {  	s30 =	simm.s32 $0x10800;
	s8 =	sand.u32 $0x680, s25;
	[sflag:s4] =	ssyncadd.s32 $0xFFFFC000  }
0xa2: {  	[tilespmem:s30], [sflag:$0x5] =	stream.indirect.gather [hbm4b:s1+s26], $0x80, s8, s26, $0xb8;
	[tilespmem:$0x14800] =	vst v63  }
0xa3: {  	s5 =	simm.s32 $0x12800;
	s8 =	sor.u32 $0x40, s8  }
0xa4: {  	[tilespmem:s5], [sflag:$0x5] =	stream.indirect.gather [hbm4b:s1+s26], $0x80, s8, s26, $0xb8;
	[tilespmem:$0x14800] =	vst v63  }
0xa5: {  	_ =	swait.ge [sflag:s9], $0x4000  }
0xa6: {  	[sflag:s9] =	ssyncset.done $0x0;
	s11 =	rddreg [dreg:$0x15]  }
0xa7: {  	[sflag:s9] =	ssyncadd.s32 $0xFFFFC000;
	s8 =	sadd.s32 s23, s11  }
0xa8: {  	[hbm4b:s8+s3] =	stream.linear.scatter [tilespmem:s0], [sflag:$0x8], $0x4000, $0x38;
	[tilespmem:$0x14800] =	vst v63  }
0xa9: {  	_ =	swait.ge [sflag:s13], $0x4000  }
0xaa: {  	s25 =	sadd.s32 $0xFFFFFB80, s18;
	[sflag:s13] =	ssyncset.done $0x0  }
0xab: {  	s8 =	sand.u32 $0x700, s25;
	[sflag:s13] =	ssyncadd.s32 $0xFFFFC000  }
0xac: {  	[tilespmem:s31], [sflag:$0x1] =	stream.indirect.gather [hbm4b:s1+s26], $0x80, s8, s26, $0xb8;
	[tilespmem:$0x14800] =	vst v63  }
0xad: {  	s30 =	simm.s32 $0x2800;
	s8 =	sor.u32 $0x40, s8  }
0xae: {  	[tilespmem:s30], [sflag:$0x1] =	stream.indirect.gather [hbm4b:s1+s26], $0x80, s8, s26, $0xb8;
	[tilespmem:$0x14800] =	vst v63  }
0xaf: {  	_ =	swait.ge [sflag:s12], $0x4000  }
0xb0: {  	s11 =	simm.s32 @p0 $0x0;
	[sflag:s12] =	ssyncset.done $0x0;
	s30 =	rddreg [dreg:$0x14]  }
0xb1: {  	s25 =	simm.s32 @p0 $0xC800;
	[sflag:s12] =	ssyncadd.s32 $0xFFFFC000;
	s8 =	sadd.s32 @p0 s23, s30  }
0xb2: {  	[hbm4b:s8+s11] =	stream.linear.scatter @p0 [tilespmem:s25], [sflag:$0x9], $0x4000, $0x38;
	[tilespmem:$0x14800] =	vst v63  }
0xb3: {  	s8 =	simm.s32 @p0 $0xB  }
0xb4: {  	s11 =	sadd.s32 @!p0 $0x2000, s21;
	_ =	swait.ge @p0 [sflag:s8], $0x400  }
0xb5: {  	s25 =	simm.s32 @!p0 $0x0;
	s11 =	sand.u32 @!p0 $0x1000, s11;
	[sflag:s8] =	ssyncset.done @p0 $0x0  }
0xb6: {  	[sflag:s8] =	ssyncadd.s32 @p0 $0xFFFFFC00;
	s8 =	sshrl.u32 @!p0 s11, $0x2;
	s11 =	sadd.s32 @!p0 $0x2000, s2  }
0xb7: {  	[tilespmem:s8], [sflag:$0xB] =	stream.linear.gather @!p0 [hbm4b:s11+s25], $0x400, $0x38;
	[tilespmem:$0x14800] =	vst v63  }
0xb8: {  	s8 =	sadd.s32 @!p0 s23, s30;
	s11 =	simm.s32 @!p0 $0xC800  }
0xb9: {  	[hbm4b:s8+s25] =	stream.linear.scatter @!p0 [tilespmem:s11], [sflag:$0x9], $0x4000, $0x38;
	[tilespmem:$0x14800] =	vst v63  }
0xba: {  	_ =	swait.ge [sflag:s16], $0x4000  }
0xbb: {  	s25 =	sadd.s32 $0xFFFFFC00, s18;
	[sflag:s16] =	ssyncset.done $0x0  }
0xbc: {  	s8 =	sand.u32 $0x780, s25;
	[sflag:s16] =	ssyncadd.s32 $0xFFFFC000  }
0xbd: {  	[tilespmem:s7], [sflag:$0x2] =	stream.indirect.gather [hbm4b:s1+s26], $0x80, s8, s26, $0xb8;
	[tilespmem:$0x14800] =	vst v63  }
0xbe: {  	s30 =	simm.s32 $0x6800;
	s8 =	sor.u32 $0x40, s8  }
0xbf: {  	[tilespmem:s30], [sflag:$0x2] =	stream.indirect.gather [hbm4b:s1+s26], $0x80, s8, s26, $0xb8;
	[tilespmem:$0x14800] =	vst v63  }
0xc0: {  	_ =	swait.ge [sflag:s14], $0x4000  }
0xc1: {  	[sflag:s14] =	ssyncset.done $0x0;
	s25 =	rddreg [dreg:$0x13]  }
0xc2: {  	s11 =	simm.s32 $0x10800;
	[sflag:s14] =	ssyncadd.s32 $0xFFFFC000;
	s8 =	sadd.s32 s23, s25  }
0xc3: {  	[hbm4b:s8+s3] =	stream.linear.scatter [tilespmem:s11], [sflag:$0xA], $0x4000, $0x38;
	[tilespmem:$0x14800] =	vst v63  }
0xc4: {  	_ =	swait.ge [sflag:s15], $0x4000  }
0xc5: {  	s30 =	sadd.s32 $0xFFFFFC80, s18;
	[sflag:s15] =	ssyncset.done $0x0  }
0xc6: {  	s8 =	sand.u32 $0x600, s30;
	[sflag:s15] =	ssyncadd.s32 $0xFFFFC000  }
0xc7: {  	[tilespmem:s0], [sflag:$0x3] =	stream.indirect.gather [hbm4b:s1+s26], $0x80, s8, s26, $0xb8;
	[tilespmem:$0x14800] =	vst v63  }
0xc8: {  	s8 =	sor.u32 $0x40, s8  }
0xc9: {  	[tilespmem:s29], [sflag:$0x3] =	stream.indirect.gather [hbm4b:s1+s26], $0x80, s8, s26, $0xb8;
	[tilespmem:$0x14800] =	vst v63  }
0xca: {  	_ =	swait.ge [sflag:s10], $0x4000  }
0xcb: {  	[sflag:s10] =	ssyncset.done $0x0;
	s25 =	rddreg [dreg:$0x12]  }
0xcc: {  	[sflag:s10] =	ssyncadd.s32 $0xFFFFC000;
	s8 =	sadd.s32 s23, s25  }
0xcd: {  	[hbm4b:s8+s3] =	stream.linear.scatter [tilespmem:s31], [sflag:$0x6], $0x4000, $0x38;
	[tilespmem:$0x14800] =	vst v63  }
0xce: {  	_ =	swait.ge [sflag:s17], $0x4000  }
0xcf: {  	s30 =	sadd.s32 $0xFFFFFD00, s18;
	[sflag:s17] =	ssyncset.done $0x0  }
0xd0: {  	s8 =	sand.u32 $0x680, s30;
	[sflag:s17] =	ssyncadd.s32 $0xFFFFC000  }
0xd1: {  	[tilespmem:s20], [sflag:$0x4] =	stream.indirect.gather [hbm4b:s1+s26], $0x80, s8, s26, $0xb8;
	[tilespmem:$0x14800] =	vst v63  }
0xd2: {  	s25 =	simm.s32 $0xE800;
	s8 =	sor.u32 $0x40, s8  }
0xd3: {  	[tilespmem:s25], [sflag:$0x4] =	stream.indirect.gather [hbm4b:s1+s26], $0x80, s8, s26, $0xb8;
	[tilespmem:$0x14800] =	vst v63  }
0xd4: {  	_ =	swait.ge [sflag:s6], $0x4000  }
0xd5: {  	[sflag:s6] =	ssyncset.done $0x0;
	s30 =	rddreg [dreg:$0x11]  }
0xd6: {  	[sflag:s6] =	ssyncadd.s32 $0xFFFFC000;
	s8 =	sadd.s32 s23, s30  }
0xd7: {  	[hbm4b:s8+s3] =	stream.linear.scatter [tilespmem:s7], [sflag:$0x7], $0x4000, $0x38;
	[tilespmem:$0x14800] =	vst v63  }
0xd8: {  	_ =	swait.ge [sflag:s4], $0x4000  }
0xd9: {  	s20 =	sadd.s32 $0xFFFFFD80, s18;
	[sflag:s4] =	ssyncset.done $0x0  }
0xda: {  	s8 =	sand.u32 $0x700, s20;
	[sflag:s4] =	ssyncadd.s32 $0xFFFFC000  }
0xdb: {  	[tilespmem:s11], [sflag:$0x5] =	stream.indirect.gather [hbm4b:s1+s26], $0x80, s8, s26, $0xb8;
	[tilespmem:$0x14800] =	vst v63  }
0xdc: {  	s25 =	sadd.s32 $0xC, s22;
	s8 =	sor.u32 $0x40, s8  }
0xdd: {  	[tilespmem:s5], [sflag:$0x5] =	stream.indirect.gather [hbm4b:s1+s26], $0x80, s8, s26, $0xb8;
	[tilespmem:$0x14800] =	vst v63  }
0xde: {  	p1 =	seq.s32 s23, $0xB40000;
	s8 =	sand.u32 $0x4, s25  }
0xdf: {  	p2 =	sne.s32 @!p1 s8, $0x0  }
0xe0: {  	_ =	swait.ge [sflag:s9], $0x4000;
	p2 =	por p2, p1  }
0xe1: {  	[sflag:s9] =	ssyncset.done $0x0;
	s11 =	sadd.s32 @!p2 $0x2800, s21  }
0xe2: {  	[sflag:s9] =	ssyncadd.s32 $0xFFFFC000;
	s25 =	sadd.s32 @!p2 s21, s28;
	s11 =	sand.u32 @!p2 $0x1000, s11  }
0xe3: {  	s30 =	simm.s32 @!p2 $0x0;
	s25 =	sadd.s32 @!p2 $0x2800, s25;
	s11 =	sshrl.u32 @!p2 s11, $0x2  }
0xe4: {  	[tilespmem:s11], [sflag:$0xB] =	stream.linear.gather @!p2 [hbm4b:s25+s30], $0x400, $0x38;
	[tilespmem:$0x14800] =	vst v63  }
0xe5: {  	s30 =	rddreg [dreg:$0x10];
	p2 =	seq.s32 @!p1 s8, $0x0  }
0xe6: {  	s11 =	sadd.s32 s23, s30;
	p2 =	por p2, p1  }
0xe7: {  	[hbm4b:s11+s3] =	stream.linear.scatter [tilespmem:s0], [sflag:$0x8], $0x4000, $0x38;
	[tilespmem:$0x14800] =	vst v63  }
0xe8: {  	s8 =	simm.s32 @!p2 $0xB  }
0xe9: {  	_ =	swait.ge @!p2 [sflag:s8], $0x400  }
0xea: {  	[sflag:s8] =	ssyncset.done @!p2 $0x0  }
0xeb: {  	[sflag:s8] =	ssyncadd.s32 @!p2 $0xFFFFFC00  }
0xec: {  	_ =	swait.ge [sflag:s13], $0x4000  }
0xed: {  	s5 =	sadd.s32 $0xFFFFFE00, s18;
	[sflag:s13] =	ssyncset.done $0x0  }
0xee: {  	s8 =	sand.u32 $0x780, s5;
	[sflag:s13] =	ssyncadd.s32 $0xFFFFC000  }
0xef: {  	[tilespmem:s31], [sflag:$0x1] =	stream.indirect.gather [hbm4b:s1+s26], $0x80, s8, s26, $0xb8;
	[tilespmem:$0x14800] =	vst v63  }
0xf0: {  	s11 =	simm.s32 $0x2800;
	s8 =	sor.u32 $0x40, s8  }
0xf1: {  	[tilespmem:s11], [sflag:$0x1] =	stream.indirect.gather [hbm4b:s1+s26], $0x80, s8, s26, $0xb8;
	[tilespmem:$0x14800] =	vst v63  }
0xf2: {  	_ =	swait.ge [sflag:s12], $0x4000  }
0xf3: {  	[sflag:s12] =	ssyncset.done $0x0;
	s13 =	rddreg [dreg:$0xf]  }
0xf4: {  	s11 =	simm.s32 $0xC800;
	[sflag:s12] =	ssyncadd.s32 $0xFFFFC000;
	s8 =	sadd.s32 s23, s13  }
0xf5: {  	[hbm4b:s8+s3] =	stream.linear.scatter [tilespmem:s11], [sflag:$0x9], $0x4000, $0x38;
	[tilespmem:$0x14800] =	vst v63  }
0xf6: {  	_ =	swait.ge [sflag:s16], $0x4000  }
0xf7: {  	[sflag:s16] =	ssyncset.done $0x0  }
0xf8: {  	s24 =	sand.u32 $0x600, s24;
	[sflag:s16] =	ssyncadd.s32 $0xFFFFC000  }
0xf9: {  	[tilespmem:s7], [sflag:$0x2] =	stream.indirect.gather [hbm4b:s1+s26], $0x80, s24, s26, $0xb8;
	[tilespmem:$0x14800] =	vst v63  }
0xfa: {  	s30 =	simm.s32 $0x6800;
	s8 =	sor.u32 $0x40, s24  }
0xfb: {  	[tilespmem:s30], [sflag:$0x2] =	stream.indirect.gather [hbm4b:s1+s26], $0x80, s8, s26, $0xb8;
	[tilespmem:$0x14800] =	vst v63  }
0xfc: {  	_ =	swait.ge [sflag:s14], $0x4000  }
0xfd: {  	[sflag:s14] =	ssyncset.done $0x0;
	s5 =	rddreg [dreg:$0xe]  }
0xfe: {  	s20 =	simm.s32 $0x10800;
	[sflag:s14] =	ssyncadd.s32 $0xFFFFC000;
	s8 =	sadd.s32 s23, s5  }
0xff: {  	[hbm4b:s8+s3] =	stream.linear.scatter [tilespmem:s20], [sflag:$0xA], $0x4000, $0x38;
	[tilespmem:$0x14800] =	vst v63  }
0x100: {  	_ =	swait.ge [sflag:s15], $0x4000  }
0x101: {  	s13 =	sadd.s32 $0xFFFFFF00, s18;
	[sflag:s15] =	ssyncset.done $0x0  }
0x102: {  	s0 =	simm.s32 $0x8800;
	s8 =	sand.u32 $0x680, s13;
	[sflag:s15] =	ssyncadd.s32 $0xFFFFC000  }
0x103: {  	[tilespmem:s0], [sflag:$0x3] =	stream.indirect.gather [hbm4b:s1+s26], $0x80, s8, s26, $0xb8;
	[tilespmem:$0x14800] =	vst v63  }
0x104: {  	s8 =	sor.u32 $0x40, s8  }
0x105: {  	[tilespmem:s29], [sflag:$0x3] =	stream.indirect.gather [hbm4b:s1+s26], $0x80, s8, s26, $0xb8;
	[tilespmem:$0x14800] =	vst v63  }
0x106: {  	_ =	swait.ge [sflag:s10], $0x4000  }
0x107: {  	[sflag:s10] =	ssyncset.done $0x0;
	s24 =	rddreg [dreg:$0xd]  }
0x108: {  	[sflag:s10] =	ssyncadd.s32 $0xFFFFC000;
	s8 =	sadd.s32 s23, s24  }
0x109: {  	[hbm4b:s8+s3] =	stream.linear.scatter [tilespmem:s31], [sflag:$0x6], $0x4000, $0x38;
	[tilespmem:$0x14800] =	vst v63  }
0x10a: {  	_ =	swait.ge [sflag:s17], $0x4000  }
0x10b: {  	s29 =	sadd.s32 $0xFFFFFF80, s18;
	[sflag:s17] =	ssyncset.done $0x0  }
0x10c: {  	s8 =	sand.u32 $0x700, s29;
	[sflag:s17] =	ssyncadd.s32 $0xFFFFC000  }
0x10d: {  	[tilespmem:s11], [sflag:$0x4] =	stream.indirect.gather [hbm4b:s1+s26], $0x80, s8, s26, $0xb8;
	[tilespmem:$0x14800] =	vst v63  }
0x10e: {  	s30 =	simm.s32 $0xE800;
	s8 =	sor.u32 $0x40, s8  }
0x10f: {  	[tilespmem:s30], [sflag:$0x4] =	stream.indirect.gather [hbm4b:s1+s26], $0x80, s8, s26, $0xb8;
	[tilespmem:$0x14800] =	vst v63  }
0x110: {  	s8 =	sadd.s32 @!p0 $0x3000, s21;
	_ =	swait.ge [sflag:s6], $0x4000  }
0x111: {  	s2 =	sadd.s32 @!p0 $0x3000, s2;
	s8 =	sand.u32 @!p0 $0x1000, s8;
	[sflag:s6] =	ssyncset.done $0x0  }
0x112: {  	s5 =	simm.s32 @!p0 $0x0;
	s8 =	sshrl.u32 @!p0 s8, $0x2;
	[sflag:s6] =	ssyncadd.s32 $0xFFFFC000  }
0x113: {  	[tilespmem:s8], [sflag:$0xB] =	stream.linear.gather @!p0 [hbm4b:s2+s5], $0x400, $0x38;
	[tilespmem:$0x14800] =	vst v63  }
0x114: {  	s8 =	rddreg [dreg:$0xc]  }
0x115: {  	s2 =	sadd.s32 s23, s8  }
0x116: {  	[hbm4b:s2+s3] =	stream.linear.scatter [tilespmem:s7], [sflag:$0x7], $0x4000, $0x38;
	[tilespmem:$0x14800] =	vst v63  }
0x117: {  	s2 =	rddreg [dreg:$0x1b]  }
0x118: {  	p0 =	seq.s32 @!p1 s2, $0x0  }
0x119: {  	p0 =	por p0, p1  }
0x11a: {  	s2 =	simm.s32 @!p0 $0xB  }
0x11b: {  	_ =	swait.ge @!p0 [sflag:s2], $0x400  }
0x11c: {  	[sflag:s2] =	ssyncset.done @!p0 $0x0  }
0x11d: {  	[sflag:s2] =	ssyncadd.s32 @!p0 $0xFFFFFC00  }
0x11e: {  	_ =	swait.ge [sflag:s4], $0x4000  }
0x11f: {  	[sflag:s4] =	ssyncset.done $0x0  }
0x120: {  	s11 =	sand.u32 $0x780, s18;
	[sflag:s4] =	ssyncadd.s32 $0xFFFFC000  }
0x121: {  	[tilespmem:s20], [sflag:$0x5] =	stream.indirect.gather [hbm4b:s1+s26], $0x80, s11, s26, $0xb8;
	[tilespmem:$0x14800] =	vst v63  }
0x122: {  	s22 =	simm.s32 $0x12800;
	s2 =	sor.u32 $0x40, s11  }
0x123: {  	[tilespmem:s22], [sflag:$0x5] =	stream.indirect.gather [hbm4b:s1+s26], $0x80, s2, s26, $0xb8;
	[tilespmem:$0x14800] =	vst v63  }
0x124: {  	_ =	swait.ge [sflag:s9], $0x4000  }
0x125: {  	[sflag:s9] =	ssyncset.done $0x0;
	s22 =	rddreg [dreg:$0xa]  }
0x126: {  	[sflag:s9] =	ssyncadd.s32 $0xFFFFC000;
	s2 =	sadd.s32 s23, s22  }
0x127: {  	[hbm4b:s2+s3] =	stream.linear.scatter [tilespmem:s0], [sflag:$0x8], $0x4000, $0x38;
	[tilespmem:$0x14800] =	vst v63  }
0x128: {  	s2 =	simm.s32 @!p1 $0x6  }
0x129: {  	_ =	swait.ge @!p1 [sflag:s2], $0x4000  }
0x12a: {  	[sflag:s2] =	ssyncset.done @!p1 $0x0  }
0x12b: {  	[sflag:s2] =	ssyncadd.s32 @!p1 $0xFFFFC000;
	s2 =	sadd.s32 @!p1 $0xFFFFFF00, s19  }
0x12c: {  	s8 =	simm.s32 @!p1 $0x40;
	s11 =	simm.s32 @!p1 $0x800;
	s2 =	sand.u32 @!p1 $0x600, s2  }
0x12d: {  	[tilespmem:s11], [sflag:$0x1] =	stream.indirect.gather @!p1 [hbm4b:s1+s8], $0x80, s2, s8, $0xb8;
	[tilespmem:$0x14800] =	vst v63  }
0x12e: {  	s2 =	sor.u32 @!p1 $0x40, s2;
	s11 =	simm.s32 @!p1 $0x2800  }
0x12f: {  	[tilespmem:s11], [sflag:$0x1] =	stream.indirect.gather @!p1 [hbm4b:s1+s8], $0x80, s2, s8, $0xb8;
	[tilespmem:$0x14800] =	vst v63  }
0x130: {  	_ =	swait.ge [sflag:s12], $0x4000  }
0x131: {  	[sflag:s12] =	ssyncset.done $0x0;
	s29 =	rddreg [dreg:$0x9]  }
0x132: {  	s13 =	simm.s32 $0xC800;
	[sflag:s12] =	ssyncadd.s32 $0xFFFFC000;
	s2 =	sadd.s32 s23, s29  }
0x133: {  	[hbm4b:s2+s3] =	stream.linear.scatter [tilespmem:s13], [sflag:$0x9], $0x4000, $0x38;
	[tilespmem:$0x14800] =	vst v63  }
0x134: {  	s2 =	simm.s32 @!p1 $0x7  }
0x135: {  	_ =	swait.ge @!p1 [sflag:s2], $0x4000  }
0x136: {  	s11 =	sadd.s32 @!p1 $0xFFFFFF80, s19;
	[sflag:s2] =	ssyncset.done @!p1 $0x0  }
0x137: {  	[sflag:s2] =	ssyncadd.s32 @!p1 $0xFFFFC000;
	s2 =	sand.u32 @!p1 $0x680, s11;
	s11 =	simm.s32 @!p1 $0x4800  }
0x138: {  	[tilespmem:s11], [sflag:$0x2] =	stream.indirect.gather @!p1 [hbm4b:s1+s8], $0x80, s2, s8, $0xb8;
	[tilespmem:$0x14800] =	vst v63  }
0x139: {  	s2 =	sor.u32 @!p1 $0x40, s2;
	s11 =	simm.s32 @!p1 $0x6800  }
0x13a: {  	[tilespmem:s11], [sflag:$0x2] =	stream.indirect.gather @!p1 [hbm4b:s1+s8], $0x80, s2, s8, $0xb8;
	[tilespmem:$0x14800] =	vst v63  }
.Ltmp2:
0x13b: {  	s28 =	simm.s32 $0x6800;
	(pc) =	sbr.rel @p1 .LBB2_4-.Ltmp2, $4  }
0x13c: {  	s25 =	simm.s32 $0x2800;
	s24 =	simm.s32 $0x800;
	_ =	swait.ge [sflag:s14], $0x4000  }
0x13d: {  	s5 =	simm.s32 $0x4800;
	[sflag:s14] =	ssyncset.done $0x0;
	s30 =	rddreg [dreg:$0x8]  }
0x13e: {  	s7 =	simm.s32 $0xA800;
	[sflag:s14] =	ssyncadd.s32 $0xFFFFC000;
	s2 =	sadd.s32 s23, s30  }
0x13f: {  	[hbm4b:s2+s3] =	stream.linear.scatter [tilespmem:s20], [sflag:$0xA], $0x4000, $0x38;
	[tilespmem:$0x14800] =	vst v63  }
0x140: {  	_ =	swait.ge [sflag:s15], $0x4000  }
0x141: {  	[sflag:s15] =	ssyncset.done $0x0  }
0x142: {  	s2 =	sand.u32 $0x700, s19;
	[sflag:s15] =	ssyncadd.s32 $0xFFFFC000  }
0x143: {  	[tilespmem:s0], [sflag:$0x3] =	stream.indirect.gather [hbm4b:s1+s26], $0x80, s2, s26, $0xb8;
	[tilespmem:$0x14800] =	vst v63  }
.Ltmp3:
0x144: {  	_ = 	snop;
	(pc) =	sbr.rel .LBB2_2-.Ltmp3, $4  }
0x145: {  	s23 =	sadd.s32 $0x140000, s23;
	s30 =	rddreg [dreg:$0x1a];
	s2 =	sor.u32 $0x40, s2  }
0x146: {  	[tilespmem:s7], [sflag:$0x3] =	stream.indirect.gather [hbm4b:s1+s26], $0x80, s2, s26, $0xb8;
	[tilespmem:$0x14800] =	vst v63  }
0x147: {  	s18 =	sadd.s32 $0xA00, s18;
	s21 =	sadd.s32 $0x2800, s21;
	s2 =	sadd.s32 $0x14, s30  }
0x148: {  	s19 =	sadd.s32 $0x200, s19;
	s29 =	simm.s32 $0xA800;
	[dreg:$0x1a] =	wrdreg s2  }
.LBB2_5:
0x149: {  	_ =	sfence.sel $0x180000  }
0x14a: {  	[bflag:$0x0] =	sbarrier.arrive $0xFFFF  }
0x14b: {  	_ =	strace $0x90000047  }
0x14c: {  	s0 =	stileid.u32;
	[bflag:$0x2] =	sbarrier.arrive $0xFFFF  }
0x14d: {  	p0 =	sne.s32 s0, $0x0;
	s0 =	rddreg [dreg:$0x3]  }
0x14e: {  	s0 =	sadd.s32 @!p0 $0x100000, s0  }
0x14f: {  	[sflag:s0] =	ssyncadd.tile.s32 @!p0 $0x1;
	_ =	shalt  }
.Lfunc_end2:
_tile_overlayer_lowered:
.L_overlay_start_2:
0x150: {  	(tag) =	ssettag $0x2  }
0x151: {  	s0 =	rddreg [dreg:$0x0];
	s2 =	stileid.u32  }
0x152: {  	s1 =	rddreg [dreg:$0x1];
	p0 =	sne.s32 s2, $0x0  }
0x153: {  	s3 =	rddreg [dreg:$0x2];
	[bflag:$0x3] =	sbarrier.arrive $0xFFFF;
	s2 =	simm.s32 @!p0 $0x1C0C  }
0x154: {  	[timem:s3], [sflag:s2] =	dma.local @!p0 [hbm:s0], s1  }
0x155: {  	s0 =	simm.s32 @!p0 $0xC  }
0x156: {  	_ =	swait.ge @!p0 [sflag:s0], s1  }
0x157: {  	s1 =	ssub.s32 @!p0 $0x0, s1;
	[sflag:s0] =	ssyncset.done @!p0 $0x0  }
0x158: {  	[sflag:s0] =	ssyncadd.s32 @!p0 s1  }
0x159: {  	[bflag:$0x3] =	sbarrier.arrive $0xFFFF  }
0x15a: {  	_ =	shalt  }

</sc_bundles>
